<compile_context>
chip_gen: v7x
topology: tpu7x:2x2x1
jax: 0.10.2.dev20260603
libtpu: 0.0.44.dev20260713+nightly
codegen_flags: <defaults>
</compile_context>

<pallas_src>
import functools

import jax
import jax.numpy as jnp
from jax import lax
from jax.experimental import pallas as pl
from jax.experimental.pallas import tpu as pltpu
from jax.experimental.pallas import tpu_sc as plsc

DIM = 128
LANES = 16
CHUNK = 32
NSTEP = DIM // LANES

_PERM_DNUMS = lax.GatherDimensionNumbers(
    offset_dims=(), collapsed_slice_dims=(0,), start_index_map=(0,))


def _lane_perm(x, idx):
    return lax.gather(x, idx[:, None], _PERM_DNUMS, (1,),
                      mode=lax.GatherScatterMode.PROMISE_IN_BOUNDS)


NSLOT = 4


def _bpr_body(user_hbm, item_hbm, w_hbm, h_hbm, out_hbm,
              uidx_v, iidx_v, wbufs, hbufs, out_v, sems, *,
              num_cores, bpw):
    wid = lax.axis_index("s") * num_cores + lax.axis_index("c")
    nchunk = bpw // CHUNK
    nsuper = nchunk // NSLOT
    base = wid * bpw

    pltpu.sync_copy(user_hbm.at[pl.ds(base, bpw)], uidx_v)
    pltpu.sync_copy(item_hbm.at[pl.ds(base, bpw)], iidx_v)

    lane_iota = lax.iota(jnp.int32, LANES)

    def fire(c, j):
        off = pl.multiple_of(c * CHUNK, CHUNK)
        pltpu.async_copy(w_hbm.at[uidx_v.at[pl.ds(off, CHUNK)]],
                         wbufs.at[j], sems.at[0, j])
        pltpu.async_copy(h_hbm.at[iidx_v.at[pl.ds(off, CHUNK)]],
                         hbufs.at[j], sems.at[1, j])

    def wait(j):
        pltpu.make_async_copy(w_hbm.at[uidx_v.at[pl.ds(0, CHUNK)]],
                              wbufs.at[j], sems.at[0, j]).wait()
        pltpu.make_async_copy(h_hbm.at[iidx_v.at[pl.ds(0, CHUNK)]],
                              hbufs.at[j], sems.at[1, j]).wait()

    even_mask = (lane_iota & 1) == 0
    pair_iota = lane_iota >> 1

    def compute(c, j):
        wbuf = wbufs.at[j]
        hbuf = hbufs.at[j]

        def dot_row(row):
            acc = (wbuf[row, pl.ds(0, LANES)]
                   * hbuf[row, pl.ds(0, LANES)])
            for k in range(1, NSTEP):
                acc = acc + (wbuf[row, pl.ds(k * LANES, LANES)]
                             * hbuf[row, pl.ds(k * LANES, LANES)])
            return acc

        def pair_body(i, res):
            row = i * 2
            ae = dot_row(row)
            ao = dot_row(row + 1)
            comb = (jnp.where(even_mask, ae, _lane_perm(ao, lane_iota ^ 1))
                    + jnp.where(even_mask, _lane_perm(ae, lane_iota ^ 1), ao))
            for sh in (2, 4, 8):
                comb = comb + _lane_perm(comb, lane_iota ^ sh)
            res = jnp.where(pair_iota == (i & (LANES // 2 - 1)), comb, res)
            @pl.when((i & (LANES // 2 - 1)) == LANES // 2 - 1)
            def _():
                out_v[pl.ds(c * CHUNK + (row + 1 & -LANES), LANES)] = res
            return res

        lax.fori_loop(0, CHUNK // 2, pair_body,
                      jnp.zeros((LANES,), jnp.float32), unroll=2)

    for j in range(NSLOT):
        fire(j, j)

    def super_body(t, carry):
        c0 = t * NSLOT
        for j in range(NSLOT):
            wait(j)
            compute(c0 + j, j)

            @pl.when(t + 1 < nsuper)
            def _(j=j):
                fire(c0 + j + NSLOT, j)
        return carry

    lax.fori_loop(0, nsuper, super_body, 0)

    pltpu.sync_copy(out_v, out_hbm.at[pl.ds(base, bpw)])


def kernel(user_idx, item_idx, W, H):
    batch = user_idx.shape[0]
    info = plsc.get_sparse_core_info()
    num_workers = info.num_cores * info.num_subcores
    bpw = batch // num_workers

    mesh = plsc.VectorSubcoreMesh(core_axis_name="c", subcore_axis_name="s")
    body = functools.partial(_bpr_body, num_cores=info.num_cores, bpw=bpw)

    y = pl.kernel(
        body,
        mesh=mesh,
        out_type=jax.ShapeDtypeStruct((batch,), jnp.float32),
        scratch_types=[
            pltpu.VMEM((bpw,), jnp.int32),
            pltpu.VMEM((bpw,), jnp.int32),
            pltpu.VMEM((NSLOT, CHUNK, DIM), jnp.float32),
            pltpu.VMEM((NSLOT, CHUNK, DIM), jnp.float32),
            pltpu.VMEM((bpw,), jnp.float32),
            pltpu.SemaphoreType.DMA((2, NSLOT)),
        ],
    )(user_idx.astype(jnp.int32), item_idx.astype(jnp.int32), W, H)
    return y.reshape(-1, 1)

# --- scband reference (transcript-rebuilt; emitter-appended) ---
"""Pipeline reference for scband-bpr-43404939494198 (READ-ONLY COPY).

The authoritative reference and input builder live on the scoring server;
editing this copy changes nothing except your own understanding.
"""

import jax, jax.numpy as jnp
import numpy as np

USER_SIZE = 1000000
ITEM_SIZE = 1000000
DIM = 128
BATCH = 16384


def setup_inputs(seed: int = 0) -> dict:
    key = jax.random.key(seed)
    k1, k2, k3, k4 = jax.random.split(key, 4)
    user_idx = jax.random.randint(k1, (BATCH,), 0, USER_SIZE, dtype=jnp.int64 if jax.config.jax_enable_x64 else jnp.int32)
    item_idx = jax.random.randint(k2, (BATCH,), 0, ITEM_SIZE, dtype=jnp.int64 if jax.config.jax_enable_x64 else jnp.int32)
    W = jax.random.normal(k3, (USER_SIZE, DIM), dtype=jnp.float32)
    H = jax.random.normal(k4, (ITEM_SIZE, DIM), dtype=jnp.float32)
    return {"user_idx": user_idx, "item_idx": item_idx, "W": W, "H": H}


def reference(user_idx, item_idx, W, H):
    # user_embed = self.W[user_idx, :]
    user_embed = jnp.take(W, user_idx, axis=0)
    # item_embed = self.H[item_idx, :]
    item_embed = jnp.take(H, item_idx, axis=0)
    # y = torch.mul(user_embed, item_embed).sum(dim=1).reshape(-1, 1)
    y = jnp.sum(user_embed * item_embed, axis=1).reshape(-1, 1)
    return y

if __name__ == "__main__":
    import jax
    _d = setup_inputs()
    print(jax.jit(kernel)(*tuple(_d.values())))

</pallas_src>

<mosaic_0001>
#map = affine_map<(d0, d1) -> (0)>
#map1 = affine_map<(d0, d1) -> (0, 0)>
module attributes {stable_mosaic.version = 14 : i64} {
  func.func @_bpr_body(%arg0: i32, %arg1: i32, %arg2: memref<16384xi32, #tpu.memory_space<hbm>>, %arg3: memref<16384xi32, #tpu.memory_space<hbm>>, %arg4: memref<1000000x128xf32, #tpu.memory_space<hbm>>, %arg5: memref<1000000x128xf32, #tpu.memory_space<hbm>>, %arg6: memref<16384xf32, #tpu.memory_space<hbm>>, %arg7: memref<512xi32, #tpu.memory_space<vmem>>, %arg8: memref<512xi32, #tpu.memory_space<vmem>>, %arg9: memref<4x32x128xf32, #tpu.memory_space<vmem>>, %arg10: memref<4x32x128xf32, #tpu.memory_space<vmem>>, %arg11: memref<512xf32, #tpu.memory_space<vmem>>, %arg12: memref<2x4x!tpu.dma_semaphore, #tpu.memory_space<semaphore_mem>>) attributes {dimension_semantics = [#tpu.dimension_semantics<core_parallel>, #tpu.dimension_semantics<subcore_parallel>], iteration_bounds = array<i64: 2, 16>, scalar_prefetch = 0 : i64, scratch_operands = 6 : i64, tpu.core_type = #tpu.core_type<sc_vector_subcore>, window_params = [{transform_indices = #map}, {transform_indices = #map}, {transform_indices = #map1}, {transform_indices = #map1}, {transform_indices = #map}]} {
    %mul3A = arith.constant 2 : i32
    %mul3A_0 = arith.muli %arg1, %mul3A : i32
    %add3A = arith.addi %mul3A_0, %arg0 : i32
    %mul3A_1 = arith.constant 512 : i32
    %mul3A_2 = arith.muli %add3A, %mul3A_1 : i32
    "tpu.region"() ({
      %run_scoped3A = tpu.sem_alloc : memref<!tpu.dma_semaphore, #tpu.memory_space<semaphore_mem>>
      %dma_start3A_124 = tpu.memref_slice %arg2[%mul3A_2] : memref<16384xi32, #tpu.memory_space<hbm>> -> memref<512xi32, #tpu.memory_space<hbm>>
      %dma_start3A_125 = tpu.memref_slice %arg2[%mul3A_2] : memref<16384xi32, #tpu.memory_space<hbm>> -> memref<512xi32, #tpu.memory_space<hbm>>
      tpu.enqueue_dma source(%dma_start3A_125 : memref<512xi32, #tpu.memory_space<hbm>>) target(%arg7 : memref<512xi32, #tpu.memory_space<vmem>>) target_semaphore(%run_scoped3A : memref<!tpu.dma_semaphore, #tpu.memory_space<semaphore_mem>>)
      %dma_wait3A = tpu.memref_slice %arg2[%mul3A_2] : memref<16384xi32, #tpu.memory_space<hbm>> -> memref<512xi32, #tpu.memory_space<hbm>>
      %dma_wait3A_126 = tpu.memref_slice %arg2[%mul3A_2] : memref<16384xi32, #tpu.memory_space<hbm>> -> memref<512xi32, #tpu.memory_space<hbm>>
      tpu.wait_dma2 semaphore(%run_scoped3A : memref<!tpu.dma_semaphore, #tpu.memory_space<semaphore_mem>>) src(%dma_wait3A_126 : memref<512xi32, #tpu.memory_space<hbm>>) dst(%arg7 : memref<512xi32, #tpu.memory_space<vmem>>)
      tpu.yield
    }) : () -> ()
    "tpu.region"() ({
      %run_scoped3A = tpu.sem_alloc : memref<!tpu.dma_semaphore, #tpu.memory_space<semaphore_mem>>
      %dma_start3A_124 = tpu.memref_slice %arg3[%mul3A_2] : memref<16384xi32, #tpu.memory_space<hbm>> -> memref<512xi32, #tpu.memory_space<hbm>>
      %dma_start3A_125 = tpu.memref_slice %arg3[%mul3A_2] : memref<16384xi32, #tpu.memory_space<hbm>> -> memref<512xi32, #tpu.memory_space<hbm>>
      tpu.enqueue_dma source(%dma_start3A_125 : memref<512xi32, #tpu.memory_space<hbm>>) target(%arg8 : memref<512xi32, #tpu.memory_space<vmem>>) target_semaphore(%run_scoped3A : memref<!tpu.dma_semaphore, #tpu.memory_space<semaphore_mem>>)
      %dma_wait3A = tpu.memref_slice %arg3[%mul3A_2] : memref<16384xi32, #tpu.memory_space<hbm>> -> memref<512xi32, #tpu.memory_space<hbm>>
      %dma_wait3A_126 = tpu.memref_slice %arg3[%mul3A_2] : memref<16384xi32, #tpu.memory_space<hbm>> -> memref<512xi32, #tpu.memory_space<hbm>>
      tpu.wait_dma2 semaphore(%run_scoped3A : memref<!tpu.dma_semaphore, #tpu.memory_space<semaphore_mem>>) src(%dma_wait3A_126 : memref<512xi32, #tpu.memory_space<hbm>>) dst(%arg8 : memref<512xi32, #tpu.memory_space<vmem>>)
      tpu.yield
    }) : () -> ()
    %iota3A = tpu.iota {dimensions = array<i32: 0>} : vector<16xi32>
    %and3A = arith.constant 1 : i32
    %and3A_3 = vector.broadcast %and3A : i32 to vector<16xi32>
    %and3A_4 = arith.andi %iota3A, %and3A_3 : vector<16xi32>
    %eq3A = arith.constant 0 : i32
    %eq3A_5 = vector.broadcast %eq3A : i32 to vector<16xi32>
    %eq3A_6 = arith.cmpi eq, %and3A_4, %eq3A_5 : vector<16xi32>
    %shift_right_arithmetic3A = arith.constant 1 : i32
    %shift_right_arithmetic3A_7 = vector.broadcast %shift_right_arithmetic3A : i32 to vector<16xi32>
    %shift_right_arithmetic3A_8 = arith.shrsi %iota3A, %shift_right_arithmetic3A_7 : vector<16xi32>
    %multiple_of3A = arith.constant 0 : i32
    %multiple_of3A_9 = tpu.assume_multiple %multiple_of3A, 32 : i32
    %dma_start3A = arith.constant 0 : i32
    %dma_start3A_10 = arith.constant 0 : i32
    %dma_start3A_11 = arith.constant 0 : i32
    %dma_start3A_12 = arith.constant 0 : i32
    %dma_start3A_13 = arith.constant 0 : i32
    %dma_start3A_14 = tpu.memref_slice %arg9[%dma_start3A, %dma_start3A_12, %dma_start3A_13] : memref<4x32x128xf32, #tpu.memory_space<vmem>> -> memref<1x32x128xf32, #tpu.memory_space<vmem>>
    %dma_start3A_15 = tpu.memref_squeeze %dma_start3A_14 : memref<1x32x128xf32, #tpu.memory_space<vmem>> -> memref<32x128xf32, #tpu.memory_space<vmem>>
    %dma_start3A_16 = tpu.memref_slice %arg7[%multiple_of3A_9] : memref<512xi32, #tpu.memory_space<vmem>> -> memref<32xi32, #tpu.memory_space<vmem>>
    %dma_start3A_17 = arith.constant 0 : i32
    %dma_start3A_18 = arith.constant 0 : i32
    %dma_start3A_19 = tpu.memref_slice %arg4[%dma_start3A_17, %dma_start3A_18] : memref<1000000x128xf32, #tpu.memory_space<hbm>> -> memref<1000000x128xf32, #tpu.memory_space<hbm>>
    %dma_start3A_20 = tpu.memref_slice %arg12[%dma_start3A_10, %dma_start3A_11] : memref<2x4x!tpu.dma_semaphore, #tpu.memory_space<semaphore_mem>> -> memref<1x1x!tpu.dma_semaphore, #tpu.memory_space<semaphore_mem>>
    %dma_start3A_21 = tpu.memref_squeeze %dma_start3A_20 : memref<1x1x!tpu.dma_semaphore, #tpu.memory_space<semaphore_mem>> -> memref<!tpu.dma_semaphore, #tpu.memory_space<semaphore_mem>>
    tpu.enqueue_indirect_dma source(%dma_start3A_19 : memref<1000000x128xf32, #tpu.memory_space<hbm>>) target(%dma_start3A_15 : memref<32x128xf32, #tpu.memory_space<vmem>>) offsets(%dma_start3A_16 : memref<32xi32, #tpu.memory_space<vmem>>) semaphore(%dma_start3A_21 : memref<!tpu.dma_semaphore, #tpu.memory_space<semaphore_mem>>)
    %dma_start3A_22 = arith.constant 0 : i32
    %dma_start3A_23 = arith.constant 1 : i32
    %dma_start3A_24 = arith.constant 0 : i32
    %dma_start3A_25 = arith.constant 0 : i32
    %dma_start3A_26 = arith.constant 0 : i32
    %dma_start3A_27 = tpu.memref_slice %arg10[%dma_start3A_22, %dma_start3A_25, %dma_start3A_26] : memref<4x32x128xf32, #tpu.memory_space<vmem>> -> memref<1x32x128xf32, #tpu.memory_space<vmem>>
    %dma_start3A_28 = tpu.memref_squeeze %dma_start3A_27 : memref<1x32x128xf32, #tpu.memory_space<vmem>> -> memref<32x128xf32, #tpu.memory_space<vmem>>
    %dma_start3A_29 = tpu.memref_slice %arg8[%multiple_of3A_9] : memref<512xi32, #tpu.memory_space<vmem>> -> memref<32xi32, #tpu.memory_space<vmem>>
    %dma_start3A_30 = arith.constant 0 : i32
    %dma_start3A_31 = arith.constant 0 : i32
    %dma_start3A_32 = tpu.memref_slice %arg5[%dma_start3A_30, %dma_start3A_31] : memref<1000000x128xf32, #tpu.memory_space<hbm>> -> memref<1000000x128xf32, #tpu.memory_space<hbm>>
    %dma_start3A_33 = tpu.memref_slice %arg12[%dma_start3A_23, %dma_start3A_24] : memref<2x4x!tpu.dma_semaphore, #tpu.memory_space<semaphore_mem>> -> memref<1x1x!tpu.dma_semaphore, #tpu.memory_space<semaphore_mem>>
    %dma_start3A_34 = tpu.memref_squeeze %dma_start3A_33 : memref<1x1x!tpu.dma_semaphore, #tpu.memory_space<semaphore_mem>> -> memref<!tpu.dma_semaphore, #tpu.memory_space<semaphore_mem>>
    tpu.enqueue_indirect_dma source(%dma_start3A_32 : memref<1000000x128xf32, #tpu.memory_space<hbm>>) target(%dma_start3A_28 : memref<32x128xf32, #tpu.memory_space<vmem>>) offsets(%dma_start3A_29 : memref<32xi32, #tpu.memory_space<vmem>>) semaphore(%dma_start3A_34 : memref<!tpu.dma_semaphore, #tpu.memory_space<semaphore_mem>>)
    %multiple_of3A_35 = arith.constant 32 : i32
    %multiple_of3A_36 = tpu.assume_multiple %multiple_of3A_35, 32 : i32
    %dma_start3A_37 = arith.constant 1 : i32
    %dma_start3A_38 = arith.constant 0 : i32
    %dma_start3A_39 = arith.constant 1 : i32
    %dma_start3A_40 = arith.constant 0 : i32
    %dma_start3A_41 = arith.constant 0 : i32
    %dma_start3A_42 = tpu.memref_slice %arg9[%dma_start3A_37, %dma_start3A_40, %dma_start3A_41] : memref<4x32x128xf32, #tpu.memory_space<vmem>> -> memref<1x32x128xf32, #tpu.memory_space<vmem>>
    %dma_start3A_43 = tpu.memref_squeeze %dma_start3A_42 : memref<1x32x128xf32, #tpu.memory_space<vmem>> -> memref<32x128xf32, #tpu.memory_space<vmem>>
    %dma_start3A_44 = tpu.memref_slice %arg7[%multiple_of3A_36] : memref<512xi32, #tpu.memory_space<vmem>> -> memref<32xi32, #tpu.memory_space<vmem>>
    %dma_start3A_45 = arith.constant 0 : i32
    %dma_start3A_46 = arith.constant 0 : i32
    %dma_start3A_47 = tpu.memref_slice %arg4[%dma_start3A_45, %dma_start3A_46] : memref<1000000x128xf32, #tpu.memory_space<hbm>> -> memref<1000000x128xf32, #tpu.memory_space<hbm>>
    %dma_start3A_48 = tpu.memref_slice %arg12[%dma_start3A_38, %dma_start3A_39] : memref<2x4x!tpu.dma_semaphore, #tpu.memory_space<semaphore_mem>> -> memref<1x1x!tpu.dma_semaphore, #tpu.memory_space<semaphore_mem>>
    %dma_start3A_49 = tpu.memref_squeeze %dma_start3A_48 : memref<1x1x!tpu.dma_semaphore, #tpu.memory_space<semaphore_mem>> -> memref<!tpu.dma_semaphore, #tpu.memory_space<semaphore_mem>>
    tpu.enqueue_indirect_dma source(%dma_start3A_47 : memref<1000000x128xf32, #tpu.memory_space<hbm>>) target(%dma_start3A_43 : memref<32x128xf32, #tpu.memory_space<vmem>>) offsets(%dma_start3A_44 : memref<32xi32, #tpu.memory_space<vmem>>) semaphore(%dma_start3A_49 : memref<!tpu.dma_semaphore, #tpu.memory_space<semaphore_mem>>)
    %dma_start3A_50 = arith.constant 1 : i32
    %dma_start3A_51 = arith.constant 1 : i32
    %dma_start3A_52 = arith.constant 1 : i32
    %dma_start3A_53 = arith.constant 0 : i32
    %dma_start3A_54 = arith.constant 0 : i32
    %dma_start3A_55 = tpu.memref_slice %arg10[%dma_start3A_50, %dma_start3A_53, %dma_start3A_54] : memref<4x32x128xf32, #tpu.memory_space<vmem>> -> memref<1x32x128xf32, #tpu.memory_space<vmem>>
    %dma_start3A_56 = tpu.memref_squeeze %dma_start3A_55 : memref<1x32x128xf32, #tpu.memory_space<vmem>> -> memref<32x128xf32, #tpu.memory_space<vmem>>
    %dma_start3A_57 = tpu.memref_slice %arg8[%multiple_of3A_36] : memref<512xi32, #tpu.memory_space<vmem>> -> memref<32xi32, #tpu.memory_space<vmem>>
    %dma_start3A_58 = arith.constant 0 : i32
    %dma_start3A_59 = arith.constant 0 : i32
    %dma_start3A_60 = tpu.memref_slice %arg5[%dma_start3A_58, %dma_start3A_59] : memref<1000000x128xf32, #tpu.memory_space<hbm>> -> memref<1000000x128xf32, #tpu.memory_space<hbm>>
    %dma_start3A_61 = tpu.memref_slice %arg12[%dma_start3A_51, %dma_start3A_52] : memref<2x4x!tpu.dma_semaphore, #tpu.memory_space<semaphore_mem>> -> memref<1x1x!tpu.dma_semaphore, #tpu.memory_space<semaphore_mem>>
    %dma_start3A_62 = tpu.memref_squeeze %dma_start3A_61 : memref<1x1x!tpu.dma_semaphore, #tpu.memory_space<semaphore_mem>> -> memref<!tpu.dma_semaphore, #tpu.memory_space<semaphore_mem>>
    tpu.enqueue_indirect_dma source(%dma_start3A_60 : memref<1000000x128xf32, #tpu.memory_space<hbm>>) target(%dma_start3A_56 : memref<32x128xf32, #tpu.memory_space<vmem>>) offsets(%dma_start3A_57 : memref<32xi32, #tpu.memory_space<vmem>>) semaphore(%dma_start3A_62 : memref<!tpu.dma_semaphore, #tpu.memory_space<semaphore_mem>>)
    %multiple_of3A_63 = arith.constant 64 : i32
    %multiple_of3A_64 = tpu.assume_multiple %multiple_of3A_63, 32 : i32
    %dma_start3A_65 = arith.constant 2 : i32
    %dma_start3A_66 = arith.constant 0 : i32
    %dma_start3A_67 = arith.constant 2 : i32
    %dma_start3A_68 = arith.constant 0 : i32
    %dma_start3A_69 = arith.constant 0 : i32
    %dma_start3A_70 = tpu.memref_slice %arg9[%dma_start3A_65, %dma_start3A_68, %dma_start3A_69] : memref<4x32x128xf32, #tpu.memory_space<vmem>> -> memref<1x32x128xf32, #tpu.memory_space<vmem>>
    %dma_start3A_71 = tpu.memref_squeeze %dma_start3A_70 : memref<1x32x128xf32, #tpu.memory_space<vmem>> -> memref<32x128xf32, #tpu.memory_space<vmem>>
    %dma_start3A_72 = tpu.memref_slice %arg7[%multiple_of3A_64] : memref<512xi32, #tpu.memory_space<vmem>> -> memref<32xi32, #tpu.memory_space<vmem>>
    %dma_start3A_73 = arith.constant 0 : i32
    %dma_start3A_74 = arith.constant 0 : i32
    %dma_start3A_75 = tpu.memref_slice %arg4[%dma_start3A_73, %dma_start3A_74] : memref<1000000x128xf32, #tpu.memory_space<hbm>> -> memref<1000000x128xf32, #tpu.memory_space<hbm>>
    %dma_start3A_76 = tpu.memref_slice %arg12[%dma_start3A_66, %dma_start3A_67] : memref<2x4x!tpu.dma_semaphore, #tpu.memory_space<semaphore_mem>> -> memref<1x1x!tpu.dma_semaphore, #tpu.memory_space<semaphore_mem>>
    %dma_start3A_77 = tpu.memref_squeeze %dma_start3A_76 : memref<1x1x!tpu.dma_semaphore, #tpu.memory_space<semaphore_mem>> -> memref<!tpu.dma_semaphore, #tpu.memory_space<semaphore_mem>>
    tpu.enqueue_indirect_dma source(%dma_start3A_75 : memref<1000000x128xf32, #tpu.memory_space<hbm>>) target(%dma_start3A_71 : memref<32x128xf32, #tpu.memory_space<vmem>>) offsets(%dma_start3A_72 : memref<32xi32, #tpu.memory_space<vmem>>) semaphore(%dma_start3A_77 : memref<!tpu.dma_semaphore, #tpu.memory_space<semaphore_mem>>)
    %dma_start3A_78 = arith.constant 2 : i32
    %dma_start3A_79 = arith.constant 1 : i32
    %dma_start3A_80 = arith.constant 2 : i32
    %dma_start3A_81 = arith.constant 0 : i32
    %dma_start3A_82 = arith.constant 0 : i32
    %dma_start3A_83 = tpu.memref_slice %arg10[%dma_start3A_78, %dma_start3A_81, %dma_start3A_82] : memref<4x32x128xf32, #tpu.memory_space<vmem>> -> memref<1x32x128xf32, #tpu.memory_space<vmem>>
    %dma_start3A_84 = tpu.memref_squeeze %dma_start3A_83 : memref<1x32x128xf32, #tpu.memory_space<vmem>> -> memref<32x128xf32, #tpu.memory_space<vmem>>
    %dma_start3A_85 = tpu.memref_slice %arg8[%multiple_of3A_64] : memref<512xi32, #tpu.memory_space<vmem>> -> memref<32xi32, #tpu.memory_space<vmem>>
    %dma_start3A_86 = arith.constant 0 : i32
    %dma_start3A_87 = arith.constant 0 : i32
    %dma_start3A_88 = tpu.memref_slice %arg5[%dma_start3A_86, %dma_start3A_87] : memref<1000000x128xf32, #tpu.memory_space<hbm>> -> memref<1000000x128xf32, #tpu.memory_space<hbm>>
    %dma_start3A_89 = tpu.memref_slice %arg12[%dma_start3A_79, %dma_start3A_80] : memref<2x4x!tpu.dma_semaphore, #tpu.memory_space<semaphore_mem>> -> memref<1x1x!tpu.dma_semaphore, #tpu.memory_space<semaphore_mem>>
    %dma_start3A_90 = tpu.memref_squeeze %dma_start3A_89 : memref<1x1x!tpu.dma_semaphore, #tpu.memory_space<semaphore_mem>> -> memref<!tpu.dma_semaphore, #tpu.memory_space<semaphore_mem>>
    tpu.enqueue_indirect_dma source(%dma_start3A_88 : memref<1000000x128xf32, #tpu.memory_space<hbm>>) target(%dma_start3A_84 : memref<32x128xf32, #tpu.memory_space<vmem>>) offsets(%dma_start3A_85 : memref<32xi32, #tpu.memory_space<vmem>>) semaphore(%dma_start3A_90 : memref<!tpu.dma_semaphore, #tpu.memory_space<semaphore_mem>>)
    %multiple_of3A_91 = arith.constant 96 : i32
    %multiple_of3A_92 = tpu.assume_multiple %multiple_of3A_91, 32 : i32
    %dma_start3A_93 = arith.constant 3 : i32
    %dma_start3A_94 = arith.constant 0 : i32
    %dma_start3A_95 = arith.constant 3 : i32
    %dma_start3A_96 = arith.constant 0 : i32
    %dma_start3A_97 = arith.constant 0 : i32
    %dma_start3A_98 = tpu.memref_slice %arg9[%dma_start3A_93, %dma_start3A_96, %dma_start3A_97] : memref<4x32x128xf32, #tpu.memory_space<vmem>> -> memref<1x32x128xf32, #tpu.memory_space<vmem>>
    %dma_start3A_99 = tpu.memref_squeeze %dma_start3A_98 : memref<1x32x128xf32, #tpu.memory_space<vmem>> -> memref<32x128xf32, #tpu.memory_space<vmem>>
    %dma_start3A_100 = tpu.memref_slice %arg7[%multiple_of3A_92] : memref<512xi32, #tpu.memory_space<vmem>> -> memref<32xi32, #tpu.memory_space<vmem>>
    %dma_start3A_101 = arith.constant 0 : i32
    %dma_start3A_102 = arith.constant 0 : i32
    %dma_start3A_103 = tpu.memref_slice %arg4[%dma_start3A_101, %dma_start3A_102] : memref<1000000x128xf32, #tpu.memory_space<hbm>> -> memref<1000000x128xf32, #tpu.memory_space<hbm>>
    %dma_start3A_104 = tpu.memref_slice %arg12[%dma_start3A_94, %dma_start3A_95] : memref<2x4x!tpu.dma_semaphore, #tpu.memory_space<semaphore_mem>> -> memref<1x1x!tpu.dma_semaphore, #tpu.memory_space<semaphore_mem>>
    %dma_start3A_105 = tpu.memref_squeeze %dma_start3A_104 : memref<1x1x!tpu.dma_semaphore, #tpu.memory_space<semaphore_mem>> -> memref<!tpu.dma_semaphore, #tpu.memory_space<semaphore_mem>>
    tpu.enqueue_indirect_dma source(%dma_start3A_103 : memref<1000000x128xf32, #tpu.memory_space<hbm>>) target(%dma_start3A_99 : memref<32x128xf32, #tpu.memory_space<vmem>>) offsets(%dma_start3A_100 : memref<32xi32, #tpu.memory_space<vmem>>) semaphore(%dma_start3A_105 : memref<!tpu.dma_semaphore, #tpu.memory_space<semaphore_mem>>)
    %dma_start3A_106 = arith.constant 3 : i32
    %dma_start3A_107 = arith.constant 1 : i32
    %dma_start3A_108 = arith.constant 3 : i32
    %dma_start3A_109 = arith.constant 0 : i32
    %dma_start3A_110 = arith.constant 0 : i32
    %dma_start3A_111 = tpu.memref_slice %arg10[%dma_start3A_106, %dma_start3A_109, %dma_start3A_110] : memref<4x32x128xf32, #tpu.memory_space<vmem>> -> memref<1x32x128xf32, #tpu.memory_space<vmem>>
    %dma_start3A_112 = tpu.memref_squeeze %dma_start3A_111 : memref<1x32x128xf32, #tpu.memory_space<vmem>> -> memref<32x128xf32, #tpu.memory_space<vmem>>
    %dma_start3A_113 = tpu.memref_slice %arg8[%multiple_of3A_92] : memref<512xi32, #tpu.memory_space<vmem>> -> memref<32xi32, #tpu.memory_space<vmem>>
    %dma_start3A_114 = arith.constant 0 : i32
    %dma_start3A_115 = arith.constant 0 : i32
    %dma_start3A_116 = tpu.memref_slice %arg5[%dma_start3A_114, %dma_start3A_115] : memref<1000000x128xf32, #tpu.memory_space<hbm>> -> memref<1000000x128xf32, #tpu.memory_space<hbm>>
    %dma_start3A_117 = tpu.memref_slice %arg12[%dma_start3A_107, %dma_start3A_108] : memref<2x4x!tpu.dma_semaphore, #tpu.memory_space<semaphore_mem>> -> memref<1x1x!tpu.dma_semaphore, #tpu.memory_space<semaphore_mem>>
    %dma_start3A_118 = tpu.memref_squeeze %dma_start3A_117 : memref<1x1x!tpu.dma_semaphore, #tpu.memory_space<semaphore_mem>> -> memref<!tpu.dma_semaphore, #tpu.memory_space<semaphore_mem>>
    tpu.enqueue_indirect_dma source(%dma_start3A_116 : memref<1000000x128xf32, #tpu.memory_space<hbm>>) target(%dma_start3A_112 : memref<32x128xf32, #tpu.memory_space<vmem>>) offsets(%dma_start3A_113 : memref<32xi32, #tpu.memory_space<vmem>>) semaphore(%dma_start3A_118 : memref<!tpu.dma_semaphore, #tpu.memory_space<semaphore_mem>>)
    %scan3A = arith.constant 0 : i32
    %scan3A_119 = arith.constant 0 : i32
    %scan3A_120 = arith.constant 4 : i32
    %scan3A_121 = arith.addi %scan3A_119, %scan3A_120 : i32
    %scan3A_122 = arith.constant 1 : i32
    scf.for %scan3A_124 = %scan3A_119 to %scan3A_121 step %scan3A_122  : i32 {
      %mul3A_125 = arith.constant 4 : i32
      %mul3A_126 = arith.muli %scan3A_124, %mul3A_125 : i32
      %dma_wait3A = arith.constant 0 : i32
      %dma_wait3A_127 = arith.constant 0 : i32
      %dma_wait3A_128 = arith.constant 0 : i32
      %dma_wait3A_129 = arith.constant 0 : i32
      %dma_wait3A_130 = arith.constant 0 : i32
      %dma_wait3A_131 = tpu.memref_slice %arg9[%dma_wait3A, %dma_wait3A_129, %dma_wait3A_130] : memref<4x32x128xf32, #tpu.memory_space<vmem>> -> memref<1x32x128xf32, #tpu.memory_space<vmem>>
      %dma_wait3A_132 = tpu.memref_squeeze %dma_wait3A_131 : memref<1x32x128xf32, #tpu.memory_space<vmem>> -> memref<32x128xf32, #tpu.memory_space<vmem>>
      %dma_wait3A_133 = arith.constant 0 : i32
      %dma_wait3A_134 = tpu.memref_slice %arg7[%dma_wait3A_133] : memref<512xi32, #tpu.memory_space<vmem>> -> memref<32xi32, #tpu.memory_space<vmem>>
      %dma_wait3A_135 = arith.constant 0 : i32
      %dma_wait3A_136 = arith.constant 0 : i32
      %dma_wait3A_137 = tpu.memref_slice %arg4[%dma_wait3A_135, %dma_wait3A_136] : memref<1000000x128xf32, #tpu.memory_space<hbm>> -> memref<1000000x128xf32, #tpu.memory_space<hbm>>
      %dma_wait3A_138 = tpu.memref_slice %arg12[%dma_wait3A_127, %dma_wait3A_128] : memref<2x4x!tpu.dma_semaphore, #tpu.memory_space<semaphore_mem>> -> memref<1x1x!tpu.dma_semaphore, #tpu.memory_space<semaphore_mem>>
      %dma_wait3A_139 = tpu.memref_squeeze %dma_wait3A_138 : memref<1x1x!tpu.dma_semaphore, #tpu.memory_space<semaphore_mem>> -> memref<!tpu.dma_semaphore, #tpu.memory_space<semaphore_mem>>
      tpu.wait_indirect_dma semaphore(%dma_wait3A_139 : memref<!tpu.dma_semaphore, #tpu.memory_space<semaphore_mem>>) src(%dma_wait3A_137 : memref<1000000x128xf32, #tpu.memory_space<hbm>>) dst(%dma_wait3A_132 : memref<32x128xf32, #tpu.memory_space<vmem>>)
      %dma_wait3A_140 = arith.constant 0 : i32
      %dma_wait3A_141 = arith.constant 1 : i32
      %dma_wait3A_142 = arith.constant 0 : i32
      %dma_wait3A_143 = arith.constant 0 : i32
      %dma_wait3A_144 = arith.constant 0 : i32
      %dma_wait3A_145 = tpu.memref_slice %arg10[%dma_wait3A_140, %dma_wait3A_143, %dma_wait3A_144] : memref<4x32x128xf32, #tpu.memory_space<vmem>> -> memref<1x32x128xf32, #tpu.memory_space<vmem>>
      %dma_wait3A_146 = tpu.memref_squeeze %dma_wait3A_145 : memref<1x32x128xf32, #tpu.memory_space<vmem>> -> memref<32x128xf32, #tpu.memory_space<vmem>>
      %dma_wait3A_147 = arith.constant 0 : i32
      %dma_wait3A_148 = tpu.memref_slice %arg8[%dma_wait3A_147] : memref<512xi32, #tpu.memory_space<vmem>> -> memref<32xi32, #tpu.memory_space<vmem>>
      %dma_wait3A_149 = arith.constant 0 : i32
      %dma_wait3A_150 = arith.constant 0 : i32
      %dma_wait3A_151 = tpu.memref_slice %arg5[%dma_wait3A_149, %dma_wait3A_150] : memref<1000000x128xf32, #tpu.memory_space<hbm>> -> memref<1000000x128xf32, #tpu.memory_space<hbm>>
      %dma_wait3A_152 = tpu.memref_slice %arg12[%dma_wait3A_141, %dma_wait3A_142] : memref<2x4x!tpu.dma_semaphore, #tpu.memory_space<semaphore_mem>> -> memref<1x1x!tpu.dma_semaphore, #tpu.memory_space<semaphore_mem>>
      %dma_wait3A_153 = tpu.memref_squeeze %dma_wait3A_152 : memref<1x1x!tpu.dma_semaphore, #tpu.memory_space<semaphore_mem>> -> memref<!tpu.dma_semaphore, #tpu.memory_space<semaphore_mem>>
      tpu.wait_indirect_dma semaphore(%dma_wait3A_153 : memref<!tpu.dma_semaphore, #tpu.memory_space<semaphore_mem>>) src(%dma_wait3A_151 : memref<1000000x128xf32, #tpu.memory_space<hbm>>) dst(%dma_wait3A_146 : memref<32x128xf32, #tpu.memory_space<vmem>>)
      %add3A_154 = arith.constant 0 : i32
      %add3A_155 = arith.addi %mul3A_126, %add3A_154 : i32
      %broadcast_in_dim3A = arith.constant 0.000000e+00 : f32
      %broadcast_in_dim3A_156 = vector.broadcast %broadcast_in_dim3A : f32 to vector<16xf32>
      %scan3A_157 = arith.constant 0 : i32
      %scan3A_158 = arith.constant 0 : i32
      %scan3A_159 = arith.constant 0 : i32
      %scan3A_160 = arith.constant 16 : i32
      %scan3A_161 = arith.addi %scan3A_159, %scan3A_160 : i32
      %scan3A_162 = arith.constant 2 : i32
      %scan3A_163 = scf.for %scan3A_310 = %scan3A_159 to %scan3A_161 step %scan3A_162 iter_args(%scan3A_311 = %broadcast_in_dim3A_156) -> (vector<16xf32>)  : i32 {
        %mul3A_312 = arith.constant 2 : i32
        %mul3A_313 = arith.muli %scan3A_310, %mul3A_312 : i32
        %get3A = arith.constant 0 : i32
        %get3A_314 = arith.constant 0 : i32
        %get3A_315 = tpu.memref_slice %arg9[%scan3A_157, %get3A, %get3A_314] : memref<4x32x128xf32, #tpu.memory_space<vmem>> -> memref<1x32x128xf32, #tpu.memory_space<vmem>>
        %get3A_316 = tpu.memref_squeeze %get3A_315 : memref<1x32x128xf32, #tpu.memory_space<vmem>> -> memref<32x128xf32, #tpu.memory_space<vmem>>
        %get3A_317 = arith.index_cast %mul3A_313 : i32 to index
        %get3A_318 = arith.constant 0 : index
        %get3A_319 = tpu.vector_load %get3A_316[%get3A_317, %get3A_318] {strides = array<i32>} : memref<32x128xf32, #tpu.memory_space<vmem>>, vector<1x16xf32>,
        %get3A_320 = vector.shape_cast %get3A_319 : vector<1x16xf32> to vector<16xf32>
        %get3A_321 = arith.constant 0 : i32
        %get3A_322 = arith.constant 0 : i32
        %get3A_323 = tpu.memref_slice %arg10[%scan3A_158, %get3A_321, %get3A_322] : memref<4x32x128xf32, #tpu.memory_space<vmem>> -> memref<1x32x128xf32, #tpu.memory_space<vmem>>
        %get3A_324 = tpu.memref_squeeze %get3A_323 : memref<1x32x128xf32, #tpu.memory_space<vmem>> -> memref<32x128xf32, #tpu.memory_space<vmem>>
        %get3A_325 = arith.index_cast %mul3A_313 : i32 to index
        %get3A_326 = arith.constant 0 : index
        %get3A_327 = tpu.vector_load %get3A_324[%get3A_325, %get3A_326] {strides = array<i32>} : memref<32x128xf32, #tpu.memory_space<vmem>>, vector<1x16xf32>,
        %get3A_328 = vector.shape_cast %get3A_327 : vector<1x16xf32> to vector<16xf32>
        %mul3A_329 = arith.mulf %get3A_320, %get3A_328 : vector<16xf32>
        %get3A_330 = arith.constant 0 : i32
        %get3A_331 = arith.constant 0 : i32
        %get3A_332 = tpu.memref_slice %arg9[%scan3A_157, %get3A_330, %get3A_331] : memref<4x32x128xf32, #tpu.memory_space<vmem>> -> memref<1x32x128xf32, #tpu.memory_space<vmem>>
        %get3A_333 = tpu.memref_squeeze %get3A_332 : memref<1x32x128xf32, #tpu.memory_space<vmem>> -> memref<32x128xf32, #tpu.memory_space<vmem>>
        %get3A_334 = arith.index_cast %mul3A_313 : i32 to index
        %get3A_335 = arith.constant 16 : index
        %get3A_336 = tpu.vector_load %get3A_333[%get3A_334, %get3A_335] {strides = array<i32>} : memref<32x128xf32, #tpu.memory_space<vmem>>, vector<1x16xf32>,
        %get3A_337 = vector.shape_cast %get3A_336 : vector<1x16xf32> to vector<16xf32>
        %get3A_338 = arith.constant 0 : i32
        %get3A_339 = arith.constant 0 : i32
        %get3A_340 = tpu.memref_slice %arg10[%scan3A_158, %get3A_338, %get3A_339] : memref<4x32x128xf32, #tpu.memory_space<vmem>> -> memref<1x32x128xf32, #tpu.memory_space<vmem>>
        %get3A_341 = tpu.memref_squeeze %get3A_340 : memref<1x32x128xf32, #tpu.memory_space<vmem>> -> memref<32x128xf32, #tpu.memory_space<vmem>>
        %get3A_342 = arith.index_cast %mul3A_313 : i32 to index
        %get3A_343 = arith.constant 16 : index
        %get3A_344 = tpu.vector_load %get3A_341[%get3A_342, %get3A_343] {strides = array<i32>} : memref<32x128xf32, #tpu.memory_space<vmem>>, vector<1x16xf32>,
        %get3A_345 = vector.shape_cast %get3A_344 : vector<1x16xf32> to vector<16xf32>
        %mul3A_346 = arith.mulf %get3A_337, %get3A_345 : vector<16xf32>
        %add3A_347 = arith.addf %mul3A_329, %mul3A_346 : vector<16xf32>
        %get3A_348 = arith.constant 0 : i32
        %get3A_349 = arith.constant 0 : i32
        %get3A_350 = tpu.memref_slice %arg9[%scan3A_157, %get3A_348, %get3A_349] : memref<4x32x128xf32, #tpu.memory_space<vmem>> -> memref<1x32x128xf32, #tpu.memory_space<vmem>>
        %get3A_351 = tpu.memref_squeeze %get3A_350 : memref<1x32x128xf32, #tpu.memory_space<vmem>> -> memref<32x128xf32, #tpu.memory_space<vmem>>
        %get3A_352 = arith.index_cast %mul3A_313 : i32 to index
        %get3A_353 = arith.constant 32 : index
        %get3A_354 = tpu.vector_load %get3A_351[%get3A_352, %get3A_353] {strides = array<i32>} : memref<32x128xf32, #tpu.memory_space<vmem>>, vector<1x16xf32>,
        %get3A_355 = vector.shape_cast %get3A_354 : vector<1x16xf32> to vector<16xf32>
        %get3A_356 = arith.constant 0 : i32
        %get3A_357 = arith.constant 0 : i32
        %get3A_358 = tpu.memref_slice %arg10[%scan3A_158, %get3A_356, %get3A_357] : memref<4x32x128xf32, #tpu.memory_space<vmem>> -> memref<1x32x128xf32, #tpu.memory_space<vmem>>
        %get3A_359 = tpu.memref_squeeze %get3A_358 : memref<1x32x128xf32, #tpu.memory_space<vmem>> -> memref<32x128xf32, #tpu.memory_space<vmem>>
        %get3A_360 = arith.index_cast %mul3A_313 : i32 to index
        %get3A_361 = arith.constant 32 : index
        %get3A_362 = tpu.vector_load %get3A_359[%get3A_360, %get3A_361] {strides = array<i32>} : memref<32x128xf32, #tpu.memory_space<vmem>>, vector<1x16xf32>,
        %get3A_363 = vector.shape_cast %get3A_362 : vector<1x16xf32> to vector<16xf32>
        %mul3A_364 = arith.mulf %get3A_355, %get3A_363 : vector<16xf32>
        %add3A_365 = arith.addf %add3A_347, %mul3A_364 : vector<16xf32>
        %get3A_366 = arith.constant 0 : i32
        %get3A_367 = arith.constant 0 : i32
        %get3A_368 = tpu.memref_slice %arg9[%scan3A_157, %get3A_366, %get3A_367] : memref<4x32x128xf32, #tpu.memory_space<vmem>> -> memref<1x32x128xf32, #tpu.memory_space<vmem>>
        %get3A_369 = tpu.memref_squeeze %get3A_368 : memref<1x32x128xf32, #tpu.memory_space<vmem>> -> memref<32x128xf32, #tpu.memory_space<vmem>>
        %get3A_370 = arith.index_cast %mul3A_313 : i32 to index
        %get3A_371 = arith.constant 48 : index
        %get3A_372 = tpu.vector_load %get3A_369[%get3A_370, %get3A_371] {strides = array<i32>} : memref<32x128xf32, #tpu.memory_space<vmem>>, vector<1x16xf32>,
        %get3A_373 = vector.shape_cast %get3A_372 : vector<1x16xf32> to vector<16xf32>
        %get3A_374 = arith.constant 0 : i32
        %get3A_375 = arith.constant 0 : i32
        %get3A_376 = tpu.memref_slice %arg10[%scan3A_158, %get3A_374, %get3A_375] : memref<4x32x128xf32, #tpu.memory_space<vmem>> -> memref<1x32x128xf32, #tpu.memory_space<vmem>>
        %get3A_377 = tpu.memref_squeeze %get3A_376 : memref<1x32x128xf32, #tpu.memory_space<vmem>> -> memref<32x128xf32, #tpu.memory_space<vmem>>
        %get3A_378 = arith.index_cast %mul3A_313 : i32 to index
        %get3A_379 = arith.constant 48 : index
        %get3A_380 = tpu.vector_load %get3A_377[%get3A_378, %get3A_379] {strides = array<i32>} : memref<32x128xf32, #tpu.memory_space<vmem>>, vector<1x16xf32>,
        %get3A_381 = vector.shape_cast %get3A_380 : vector<1x16xf32> to vector<16xf32>
        %mul3A_382 = arith.mulf %get3A_373, %get3A_381 : vector<16xf32>
        %add3A_383 = arith.addf %add3A_365, %mul3A_382 : vector<16xf32>
        %get3A_384 = arith.constant 0 : i32
        %get3A_385 = arith.constant 0 : i32
        %get3A_386 = tpu.memref_slice %arg9[%scan3A_157, %get3A_384, %get3A_385] : memref<4x32x128xf32, #tpu.memory_space<vmem>> -> memref<1x32x128xf32, #tpu.memory_space<vmem>>
        %get3A_387 = tpu.memref_squeeze %get3A_386 : memref<1x32x128xf32, #tpu.memory_space<vmem>> -> memref<32x128xf32, #tpu.memory_space<vmem>>
        %get3A_388 = arith.index_cast %mul3A_313 : i32 to index
        %get3A_389 = arith.constant 64 : index
        %get3A_390 = tpu.vector_load %get3A_387[%get3A_388, %get3A_389] {strides = array<i32>} : memref<32x128xf32, #tpu.memory_space<vmem>>, vector<1x16xf32>,
        %get3A_391 = vector.shape_cast %get3A_390 : vector<1x16xf32> to vector<16xf32>
        %get3A_392 = arith.constant 0 : i32
        %get3A_393 = arith.constant 0 : i32
        %get3A_394 = tpu.memref_slice %arg10[%scan3A_158, %get3A_392, %get3A_393] : memref<4x32x128xf32, #tpu.memory_space<vmem>> -> memref<1x32x128xf32, #tpu.memory_space<vmem>>
        %get3A_395 = tpu.memref_squeeze %get3A_394 : memref<1x32x128xf32, #tpu.memory_space<vmem>> -> memref<32x128xf32, #tpu.memory_space<vmem>>
        %get3A_396 = arith.index_cast %mul3A_313 : i32 to index
        %get3A_397 = arith.constant 64 : index
        %get3A_398 = tpu.vector_load %get3A_395[%get3A_396, %get3A_397] {strides = array<i32>} : memref<32x128xf32, #tpu.memory_space<vmem>>, vector<1x16xf32>,
        %get3A_399 = vector.shape_cast %get3A_398 : vector<1x16xf32> to vector<16xf32>
        %mul3A_400 = arith.mulf %get3A_391, %get3A_399 : vector<16xf32>
        %add3A_401 = arith.addf %add3A_383, %mul3A_400 : vector<16xf32>
        %get3A_402 = arith.constant 0 : i32
        %get3A_403 = arith.constant 0 : i32
        %get3A_404 = tpu.memref_slice %arg9[%scan3A_157, %get3A_402, %get3A_403] : memref<4x32x128xf32, #tpu.memory_space<vmem>> -> memref<1x32x128xf32, #tpu.memory_space<vmem>>
        %get3A_405 = tpu.memref_squeeze %get3A_404 : memref<1x32x128xf32, #tpu.memory_space<vmem>> -> memref<32x128xf32, #tpu.memory_space<vmem>>
        %get3A_406 = arith.index_cast %mul3A_313 : i32 to index
        %get3A_407 = arith.constant 80 : index
        %get3A_408 = tpu.vector_load %get3A_405[%get3A_406, %get3A_407] {strides = array<i32>} : memref<32x128xf32, #tpu.memory_space<vmem>>, vector<1x16xf32>,
        %get3A_409 = vector.shape_cast %get3A_408 : vector<1x16xf32> to vector<16xf32>
        %get3A_410 = arith.constant 0 : i32
        %get3A_411 = arith.constant 0 : i32
        %get3A_412 = tpu.memref_slice %arg10[%scan3A_158, %get3A_410, %get3A_411] : memref<4x32x128xf32, #tpu.memory_space<vmem>> -> memref<1x32x128xf32, #tpu.memory_space<vmem>>
        %get3A_413 = tpu.memref_squeeze %get3A_412 : memref<1x32x128xf32, #tpu.memory_space<vmem>> -> memref<32x128xf32, #tpu.memory_space<vmem>>
        %get3A_414 = arith.index_cast %mul3A_313 : i32 to index
        %get3A_415 = arith.constant 80 : index
        %get3A_416 = tpu.vector_load %get3A_413[%get3A_414, %get3A_415] {strides = array<i32>} : memref<32x128xf32, #tpu.memory_space<vmem>>, vector<1x16xf32>,
        %get3A_417 = vector.shape_cast %get3A_416 : vector<1x16xf32> to vector<16xf32>
        %mul3A_418 = arith.mulf %get3A_409, %get3A_417 : vector<16xf32>
        %add3A_419 = arith.addf %add3A_401, %mul3A_418 : vector<16xf32>
        %get3A_420 = arith.constant 0 : i32
        %get3A_421 = arith.constant 0 : i32
        %get3A_422 = tpu.memref_slice %arg9[%scan3A_157, %get3A_420, %get3A_421] : memref<4x32x128xf32, #tpu.memory_space<vmem>> -> memref<1x32x128xf32, #tpu.memory_space<vmem>>
        %get3A_423 = tpu.memref_squeeze %get3A_422 : memref<1x32x128xf32, #tpu.memory_space<vmem>> -> memref<32x128xf32, #tpu.memory_space<vmem>>
        %get3A_424 = arith.index_cast %mul3A_313 : i32 to index
        %get3A_425 = arith.constant 96 : index
        %get3A_426 = tpu.vector_load %get3A_423[%get3A_424, %get3A_425] {strides = array<i32>} : memref<32x128xf32, #tpu.memory_space<vmem>>, vector<1x16xf32>,
        %get3A_427 = vector.shape_cast %get3A_426 : vector<1x16xf32> to vector<16xf32>
        %get3A_428 = arith.constant 0 : i32
        %get3A_429 = arith.constant 0 : i32
        %get3A_430 = tpu.memref_slice %arg10[%scan3A_158, %get3A_428, %get3A_429] : memref<4x32x128xf32, #tpu.memory_space<vmem>> -> memref<1x32x128xf32, #tpu.memory_space<vmem>>
        %get3A_431 = tpu.memref_squeeze %get3A_430 : memref<1x32x128xf32, #tpu.memory_space<vmem>> -> memref<32x128xf32, #tpu.memory_space<vmem>>
        %get3A_432 = arith.index_cast %mul3A_313 : i32 to index
        %get3A_433 = arith.constant 96 : index
        %get3A_434 = tpu.vector_load %get3A_431[%get3A_432, %get3A_433] {strides = array<i32>} : memref<32x128xf32, #tpu.memory_space<vmem>>, vector<1x16xf32>,
        %get3A_435 = vector.shape_cast %get3A_434 : vector<1x16xf32> to vector<16xf32>
        %mul3A_436 = arith.mulf %get3A_427, %get3A_435 : vector<16xf32>
        %add3A_437 = arith.addf %add3A_419, %mul3A_436 : vector<16xf32>
        %get3A_438 = arith.constant 0 : i32
        %get3A_439 = arith.constant 0 : i32
        %get3A_440 = tpu.memref_slice %arg9[%scan3A_157, %get3A_438, %get3A_439] : memref<4x32x128xf32, #tpu.memory_space<vmem>> -> memref<1x32x128xf32, #tpu.memory_space<vmem>>
        %get3A_441 = tpu.memref_squeeze %get3A_440 : memref<1x32x128xf32, #tpu.memory_space<vmem>> -> memref<32x128xf32, #tpu.memory_space<vmem>>
        %get3A_442 = arith.index_cast %mul3A_313 : i32 to index
        %get3A_443 = arith.constant 112 : index
        %get3A_444 = tpu.vector_load %get3A_441[%get3A_442, %get3A_443] {strides = array<i32>} : memref<32x128xf32, #tpu.memory_space<vmem>>, vector<1x16xf32>,
        %get3A_445 = vector.shape_cast %get3A_444 : vector<1x16xf32> to vector<16xf32>
        %get3A_446 = arith.constant 0 : i32
        %get3A_447 = arith.constant 0 : i32
        %get3A_448 = tpu.memref_slice %arg10[%scan3A_158, %get3A_446, %get3A_447] : memref<4x32x128xf32, #tpu.memory_space<vmem>> -> memref<1x32x128xf32, #tpu.memory_space<vmem>>
        %get3A_449 = tpu.memref_squeeze %get3A_448 : memref<1x32x128xf32, #tpu.memory_space<vmem>> -> memref<32x128xf32, #tpu.memory_space<vmem>>
        %get3A_450 = arith.index_cast %mul3A_313 : i32 to index
        %get3A_451 = arith.constant 112 : index
        %get3A_452 = tpu.vector_load %get3A_449[%get3A_450, %get3A_451] {strides = array<i32>} : memref<32x128xf32, #tpu.memory_space<vmem>>, vector<1x16xf32>,
        %get3A_453 = vector.shape_cast %get3A_452 : vector<1x16xf32> to vector<16xf32>
        %mul3A_454 = arith.mulf %get3A_445, %get3A_453 : vector<16xf32>
        %add3A_455 = arith.addf %add3A_437, %mul3A_454 : vector<16xf32>
        %add3A_456 = arith.constant 1 : i32
        %add3A_457 = arith.addi %mul3A_313, %add3A_456 : i32
        %get3A_458 = arith.constant 0 : i32
        %get3A_459 = arith.constant 0 : i32
        %get3A_460 = tpu.memref_slice %arg9[%scan3A_157, %get3A_458, %get3A_459] : memref<4x32x128xf32, #tpu.memory_space<vmem>> -> memref<1x32x128xf32, #tpu.memory_space<vmem>>
        %get3A_461 = tpu.memref_squeeze %get3A_460 : memref<1x32x128xf32, #tpu.memory_space<vmem>> -> memref<32x128xf32, #tpu.memory_space<vmem>>
        %get3A_462 = arith.index_cast %add3A_457 : i32 to index
        %get3A_463 = arith.constant 0 : index
        %get3A_464 = tpu.vector_load %get3A_461[%get3A_462, %get3A_463] {strides = array<i32>} : memref<32x128xf32, #tpu.memory_space<vmem>>, vector<1x16xf32>,
        %get3A_465 = vector.shape_cast %get3A_464 : vector<1x16xf32> to vector<16xf32>
        %get3A_466 = arith.constant 0 : i32
        %get3A_467 = arith.constant 0 : i32
        %get3A_468 = tpu.memref_slice %arg10[%scan3A_158, %get3A_466, %get3A_467] : memref<4x32x128xf32, #tpu.memory_space<vmem>> -> memref<1x32x128xf32, #tpu.memory_space<vmem>>
        %get3A_469 = tpu.memref_squeeze %get3A_468 : memref<1x32x128xf32, #tpu.memory_space<vmem>> -> memref<32x128xf32, #tpu.memory_space<vmem>>
        %get3A_470 = arith.index_cast %add3A_457 : i32 to index
        %get3A_471 = arith.constant 0 : index
        %get3A_472 = tpu.vector_load %get3A_469[%get3A_470, %get3A_471] {strides = array<i32>} : memref<32x128xf32, #tpu.memory_space<vmem>>, vector<1x16xf32>,
        %get3A_473 = vector.shape_cast %get3A_472 : vector<1x16xf32> to vector<16xf32>
        %mul3A_474 = arith.mulf %get3A_465, %get3A_473 : vector<16xf32>
        %get3A_475 = arith.constant 0 : i32
        %get3A_476 = arith.constant 0 : i32
        %get3A_477 = tpu.memref_slice %arg9[%scan3A_157, %get3A_475, %get3A_476] : memref<4x32x128xf32, #tpu.memory_space<vmem>> -> memref<1x32x128xf32, #tpu.memory_space<vmem>>
        %get3A_478 = tpu.memref_squeeze %get3A_477 : memref<1x32x128xf32, #tpu.memory_space<vmem>> -> memref<32x128xf32, #tpu.memory_space<vmem>>
        %get3A_479 = arith.index_cast %add3A_457 : i32 to index
        %get3A_480 = arith.constant 16 : index
        %get3A_481 = tpu.vector_load %get3A_478[%get3A_479, %get3A_480] {strides = array<i32>} : memref<32x128xf32, #tpu.memory_space<vmem>>, vector<1x16xf32>,
        %get3A_482 = vector.shape_cast %get3A_481 : vector<1x16xf32> to vector<16xf32>
        %get3A_483 = arith.constant 0 : i32
        %get3A_484 = arith.constant 0 : i32
        %get3A_485 = tpu.memref_slice %arg10[%scan3A_158, %get3A_483, %get3A_484] : memref<4x32x128xf32, #tpu.memory_space<vmem>> -> memref<1x32x128xf32, #tpu.memory_space<vmem>>
        %get3A_486 = tpu.memref_squeeze %get3A_485 : memref<1x32x128xf32, #tpu.memory_space<vmem>> -> memref<32x128xf32, #tpu.memory_space<vmem>>
        %get3A_487 = arith.index_cast %add3A_457 : i32 to index
        %get3A_488 = arith.constant 16 : index
        %get3A_489 = tpu.vector_load %get3A_486[%get3A_487, %get3A_488] {strides = array<i32>} : memref<32x128xf32, #tpu.memory_space<vmem>>, vector<1x16xf32>,
        %get3A_490 = vector.shape_cast %get3A_489 : vector<1x16xf32> to vector<16xf32>
        %mul3A_491 = arith.mulf %get3A_482, %get3A_490 : vector<16xf32>
        %add3A_492 = arith.addf %mul3A_474, %mul3A_491 : vector<16xf32>
        %get3A_493 = arith.constant 0 : i32
        %get3A_494 = arith.constant 0 : i32
        %get3A_495 = tpu.memref_slice %arg9[%scan3A_157, %get3A_493, %get3A_494] : memref<4x32x128xf32, #tpu.memory_space<vmem>> -> memref<1x32x128xf32, #tpu.memory_space<vmem>>
        %get3A_496 = tpu.memref_squeeze %get3A_495 : memref<1x32x128xf32, #tpu.memory_space<vmem>> -> memref<32x128xf32, #tpu.memory_space<vmem>>
        %get3A_497 = arith.index_cast %add3A_457 : i32 to index
        %get3A_498 = arith.constant 32 : index
        %get3A_499 = tpu.vector_load %get3A_496[%get3A_497, %get3A_498] {strides = array<i32>} : memref<32x128xf32, #tpu.memory_space<vmem>>, vector<1x16xf32>,
        %get3A_500 = vector.shape_cast %get3A_499 : vector<1x16xf32> to vector<16xf32>
        %get3A_501 = arith.constant 0 : i32
        %get3A_502 = arith.constant 0 : i32
        %get3A_503 = tpu.memref_slice %arg10[%scan3A_158, %get3A_501, %get3A_502] : memref<4x32x128xf32, #tpu.memory_space<vmem>> -> memref<1x32x128xf32, #tpu.memory_space<vmem>>
        %get3A_504 = tpu.memref_squeeze %get3A_503 : memref<1x32x128xf32, #tpu.memory_space<vmem>> -> memref<32x128xf32, #tpu.memory_space<vmem>>
        %get3A_505 = arith.index_cast %add3A_457 : i32 to index
        %get3A_506 = arith.constant 32 : index
        %get3A_507 = tpu.vector_load %get3A_504[%get3A_505, %get3A_506] {strides = array<i32>} : memref<32x128xf32, #tpu.memory_space<vmem>>, vector<1x16xf32>,
        %get3A_508 = vector.shape_cast %get3A_507 : vector<1x16xf32> to vector<16xf32>
        %mul3A_509 = arith.mulf %get3A_500, %get3A_508 : vector<16xf32>
        %add3A_510 = arith.addf %add3A_492, %mul3A_509 : vector<16xf32>
        %get3A_511 = arith.constant 0 : i32
        %get3A_512 = arith.constant 0 : i32
        %get3A_513 = tpu.memref_slice %arg9[%scan3A_157, %get3A_511, %get3A_512] : memref<4x32x128xf32, #tpu.memory_space<vmem>> -> memref<1x32x128xf32, #tpu.memory_space<vmem>>
        %get3A_514 = tpu.memref_squeeze %get3A_513 : memref<1x32x128xf32, #tpu.memory_space<vmem>> -> memref<32x128xf32, #tpu.memory_space<vmem>>
        %get3A_515 = arith.index_cast %add3A_457 : i32 to index
        %get3A_516 = arith.constant 48 : index
        %get3A_517 = tpu.vector_load %get3A_514[%get3A_515, %get3A_516] {strides = array<i32>} : memref<32x128xf32, #tpu.memory_space<vmem>>, vector<1x16xf32>,
        %get3A_518 = vector.shape_cast %get3A_517 : vector<1x16xf32> to vector<16xf32>
        %get3A_519 = arith.constant 0 : i32
        %get3A_520 = arith.constant 0 : i32
        %get3A_521 = tpu.memref_slice %arg10[%scan3A_158, %get3A_519, %get3A_520] : memref<4x32x128xf32, #tpu.memory_space<vmem>> -> memref<1x32x128xf32, #tpu.memory_space<vmem>>
        %get3A_522 = tpu.memref_squeeze %get3A_521 : memref<1x32x128xf32, #tpu.memory_space<vmem>> -> memref<32x128xf32, #tpu.memory_space<vmem>>
        %get3A_523 = arith.index_cast %add3A_457 : i32 to index
        %get3A_524 = arith.constant 48 : index
        %get3A_525 = tpu.vector_load %get3A_522[%get3A_523, %get3A_524] {strides = array<i32>} : memref<32x128xf32, #tpu.memory_space<vmem>>, vector<1x16xf32>,
        %get3A_526 = vector.shape_cast %get3A_525 : vector<1x16xf32> to vector<16xf32>
        %mul3A_527 = arith.mulf %get3A_518, %get3A_526 : vector<16xf32>
        %add3A_528 = arith.addf %add3A_510, %mul3A_527 : vector<16xf32>
        %get3A_529 = arith.constant 0 : i32
        %get3A_530 = arith.constant 0 : i32
        %get3A_531 = tpu.memref_slice %arg9[%scan3A_157, %get3A_529, %get3A_530] : memref<4x32x128xf32, #tpu.memory_space<vmem>> -> memref<1x32x128xf32, #tpu.memory_space<vmem>>
        %get3A_532 = tpu.memref_squeeze %get3A_531 : memref<1x32x128xf32, #tpu.memory_space<vmem>> -> memref<32x128xf32, #tpu.memory_space<vmem>>
        %get3A_533 = arith.index_cast %add3A_457 : i32 to index
        %get3A_534 = arith.constant 64 : index
        %get3A_535 = tpu.vector_load %get3A_532[%get3A_533, %get3A_534] {strides = array<i32>} : memref<32x128xf32, #tpu.memory_space<vmem>>, vector<1x16xf32>,
        %get3A_536 = vector.shape_cast %get3A_535 : vector<1x16xf32> to vector<16xf32>
        %get3A_537 = arith.constant 0 : i32
        %get3A_538 = arith.constant 0 : i32
        %get3A_539 = tpu.memref_slice %arg10[%scan3A_158, %get3A_537, %get3A_538] : memref<4x32x128xf32, #tpu.memory_space<vmem>> -> memref<1x32x128xf32, #tpu.memory_space<vmem>>
        %get3A_540 = tpu.memref_squeeze %get3A_539 : memref<1x32x128xf32, #tpu.memory_space<vmem>> -> memref<32x128xf32, #tpu.memory_space<vmem>>
        %get3A_541 = arith.index_cast %add3A_457 : i32 to index
        %get3A_542 = arith.constant 64 : index
        %get3A_543 = tpu.vector_load %get3A_540[%get3A_541, %get3A_542] {strides = array<i32>} : memref<32x128xf32, #tpu.memory_space<vmem>>, vector<1x16xf32>,
        %get3A_544 = vector.shape_cast %get3A_543 : vector<1x16xf32> to vector<16xf32>
        %mul3A_545 = arith.mulf %get3A_536, %get3A_544 : vector<16xf32>
        %add3A_546 = arith.addf %add3A_528, %mul3A_545 : vector<16xf32>
        %get3A_547 = arith.constant 0 : i32
        %get3A_548 = arith.constant 0 : i32
        %get3A_549 = tpu.memref_slice %arg9[%scan3A_157, %get3A_547, %get3A_548] : memref<4x32x128xf32, #tpu.memory_space<vmem>> -> memref<1x32x128xf32, #tpu.memory_space<vmem>>
        %get3A_550 = tpu.memref_squeeze %get3A_549 : memref<1x32x128xf32, #tpu.memory_space<vmem>> -> memref<32x128xf32, #tpu.memory_space<vmem>>
        %get3A_551 = arith.index_cast %add3A_457 : i32 to index
        %get3A_552 = arith.constant 80 : index
        %get3A_553 = tpu.vector_load %get3A_550[%get3A_551, %get3A_552] {strides = array<i32>} : memref<32x128xf32, #tpu.memory_space<vmem>>, vector<1x16xf32>,
        %get3A_554 = vector.shape_cast %get3A_553 : vector<1x16xf32> to vector<16xf32>
        %get3A_555 = arith.constant 0 : i32
        %get3A_556 = arith.constant 0 : i32
        %get3A_557 = tpu.memref_slice %arg10[%scan3A_158, %get3A_555, %get3A_556] : memref<4x32x128xf32, #tpu.memory_space<vmem>> -> memref<1x32x128xf32, #tpu.memory_space<vmem>>
        %get3A_558 = tpu.memref_squeeze %get3A_557 : memref<1x32x128xf32, #tpu.memory_space<vmem>> -> memref<32x128xf32, #tpu.memory_space<vmem>>
        %get3A_559 = arith.index_cast %add3A_457 : i32 to index
        %get3A_560 = arith.constant 80 : index
        %get3A_561 = tpu.vector_load %get3A_558[%get3A_559, %get3A_560] {strides = array<i32>} : memref<32x128xf32, #tpu.memory_space<vmem>>, vector<1x16xf32>,
        %get3A_562 = vector.shape_cast %get3A_561 : vector<1x16xf32> to vector<16xf32>
        %mul3A_563 = arith.mulf %get3A_554, %get3A_562 : vector<16xf32>
        %add3A_564 = arith.addf %add3A_546, %mul3A_563 : vector<16xf32>
        %get3A_565 = arith.constant 0 : i32
        %get3A_566 = arith.constant 0 : i32
        %get3A_567 = tpu.memref_slice %arg9[%scan3A_157, %get3A_565, %get3A_566] : memref<4x32x128xf32, #tpu.memory_space<vmem>> -> memref<1x32x128xf32, #tpu.memory_space<vmem>>
        %get3A_568 = tpu.memref_squeeze %get3A_567 : memref<1x32x128xf32, #tpu.memory_space<vmem>> -> memref<32x128xf32, #tpu.memory_space<vmem>>
        %get3A_569 = arith.index_cast %add3A_457 : i32 to index
        %get3A_570 = arith.constant 96 : index
        %get3A_571 = tpu.vector_load %get3A_568[%get3A_569, %get3A_570] {strides = array<i32>} : memref<32x128xf32, #tpu.memory_space<vmem>>, vector<1x16xf32>,
        %get3A_572 = vector.shape_cast %get3A_571 : vector<1x16xf32> to vector<16xf32>
        %get3A_573 = arith.constant 0 : i32
        %get3A_574 = arith.constant 0 : i32
        %get3A_575 = tpu.memref_slice %arg10[%scan3A_158, %get3A_573, %get3A_574] : memref<4x32x128xf32, #tpu.memory_space<vmem>> -> memref<1x32x128xf32, #tpu.memory_space<vmem>>
        %get3A_576 = tpu.memref_squeeze %get3A_575 : memref<1x32x128xf32, #tpu.memory_space<vmem>> -> memref<32x128xf32, #tpu.memory_space<vmem>>
        %get3A_577 = arith.index_cast %add3A_457 : i32 to index
        %get3A_578 = arith.constant 96 : index
        %get3A_579 = tpu.vector_load %get3A_576[%get3A_577, %get3A_578] {strides = array<i32>} : memref<32x128xf32, #tpu.memory_space<vmem>>, vector<1x16xf32>,
        %get3A_580 = vector.shape_cast %get3A_579 : vector<1x16xf32> to vector<16xf32>
        %mul3A_581 = arith.mulf %get3A_572, %get3A_580 : vector<16xf32>
        %add3A_582 = arith.addf %add3A_564, %mul3A_581 : vector<16xf32>
        %get3A_583 = arith.constant 0 : i32
        %get3A_584 = arith.constant 0 : i32
        %get3A_585 = tpu.memref_slice %arg9[%scan3A_157, %get3A_583, %get3A_584] : memref<4x32x128xf32, #tpu.memory_space<vmem>> -> memref<1x32x128xf32, #tpu.memory_space<vmem>>
        %get3A_586 = tpu.memref_squeeze %get3A_585 : memref<1x32x128xf32, #tpu.memory_space<vmem>> -> memref<32x128xf32, #tpu.memory_space<vmem>>
        %get3A_587 = arith.index_cast %add3A_457 : i32 to index
        %get3A_588 = arith.constant 112 : index
        %get3A_589 = tpu.vector_load %get3A_586[%get3A_587, %get3A_588] {strides = array<i32>} : memref<32x128xf32, #tpu.memory_space<vmem>>, vector<1x16xf32>,
        %get3A_590 = vector.shape_cast %get3A_589 : vector<1x16xf32> to vector<16xf32>
        %get3A_591 = arith.constant 0 : i32
        %get3A_592 = arith.constant 0 : i32
        %get3A_593 = tpu.memref_slice %arg10[%scan3A_158, %get3A_591, %get3A_592] : memref<4x32x128xf32, #tpu.memory_space<vmem>> -> memref<1x32x128xf32, #tpu.memory_space<vmem>>
        %get3A_594 = tpu.memref_squeeze %get3A_593 : memref<1x32x128xf32, #tpu.memory_space<vmem>> -> memref<32x128xf32, #tpu.memory_space<vmem>>
        %get3A_595 = arith.index_cast %add3A_457 : i32 to index
        %get3A_596 = arith.constant 112 : index
        %get3A_597 = tpu.vector_load %get3A_594[%get3A_595, %get3A_596] {strides = array<i32>} : memref<32x128xf32, #tpu.memory_space<vmem>>, vector<1x16xf32>,
        %get3A_598 = vector.shape_cast %get3A_597 : vector<1x16xf32> to vector<16xf32>
        %mul3A_599 = arith.mulf %get3A_590, %get3A_598 : vector<16xf32>
        %add3A_600 = arith.addf %add3A_582, %mul3A_599 : vector<16xf32>
        %xor3A = arith.constant 1 : i32
        %xor3A_601 = vector.broadcast %xor3A : i32 to vector<16xi32>
        %xor3A_602 = arith.xori %iota3A, %xor3A_601 : vector<16xi32>
        %broadcast_in_dim3A_603 = vector.shape_cast %xor3A_602 : vector<16xi32> to vector<16x1xi32>
        %gather3A = vector.shape_cast %broadcast_in_dim3A_603 : vector<16x1xi32> to vector<16xi32>
        %gather3A_604 = tpu.dynamic_gather %add3A_600[%gather3A] in [0] : vector<16xf32>, vector<16xi32> -> vector<16xf32>
        %select_n3A = arith.select %eq3A_6, %add3A_455, %gather3A_604 : vector<16xi1>, vector<16xf32>
        %xor3A_605 = arith.constant 1 : i32
        %xor3A_606 = vector.broadcast %xor3A_605 : i32 to vector<16xi32>
        %xor3A_607 = arith.xori %iota3A, %xor3A_606 : vector<16xi32>
        %broadcast_in_dim3A_608 = vector.shape_cast %xor3A_607 : vector<16xi32> to vector<16x1xi32>
        %gather3A_609 = vector.shape_cast %broadcast_in_dim3A_608 : vector<16x1xi32> to vector<16xi32>
        %gather3A_610 = tpu.dynamic_gather %add3A_455[%gather3A_609] in [0] : vector<16xf32>, vector<16xi32> -> vector<16xf32>
        %select_n3A_611 = arith.select %eq3A_6, %gather3A_610, %add3A_600 : vector<16xi1>, vector<16xf32>
        %add3A_612 = arith.addf %select_n3A, %select_n3A_611 : vector<16xf32>
        %xor3A_613 = arith.constant 2 : i32
        %xor3A_614 = vector.broadcast %xor3A_613 : i32 to vector<16xi32>
        %xor3A_615 = arith.xori %iota3A, %xor3A_614 : vector<16xi32>
        %broadcast_in_dim3A_616 = vector.shape_cast %xor3A_615 : vector<16xi32> to vector<16x1xi32>
        %gather3A_617 = vector.shape_cast %broadcast_in_dim3A_616 : vector<16x1xi32> to vector<16xi32>
        %gather3A_618 = tpu.dynamic_gather %add3A_612[%gather3A_617] in [0] : vector<16xf32>, vector<16xi32> -> vector<16xf32>
        %add3A_619 = arith.addf %add3A_612, %gather3A_618 : vector<16xf32>
        %xor3A_620 = arith.constant 4 : i32
        %xor3A_621 = vector.broadcast %xor3A_620 : i32 to vector<16xi32>
        %xor3A_622 = arith.xori %iota3A, %xor3A_621 : vector<16xi32>
        %broadcast_in_dim3A_623 = vector.shape_cast %xor3A_622 : vector<16xi32> to vector<16x1xi32>
        %gather3A_624 = vector.shape_cast %broadcast_in_dim3A_623 : vector<16x1xi32> to vector<16xi32>
        %gather3A_625 = tpu.dynamic_gather %add3A_619[%gather3A_624] in [0] : vector<16xf32>, vector<16xi32> -> vector<16xf32>
        %add3A_626 = arith.addf %add3A_619, %gather3A_625 : vector<16xf32>
        %xor3A_627 = arith.constant 8 : i32
        %xor3A_628 = vector.broadcast %xor3A_627 : i32 to vector<16xi32>
        %xor3A_629 = arith.xori %iota3A, %xor3A_628 : vector<16xi32>
        %broadcast_in_dim3A_630 = vector.shape_cast %xor3A_629 : vector<16xi32> to vector<16x1xi32>
        %gather3A_631 = vector.shape_cast %broadcast_in_dim3A_630 : vector<16x1xi32> to vector<16xi32>
        %gather3A_632 = tpu.dynamic_gather %add3A_626[%gather3A_631] in [0] : vector<16xf32>, vector<16xi32> -> vector<16xf32>
        %add3A_633 = arith.addf %add3A_626, %gather3A_632 : vector<16xf32>
        %and3A_634 = arith.constant 7 : i32
        %and3A_635 = arith.andi %scan3A_310, %and3A_634 : i32
        %eq3A_636 = vector.broadcast %and3A_635 : i32 to vector<16xi32>
        %eq3A_637 = arith.cmpi eq, %shift_right_arithmetic3A_8, %eq3A_636 : vector<16xi32>
        %select_n3A_638 = arith.select %eq3A_637, %add3A_633, %scan3A_311 : vector<16xi1>, vector<16xf32>
        %and3A_639 = arith.constant 7 : i32
        %and3A_640 = arith.andi %scan3A_310, %and3A_639 : i32
        %eq3A_641 = arith.constant 7 : i32
        %eq3A_642 = arith.cmpi eq, %and3A_640, %eq3A_641 : i32
        %convert_element_type3A_643 = arith.extui %eq3A_642 : i1 to i32
        %cond3A_644 = arith.constant 0 : i32
        %cond3A_645 = arith.cmpi ne, %convert_element_type3A_643, %cond3A_644 : i32
        scf.if %cond3A_645 {
          %mul3A_986 = arith.constant 32 : i32
          %mul3A_987 = arith.muli %add3A_155, %mul3A_986 : i32
          %add3A_988 = arith.constant 1 : i32
          %add3A_989 = arith.addi %mul3A_313, %add3A_988 : i32
          %and3A_990 = arith.constant -16 : i32
          %and3A_991 = arith.andi %add3A_989, %and3A_990 : i32
          %add3A_992 = arith.addi %mul3A_987, %and3A_991 : i32
          %swap3A = arith.index_cast %add3A_992 : i32 to index
          %swap3A_993 = tpu.vector_load %arg11[%swap3A] {strides = array<i32>} : memref<512xf32, #tpu.memory_space<vmem>>, vector<16xf32>,
          %swap3A_994 = vector.shape_cast %swap3A_993 : vector<16xf32> to vector<16xf32>
          %swap3A_995 = vector.shape_cast %select_n3A_638 : vector<16xf32> to vector<16xf32>
          tpu.vector_store %arg11[%swap3A], %swap3A_995 {strides = array<i32>} : memref<512xf32, #tpu.memory_space<vmem>>, vector<16xf32>,
        } else {
        }
        %scan3A_646 = arith.constant 1 : i32
        %scan3A_647 = arith.addi %scan3A_310, %scan3A_646 : i32
        %mul3A_648 = arith.constant 2 : i32
        %mul3A_649 = arith.muli %scan3A_647, %mul3A_648 : i32
        %get3A_650 = arith.constant 0 : i32
        %get3A_651 = arith.constant 0 : i32
        %get3A_652 = tpu.memref_slice %arg9[%scan3A_157, %get3A_650, %get3A_651] : memref<4x32x128xf32, #tpu.memory_space<vmem>> -> memref<1x32x128xf32, #tpu.memory_space<vmem>>
        %get3A_653 = tpu.memref_squeeze %get3A_652 : memref<1x32x128xf32, #tpu.memory_space<vmem>> -> memref<32x128xf32, #tpu.memory_space<vmem>>
        %get3A_654 = arith.index_cast %mul3A_649 : i32 to index
        %get3A_655 = arith.constant 0 : index
        %get3A_656 = tpu.vector_load %get3A_653[%get3A_654, %get3A_655] {strides = array<i32>} : memref<32x128xf32, #tpu.memory_space<vmem>>, vector<1x16xf32>,
        %get3A_657 = vector.shape_cast %get3A_656 : vector<1x16xf32> to vector<16xf32>
        %get3A_658 = arith.constant 0 : i32
        %get3A_659 = arith.constant 0 : i32
        %get3A_660 = tpu.memref_slice %arg10[%scan3A_158, %get3A_658, %get3A_659] : memref<4x32x128xf32, #tpu.memory_space<vmem>> -> memref<1x32x128xf32, #tpu.memory_space<vmem>>
        %get3A_661 = tpu.memref_squeeze %get3A_660 : memref<1x32x128xf32, #tpu.memory_space<vmem>> -> memref<32x128xf32, #tpu.memory_space<vmem>>
        %get3A_662 = arith.index_cast %mul3A_649 : i32 to index
        %get3A_663 = arith.constant 0 : index
        %get3A_664 = tpu.vector_load %get3A_661[%get3A_662, %get3A_663] {strides = array<i32>} : memref<32x128xf32, #tpu.memory_space<vmem>>, vector<1x16xf32>,
        %get3A_665 = vector.shape_cast %get3A_664 : vector<1x16xf32> to vector<16xf32>
        %mul3A_666 = arith.mulf %get3A_657, %get3A_665 : vector<16xf32>
        %get3A_667 = arith.constant 0 : i32
        %get3A_668 = arith.constant 0 : i32
        %get3A_669 = tpu.memref_slice %arg9[%scan3A_157, %get3A_667, %get3A_668] : memref<4x32x128xf32, #tpu.memory_space<vmem>> -> memref<1x32x128xf32, #tpu.memory_space<vmem>>
        %get3A_670 = tpu.memref_squeeze %get3A_669 : memref<1x32x128xf32, #tpu.memory_space<vmem>> -> memref<32x128xf32, #tpu.memory_space<vmem>>
        %get3A_671 = arith.index_cast %mul3A_649 : i32 to index
        %get3A_672 = arith.constant 16 : index
        %get3A_673 = tpu.vector_load %get3A_670[%get3A_671, %get3A_672] {strides = array<i32>} : memref<32x128xf32, #tpu.memory_space<vmem>>, vector<1x16xf32>,
        %get3A_674 = vector.shape_cast %get3A_673 : vector<1x16xf32> to vector<16xf32>
        %get3A_675 = arith.constant 0 : i32
        %get3A_676 = arith.constant 0 : i32
        %get3A_677 = tpu.memref_slice %arg10[%scan3A_158, %get3A_675, %get3A_676] : memref<4x32x128xf32, #tpu.memory_space<vmem>> -> memref<1x32x128xf32, #tpu.memory_space<vmem>>
        %get3A_678 = tpu.memref_squeeze %get3A_677 : memref<1x32x128xf32, #tpu.memory_space<vmem>> -> memref<32x128xf32, #tpu.memory_space<vmem>>
        %get3A_679 = arith.index_cast %mul3A_649 : i32 to index
        %get3A_680 = arith.constant 16 : index
        %get3A_681 = tpu.vector_load %get3A_678[%get3A_679, %get3A_680] {strides = array<i32>} : memref<32x128xf32, #tpu.memory_space<vmem>>, vector<1x16xf32>,
        %get3A_682 = vector.shape_cast %get3A_681 : vector<1x16xf32> to vector<16xf32>
        %mul3A_683 = arith.mulf %get3A_674, %get3A_682 : vector<16xf32>
        %add3A_684 = arith.addf %mul3A_666, %mul3A_683 : vector<16xf32>
        %get3A_685 = arith.constant 0 : i32
        %get3A_686 = arith.constant 0 : i32
        %get3A_687 = tpu.memref_slice %arg9[%scan3A_157, %get3A_685, %get3A_686] : memref<4x32x128xf32, #tpu.memory_space<vmem>> -> memref<1x32x128xf32, #tpu.memory_space<vmem>>
        %get3A_688 = tpu.memref_squeeze %get3A_687 : memref<1x32x128xf32, #tpu.memory_space<vmem>> -> memref<32x128xf32, #tpu.memory_space<vmem>>
        %get3A_689 = arith.index_cast %mul3A_649 : i32 to index
        %get3A_690 = arith.constant 32 : index
        %get3A_691 = tpu.vector_load %get3A_688[%get3A_689, %get3A_690] {strides = array<i32>} : memref<32x128xf32, #tpu.memory_space<vmem>>, vector<1x16xf32>,
        %get3A_692 = vector.shape_cast %get3A_691 : vector<1x16xf32> to vector<16xf32>
        %get3A_693 = arith.constant 0 : i32
        %get3A_694 = arith.constant 0 : i32
        %get3A_695 = tpu.memref_slice %arg10[%scan3A_158, %get3A_693, %get3A_694] : memref<4x32x128xf32, #tpu.memory_space<vmem>> -> memref<1x32x128xf32, #tpu.memory_space<vmem>>
        %get3A_696 = tpu.memref_squeeze %get3A_695 : memref<1x32x128xf32, #tpu.memory_space<vmem>> -> memref<32x128xf32, #tpu.memory_space<vmem>>
        %get3A_697 = arith.index_cast %mul3A_649 : i32 to index
        %get3A_698 = arith.constant 32 : index
        %get3A_699 = tpu.vector_load %get3A_696[%get3A_697, %get3A_698] {strides = array<i32>} : memref<32x128xf32, #tpu.memory_space<vmem>>, vector<1x16xf32>,
        %get3A_700 = vector.shape_cast %get3A_699 : vector<1x16xf32> to vector<16xf32>
        %mul3A_701 = arith.mulf %get3A_692, %get3A_700 : vector<16xf32>
        %add3A_702 = arith.addf %add3A_684, %mul3A_701 : vector<16xf32>
        %get3A_703 = arith.constant 0 : i32
        %get3A_704 = arith.constant 0 : i32
        %get3A_705 = tpu.memref_slice %arg9[%scan3A_157, %get3A_703, %get3A_704] : memref<4x32x128xf32, #tpu.memory_space<vmem>> -> memref<1x32x128xf32, #tpu.memory_space<vmem>>
        %get3A_706 = tpu.memref_squeeze %get3A_705 : memref<1x32x128xf32, #tpu.memory_space<vmem>> -> memref<32x128xf32, #tpu.memory_space<vmem>>
        %get3A_707 = arith.index_cast %mul3A_649 : i32 to index
        %get3A_708 = arith.constant 48 : index
        %get3A_709 = tpu.vector_load %get3A_706[%get3A_707, %get3A_708] {strides = array<i32>} : memref<32x128xf32, #tpu.memory_space<vmem>>, vector<1x16xf32>,
        %get3A_710 = vector.shape_cast %get3A_709 : vector<1x16xf32> to vector<16xf32>
        %get3A_711 = arith.constant 0 : i32
        %get3A_712 = arith.constant 0 : i32
        %get3A_713 = tpu.memref_slice %arg10[%scan3A_158, %get3A_711, %get3A_712] : memref<4x32x128xf32, #tpu.memory_space<vmem>> -> memref<1x32x128xf32, #tpu.memory_space<vmem>>
        %get3A_714 = tpu.memref_squeeze %get3A_713 : memref<1x32x128xf32, #tpu.memory_space<vmem>> -> memref<32x128xf32, #tpu.memory_space<vmem>>
        %get3A_715 = arith.index_cast %mul3A_649 : i32 to index
        %get3A_716 = arith.constant 48 : index
        %get3A_717 = tpu.vector_load %get3A_714[%get3A_715, %get3A_716] {strides = array<i32>} : memref<32x128xf32, #tpu.memory_space<vmem>>, vector<1x16xf32>,
        %get3A_718 = vector.shape_cast %get3A_717 : vector<1x16xf32> to vector<16xf32>
        %mul3A_719 = arith.mulf %get3A_710, %get3A_718 : vector<16xf32>
        %add3A_720 = arith.addf %add3A_702, %mul3A_719 : vector<16xf32>
        %get3A_721 = arith.constant 0 : i32
        %get3A_722 = arith.constant 0 : i32
        %get3A_723 = tpu.memref_slice %arg9[%scan3A_157, %get3A_721, %get3A_722] : memref<4x32x128xf32, #tpu.memory_space<vmem>> -> memref<1x32x128xf32, #tpu.memory_space<vmem>>
        %get3A_724 = tpu.memref_squeeze %get3A_723 : memref<1x32x128xf32, #tpu.memory_space<vmem>> -> memref<32x128xf32, #tpu.memory_space<vmem>>
        %get3A_725 = arith.index_cast %mul3A_649 : i32 to index
        %get3A_726 = arith.constant 64 : index
        %get3A_727 = tpu.vector_load %get3A_724[%get3A_725, %get3A_726] {strides = array<i32>} : memref<32x128xf32, #tpu.memory_space<vmem>>, vector<1x16xf32>,
        %get3A_728 = vector.shape_cast %get3A_727 : vector<1x16xf32> to vector<16xf32>
        %get3A_729 = arith.constant 0 : i32
        %get3A_730 = arith.constant 0 : i32
        %get3A_731 = tpu.memref_slice %arg10[%scan3A_158, %get3A_729, %get3A_730] : memref<4x32x128xf32, #tpu.memory_space<vmem>> -> memref<1x32x128xf32, #tpu.memory_space<vmem>>
        %get3A_732 = tpu.memref_squeeze %get3A_731 : memref<1x32x128xf32, #tpu.memory_space<vmem>> -> memref<32x128xf32, #tpu.memory_space<vmem>>
        %get3A_733 = arith.index_cast %mul3A_649 : i32 to index
        %get3A_734 = arith.constant 64 : index
        %get3A_735 = tpu.vector_load %get3A_732[%get3A_733, %get3A_734] {strides = array<i32>} : memref<32x128xf32, #tpu.memory_space<vmem>>, vector<1x16xf32>,
        %get3A_736 = vector.shape_cast %get3A_735 : vector<1x16xf32> to vector<16xf32>
        %mul3A_737 = arith.mulf %get3A_728, %get3A_736 : vector<16xf32>
        %add3A_738 = arith.addf %add3A_720, %mul3A_737 : vector<16xf32>
        %get3A_739 = arith.constant 0 : i32
        %get3A_740 = arith.constant 0 : i32
        %get3A_741 = tpu.memref_slice %arg9[%scan3A_157, %get3A_739, %get3A_740] : memref<4x32x128xf32, #tpu.memory_space<vmem>> -> memref<1x32x128xf32, #tpu.memory_space<vmem>>
        %get3A_742 = tpu.memref_squeeze %get3A_741 : memref<1x32x128xf32, #tpu.memory_space<vmem>> -> memref<32x128xf32, #tpu.memory_space<vmem>>
        %get3A_743 = arith.index_cast %mul3A_649 : i32 to index
        %get3A_744 = arith.constant 80 : index
        %get3A_745 = tpu.vector_load %get3A_742[%get3A_743, %get3A_744] {strides = array<i32>} : memref<32x128xf32, #tpu.memory_space<vmem>>, vector<1x16xf32>,
        %get3A_746 = vector.shape_cast %get3A_745 : vector<1x16xf32> to vector<16xf32>
        %get3A_747 = arith.constant 0 : i32
        %get3A_748 = arith.constant 0 : i32
        %get3A_749 = tpu.memref_slice %arg10[%scan3A_158, %get3A_747, %get3A_748] : memref<4x32x128xf32, #tpu.memory_space<vmem>> -> memref<1x32x128xf32, #tpu.memory_space<vmem>>
        %get3A_750 = tpu.memref_squeeze %get3A_749 : memref<1x32x128xf32, #tpu.memory_space<vmem>> -> memref<32x128xf32, #tpu.memory_space<vmem>>
        %get3A_751 = arith.index_cast %mul3A_649 : i32 to index
        %get3A_752 = arith.constant 80 : index
        %get3A_753 = tpu.vector_load %get3A_750[%get3A_751, %get3A_752] {strides = array<i32>} : memref<32x128xf32, #tpu.memory_space<vmem>>, vector<1x16xf32>,
        %get3A_754 = vector.shape_cast %get3A_753 : vector<1x16xf32> to vector<16xf32>
        %mul3A_755 = arith.mulf %get3A_746, %get3A_754 : vector<16xf32>
        %add3A_756 = arith.addf %add3A_738, %mul3A_755 : vector<16xf32>
        %get3A_757 = arith.constant 0 : i32
        %get3A_758 = arith.constant 0 : i32
        %get3A_759 = tpu.memref_slice %arg9[%scan3A_157, %get3A_757, %get3A_758] : memref<4x32x128xf32, #tpu.memory_space<vmem>> -> memref<1x32x128xf32, #tpu.memory_space<vmem>>
        %get3A_760 = tpu.memref_squeeze %get3A_759 : memref<1x32x128xf32, #tpu.memory_space<vmem>> -> memref<32x128xf32, #tpu.memory_space<vmem>>
        %get3A_761 = arith.index_cast %mul3A_649 : i32 to index
        %get3A_762 = arith.constant 96 : index
        %get3A_763 = tpu.vector_load %get3A_760[%get3A_761, %get3A_762] {strides = array<i32>} : memref<32x128xf32, #tpu.memory_space<vmem>>, vector<1x16xf32>,
        %get3A_764 = vector.shape_cast %get3A_763 : vector<1x16xf32> to vector<16xf32>
        %get3A_765 = arith.constant 0 : i32
        %get3A_766 = arith.constant 0 : i32
        %get3A_767 = tpu.memref_slice %arg10[%scan3A_158, %get3A_765, %get3A_766] : memref<4x32x128xf32, #tpu.memory_space<vmem>> -> memref<1x32x128xf32, #tpu.memory_space<vmem>>
        %get3A_768 = tpu.memref_squeeze %get3A_767 : memref<1x32x128xf32, #tpu.memory_space<vmem>> -> memref<32x128xf32, #tpu.memory_space<vmem>>
        %get3A_769 = arith.index_cast %mul3A_649 : i32 to index
        %get3A_770 = arith.constant 96 : index
        %get3A_771 = tpu.vector_load %get3A_768[%get3A_769, %get3A_770] {strides = array<i32>} : memref<32x128xf32, #tpu.memory_space<vmem>>, vector<1x16xf32>,
        %get3A_772 = vector.shape_cast %get3A_771 : vector<1x16xf32> to vector<16xf32>
        %mul3A_773 = arith.mulf %get3A_764, %get3A_772 : vector<16xf32>
        %add3A_774 = arith.addf %add3A_756, %mul3A_773 : vector<16xf32>
        %get3A_775 = arith.constant 0 : i32
        %get3A_776 = arith.constant 0 : i32
        %get3A_777 = tpu.memref_slice %arg9[%scan3A_157, %get3A_775, %get3A_776] : memref<4x32x128xf32, #tpu.memory_space<vmem>> -> memref<1x32x128xf32, #tpu.memory_space<vmem>>
        %get3A_778 = tpu.memref_squeeze %get3A_777 : memref<1x32x128xf32, #tpu.memory_space<vmem>> -> memref<32x128xf32, #tpu.memory_space<vmem>>
        %get3A_779 = arith.index_cast %mul3A_649 : i32 to index
        %get3A_780 = arith.constant 112 : index
        %get3A_781 = tpu.vector_load %get3A_778[%get3A_779, %get3A_780] {strides = array<i32>} : memref<32x128xf32, #tpu.memory_space<vmem>>, vector<1x16xf32>,
        %get3A_782 = vector.shape_cast %get3A_781 : vector<1x16xf32> to vector<16xf32>
        %get3A_783 = arith.constant 0 : i32
        %get3A_784 = arith.constant 0 : i32
        %get3A_785 = tpu.memref_slice %arg10[%scan3A_158, %get3A_783, %get3A_784] : memref<4x32x128xf32, #tpu.memory_space<vmem>> -> memref<1x32x128xf32, #tpu.memory_space<vmem>>
        %get3A_786 = tpu.memref_squeeze %get3A_785 : memref<1x32x128xf32, #tpu.memory_space<vmem>> -> memref<32x128xf32, #tpu.memory_space<vmem>>
        %get3A_787 = arith.index_cast %mul3A_649 : i32 to index
        %get3A_788 = arith.constant 112 : index
        %get3A_789 = tpu.vector_load %get3A_786[%get3A_787, %get3A_788] {strides = array<i32>} : memref<32x128xf32, #tpu.memory_space<vmem>>, vector<1x16xf32>,
        %get3A_790 = vector.shape_cast %get3A_789 : vector<1x16xf32> to vector<16xf32>
        %mul3A_791 = arith.mulf %get3A_782, %get3A_790 : vector<16xf32>
        %add3A_792 = arith.addf %add3A_774, %mul3A_791 : vector<16xf32>
        %add3A_793 = arith.constant 1 : i32
        %add3A_794 = arith.addi %mul3A_649, %add3A_793 : i32
        %get3A_795 = arith.constant 0 : i32
        %get3A_796 = arith.constant 0 : i32
        %get3A_797 = tpu.memref_slice %arg9[%scan3A_157, %get3A_795, %get3A_796] : memref<4x32x128xf32, #tpu.memory_space<vmem>> -> memref<1x32x128xf32, #tpu.memory_space<vmem>>
        %get3A_798 = tpu.memref_squeeze %get3A_797 : memref<1x32x128xf32, #tpu.memory_space<vmem>> -> memref<32x128xf32, #tpu.memory_space<vmem>>
        %get3A_799 = arith.index_cast %add3A_794 : i32 to index
        %get3A_800 = arith.constant 0 : index
        %get3A_801 = tpu.vector_load %get3A_798[%get3A_799, %get3A_800] {strides = array<i32>} : memref<32x128xf32, #tpu.memory_space<vmem>>, vector<1x16xf32>,
        %get3A_802 = vector.shape_cast %get3A_801 : vector<1x16xf32> to vector<16xf32>
        %get3A_803 = arith.constant 0 : i32
        %get3A_804 = arith.constant 0 : i32
        %get3A_805 = tpu.memref_slice %arg10[%scan3A_158, %get3A_803, %get3A_804] : memref<4x32x128xf32, #tpu.memory_space<vmem>> -> memref<1x32x128xf32, #tpu.memory_space<vmem>>
        %get3A_806 = tpu.memref_squeeze %get3A_805 : memref<1x32x128xf32, #tpu.memory_space<vmem>> -> memref<32x128xf32, #tpu.memory_space<vmem>>
        %get3A_807 = arith.index_cast %add3A_794 : i32 to index
        %get3A_808 = arith.constant 0 : index
        %get3A_809 = tpu.vector_load %get3A_806[%get3A_807, %get3A_808] {strides = array<i32>} : memref<32x128xf32, #tpu.memory_space<vmem>>, vector<1x16xf32>,
        %get3A_810 = vector.shape_cast %get3A_809 : vector<1x16xf32> to vector<16xf32>
        %mul3A_811 = arith.mulf %get3A_802, %get3A_810 : vector<16xf32>
        %get3A_812 = arith.constant 0 : i32
        %get3A_813 = arith.constant 0 : i32
        %get3A_814 = tpu.memref_slice %arg9[%scan3A_157, %get3A_812, %get3A_813] : memref<4x32x128xf32, #tpu.memory_space<vmem>> -> memref<1x32x128xf32, #tpu.memory_space<vmem>>
        %get3A_815 = tpu.memref_squeeze %get3A_814 : memref<1x32x128xf32, #tpu.memory_space<vmem>> -> memref<32x128xf32, #tpu.memory_space<vmem>>
        %get3A_816 = arith.index_cast %add3A_794 : i32 to index
        %get3A_817 = arith.constant 16 : index
        %get3A_818 = tpu.vector_load %get3A_815[%get3A_816, %get3A_817] {strides = array<i32>} : memref<32x128xf32, #tpu.memory_space<vmem>>, vector<1x16xf32>,
        %get3A_819 = vector.shape_cast %get3A_818 : vector<1x16xf32> to vector<16xf32>
        %get3A_820 = arith.constant 0 : i32
        %get3A_821 = arith.constant 0 : i32
        %get3A_822 = tpu.memref_slice %arg10[%scan3A_158, %get3A_820, %get3A_821] : memref<4x32x128xf32, #tpu.memory_space<vmem>> -> memref<1x32x128xf32, #tpu.memory_space<vmem>>
        %get3A_823 = tpu.memref_squeeze %get3A_822 : memref<1x32x128xf32, #tpu.memory_space<vmem>> -> memref<32x128xf32, #tpu.memory_space<vmem>>
        %get3A_824 = arith.index_cast %add3A_794 : i32 to index
        %get3A_825 = arith.constant 16 : index
        %get3A_826 = tpu.vector_load %get3A_823[%get3A_824, %get3A_825] {strides = array<i32>} : memref<32x128xf32, #tpu.memory_space<vmem>>, vector<1x16xf32>,
        %get3A_827 = vector.shape_cast %get3A_826 : vector<1x16xf32> to vector<16xf32>
        %mul3A_828 = arith.mulf %get3A_819, %get3A_827 : vector<16xf32>
        %add3A_829 = arith.addf %mul3A_811, %mul3A_828 : vector<16xf32>
        %get3A_830 = arith.constant 0 : i32
        %get3A_831 = arith.constant 0 : i32
        %get3A_832 = tpu.memref_slice %arg9[%scan3A_157, %get3A_830, %get3A_831] : memref<4x32x128xf32, #tpu.memory_space<vmem>> -> memref<1x32x128xf32, #tpu.memory_space<vmem>>
        %get3A_833 = tpu.memref_squeeze %get3A_832 : memref<1x32x128xf32, #tpu.memory_space<vmem>> -> memref<32x128xf32, #tpu.memory_space<vmem>>
        %get3A_834 = arith.index_cast %add3A_794 : i32 to index
        %get3A_835 = arith.constant 32 : index
        %get3A_836 = tpu.vector_load %get3A_833[%get3A_834, %get3A_835] {strides = array<i32>} : memref<32x128xf32, #tpu.memory_space<vmem>>, vector<1x16xf32>,
        %get3A_837 = vector.shape_cast %get3A_836 : vector<1x16xf32> to vector<16xf32>
        %get3A_838 = arith.constant 0 : i32
        %get3A_839 = arith.constant 0 : i32
        %get3A_840 = tpu.memref_slice %arg10[%scan3A_158, %get3A_838, %get3A_839] : memref<4x32x128xf32, #tpu.memory_space<vmem>> -> memref<1x32x128xf32, #tpu.memory_space<vmem>>
        %get3A_841 = tpu.memref_squeeze %get3A_840 : memref<1x32x128xf32, #tpu.memory_space<vmem>> -> memref<32x128xf32, #tpu.memory_space<vmem>>
        %get3A_842 = arith.index_cast %add3A_794 : i32 to index
        %get3A_843 = arith.constant 32 : index
        %get3A_844 = tpu.vector_load %get3A_841[%get3A_842, %get3A_843] {strides = array<i32>} : memref<32x128xf32, #tpu.memory_space<vmem>>, vector<1x16xf32>,
        %get3A_845 = vector.shape_cast %get3A_844 : vector<1x16xf32> to vector<16xf32>
        %mul3A_846 = arith.mulf %get3A_837, %get3A_845 : vector<16xf32>
        %add3A_847 = arith.addf %add3A_829, %mul3A_846 : vector<16xf32>
        %get3A_848 = arith.constant 0 : i32
        %get3A_849 = arith.constant 0 : i32
        %get3A_850 = tpu.memref_slice %arg9[%scan3A_157, %get3A_848, %get3A_849] : memref<4x32x128xf32, #tpu.memory_space<vmem>> -> memref<1x32x128xf32, #tpu.memory_space<vmem>>
        %get3A_851 = tpu.memref_squeeze %get3A_850 : memref<1x32x128xf32, #tpu.memory_space<vmem>> -> memref<32x128xf32, #tpu.memory_space<vmem>>
        %get3A_852 = arith.index_cast %add3A_794 : i32 to index
        %get3A_853 = arith.constant 48 : index
        %get3A_854 = tpu.vector_load %get3A_851[%get3A_852, %get3A_853] {strides = array<i32>} : memref<32x128xf32, #tpu.memory_space<vmem>>, vector<1x16xf32>,
        %get3A_855 = vector.shape_cast %get3A_854 : vector<1x16xf32> to vector<16xf32>
        %get3A_856 = arith.constant 0 : i32
        %get3A_857 = arith.constant 0 : i32
        %get3A_858 = tpu.memref_slice %arg10[%scan3A_158, %get3A_856, %get3A_857] : memref<4x32x128xf32, #tpu.memory_space<vmem>> -> memref<1x32x128xf32, #tpu.memory_space<vmem>>
        %get3A_859 = tpu.memref_squeeze %get3A_858 : memref<1x32x128xf32, #tpu.memory_space<vmem>> -> memref<32x128xf32, #tpu.memory_space<vmem>>
        %get3A_860 = arith.index_cast %add3A_794 : i32 to index
        %get3A_861 = arith.constant 48 : index
        %get3A_862 = tpu.vector_load %get3A_859[%get3A_860, %get3A_861] {strides = array<i32>} : memref<32x128xf32, #tpu.memory_space<vmem>>, vector<1x16xf32>,
        %get3A_863 = vector.shape_cast %get3A_862 : vector<1x16xf32> to vector<16xf32>
        %mul3A_864 = arith.mulf %get3A_855, %get3A_863 : vector<16xf32>
        %add3A_865 = arith.addf %add3A_847, %mul3A_864 : vector<16xf32>
        %get3A_866 = arith.constant 0 : i32
        %get3A_867 = arith.constant 0 : i32
        %get3A_868 = tpu.memref_slice %arg9[%scan3A_157, %get3A_866, %get3A_867] : memref<4x32x128xf32, #tpu.memory_space<vmem>> -> memref<1x32x128xf32, #tpu.memory_space<vmem>>
        %get3A_869 = tpu.memref_squeeze %get3A_868 : memref<1x32x128xf32, #tpu.memory_space<vmem>> -> memref<32x128xf32, #tpu.memory_space<vmem>>
        %get3A_870 = arith.index_cast %add3A_794 : i32 to index
        %get3A_871 = arith.constant 64 : index
        %get3A_872 = tpu.vector_load %get3A_869[%get3A_870, %get3A_871] {strides = array<i32>} : memref<32x128xf32, #tpu.memory_space<vmem>>, vector<1x16xf32>,
        %get3A_873 = vector.shape_cast %get3A_872 : vector<1x16xf32> to vector<16xf32>
        %get3A_874 = arith.constant 0 : i32
        %get3A_875 = arith.constant 0 : i32
        %get3A_876 = tpu.memref_slice %arg10[%scan3A_158, %get3A_874, %get3A_875] : memref<4x32x128xf32, #tpu.memory_space<vmem>> -> memref<1x32x128xf32, #tpu.memory_space<vmem>>
        %get3A_877 = tpu.memref_squeeze %get3A_876 : memref<1x32x128xf32, #tpu.memory_space<vmem>> -> memref<32x128xf32, #tpu.memory_space<vmem>>
        %get3A_878 = arith.index_cast %add3A_794 : i32 to index
        %get3A_879 = arith.constant 64 : index
        %get3A_880 = tpu.vector_load %get3A_877[%get3A_878, %get3A_879] {strides = array<i32>} : memref<32x128xf32, #tpu.memory_space<vmem>>, vector<1x16xf32>,
        %get3A_881 = vector.shape_cast %get3A_880 : vector<1x16xf32> to vector<16xf32>
        %mul3A_882 = arith.mulf %get3A_873, %get3A_881 : vector<16xf32>
        %add3A_883 = arith.addf %add3A_865, %mul3A_882 : vector<16xf32>
        %get3A_884 = arith.constant 0 : i32
        %get3A_885 = arith.constant 0 : i32
        %get3A_886 = tpu.memref_slice %arg9[%scan3A_157, %get3A_884, %get3A_885] : memref<4x32x128xf32, #tpu.memory_space<vmem>> -> memref<1x32x128xf32, #tpu.memory_space<vmem>>
        %get3A_887 = tpu.memref_squeeze %get3A_886 : memref<1x32x128xf32, #tpu.memory_space<vmem>> -> memref<32x128xf32, #tpu.memory_space<vmem>>
        %get3A_888 = arith.index_cast %add3A_794 : i32 to index
        %get3A_889 = arith.constant 80 : index
        %get3A_890 = tpu.vector_load %get3A_887[%get3A_888, %get3A_889] {strides = array<i32>} : memref<32x128xf32, #tpu.memory_space<vmem>>, vector<1x16xf32>,
        %get3A_891 = vector.shape_cast %get3A_890 : vector<1x16xf32> to vector<16xf32>
        %get3A_892 = arith.constant 0 : i32
        %get3A_893 = arith.constant 0 : i32
        %get3A_894 = tpu.memref_slice %arg10[%scan3A_158, %get3A_892, %get3A_893] : memref<4x32x128xf32, #tpu.memory_space<vmem>> -> memref<1x32x128xf32, #tpu.memory_space<vmem>>
        %get3A_895 = tpu.memref_squeeze %get3A_894 : memref<1x32x128xf32, #tpu.memory_space<vmem>> -> memref<32x128xf32, #tpu.memory_space<vmem>>
        %get3A_896 = arith.index_cast %add3A_794 : i32 to index
        %get3A_897 = arith.constant 80 : index
        %get3A_898 = tpu.vector_load %get3A_895[%get3A_896, %get3A_897] {strides = array<i32>} : memref<32x128xf32, #tpu.memory_space<vmem>>, vector<1x16xf32>,
        %get3A_899 = vector.shape_cast %get3A_898 : vector<1x16xf32> to vector<16xf32>
        %mul3A_900 = arith.mulf %get3A_891, %get3A_899 : vector<16xf32>
        %add3A_901 = arith.addf %add3A_883, %mul3A_900 : vector<16xf32>
        %get3A_902 = arith.constant 0 : i32
        %get3A_903 = arith.constant 0 : i32
        %get3A_904 = tpu.memref_slice %arg9[%scan3A_157, %get3A_902, %get3A_903] : memref<4x32x128xf32, #tpu.memory_space<vmem>> -> memref<1x32x128xf32, #tpu.memory_space<vmem>>
        %get3A_905 = tpu.memref_squeeze %get3A_904 : memref<1x32x128xf32, #tpu.memory_space<vmem>> -> memref<32x128xf32, #tpu.memory_space<vmem>>
        %get3A_906 = arith.index_cast %add3A_794 : i32 to index
        %get3A_907 = arith.constant 96 : index
        %get3A_908 = tpu.vector_load %get3A_905[%get3A_906, %get3A_907] {strides = array<i32>} : memref<32x128xf32, #tpu.memory_space<vmem>>, vector<1x16xf32>,
        %get3A_909 = vector.shape_cast %get3A_908 : vector<1x16xf32> to vector<16xf32>
        %get3A_910 = arith.constant 0 : i32
        %get3A_911 = arith.constant 0 : i32
        %get3A_912 = tpu.memref_slice %arg10[%scan3A_158, %get3A_910, %get3A_911] : memref<4x32x128xf32, #tpu.memory_space<vmem>> -> memref<1x32x128xf32, #tpu.memory_space<vmem>>
        %get3A_913 = tpu.memref_squeeze %get3A_912 : memref<1x32x128xf32, #tpu.memory_space<vmem>> -> memref<32x128xf32, #tpu.memory_space<vmem>>
        %get3A_914 = arith.index_cast %add3A_794 : i32 to index
        %get3A_915 = arith.constant 96 : index
        %get3A_916 = tpu.vector_load %get3A_913[%get3A_914, %get3A_915] {strides = array<i32>} : memref<32x128xf32, #tpu.memory_space<vmem>>, vector<1x16xf32>,
        %get3A_917 = vector.shape_cast %get3A_916 : vector<1x16xf32> to vector<16xf32>
        %mul3A_918 = arith.mulf %get3A_909, %get3A_917 : vector<16xf32>
        %add3A_919 = arith.addf %add3A_901, %mul3A_918 : vector<16xf32>
        %get3A_920 = arith.constant 0 : i32
        %get3A_921 = arith.constant 0 : i32
        %get3A_922 = tpu.memref_slice %arg9[%scan3A_157, %get3A_920, %get3A_921] : memref<4x32x128xf32, #tpu.memory_space<vmem>> -> memref<1x32x128xf32, #tpu.memory_space<vmem>>
        %get3A_923 = tpu.memref_squeeze %get3A_922 : memref<1x32x128xf32, #tpu.memory_space<vmem>> -> memref<32x128xf32, #tpu.memory_space<vmem>>
        %get3A_924 = arith.index_cast %add3A_794 : i32 to index
        %get3A_925 = arith.constant 112 : index
        %get3A_926 = tpu.vector_load %get3A_923[%get3A_924, %get3A_925] {strides = array<i32>} : memref<32x128xf32, #tpu.memory_space<vmem>>, vector<1x16xf32>,
        %get3A_927 = vector.shape_cast %get3A_926 : vector<1x16xf32> to vector<16xf32>
        %get3A_928 = arith.constant 0 : i32
        %get3A_929 = arith.constant 0 : i32
        %get3A_930 = tpu.memref_slice %arg10[%scan3A_158, %get3A_928, %get3A_929] : memref<4x32x128xf32, #tpu.memory_space<vmem>> -> memref<1x32x128xf32, #tpu.memory_space<vmem>>
        %get3A_931 = tpu.memref_squeeze %get3A_930 : memref<1x32x128xf32, #tpu.memory_space<vmem>> -> memref<32x128xf32, #tpu.memory_space<vmem>>
        %get3A_932 = arith.index_cast %add3A_794 : i32 to index
        %get3A_933 = arith.constant 112 : index
        %get3A_934 = tpu.vector_load %get3A_931[%get3A_932, %get3A_933] {strides = array<i32>} : memref<32x128xf32, #tpu.memory_space<vmem>>, vector<1x16xf32>,
        %get3A_935 = vector.shape_cast %get3A_934 : vector<1x16xf32> to vector<16xf32>
        %mul3A_936 = arith.mulf %get3A_927, %get3A_935 : vector<16xf32>
        %add3A_937 = arith.addf %add3A_919, %mul3A_936 : vector<16xf32>
        %xor3A_938 = arith.constant 1 : i32
        %xor3A_939 = vector.broadcast %xor3A_938 : i32 to vector<16xi32>
        %xor3A_940 = arith.xori %iota3A, %xor3A_939 : vector<16xi32>
        %broadcast_in_dim3A_941 = vector.shape_cast %xor3A_940 : vector<16xi32> to vector<16x1xi32>
        %gather3A_942 = vector.shape_cast %broadcast_in_dim3A_941 : vector<16x1xi32> to vector<16xi32>
        %gather3A_943 = tpu.dynamic_gather %add3A_937[%gather3A_942] in [0] : vector<16xf32>, vector<16xi32> -> vector<16xf32>
        %select_n3A_944 = arith.select %eq3A_6, %add3A_792, %gather3A_943 : vector<16xi1>, vector<16xf32>
        %xor3A_945 = arith.constant 1 : i32
        %xor3A_946 = vector.broadcast %xor3A_945 : i32 to vector<16xi32>
        %xor3A_947 = arith.xori %iota3A, %xor3A_946 : vector<16xi32>
        %broadcast_in_dim3A_948 = vector.shape_cast %xor3A_947 : vector<16xi32> to vector<16x1xi32>
        %gather3A_949 = vector.shape_cast %broadcast_in_dim3A_948 : vector<16x1xi32> to vector<16xi32>
        %gather3A_950 = tpu.dynamic_gather %add3A_792[%gather3A_949] in [0] : vector<16xf32>, vector<16xi32> -> vector<16xf32>
        %select_n3A_951 = arith.select %eq3A_6, %gather3A_950, %add3A_937 : vector<16xi1>, vector<16xf32>
        %add3A_952 = arith.addf %select_n3A_944, %select_n3A_951 : vector<16xf32>
        %xor3A_953 = arith.constant 2 : i32
        %xor3A_954 = vector.broadcast %xor3A_953 : i32 to vector<16xi32>
        %xor3A_955 = arith.xori %iota3A, %xor3A_954 : vector<16xi32>
        %broadcast_in_dim3A_956 = vector.shape_cast %xor3A_955 : vector<16xi32> to vector<16x1xi32>
        %gather3A_957 = vector.shape_cast %broadcast_in_dim3A_956 : vector<16x1xi32> to vector<16xi32>
        %gather3A_958 = tpu.dynamic_gather %add3A_952[%gather3A_957] in [0] : vector<16xf32>, vector<16xi32> -> vector<16xf32>
        %add3A_959 = arith.addf %add3A_952, %gather3A_958 : vector<16xf32>
        %xor3A_960 = arith.constant 4 : i32
        %xor3A_961 = vector.broadcast %xor3A_960 : i32 to vector<16xi32>
        %xor3A_962 = arith.xori %iota3A, %xor3A_961 : vector<16xi32>
        %broadcast_in_dim3A_963 = vector.shape_cast %xor3A_962 : vector<16xi32> to vector<16x1xi32>
        %gather3A_964 = vector.shape_cast %broadcast_in_dim3A_963 : vector<16x1xi32> to vector<16xi32>
        %gather3A_965 = tpu.dynamic_gather %add3A_959[%gather3A_964] in [0] : vector<16xf32>, vector<16xi32> -> vector<16xf32>
        %add3A_966 = arith.addf %add3A_959, %gather3A_965 : vector<16xf32>
        %xor3A_967 = arith.constant 8 : i32
        %xor3A_968 = vector.broadcast %xor3A_967 : i32 to vector<16xi32>
        %xor3A_969 = arith.xori %iota3A, %xor3A_968 : vector<16xi32>
        %broadcast_in_dim3A_970 = vector.shape_cast %xor3A_969 : vector<16xi32> to vector<16x1xi32>
        %gather3A_971 = vector.shape_cast %broadcast_in_dim3A_970 : vector<16x1xi32> to vector<16xi32>
        %gather3A_972 = tpu.dynamic_gather %add3A_966[%gather3A_971] in [0] : vector<16xf32>, vector<16xi32> -> vector<16xf32>
        %add3A_973 = arith.addf %add3A_966, %gather3A_972 : vector<16xf32>
        %and3A_974 = arith.constant 7 : i32
        %and3A_975 = arith.andi %scan3A_647, %and3A_974 : i32
        %eq3A_976 = vector.broadcast %and3A_975 : i32 to vector<16xi32>
        %eq3A_977 = arith.cmpi eq, %shift_right_arithmetic3A_8, %eq3A_976 : vector<16xi32>
        %select_n3A_978 = arith.select %eq3A_977, %add3A_973, %select_n3A_638 : vector<16xi1>, vector<16xf32>
        %and3A_979 = arith.constant 7 : i32
        %and3A_980 = arith.andi %scan3A_647, %and3A_979 : i32
        %eq3A_981 = arith.constant 7 : i32
        %eq3A_982 = arith.cmpi eq, %and3A_980, %eq3A_981 : i32
        %convert_element_type3A_983 = arith.extui %eq3A_982 : i1 to i32
        %cond3A_984 = arith.constant 0 : i32
        %cond3A_985 = arith.cmpi ne, %convert_element_type3A_983, %cond3A_984 : i32
        scf.if %cond3A_985 {
          %mul3A_986 = arith.constant 32 : i32
          %mul3A_987 = arith.muli %add3A_155, %mul3A_986 : i32
          %add3A_988 = arith.constant 1 : i32
          %add3A_989 = arith.addi %mul3A_649, %add3A_988 : i32
          %and3A_990 = arith.constant -16 : i32
          %and3A_991 = arith.andi %add3A_989, %and3A_990 : i32
          %add3A_992 = arith.addi %mul3A_987, %and3A_991 : i32
          %swap3A = arith.index_cast %add3A_992 : i32 to index
          %swap3A_993 = tpu.vector_load %arg11[%swap3A] {strides = array<i32>} : memref<512xf32, #tpu.memory_space<vmem>>, vector<16xf32>,
          %swap3A_994 = vector.shape_cast %swap3A_993 : vector<16xf32> to vector<16xf32>
          %swap3A_995 = vector.shape_cast %select_n3A_978 : vector<16xf32> to vector<16xf32>
          tpu.vector_store %arg11[%swap3A], %swap3A_995 {strides = array<i32>} : memref<512xf32, #tpu.memory_space<vmem>>, vector<16xf32>,
        } else {
        }
        scf.yield %select_n3A_978 : vector<16xf32>
      }
      %scan3A_164 = arith.constant 16 : i32
      %add3A_165 = arith.constant 1 : i32
      %add3A_166 = arith.addi %scan3A_124, %add3A_165 : i32
      %lt3A = arith.constant 4 : i32
      %lt3A_167 = arith.cmpi slt, %add3A_166, %lt3A : i32
      %convert_element_type3A = arith.extui %lt3A_167 : i1 to i32
      %cond3A = arith.constant 0 : i32
      %cond3A_168 = arith.cmpi ne, %convert_element_type3A, %cond3A : i32
      scf.if %cond3A_168 {
        %add3A_310 = arith.constant 0 : i32
        %add3A_311 = arith.addi %mul3A_126, %add3A_310 : i32
        %add3A_312 = arith.constant 4 : i32
        %add3A_313 = arith.addi %add3A_311, %add3A_312 : i32
        %mul3A_314 = arith.constant 32 : i32
        %mul3A_315 = arith.muli %add3A_313, %mul3A_314 : i32
        %multiple_of3A_316 = tpu.assume_multiple %mul3A_315, 32 : i32
        %dma_start3A_317 = arith.constant 0 : i32
        %dma_start3A_318 = arith.constant 0 : i32
        %dma_start3A_319 = arith.constant 0 : i32
        %dma_start3A_320 = arith.constant 0 : i32
        %dma_start3A_321 = arith.constant 0 : i32
        %dma_start3A_322 = tpu.memref_slice %arg9[%dma_start3A_317, %dma_start3A_320, %dma_start3A_321] : memref<4x32x128xf32, #tpu.memory_space<vmem>> -> memref<1x32x128xf32, #tpu.memory_space<vmem>>
        %dma_start3A_323 = tpu.memref_squeeze %dma_start3A_322 : memref<1x32x128xf32, #tpu.memory_space<vmem>> -> memref<32x128xf32, #tpu.memory_space<vmem>>
        %dma_start3A_324 = tpu.memref_slice %arg7[%multiple_of3A_316] : memref<512xi32, #tpu.memory_space<vmem>> -> memref<32xi32, #tpu.memory_space<vmem>>
        %dma_start3A_325 = arith.constant 0 : i32
        %dma_start3A_326 = arith.constant 0 : i32
        %dma_start3A_327 = tpu.memref_slice %arg4[%dma_start3A_325, %dma_start3A_326] : memref<1000000x128xf32, #tpu.memory_space<hbm>> -> memref<1000000x128xf32, #tpu.memory_space<hbm>>
        %dma_start3A_328 = tpu.memref_slice %arg12[%dma_start3A_318, %dma_start3A_319] : memref<2x4x!tpu.dma_semaphore, #tpu.memory_space<semaphore_mem>> -> memref<1x1x!tpu.dma_semaphore, #tpu.memory_space<semaphore_mem>>
        %dma_start3A_329 = tpu.memref_squeeze %dma_start3A_328 : memref<1x1x!tpu.dma_semaphore, #tpu.memory_space<semaphore_mem>> -> memref<!tpu.dma_semaphore, #tpu.memory_space<semaphore_mem>>
        tpu.enqueue_indirect_dma source(%dma_start3A_327 : memref<1000000x128xf32, #tpu.memory_space<hbm>>) target(%dma_start3A_323 : memref<32x128xf32, #tpu.memory_space<vmem>>) offsets(%dma_start3A_324 : memref<32xi32, #tpu.memory_space<vmem>>) semaphore(%dma_start3A_329 : memref<!tpu.dma_semaphore, #tpu.memory_space<semaphore_mem>>)
        %dma_start3A_330 = arith.constant 0 : i32
        %dma_start3A_331 = arith.constant 1 : i32
        %dma_start3A_332 = arith.constant 0 : i32
        %dma_start3A_333 = arith.constant 0 : i32
        %dma_start3A_334 = arith.constant 0 : i32
        %dma_start3A_335 = tpu.memref_slice %arg10[%dma_start3A_330, %dma_start3A_333, %dma_start3A_334] : memref<4x32x128xf32, #tpu.memory_space<vmem>> -> memref<1x32x128xf32, #tpu.memory_space<vmem>>
        %dma_start3A_336 = tpu.memref_squeeze %dma_start3A_335 : memref<1x32x128xf32, #tpu.memory_space<vmem>> -> memref<32x128xf32, #tpu.memory_space<vmem>>
        %dma_start3A_337 = tpu.memref_slice %arg8[%multiple_of3A_316] : memref<512xi32, #tpu.memory_space<vmem>> -> memref<32xi32, #tpu.memory_space<vmem>>
        %dma_start3A_338 = arith.constant 0 : i32
        %dma_start3A_339 = arith.constant 0 : i32
        %dma_start3A_340 = tpu.memref_slice %arg5[%dma_start3A_338, %dma_start3A_339] : memref<1000000x128xf32, #tpu.memory_space<hbm>> -> memref<1000000x128xf32, #tpu.memory_space<hbm>>
        %dma_start3A_341 = tpu.memref_slice %arg12[%dma_start3A_331, %dma_start3A_332] : memref<2x4x!tpu.dma_semaphore, #tpu.memory_space<semaphore_mem>> -> memref<1x1x!tpu.dma_semaphore, #tpu.memory_space<semaphore_mem>>
        %dma_start3A_342 = tpu.memref_squeeze %dma_start3A_341 : memref<1x1x!tpu.dma_semaphore, #tpu.memory_space<semaphore_mem>> -> memref<!tpu.dma_semaphore, #tpu.memory_space<semaphore_mem>>
        tpu.enqueue_indirect_dma source(%dma_start3A_340 : memref<1000000x128xf32, #tpu.memory_space<hbm>>) target(%dma_start3A_336 : memref<32x128xf32, #tpu.memory_space<vmem>>) offsets(%dma_start3A_337 : memref<32xi32, #tpu.memory_space<vmem>>) semaphore(%dma_start3A_342 : memref<!tpu.dma_semaphore, #tpu.memory_space<semaphore_mem>>)
      } else {
      }
      %dma_wait3A_169 = arith.constant 1 : i32
      %dma_wait3A_170 = arith.constant 0 : i32
      %dma_wait3A_171 = arith.constant 1 : i32
      %dma_wait3A_172 = arith.constant 0 : i32
      %dma_wait3A_173 = arith.constant 0 : i32
      %dma_wait3A_174 = tpu.memref_slice %arg9[%dma_wait3A_169, %dma_wait3A_172, %dma_wait3A_173] : memref<4x32x128xf32, #tpu.memory_space<vmem>> -> memref<1x32x128xf32, #tpu.memory_space<vmem>>
      %dma_wait3A_175 = tpu.memref_squeeze %dma_wait3A_174 : memref<1x32x128xf32, #tpu.memory_space<vmem>> -> memref<32x128xf32, #tpu.memory_space<vmem>>
      %dma_wait3A_176 = arith.constant 0 : i32
      %dma_wait3A_177 = tpu.memref_slice %arg7[%dma_wait3A_176] : memref<512xi32, #tpu.memory_space<vmem>> -> memref<32xi32, #tpu.memory_space<vmem>>
      %dma_wait3A_178 = arith.constant 0 : i32
      %dma_wait3A_179 = arith.constant 0 : i32
      %dma_wait3A_180 = tpu.memref_slice %arg4[%dma_wait3A_178, %dma_wait3A_179] : memref<1000000x128xf32, #tpu.memory_space<hbm>> -> memref<1000000x128xf32, #tpu.memory_space<hbm>>
      %dma_wait3A_181 = tpu.memref_slice %arg12[%dma_wait3A_170, %dma_wait3A_171] : memref<2x4x!tpu.dma_semaphore, #tpu.memory_space<semaphore_mem>> -> memref<1x1x!tpu.dma_semaphore, #tpu.memory_space<semaphore_mem>>
      %dma_wait3A_182 = tpu.memref_squeeze %dma_wait3A_181 : memref<1x1x!tpu.dma_semaphore, #tpu.memory_space<semaphore_mem>> -> memref<!tpu.dma_semaphore, #tpu.memory_space<semaphore_mem>>
      tpu.wait_indirect_dma semaphore(%dma_wait3A_182 : memref<!tpu.dma_semaphore, #tpu.memory_space<semaphore_mem>>) src(%dma_wait3A_180 : memref<1000000x128xf32, #tpu.memory_space<hbm>>) dst(%dma_wait3A_175 : memref<32x128xf32, #tpu.memory_space<vmem>>)
      %dma_wait3A_183 = arith.constant 1 : i32
      %dma_wait3A_184 = arith.constant 1 : i32
      %dma_wait3A_185 = arith.constant 1 : i32
      %dma_wait3A_186 = arith.constant 0 : i32
      %dma_wait3A_187 = arith.constant 0 : i32
      %dma_wait3A_188 = tpu.memref_slice %arg10[%dma_wait3A_183, %dma_wait3A_186, %dma_wait3A_187] : memref<4x32x128xf32, #tpu.memory_space<vmem>> -> memref<1x32x128xf32, #tpu.memory_space<vmem>>
      %dma_wait3A_189 = tpu.memref_squeeze %dma_wait3A_188 : memref<1x32x128xf32, #tpu.memory_space<vmem>> -> memref<32x128xf32, #tpu.memory_space<vmem>>
      %dma_wait3A_190 = arith.constant 0 : i32
      %dma_wait3A_191 = tpu.memref_slice %arg8[%dma_wait3A_190] : memref<512xi32, #tpu.memory_space<vmem>> -> memref<32xi32, #tpu.memory_space<vmem>>
      %dma_wait3A_192 = arith.constant 0 : i32
      %dma_wait3A_193 = arith.constant 0 : i32
      %dma_wait3A_194 = tpu.memref_slice %arg5[%dma_wait3A_192, %dma_wait3A_193] : memref<1000000x128xf32, #tpu.memory_space<hbm>> -> memref<1000000x128xf32, #tpu.memory_space<hbm>>
      %dma_wait3A_195 = tpu.memref_slice %arg12[%dma_wait3A_184, %dma_wait3A_185] : memref<2x4x!tpu.dma_semaphore, #tpu.memory_space<semaphore_mem>> -> memref<1x1x!tpu.dma_semaphore, #tpu.memory_space<semaphore_mem>>
      %dma_wait3A_196 = tpu.memref_squeeze %dma_wait3A_195 : memref<1x1x!tpu.dma_semaphore, #tpu.memory_space<semaphore_mem>> -> memref<!tpu.dma_semaphore, #tpu.memory_space<semaphore_mem>>
      tpu.wait_indirect_dma semaphore(%dma_wait3A_196 : memref<!tpu.dma_semaphore, #tpu.memory_space<semaphore_mem>>) src(%dma_wait3A_194 : memref<1000000x128xf32, #tpu.memory_space<hbm>>) dst(%dma_wait3A_189 : memref<32x128xf32, #tpu.memory_space<vmem>>)
      %add3A_197 = arith.constant 1 : i32
      %add3A_198 = arith.addi %mul3A_126, %add3A_197 : i32
      %broadcast_in_dim3A_199 = arith.constant 0.000000e+00 : f32
      %broadcast_in_dim3A_200 = vector.broadcast %broadcast_in_dim3A_199 : f32 to vector<16xf32>
      %scan3A_201 = arith.constant 1 : i32
      %scan3A_202 = arith.constant 1 : i32
      %scan3A_203 = arith.constant 0 : i32
      %scan3A_204 = arith.constant 16 : i32
      %scan3A_205 = arith.addi %scan3A_203, %scan3A_204 : i32
      %scan3A_206 = arith.constant 2 : i32
      %scan3A_207 = scf.for %scan3A_310 = %scan3A_203 to %scan3A_205 step %scan3A_206 iter_args(%scan3A_311 = %broadcast_in_dim3A_200) -> (vector<16xf32>)  : i32 {
        %mul3A_312 = arith.constant 2 : i32
        %mul3A_313 = arith.muli %scan3A_310, %mul3A_312 : i32
        %get3A = arith.constant 0 : i32
        %get3A_314 = arith.constant 0 : i32
        %get3A_315 = tpu.memref_slice %arg9[%scan3A_201, %get3A, %get3A_314] : memref<4x32x128xf32, #tpu.memory_space<vmem>> -> memref<1x32x128xf32, #tpu.memory_space<vmem>>
        %get3A_316 = tpu.memref_squeeze %get3A_315 : memref<1x32x128xf32, #tpu.memory_space<vmem>> -> memref<32x128xf32, #tpu.memory_space<vmem>>
        %get3A_317 = arith.index_cast %mul3A_313 : i32 to index
        %get3A_318 = arith.constant 0 : index
        %get3A_319 = tpu.vector_load %get3A_316[%get3A_317, %get3A_318] {strides = array<i32>} : memref<32x128xf32, #tpu.memory_space<vmem>>, vector<1x16xf32>,
        %get3A_320 = vector.shape_cast %get3A_319 : vector<1x16xf32> to vector<16xf32>
        %get3A_321 = arith.constant 0 : i32
        %get3A_322 = arith.constant 0 : i32
        %get3A_323 = tpu.memref_slice %arg10[%scan3A_202, %get3A_321, %get3A_322] : memref<4x32x128xf32, #tpu.memory_space<vmem>> -> memref<1x32x128xf32, #tpu.memory_space<vmem>>
        %get3A_324 = tpu.memref_squeeze %get3A_323 : memref<1x32x128xf32, #tpu.memory_space<vmem>> -> memref<32x128xf32, #tpu.memory_space<vmem>>
        %get3A_325 = arith.index_cast %mul3A_313 : i32 to index
        %get3A_326 = arith.constant 0 : index
        %get3A_327 = tpu.vector_load %get3A_324[%get3A_325, %get3A_326] {strides = array<i32>} : memref<32x128xf32, #tpu.memory_space<vmem>>, vector<1x16xf32>,
        %get3A_328 = vector.shape_cast %get3A_327 : vector<1x16xf32> to vector<16xf32>
        %mul3A_329 = arith.mulf %get3A_320, %get3A_328 : vector<16xf32>
        %get3A_330 = arith.constant 0 : i32
        %get3A_331 = arith.constant 0 : i32
        %get3A_332 = tpu.memref_slice %arg9[%scan3A_201, %get3A_330, %get3A_331] : memref<4x32x128xf32, #tpu.memory_space<vmem>> -> memref<1x32x128xf32, #tpu.memory_space<vmem>>
        %get3A_333 = tpu.memref_squeeze %get3A_332 : memref<1x32x128xf32, #tpu.memory_space<vmem>> -> memref<32x128xf32, #tpu.memory_space<vmem>>
        %get3A_334 = arith.index_cast %mul3A_313 : i32 to index
        %get3A_335 = arith.constant 16 : index
        %get3A_336 = tpu.vector_load %get3A_333[%get3A_334, %get3A_335] {strides = array<i32>} : memref<32x128xf32, #tpu.memory_space<vmem>>, vector<1x16xf32>,
        %get3A_337 = vector.shape_cast %get3A_336 : vector<1x16xf32> to vector<16xf32>
        %get3A_338 = arith.constant 0 : i32
        %get3A_339 = arith.constant 0 : i32
        %get3A_340 = tpu.memref_slice %arg10[%scan3A_202, %get3A_338, %get3A_339] : memref<4x32x128xf32, #tpu.memory_space<vmem>> -> memref<1x32x128xf32, #tpu.memory_space<vmem>>
        %get3A_341 = tpu.memref_squeeze %get3A_340 : memref<1x32x128xf32, #tpu.memory_space<vmem>> -> memref<32x128xf32, #tpu.memory_space<vmem>>
        %get3A_342 = arith.index_cast %mul3A_313 : i32 to index
        %get3A_343 = arith.constant 16 : index
        %get3A_344 = tpu.vector_load %get3A_341[%get3A_342, %get3A_343] {strides = array<i32>} : memref<32x128xf32, #tpu.memory_space<vmem>>, vector<1x16xf32>,
        %get3A_345 = vector.shape_cast %get3A_344 : vector<1x16xf32> to vector<16xf32>
        %mul3A_346 = arith.mulf %get3A_337, %get3A_345 : vector<16xf32>
        %add3A_347 = arith.addf %mul3A_329, %mul3A_346 : vector<16xf32>
        %get3A_348 = arith.constant 0 : i32
        %get3A_349 = arith.constant 0 : i32
        %get3A_350 = tpu.memref_slice %arg9[%scan3A_201, %get3A_348, %get3A_349] : memref<4x32x128xf32, #tpu.memory_space<vmem>> -> memref<1x32x128xf32, #tpu.memory_space<vmem>>
        %get3A_351 = tpu.memref_squeeze %get3A_350 : memref<1x32x128xf32, #tpu.memory_space<vmem>> -> memref<32x128xf32, #tpu.memory_space<vmem>>
        %get3A_352 = arith.index_cast %mul3A_313 : i32 to index
        %get3A_353 = arith.constant 32 : index
        %get3A_354 = tpu.vector_load %get3A_351[%get3A_352, %get3A_353] {strides = array<i32>} : memref<32x128xf32, #tpu.memory_space<vmem>>, vector<1x16xf32>,
        %get3A_355 = vector.shape_cast %get3A_354 : vector<1x16xf32> to vector<16xf32>
        %get3A_356 = arith.constant 0 : i32
        %get3A_357 = arith.constant 0 : i32
        %get3A_358 = tpu.memref_slice %arg10[%scan3A_202, %get3A_356, %get3A_357] : memref<4x32x128xf32, #tpu.memory_space<vmem>> -> memref<1x32x128xf32, #tpu.memory_space<vmem>>
        %get3A_359 = tpu.memref_squeeze %get3A_358 : memref<1x32x128xf32, #tpu.memory_space<vmem>> -> memref<32x128xf32, #tpu.memory_space<vmem>>
        %get3A_360 = arith.index_cast %mul3A_313 : i32 to index
        %get3A_361 = arith.constant 32 : index
        %get3A_362 = tpu.vector_load %get3A_359[%get3A_360, %get3A_361] {strides = array<i32>} : memref<32x128xf32, #tpu.memory_space<vmem>>, vector<1x16xf32>,
        %get3A_363 = vector.shape_cast %get3A_362 : vector<1x16xf32> to vector<16xf32>
        %mul3A_364 = arith.mulf %get3A_355, %get3A_363 : vector<16xf32>
        %add3A_365 = arith.addf %add3A_347, %mul3A_364 : vector<16xf32>
        %get3A_366 = arith.constant 0 : i32
        %get3A_367 = arith.constant 0 : i32
        %get3A_368 = tpu.memref_slice %arg9[%scan3A_201, %get3A_366, %get3A_367] : memref<4x32x128xf32, #tpu.memory_space<vmem>> -> memref<1x32x128xf32, #tpu.memory_space<vmem>>
        %get3A_369 = tpu.memref_squeeze %get3A_368 : memref<1x32x128xf32, #tpu.memory_space<vmem>> -> memref<32x128xf32, #tpu.memory_space<vmem>>
        %get3A_370 = arith.index_cast %mul3A_313 : i32 to index
        %get3A_371 = arith.constant 48 : index
        %get3A_372 = tpu.vector_load %get3A_369[%get3A_370, %get3A_371] {strides = array<i32>} : memref<32x128xf32, #tpu.memory_space<vmem>>, vector<1x16xf32>,
        %get3A_373 = vector.shape_cast %get3A_372 : vector<1x16xf32> to vector<16xf32>
        %get3A_374 = arith.constant 0 : i32
        %get3A_375 = arith.constant 0 : i32
        %get3A_376 = tpu.memref_slice %arg10[%scan3A_202, %get3A_374, %get3A_375] : memref<4x32x128xf32, #tpu.memory_space<vmem>> -> memref<1x32x128xf32, #tpu.memory_space<vmem>>
        %get3A_377 = tpu.memref_squeeze %get3A_376 : memref<1x32x128xf32, #tpu.memory_space<vmem>> -> memref<32x128xf32, #tpu.memory_space<vmem>>
        %get3A_378 = arith.index_cast %mul3A_313 : i32 to index
        %get3A_379 = arith.constant 48 : index
        %get3A_380 = tpu.vector_load %get3A_377[%get3A_378, %get3A_379] {strides = array<i32>} : memref<32x128xf32, #tpu.memory_space<vmem>>, vector<1x16xf32>,
        %get3A_381 = vector.shape_cast %get3A_380 : vector<1x16xf32> to vector<16xf32>
        %mul3A_382 = arith.mulf %get3A_373, %get3A_381 : vector<16xf32>
        %add3A_383 = arith.addf %add3A_365, %mul3A_382 : vector<16xf32>
        %get3A_384 = arith.constant 0 : i32
        %get3A_385 = arith.constant 0 : i32
        %get3A_386 = tpu.memref_slice %arg9[%scan3A_201, %get3A_384, %get3A_385] : memref<4x32x128xf32, #tpu.memory_space<vmem>> -> memref<1x32x128xf32, #tpu.memory_space<vmem>>
        %get3A_387 = tpu.memref_squeeze %get3A_386 : memref<1x32x128xf32, #tpu.memory_space<vmem>> -> memref<32x128xf32, #tpu.memory_space<vmem>>
        %get3A_388 = arith.index_cast %mul3A_313 : i32 to index
        %get3A_389 = arith.constant 64 : index
        %get3A_390 = tpu.vector_load %get3A_387[%get3A_388, %get3A_389] {strides = array<i32>} : memref<32x128xf32, #tpu.memory_space<vmem>>, vector<1x16xf32>,
        %get3A_391 = vector.shape_cast %get3A_390 : vector<1x16xf32> to vector<16xf32>
        %get3A_392 = arith.constant 0 : i32
        %get3A_393 = arith.constant 0 : i32
        %get3A_394 = tpu.memref_slice %arg10[%scan3A_202, %get3A_392, %get3A_393] : memref<4x32x128xf32, #tpu.memory_space<vmem>> -> memref<1x32x128xf32, #tpu.memory_space<vmem>>
        %get3A_395 = tpu.memref_squeeze %get3A_394 : memref<1x32x128xf32, #tpu.memory_space<vmem>> -> memref<32x128xf32, #tpu.memory_space<vmem>>
        %get3A_396 = arith.index_cast %mul3A_313 : i32 to index
        %get3A_397 = arith.constant 64 : index
        %get3A_398 = tpu.vector_load %get3A_395[%get3A_396, %get3A_397] {strides = array<i32>} : memref<32x128xf32, #tpu.memory_space<vmem>>, vector<1x16xf32>,
        %get3A_399 = vector.shape_cast %get3A_398 : vector<1x16xf32> to vector<16xf32>
        %mul3A_400 = arith.mulf %get3A_391, %get3A_399 : vector<16xf32>
        %add3A_401 = arith.addf %add3A_383, %mul3A_400 : vector<16xf32>
        %get3A_402 = arith.constant 0 : i32
        %get3A_403 = arith.constant 0 : i32
        %get3A_404 = tpu.memref_slice %arg9[%scan3A_201, %get3A_402, %get3A_403] : memref<4x32x128xf32, #tpu.memory_space<vmem>> -> memref<1x32x128xf32, #tpu.memory_space<vmem>>
        %get3A_405 = tpu.memref_squeeze %get3A_404 : memref<1x32x128xf32, #tpu.memory_space<vmem>> -> memref<32x128xf32, #tpu.memory_space<vmem>>
        %get3A_406 = arith.index_cast %mul3A_313 : i32 to index
        %get3A_407 = arith.constant 80 : index
        %get3A_408 = tpu.vector_load %get3A_405[%get3A_406, %get3A_407] {strides = array<i32>} : memref<32x128xf32, #tpu.memory_space<vmem>>, vector<1x16xf32>,
        %get3A_409 = vector.shape_cast %get3A_408 : vector<1x16xf32> to vector<16xf32>
        %get3A_410 = arith.constant 0 : i32
        %get3A_411 = arith.constant 0 : i32
        %get3A_412 = tpu.memref_slice %arg10[%scan3A_202, %get3A_410, %get3A_411] : memref<4x32x128xf32, #tpu.memory_space<vmem>> -> memref<1x32x128xf32, #tpu.memory_space<vmem>>
        %get3A_413 = tpu.memref_squeeze %get3A_412 : memref<1x32x128xf32, #tpu.memory_space<vmem>> -> memref<32x128xf32, #tpu.memory_space<vmem>>
        %get3A_414 = arith.index_cast %mul3A_313 : i32 to index
        %get3A_415 = arith.constant 80 : index
        %get3A_416 = tpu.vector_load %get3A_413[%get3A_414, %get3A_415] {strides = array<i32>} : memref<32x128xf32, #tpu.memory_space<vmem>>, vector<1x16xf32>,
        %get3A_417 = vector.shape_cast %get3A_416 : vector<1x16xf32> to vector<16xf32>
        %mul3A_418 = arith.mulf %get3A_409, %get3A_417 : vector<16xf32>
        %add3A_419 = arith.addf %add3A_401, %mul3A_418 : vector<16xf32>
        %get3A_420 = arith.constant 0 : i32
        %get3A_421 = arith.constant 0 : i32
        %get3A_422 = tpu.memref_slice %arg9[%scan3A_201, %get3A_420, %get3A_421] : memref<4x32x128xf32, #tpu.memory_space<vmem>> -> memref<1x32x128xf32, #tpu.memory_space<vmem>>
        %get3A_423 = tpu.memref_squeeze %get3A_422 : memref<1x32x128xf32, #tpu.memory_space<vmem>> -> memref<32x128xf32, #tpu.memory_space<vmem>>
        %get3A_424 = arith.index_cast %mul3A_313 : i32 to index
        %get3A_425 = arith.constant 96 : index
        %get3A_426 = tpu.vector_load %get3A_423[%get3A_424, %get3A_425] {strides = array<i32>} : memref<32x128xf32, #tpu.memory_space<vmem>>, vector<1x16xf32>,
        %get3A_427 = vector.shape_cast %get3A_426 : vector<1x16xf32> to vector<16xf32>
        %get3A_428 = arith.constant 0 : i32
        %get3A_429 = arith.constant 0 : i32
        %get3A_430 = tpu.memref_slice %arg10[%scan3A_202, %get3A_428, %get3A_429] : memref<4x32x128xf32, #tpu.memory_space<vmem>> -> memref<1x32x128xf32, #tpu.memory_space<vmem>>
        %get3A_431 = tpu.memref_squeeze %get3A_430 : memref<1x32x128xf32, #tpu.memory_space<vmem>> -> memref<32x128xf32, #tpu.memory_space<vmem>>
        %get3A_432 = arith.index_cast %mul3A_313 : i32 to index
        %get3A_433 = arith.constant 96 : index
        %get3A_434 = tpu.vector_load %get3A_431[%get3A_432, %get3A_433] {strides = array<i32>} : memref<32x128xf32, #tpu.memory_space<vmem>>, vector<1x16xf32>,
        %get3A_435 = vector.shape_cast %get3A_434 : vector<1x16xf32> to vector<16xf32>
        %mul3A_436 = arith.mulf %get3A_427, %get3A_435 : vector<16xf32>
        %add3A_437 = arith.addf %add3A_419, %mul3A_436 : vector<16xf32>
        %get3A_438 = arith.constant 0 : i32
        %get3A_439 = arith.constant 0 : i32
        %get3A_440 = tpu.memref_slice %arg9[%scan3A_201, %get3A_438, %get3A_439] : memref<4x32x128xf32, #tpu.memory_space<vmem>> -> memref<1x32x128xf32, #tpu.memory_space<vmem>>
        %get3A_441 = tpu.memref_squeeze %get3A_440 : memref<1x32x128xf32, #tpu.memory_space<vmem>> -> memref<32x128xf32, #tpu.memory_space<vmem>>
        %get3A_442 = arith.index_cast %mul3A_313 : i32 to index
        %get3A_443 = arith.constant 112 : index
        %get3A_444 = tpu.vector_load %get3A_441[%get3A_442, %get3A_443] {strides = array<i32>} : memref<32x128xf32, #tpu.memory_space<vmem>>, vector<1x16xf32>,
        %get3A_445 = vector.shape_cast %get3A_444 : vector<1x16xf32> to vector<16xf32>
        %get3A_446 = arith.constant 0 : i32
        %get3A_447 = arith.constant 0 : i32
        %get3A_448 = tpu.memref_slice %arg10[%scan3A_202, %get3A_446, %get3A_447] : memref<4x32x128xf32, #tpu.memory_space<vmem>> -> memref<1x32x128xf32, #tpu.memory_space<vmem>>
        %get3A_449 = tpu.memref_squeeze %get3A_448 : memref<1x32x128xf32, #tpu.memory_space<vmem>> -> memref<32x128xf32, #tpu.memory_space<vmem>>
        %get3A_450 = arith.index_cast %mul3A_313 : i32 to index
        %get3A_451 = arith.constant 112 : index
        %get3A_452 = tpu.vector_load %get3A_449[%get3A_450, %get3A_451] {strides = array<i32>} : memref<32x128xf32, #tpu.memory_space<vmem>>, vector<1x16xf32>,
        %get3A_453 = vector.shape_cast %get3A_452 : vector<1x16xf32> to vector<16xf32>
        %mul3A_454 = arith.mulf %get3A_445, %get3A_453 : vector<16xf32>
        %add3A_455 = arith.addf %add3A_437, %mul3A_454 : vector<16xf32>
        %add3A_456 = arith.constant 1 : i32
        %add3A_457 = arith.addi %mul3A_313, %add3A_456 : i32
        %get3A_458 = arith.constant 0 : i32
        %get3A_459 = arith.constant 0 : i32
        %get3A_460 = tpu.memref_slice %arg9[%scan3A_201, %get3A_458, %get3A_459] : memref<4x32x128xf32, #tpu.memory_space<vmem>> -> memref<1x32x128xf32, #tpu.memory_space<vmem>>
        %get3A_461 = tpu.memref_squeeze %get3A_460 : memref<1x32x128xf32, #tpu.memory_space<vmem>> -> memref<32x128xf32, #tpu.memory_space<vmem>>
        %get3A_462 = arith.index_cast %add3A_457 : i32 to index
        %get3A_463 = arith.constant 0 : index
        %get3A_464 = tpu.vector_load %get3A_461[%get3A_462, %get3A_463] {strides = array<i32>} : memref<32x128xf32, #tpu.memory_space<vmem>>, vector<1x16xf32>,
        %get3A_465 = vector.shape_cast %get3A_464 : vector<1x16xf32> to vector<16xf32>
        %get3A_466 = arith.constant 0 : i32
        %get3A_467 = arith.constant 0 : i32
        %get3A_468 = tpu.memref_slice %arg10[%scan3A_202, %get3A_466, %get3A_467] : memref<4x32x128xf32, #tpu.memory_space<vmem>> -> memref<1x32x128xf32, #tpu.memory_space<vmem>>
        %get3A_469 = tpu.memref_squeeze %get3A_468 : memref<1x32x128xf32, #tpu.memory_space<vmem>> -> memref<32x128xf32, #tpu.memory_space<vmem>>
        %get3A_470 = arith.index_cast %add3A_457 : i32 to index
        %get3A_471 = arith.constant 0 : index
        %get3A_472 = tpu.vector_load %get3A_469[%get3A_470, %get3A_471] {strides = array<i32>} : memref<32x128xf32, #tpu.memory_space<vmem>>, vector<1x16xf32>,
        %get3A_473 = vector.shape_cast %get3A_472 : vector<1x16xf32> to vector<16xf32>
        %mul3A_474 = arith.mulf %get3A_465, %get3A_473 : vector<16xf32>
        %get3A_475 = arith.constant 0 : i32
        %get3A_476 = arith.constant 0 : i32
        %get3A_477 = tpu.memref_slice %arg9[%scan3A_201, %get3A_475, %get3A_476] : memref<4x32x128xf32, #tpu.memory_space<vmem>> -> memref<1x32x128xf32, #tpu.memory_space<vmem>>
        %get3A_478 = tpu.memref_squeeze %get3A_477 : memref<1x32x128xf32, #tpu.memory_space<vmem>> -> memref<32x128xf32, #tpu.memory_space<vmem>>
        %get3A_479 = arith.index_cast %add3A_457 : i32 to index
        %get3A_480 = arith.constant 16 : index
        %get3A_481 = tpu.vector_load %get3A_478[%get3A_479, %get3A_480] {strides = array<i32>} : memref<32x128xf32, #tpu.memory_space<vmem>>, vector<1x16xf32>,
        %get3A_482 = vector.shape_cast %get3A_481 : vector<1x16xf32> to vector<16xf32>
        %get3A_483 = arith.constant 0 : i32
        %get3A_484 = arith.constant 0 : i32
        %get3A_485 = tpu.memref_slice %arg10[%scan3A_202, %get3A_483, %get3A_484] : memref<4x32x128xf32, #tpu.memory_space<vmem>> -> memref<1x32x128xf32, #tpu.memory_space<vmem>>
        %get3A_486 = tpu.memref_squeeze %get3A_485 : memref<1x32x128xf32, #tpu.memory_space<vmem>> -> memref<32x128xf32, #tpu.memory_space<vmem>>
        %get3A_487 = arith.index_cast %add3A_457 : i32 to index
        %get3A_488 = arith.constant 16 : index
        %get3A_489 = tpu.vector_load %get3A_486[%get3A_487, %get3A_488] {strides = array<i32>} : memref<32x128xf32, #tpu.memory_space<vmem>>, vector<1x16xf32>,
        %get3A_490 = vector.shape_cast %get3A_489 : vector<1x16xf32> to vector<16xf32>
        %mul3A_491 = arith.mulf %get3A_482, %get3A_490 : vector<16xf32>
        %add3A_492 = arith.addf %mul3A_474, %mul3A_491 : vector<16xf32>
        %get3A_493 = arith.constant 0 : i32
        %get3A_494 = arith.constant 0 : i32
        %get3A_495 = tpu.memref_slice %arg9[%scan3A_201, %get3A_493, %get3A_494] : memref<4x32x128xf32, #tpu.memory_space<vmem>> -> memref<1x32x128xf32, #tpu.memory_space<vmem>>
        %get3A_496 = tpu.memref_squeeze %get3A_495 : memref<1x32x128xf32, #tpu.memory_space<vmem>> -> memref<32x128xf32, #tpu.memory_space<vmem>>
        %get3A_497 = arith.index_cast %add3A_457 : i32 to index
        %get3A_498 = arith.constant 32 : index
        %get3A_499 = tpu.vector_load %get3A_496[%get3A_497, %get3A_498] {strides = array<i32>} : memref<32x128xf32, #tpu.memory_space<vmem>>, vector<1x16xf32>,
        %get3A_500 = vector.shape_cast %get3A_499 : vector<1x16xf32> to vector<16xf32>
        %get3A_501 = arith.constant 0 : i32
        %get3A_502 = arith.constant 0 : i32
        %get3A_503 = tpu.memref_slice %arg10[%scan3A_202, %get3A_501, %get3A_502] : memref<4x32x128xf32, #tpu.memory_space<vmem>> -> memref<1x32x128xf32, #tpu.memory_space<vmem>>
        %get3A_504 = tpu.memref_squeeze %get3A_503 : memref<1x32x128xf32, #tpu.memory_space<vmem>> -> memref<32x128xf32, #tpu.memory_space<vmem>>
        %get3A_505 = arith.index_cast %add3A_457 : i32 to index
        %get3A_506 = arith.constant 32 : index
        %get3A_507 = tpu.vector_load %get3A_504[%get3A_505, %get3A_506] {strides = array<i32>} : memref<32x128xf32, #tpu.memory_space<vmem>>, vector<1x16xf32>,
        %get3A_508 = vector.shape_cast %get3A_507 : vector<1x16xf32> to vector<16xf32>
        %mul3A_509 = arith.mulf %get3A_500, %get3A_508 : vector<16xf32>
        %add3A_510 = arith.addf %add3A_492, %mul3A_509 : vector<16xf32>
        %get3A_511 = arith.constant 0 : i32
        %get3A_512 = arith.constant 0 : i32
        %get3A_513 = tpu.memref_slice %arg9[%scan3A_201, %get3A_511, %get3A_512] : memref<4x32x128xf32, #tpu.memory_space<vmem>> -> memref<1x32x128xf32, #tpu.memory_space<vmem>>
        %get3A_514 = tpu.memref_squeeze %get3A_513 : memref<1x32x128xf32, #tpu.memory_space<vmem>> -> memref<32x128xf32, #tpu.memory_space<vmem>>
        %get3A_515 = arith.index_cast %add3A_457 : i32 to index
        %get3A_516 = arith.constant 48 : index
        %get3A_517 = tpu.vector_load %get3A_514[%get3A_515, %get3A_516] {strides = array<i32>} : memref<32x128xf32, #tpu.memory_space<vmem>>, vector<1x16xf32>,
        %get3A_518 = vector.shape_cast %get3A_517 : vector<1x16xf32> to vector<16xf32>
        %get3A_519 = arith.constant 0 : i32
        %get3A_520 = arith.constant 0 : i32
        %get3A_521 = tpu.memref_slice %arg10[%scan3A_202, %get3A_519, %get3A_520] : memref<4x32x128xf32, #tpu.memory_space<vmem>> -> memref<1x32x128xf32, #tpu.memory_space<vmem>>
        %get3A_522 = tpu.memref_squeeze %get3A_521 : memref<1x32x128xf32, #tpu.memory_space<vmem>> -> memref<32x128xf32, #tpu.memory_space<vmem>>
        %get3A_523 = arith.index_cast %add3A_457 : i32 to index
        %get3A_524 = arith.constant 48 : index
        %get3A_525 = tpu.vector_load %get3A_522[%get3A_523, %get3A_524] {strides = array<i32>} : memref<32x128xf32, #tpu.memory_space<vmem>>, vector<1x16xf32>,
        %get3A_526 = vector.shape_cast %get3A_525 : vector<1x16xf32> to vector<16xf32>
        %mul3A_527 = arith.mulf %get3A_518, %get3A_526 : vector<16xf32>
        %add3A_528 = arith.addf %add3A_510, %mul3A_527 : vector<16xf32>
        %get3A_529 = arith.constant 0 : i32
        %get3A_530 = arith.constant 0 : i32
        %get3A_531 = tpu.memref_slice %arg9[%scan3A_201, %get3A_529, %get3A_530] : memref<4x32x128xf32, #tpu.memory_space<vmem>> -> memref<1x32x128xf32, #tpu.memory_space<vmem>>
        %get3A_532 = tpu.memref_squeeze %get3A_531 : memref<1x32x128xf32, #tpu.memory_space<vmem>> -> memref<32x128xf32, #tpu.memory_space<vmem>>
        %get3A_533 = arith.index_cast %add3A_457 : i32 to index
        %get3A_534 = arith.constant 64 : index
        %get3A_535 = tpu.vector_load %get3A_532[%get3A_533, %get3A_534] {strides = array<i32>} : memref<32x128xf32, #tpu.memory_space<vmem>>, vector<1x16xf32>,
        %get3A_536 = vector.shape_cast %get3A_535 : vector<1x16xf32> to vector<16xf32>
        %get3A_537 = arith.constant 0 : i32
        %get3A_538 = arith.constant 0 : i32
        %get3A_539 = tpu.memref_slice %arg10[%scan3A_202, %get3A_537, %get3A_538] : memref<4x32x128xf32, #tpu.memory_space<vmem>> -> memref<1x32x128xf32, #tpu.memory_space<vmem>>
        %get3A_540 = tpu.memref_squeeze %get3A_539 : memref<1x32x128xf32, #tpu.memory_space<vmem>> -> memref<32x128xf32, #tpu.memory_space<vmem>>
        %get3A_541 = arith.index_cast %add3A_457 : i32 to index
        %get3A_542 = arith.constant 64 : index
        %get3A_543 = tpu.vector_load %get3A_540[%get3A_541, %get3A_542] {strides = array<i32>} : memref<32x128xf32, #tpu.memory_space<vmem>>, vector<1x16xf32>,
        %get3A_544 = vector.shape_cast %get3A_543 : vector<1x16xf32> to vector<16xf32>
        %mul3A_545 = arith.mulf %get3A_536, %get3A_544 : vector<16xf32>
        %add3A_546 = arith.addf %add3A_528, %mul3A_545 : vector<16xf32>
        %get3A_547 = arith.constant 0 : i32
        %get3A_548 = arith.constant 0 : i32
        %get3A_549 = tpu.memref_slice %arg9[%scan3A_201, %get3A_547, %get3A_548] : memref<4x32x128xf32, #tpu.memory_space<vmem>> -> memref<1x32x128xf32, #tpu.memory_space<vmem>>
        %get3A_550 = tpu.memref_squeeze %get3A_549 : memref<1x32x128xf32, #tpu.memory_space<vmem>> -> memref<32x128xf32, #tpu.memory_space<vmem>>
        %get3A_551 = arith.index_cast %add3A_457 : i32 to index
        %get3A_552 = arith.constant 80 : index
        %get3A_553 = tpu.vector_load %get3A_550[%get3A_551, %get3A_552] {strides = array<i32>} : memref<32x128xf32, #tpu.memory_space<vmem>>, vector<1x16xf32>,
        %get3A_554 = vector.shape_cast %get3A_553 : vector<1x16xf32> to vector<16xf32>
        %get3A_555 = arith.constant 0 : i32
        %get3A_556 = arith.constant 0 : i32
        %get3A_557 = tpu.memref_slice %arg10[%scan3A_202, %get3A_555, %get3A_556] : memref<4x32x128xf32, #tpu.memory_space<vmem>> -> memref<1x32x128xf32, #tpu.memory_space<vmem>>
        %get3A_558 = tpu.memref_squeeze %get3A_557 : memref<1x32x128xf32, #tpu.memory_space<vmem>> -> memref<32x128xf32, #tpu.memory_space<vmem>>
        %get3A_559 = arith.index_cast %add3A_457 : i32 to index
        %get3A_560 = arith.constant 80 : index
        %get3A_561 = tpu.vector_load %get3A_558[%get3A_559, %get3A_560] {strides = array<i32>} : memref<32x128xf32, #tpu.memory_space<vmem>>, vector<1x16xf32>,
        %get3A_562 = vector.shape_cast %get3A_561 : vector<1x16xf32> to vector<16xf32>
        %mul3A_563 = arith.mulf %get3A_554, %get3A_562 : vector<16xf32>
        %add3A_564 = arith.addf %add3A_546, %mul3A_563 : vector<16xf32>
        %get3A_565 = arith.constant 0 : i32
        %get3A_566 = arith.constant 0 : i32
        %get3A_567 = tpu.memref_slice %arg9[%scan3A_201, %get3A_565, %get3A_566] : memref<4x32x128xf32, #tpu.memory_space<vmem>> -> memref<1x32x128xf32, #tpu.memory_space<vmem>>
        %get3A_568 = tpu.memref_squeeze %get3A_567 : memref<1x32x128xf32, #tpu.memory_space<vmem>> -> memref<32x128xf32, #tpu.memory_space<vmem>>
        %get3A_569 = arith.index_cast %add3A_457 : i32 to index
        %get3A_570 = arith.constant 96 : index
        %get3A_571 = tpu.vector_load %get3A_568[%get3A_569, %get3A_570] {strides = array<i32>} : memref<32x128xf32, #tpu.memory_space<vmem>>, vector<1x16xf32>,
        %get3A_572 = vector.shape_cast %get3A_571 : vector<1x16xf32> to vector<16xf32>
        %get3A_573 = arith.constant 0 : i32
        %get3A_574 = arith.constant 0 : i32
        %get3A_575 = tpu.memref_slice %arg10[%scan3A_202, %get3A_573, %get3A_574] : memref<4x32x128xf32, #tpu.memory_space<vmem>> -> memref<1x32x128xf32, #tpu.memory_space<vmem>>
        %get3A_576 = tpu.memref_squeeze %get3A_575 : memref<1x32x128xf32, #tpu.memory_space<vmem>> -> memref<32x128xf32, #tpu.memory_space<vmem>>
        %get3A_577 = arith.index_cast %add3A_457 : i32 to index
        %get3A_578 = arith.constant 96 : index
        %get3A_579 = tpu.vector_load %get3A_576[%get3A_577, %get3A_578] {strides = array<i32>} : memref<32x128xf32, #tpu.memory_space<vmem>>, vector<1x16xf32>,
        %get3A_580 = vector.shape_cast %get3A_579 : vector<1x16xf32> to vector<16xf32>
        %mul3A_581 = arith.mulf %get3A_572, %get3A_580 : vector<16xf32>
        %add3A_582 = arith.addf %add3A_564, %mul3A_581 : vector<16xf32>
        %get3A_583 = arith.constant 0 : i32
        %get3A_584 = arith.constant 0 : i32
        %get3A_585 = tpu.memref_slice %arg9[%scan3A_201, %get3A_583, %get3A_584] : memref<4x32x128xf32, #tpu.memory_space<vmem>> -> memref<1x32x128xf32, #tpu.memory_space<vmem>>
        %get3A_586 = tpu.memref_squeeze %get3A_585 : memref<1x32x128xf32, #tpu.memory_space<vmem>> -> memref<32x128xf32, #tpu.memory_space<vmem>>
        %get3A_587 = arith.index_cast %add3A_457 : i32 to index
        %get3A_588 = arith.constant 112 : index
        %get3A_589 = tpu.vector_load %get3A_586[%get3A_587, %get3A_588] {strides = array<i32>} : memref<32x128xf32, #tpu.memory_space<vmem>>, vector<1x16xf32>,
        %get3A_590 = vector.shape_cast %get3A_589 : vector<1x16xf32> to vector<16xf32>
        %get3A_591 = arith.constant 0 : i32
        %get3A_592 = arith.constant 0 : i32
        %get3A_593 = tpu.memref_slice %arg10[%scan3A_202, %get3A_591, %get3A_592] : memref<4x32x128xf32, #tpu.memory_space<vmem>> -> memref<1x32x128xf32, #tpu.memory_space<vmem>>
        %get3A_594 = tpu.memref_squeeze %get3A_593 : memref<1x32x128xf32, #tpu.memory_space<vmem>> -> memref<32x128xf32, #tpu.memory_space<vmem>>
        %get3A_595 = arith.index_cast %add3A_457 : i32 to index
        %get3A_596 = arith.constant 112 : index
        %get3A_597 = tpu.vector_load %get3A_594[%get3A_595, %get3A_596] {strides = array<i32>} : memref<32x128xf32, #tpu.memory_space<vmem>>, vector<1x16xf32>,
        %get3A_598 = vector.shape_cast %get3A_597 : vector<1x16xf32> to vector<16xf32>
        %mul3A_599 = arith.mulf %get3A_590, %get3A_598 : vector<16xf32>
        %add3A_600 = arith.addf %add3A_582, %mul3A_599 : vector<16xf32>
        %xor3A = arith.constant 1 : i32
        %xor3A_601 = vector.broadcast %xor3A : i32 to vector<16xi32>
        %xor3A_602 = arith.xori %iota3A, %xor3A_601 : vector<16xi32>
        %broadcast_in_dim3A_603 = vector.shape_cast %xor3A_602 : vector<16xi32> to vector<16x1xi32>
        %gather3A = vector.shape_cast %broadcast_in_dim3A_603 : vector<16x1xi32> to vector<16xi32>
        %gather3A_604 = tpu.dynamic_gather %add3A_600[%gather3A] in [0] : vector<16xf32>, vector<16xi32> -> vector<16xf32>
        %select_n3A = arith.select %eq3A_6, %add3A_455, %gather3A_604 : vector<16xi1>, vector<16xf32>
        %xor3A_605 = arith.constant 1 : i32
        %xor3A_606 = vector.broadcast %xor3A_605 : i32 to vector<16xi32>
        %xor3A_607 = arith.xori %iota3A, %xor3A_606 : vector<16xi32>
        %broadcast_in_dim3A_608 = vector.shape_cast %xor3A_607 : vector<16xi32> to vector<16x1xi32>
        %gather3A_609 = vector.shape_cast %broadcast_in_dim3A_608 : vector<16x1xi32> to vector<16xi32>
        %gather3A_610 = tpu.dynamic_gather %add3A_455[%gather3A_609] in [0] : vector<16xf32>, vector<16xi32> -> vector<16xf32>
        %select_n3A_611 = arith.select %eq3A_6, %gather3A_610, %add3A_600 : vector<16xi1>, vector<16xf32>
        %add3A_612 = arith.addf %select_n3A, %select_n3A_611 : vector<16xf32>
        %xor3A_613 = arith.constant 2 : i32
        %xor3A_614 = vector.broadcast %xor3A_613 : i32 to vector<16xi32>
        %xor3A_615 = arith.xori %iota3A, %xor3A_614 : vector<16xi32>
        %broadcast_in_dim3A_616 = vector.shape_cast %xor3A_615 : vector<16xi32> to vector<16x1xi32>
        %gather3A_617 = vector.shape_cast %broadcast_in_dim3A_616 : vector<16x1xi32> to vector<16xi32>
        %gather3A_618 = tpu.dynamic_gather %add3A_612[%gather3A_617] in [0] : vector<16xf32>, vector<16xi32> -> vector<16xf32>
        %add3A_619 = arith.addf %add3A_612, %gather3A_618 : vector<16xf32>
        %xor3A_620 = arith.constant 4 : i32
        %xor3A_621 = vector.broadcast %xor3A_620 : i32 to vector<16xi32>
        %xor3A_622 = arith.xori %iota3A, %xor3A_621 : vector<16xi32>
        %broadcast_in_dim3A_623 = vector.shape_cast %xor3A_622 : vector<16xi32> to vector<16x1xi32>
        %gather3A_624 = vector.shape_cast %broadcast_in_dim3A_623 : vector<16x1xi32> to vector<16xi32>
        %gather3A_625 = tpu.dynamic_gather %add3A_619[%gather3A_624] in [0] : vector<16xf32>, vector<16xi32> -> vector<16xf32>
        %add3A_626 = arith.addf %add3A_619, %gather3A_625 : vector<16xf32>
        %xor3A_627 = arith.constant 8 : i32
        %xor3A_628 = vector.broadcast %xor3A_627 : i32 to vector<16xi32>
        %xor3A_629 = arith.xori %iota3A, %xor3A_628 : vector<16xi32>
        %broadcast_in_dim3A_630 = vector.shape_cast %xor3A_629 : vector<16xi32> to vector<16x1xi32>
        %gather3A_631 = vector.shape_cast %broadcast_in_dim3A_630 : vector<16x1xi32> to vector<16xi32>
        %gather3A_632 = tpu.dynamic_gather %add3A_626[%gather3A_631] in [0] : vector<16xf32>, vector<16xi32> -> vector<16xf32>
        %add3A_633 = arith.addf %add3A_626, %gather3A_632 : vector<16xf32>
        %and3A_634 = arith.constant 7 : i32
        %and3A_635 = arith.andi %scan3A_310, %and3A_634 : i32
        %eq3A_636 = vector.broadcast %and3A_635 : i32 to vector<16xi32>
        %eq3A_637 = arith.cmpi eq, %shift_right_arithmetic3A_8, %eq3A_636 : vector<16xi32>
        %select_n3A_638 = arith.select %eq3A_637, %add3A_633, %scan3A_311 : vector<16xi1>, vector<16xf32>
        %and3A_639 = arith.constant 7 : i32
        %and3A_640 = arith.andi %scan3A_310, %and3A_639 : i32
        %eq3A_641 = arith.constant 7 : i32
        %eq3A_642 = arith.cmpi eq, %and3A_640, %eq3A_641 : i32
        %convert_element_type3A_643 = arith.extui %eq3A_642 : i1 to i32
        %cond3A_644 = arith.constant 0 : i32
        %cond3A_645 = arith.cmpi ne, %convert_element_type3A_643, %cond3A_644 : i32
        scf.if %cond3A_645 {
          %mul3A_986 = arith.constant 32 : i32
          %mul3A_987 = arith.muli %add3A_198, %mul3A_986 : i32
          %add3A_988 = arith.constant 1 : i32
          %add3A_989 = arith.addi %mul3A_313, %add3A_988 : i32
          %and3A_990 = arith.constant -16 : i32
          %and3A_991 = arith.andi %add3A_989, %and3A_990 : i32
          %add3A_992 = arith.addi %mul3A_987, %and3A_991 : i32
          %swap3A = arith.index_cast %add3A_992 : i32 to index
          %swap3A_993 = tpu.vector_load %arg11[%swap3A] {strides = array<i32>} : memref<512xf32, #tpu.memory_space<vmem>>, vector<16xf32>,
          %swap3A_994 = vector.shape_cast %swap3A_993 : vector<16xf32> to vector<16xf32>
          %swap3A_995 = vector.shape_cast %select_n3A_638 : vector<16xf32> to vector<16xf32>
          tpu.vector_store %arg11[%swap3A], %swap3A_995 {strides = array<i32>} : memref<512xf32, #tpu.memory_space<vmem>>, vector<16xf32>,
        } else {
        }
        %scan3A_646 = arith.constant 1 : i32
        %scan3A_647 = arith.addi %scan3A_310, %scan3A_646 : i32
        %mul3A_648 = arith.constant 2 : i32
        %mul3A_649 = arith.muli %scan3A_647, %mul3A_648 : i32
        %get3A_650 = arith.constant 0 : i32
        %get3A_651 = arith.constant 0 : i32
        %get3A_652 = tpu.memref_slice %arg9[%scan3A_201, %get3A_650, %get3A_651] : memref<4x32x128xf32, #tpu.memory_space<vmem>> -> memref<1x32x128xf32, #tpu.memory_space<vmem>>
        %get3A_653 = tpu.memref_squeeze %get3A_652 : memref<1x32x128xf32, #tpu.memory_space<vmem>> -> memref<32x128xf32, #tpu.memory_space<vmem>>
        %get3A_654 = arith.index_cast %mul3A_649 : i32 to index
        %get3A_655 = arith.constant 0 : index
        %get3A_656 = tpu.vector_load %get3A_653[%get3A_654, %get3A_655] {strides = array<i32>} : memref<32x128xf32, #tpu.memory_space<vmem>>, vector<1x16xf32>,
        %get3A_657 = vector.shape_cast %get3A_656 : vector<1x16xf32> to vector<16xf32>
        %get3A_658 = arith.constant 0 : i32
        %get3A_659 = arith.constant 0 : i32
        %get3A_660 = tpu.memref_slice %arg10[%scan3A_202, %get3A_658, %get3A_659] : memref<4x32x128xf32, #tpu.memory_space<vmem>> -> memref<1x32x128xf32, #tpu.memory_space<vmem>>
        %get3A_661 = tpu.memref_squeeze %get3A_660 : memref<1x32x128xf32, #tpu.memory_space<vmem>> -> memref<32x128xf32, #tpu.memory_space<vmem>>
        %get3A_662 = arith.index_cast %mul3A_649 : i32 to index
        %get3A_663 = arith.constant 0 : index
        %get3A_664 = tpu.vector_load %get3A_661[%get3A_662, %get3A_663] {strides = array<i32>} : memref<32x128xf32, #tpu.memory_space<vmem>>, vector<1x16xf32>,
        %get3A_665 = vector.shape_cast %get3A_664 : vector<1x16xf32> to vector<16xf32>
        %mul3A_666 = arith.mulf %get3A_657, %get3A_665 : vector<16xf32>
        %get3A_667 = arith.constant 0 : i32
        %get3A_668 = arith.constant 0 : i32
        %get3A_669 = tpu.memref_slice %arg9[%scan3A_201, %get3A_667, %get3A_668] : memref<4x32x128xf32, #tpu.memory_space<vmem>> -> memref<1x32x128xf32, #tpu.memory_space<vmem>>
        %get3A_670 = tpu.memref_squeeze %get3A_669 : memref<1x32x128xf32, #tpu.memory_space<vmem>> -> memref<32x128xf32, #tpu.memory_space<vmem>>
        %get3A_671 = arith.index_cast %mul3A_649 : i32 to index
        %get3A_672 = arith.constant 16 : index
        %get3A_673 = tpu.vector_load %get3A_670[%get3A_671, %get3A_672] {strides = array<i32>} : memref<32x128xf32, #tpu.memory_space<vmem>>, vector<1x16xf32>,
        %get3A_674 = vector.shape_cast %get3A_673 : vector<1x16xf32> to vector<16xf32>
        %get3A_675 = arith.constant 0 : i32
        %get3A_676 = arith.constant 0 : i32
        %get3A_677 = tpu.memref_slice %arg10[%scan3A_202, %get3A_675, %get3A_676] : memref<4x32x128xf32, #tpu.memory_space<vmem>> -> memref<1x32x128xf32, #tpu.memory_space<vmem>>
        %get3A_678 = tpu.memref_squeeze %get3A_677 : memref<1x32x128xf32, #tpu.memory_space<vmem>> -> memref<32x128xf32, #tpu.memory_space<vmem>>
        %get3A_679 = arith.index_cast %mul3A_649 : i32 to index
        %get3A_680 = arith.constant 16 : index
        %get3A_681 = tpu.vector_load %get3A_678[%get3A_679, %get3A_680] {strides = array<i32>} : memref<32x128xf32, #tpu.memory_space<vmem>>, vector<1x16xf32>,
        %get3A_682 = vector.shape_cast %get3A_681 : vector<1x16xf32> to vector<16xf32>
        %mul3A_683 = arith.mulf %get3A_674, %get3A_682 : vector<16xf32>
        %add3A_684 = arith.addf %mul3A_666, %mul3A_683 : vector<16xf32>
        %get3A_685 = arith.constant 0 : i32
        %get3A_686 = arith.constant 0 : i32
        %get3A_687 = tpu.memref_slice %arg9[%scan3A_201, %get3A_685, %get3A_686] : memref<4x32x128xf32, #tpu.memory_space<vmem>> -> memref<1x32x128xf32, #tpu.memory_space<vmem>>
        %get3A_688 = tpu.memref_squeeze %get3A_687 : memref<1x32x128xf32, #tpu.memory_space<vmem>> -> memref<32x128xf32, #tpu.memory_space<vmem>>
        %get3A_689 = arith.index_cast %mul3A_649 : i32 to index
        %get3A_690 = arith.constant 32 : index
        %get3A_691 = tpu.vector_load %get3A_688[%get3A_689, %get3A_690] {strides = array<i32>} : memref<32x128xf32, #tpu.memory_space<vmem>>, vector<1x16xf32>,
        %get3A_692 = vector.shape_cast %get3A_691 : vector<1x16xf32> to vector<16xf32>
        %get3A_693 = arith.constant 0 : i32
        %get3A_694 = arith.constant 0 : i32
        %get3A_695 = tpu.memref_slice %arg10[%scan3A_202, %get3A_693, %get3A_694] : memref<4x32x128xf32, #tpu.memory_space<vmem>> -> memref<1x32x128xf32, #tpu.memory_space<vmem>>
        %get3A_696 = tpu.memref_squeeze %get3A_695 : memref<1x32x128xf32, #tpu.memory_space<vmem>> -> memref<32x128xf32, #tpu.memory_space<vmem>>
        %get3A_697 = arith.index_cast %mul3A_649 : i32 to index
        %get3A_698 = arith.constant 32 : index
        %get3A_699 = tpu.vector_load %get3A_696[%get3A_697, %get3A_698] {strides = array<i32>} : memref<32x128xf32, #tpu.memory_space<vmem>>, vector<1x16xf32>,
        %get3A_700 = vector.shape_cast %get3A_699 : vector<1x16xf32> to vector<16xf32>
        %mul3A_701 = arith.mulf %get3A_692, %get3A_700 : vector<16xf32>
        %add3A_702 = arith.addf %add3A_684, %mul3A_701 : vector<16xf32>
        %get3A_703 = arith.constant 0 : i32
        %get3A_704 = arith.constant 0 : i32
        %get3A_705 = tpu.memref_slice %arg9[%scan3A_201, %get3A_703, %get3A_704] : memref<4x32x128xf32, #tpu.memory_space<vmem>> -> memref<1x32x128xf32, #tpu.memory_space<vmem>>
        %get3A_706 = tpu.memref_squeeze %get3A_705 : memref<1x32x128xf32, #tpu.memory_space<vmem>> -> memref<32x128xf32, #tpu.memory_space<vmem>>
        %get3A_707 = arith.index_cast %mul3A_649 : i32 to index
        %get3A_708 = arith.constant 48 : index
        %get3A_709 = tpu.vector_load %get3A_706[%get3A_707, %get3A_708] {strides = array<i32>} : memref<32x128xf32, #tpu.memory_space<vmem>>, vector<1x16xf32>,
        %get3A_710 = vector.shape_cast %get3A_709 : vector<1x16xf32> to vector<16xf32>
        %get3A_711 = arith.constant 0 : i32
        %get3A_712 = arith.constant 0 : i32
        %get3A_713 = tpu.memref_slice %arg10[%scan3A_202, %get3A_711, %get3A_712] : memref<4x32x128xf32, #tpu.memory_space<vmem>> -> memref<1x32x128xf32, #tpu.memory_space<vmem>>
        %get3A_714 = tpu.memref_squeeze %get3A_713 : memref<1x32x128xf32, #tpu.memory_space<vmem>> -> memref<32x128xf32, #tpu.memory_space<vmem>>
        %get3A_715 = arith.index_cast %mul3A_649 : i32 to index
        %get3A_716 = arith.constant 48 : index
        %get3A_717 = tpu.vector_load %get3A_714[%get3A_715, %get3A_716] {strides = array<i32>} : memref<32x128xf32, #tpu.memory_space<vmem>>, vector<1x16xf32>,
        %get3A_718 = vector.shape_cast %get3A_717 : vector<1x16xf32> to vector<16xf32>
        %mul3A_719 = arith.mulf %get3A_710, %get3A_718 : vector<16xf32>
        %add3A_720 = arith.addf %add3A_702, %mul3A_719 : vector<16xf32>
        %get3A_721 = arith.constant 0 : i32
        %get3A_722 = arith.constant 0 : i32
        %get3A_723 = tpu.memref_slice %arg9[%scan3A_201, %get3A_721, %get3A_722] : memref<4x32x128xf32, #tpu.memory_space<vmem>> -> memref<1x32x128xf32, #tpu.memory_space<vmem>>
        %get3A_724 = tpu.memref_squeeze %get3A_723 : memref<1x32x128xf32, #tpu.memory_space<vmem>> -> memref<32x128xf32, #tpu.memory_space<vmem>>
        %get3A_725 = arith.index_cast %mul3A_649 : i32 to index
        %get3A_726 = arith.constant 64 : index
        %get3A_727 = tpu.vector_load %get3A_724[%get3A_725, %get3A_726] {strides = array<i32>} : memref<32x128xf32, #tpu.memory_space<vmem>>, vector<1x16xf32>,
        %get3A_728 = vector.shape_cast %get3A_727 : vector<1x16xf32> to vector<16xf32>
        %get3A_729 = arith.constant 0 : i32
        %get3A_730 = arith.constant 0 : i32
        %get3A_731 = tpu.memref_slice %arg10[%scan3A_202, %get3A_729, %get3A_730] : memref<4x32x128xf32, #tpu.memory_space<vmem>> -> memref<1x32x128xf32, #tpu.memory_space<vmem>>
        %get3A_732 = tpu.memref_squeeze %get3A_731 : memref<1x32x128xf32, #tpu.memory_space<vmem>> -> memref<32x128xf32, #tpu.memory_space<vmem>>
        %get3A_733 = arith.index_cast %mul3A_649 : i32 to index
        %get3A_734 = arith.constant 64 : index
        %get3A_735 = tpu.vector_load %get3A_732[%get3A_733, %get3A_734] {strides = array<i32>} : memref<32x128xf32, #tpu.memory_space<vmem>>, vector<1x16xf32>,
        %get3A_736 = vector.shape_cast %get3A_735 : vector<1x16xf32> to vector<16xf32>
        %mul3A_737 = arith.mulf %get3A_728, %get3A_736 : vector<16xf32>
        %add3A_738 = arith.addf %add3A_720, %mul3A_737 : vector<16xf32>
        %get3A_739 = arith.constant 0 : i32
        %get3A_740 = arith.constant 0 : i32
        %get3A_741 = tpu.memref_slice %arg9[%scan3A_201, %get3A_739, %get3A_740] : memref<4x32x128xf32, #tpu.memory_space<vmem>> -> memref<1x32x128xf32, #tpu.memory_space<vmem>>
        %get3A_742 = tpu.memref_squeeze %get3A_741 : memref<1x32x128xf32, #tpu.memory_space<vmem>> -> memref<32x128xf32, #tpu.memory_space<vmem>>
        %get3A_743 = arith.index_cast %mul3A_649 : i32 to index
        %get3A_744 = arith.constant 80 : index
        %get3A_745 = tpu.vector_load %get3A_742[%get3A_743, %get3A_744] {strides = array<i32>} : memref<32x128xf32, #tpu.memory_space<vmem>>, vector<1x16xf32>,
        %get3A_746 = vector.shape_cast %get3A_745 : vector<1x16xf32> to vector<16xf32>
        %get3A_747 = arith.constant 0 : i32
        %get3A_748 = arith.constant 0 : i32
        %get3A_749 = tpu.memref_slice %arg10[%scan3A_202, %get3A_747, %get3A_748] : memref<4x32x128xf32, #tpu.memory_space<vmem>> -> memref<1x32x128xf32, #tpu.memory_space<vmem>>
        %get3A_750 = tpu.memref_squeeze %get3A_749 : memref<1x32x128xf32, #tpu.memory_space<vmem>> -> memref<32x128xf32, #tpu.memory_space<vmem>>
        %get3A_751 = arith.index_cast %mul3A_649 : i32 to index
        %get3A_752 = arith.constant 80 : index
        %get3A_753 = tpu.vector_load %get3A_750[%get3A_751, %get3A_752] {strides = array<i32>} : memref<32x128xf32, #tpu.memory_space<vmem>>, vector<1x16xf32>,
        %get3A_754 = vector.shape_cast %get3A_753 : vector<1x16xf32> to vector<16xf32>
        %mul3A_755 = arith.mulf %get3A_746, %get3A_754 : vector<16xf32>
        %add3A_756 = arith.addf %add3A_738, %mul3A_755 : vector<16xf32>
        %get3A_757 = arith.constant 0 : i32
        %get3A_758 = arith.constant 0 : i32
        %get3A_759 = tpu.memref_slice %arg9[%scan3A_201, %get3A_757, %get3A_758] : memref<4x32x128xf32, #tpu.memory_space<vmem>> -> memref<1x32x128xf32, #tpu.memory_space<vmem>>
        %get3A_760 = tpu.memref_squeeze %get3A_759 : memref<1x32x128xf32, #tpu.memory_space<vmem>> -> memref<32x128xf32, #tpu.memory_space<vmem>>
        %get3A_761 = arith.index_cast %mul3A_649 : i32 to index
        %get3A_762 = arith.constant 96 : index
        %get3A_763 = tpu.vector_load %get3A_760[%get3A_761, %get3A_762] {strides = array<i32>} : memref<32x128xf32, #tpu.memory_space<vmem>>, vector<1x16xf32>,
        %get3A_764 = vector.shape_cast %get3A_763 : vector<1x16xf32> to vector<16xf32>
        %get3A_765 = arith.constant 0 : i32
        %get3A_766 = arith.constant 0 : i32
        %get3A_767 = tpu.memref_slice %arg10[%scan3A_202, %get3A_765, %get3A_766] : memref<4x32x128xf32, #tpu.memory_space<vmem>> -> memref<1x32x128xf32, #tpu.memory_space<vmem>>
        %get3A_768 = tpu.memref_squeeze %get3A_767 : memref<1x32x128xf32, #tpu.memory_space<vmem>> -> memref<32x128xf32, #tpu.memory_space<vmem>>
        %get3A_769 = arith.index_cast %mul3A_649 : i32 to index
        %get3A_770 = arith.constant 96 : index
        %get3A_771 = tpu.vector_load %get3A_768[%get3A_769, %get3A_770] {strides = array<i32>} : memref<32x128xf32, #tpu.memory_space<vmem>>, vector<1x16xf32>,
        %get3A_772 = vector.shape_cast %get3A_771 : vector<1x16xf32> to vector<16xf32>
        %mul3A_773 = arith.mulf %get3A_764, %get3A_772 : vector<16xf32>
        %add3A_774 = arith.addf %add3A_756, %mul3A_773 : vector<16xf32>
        %get3A_775 = arith.constant 0 : i32
        %get3A_776 = arith.constant 0 : i32
        %get3A_777 = tpu.memref_slice %arg9[%scan3A_201, %get3A_775, %get3A_776] : memref<4x32x128xf32, #tpu.memory_space<vmem>> -> memref<1x32x128xf32, #tpu.memory_space<vmem>>
        %get3A_778 = tpu.memref_squeeze %get3A_777 : memref<1x32x128xf32, #tpu.memory_space<vmem>> -> memref<32x128xf32, #tpu.memory_space<vmem>>
        %get3A_779 = arith.index_cast %mul3A_649 : i32 to index
        %get3A_780 = arith.constant 112 : index
        %get3A_781 = tpu.vector_load %get3A_778[%get3A_779, %get3A_780] {strides = array<i32>} : memref<32x128xf32, #tpu.memory_space<vmem>>, vector<1x16xf32>,
        %get3A_782 = vector.shape_cast %get3A_781 : vector<1x16xf32> to vector<16xf32>
        %get3A_783 = arith.constant 0 : i32
        %get3A_784 = arith.constant 0 : i32
        %get3A_785 = tpu.memref_slice %arg10[%scan3A_202, %get3A_783, %get3A_784] : memref<4x32x128xf32, #tpu.memory_space<vmem>> -> memref<1x32x128xf32, #tpu.memory_space<vmem>>
        %get3A_786 = tpu.memref_squeeze %get3A_785 : memref<1x32x128xf32, #tpu.memory_space<vmem>> -> memref<32x128xf32, #tpu.memory_space<vmem>>
        %get3A_787 = arith.index_cast %mul3A_649 : i32 to index
        %get3A_788 = arith.constant 112 : index
        %get3A_789 = tpu.vector_load %get3A_786[%get3A_787, %get3A_788] {strides = array<i32>} : memref<32x128xf32, #tpu.memory_space<vmem>>, vector<1x16xf32>,
        %get3A_790 = vector.shape_cast %get3A_789 : vector<1x16xf32> to vector<16xf32>
        %mul3A_791 = arith.mulf %get3A_782, %get3A_790 : vector<16xf32>
        %add3A_792 = arith.addf %add3A_774, %mul3A_791 : vector<16xf32>
        %add3A_793 = arith.constant 1 : i32
        %add3A_794 = arith.addi %mul3A_649, %add3A_793 : i32
        %get3A_795 = arith.constant 0 : i32
        %get3A_796 = arith.constant 0 : i32
        %get3A_797 = tpu.memref_slice %arg9[%scan3A_201, %get3A_795, %get3A_796] : memref<4x32x128xf32, #tpu.memory_space<vmem>> -> memref<1x32x128xf32, #tpu.memory_space<vmem>>
        %get3A_798 = tpu.memref_squeeze %get3A_797 : memref<1x32x128xf32, #tpu.memory_space<vmem>> -> memref<32x128xf32, #tpu.memory_space<vmem>>
        %get3A_799 = arith.index_cast %add3A_794 : i32 to index
        %get3A_800 = arith.constant 0 : index
        %get3A_801 = tpu.vector_load %get3A_798[%get3A_799, %get3A_800] {strides = array<i32>} : memref<32x128xf32, #tpu.memory_space<vmem>>, vector<1x16xf32>,
        %get3A_802 = vector.shape_cast %get3A_801 : vector<1x16xf32> to vector<16xf32>
        %get3A_803 = arith.constant 0 : i32
        %get3A_804 = arith.constant 0 : i32
        %get3A_805 = tpu.memref_slice %arg10[%scan3A_202, %get3A_803, %get3A_804] : memref<4x32x128xf32, #tpu.memory_space<vmem>> -> memref<1x32x128xf32, #tpu.memory_space<vmem>>
        %get3A_806 = tpu.memref_squeeze %get3A_805 : memref<1x32x128xf32, #tpu.memory_space<vmem>> -> memref<32x128xf32, #tpu.memory_space<vmem>>
        %get3A_807 = arith.index_cast %add3A_794 : i32 to index
        %get3A_808 = arith.constant 0 : index
        %get3A_809 = tpu.vector_load %get3A_806[%get3A_807, %get3A_808] {strides = array<i32>} : memref<32x128xf32, #tpu.memory_space<vmem>>, vector<1x16xf32>,
        %get3A_810 = vector.shape_cast %get3A_809 : vector<1x16xf32> to vector<16xf32>
        %mul3A_811 = arith.mulf %get3A_802, %get3A_810 : vector<16xf32>
        %get3A_812 = arith.constant 0 : i32
        %get3A_813 = arith.constant 0 : i32
        %get3A_814 = tpu.memref_slice %arg9[%scan3A_201, %get3A_812, %get3A_813] : memref<4x32x128xf32, #tpu.memory_space<vmem>> -> memref<1x32x128xf32, #tpu.memory_space<vmem>>
        %get3A_815 = tpu.memref_squeeze %get3A_814 : memref<1x32x128xf32, #tpu.memory_space<vmem>> -> memref<32x128xf32, #tpu.memory_space<vmem>>
        %get3A_816 = arith.index_cast %add3A_794 : i32 to index
        %get3A_817 = arith.constant 16 : index
        %get3A_818 = tpu.vector_load %get3A_815[%get3A_816, %get3A_817] {strides = array<i32>} : memref<32x128xf32, #tpu.memory_space<vmem>>, vector<1x16xf32>,
        %get3A_819 = vector.shape_cast %get3A_818 : vector<1x16xf32> to vector<16xf32>
        %get3A_820 = arith.constant 0 : i32
        %get3A_821 = arith.constant 0 : i32
        %get3A_822 = tpu.memref_slice %arg10[%scan3A_202, %get3A_820, %get3A_821] : memref<4x32x128xf32, #tpu.memory_space<vmem>> -> memref<1x32x128xf32, #tpu.memory_space<vmem>>
        %get3A_823 = tpu.memref_squeeze %get3A_822 : memref<1x32x128xf32, #tpu.memory_space<vmem>> -> memref<32x128xf32, #tpu.memory_space<vmem>>
        %get3A_824 = arith.index_cast %add3A_794 : i32 to index
        %get3A_825 = arith.constant 16 : index
        %get3A_826 = tpu.vector_load %get3A_823[%get3A_824, %get3A_825] {strides = array<i32>} : memref<32x128xf32, #tpu.memory_space<vmem>>, vector<1x16xf32>,
        %get3A_827 = vector.shape_cast %get3A_826 : vector<1x16xf32> to vector<16xf32>
        %mul3A_828 = arith.mulf %get3A_819, %get3A_827 : vector<16xf32>
        %add3A_829 = arith.addf %mul3A_811, %mul3A_828 : vector<16xf32>
        %get3A_830 = arith.constant 0 : i32
        %get3A_831 = arith.constant 0 : i32
        %get3A_832 = tpu.memref_slice %arg9[%scan3A_201, %get3A_830, %get3A_831] : memref<4x32x128xf32, #tpu.memory_space<vmem>> -> memref<1x32x128xf32, #tpu.memory_space<vmem>>
        %get3A_833 = tpu.memref_squeeze %get3A_832 : memref<1x32x128xf32, #tpu.memory_space<vmem>> -> memref<32x128xf32, #tpu.memory_space<vmem>>
        %get3A_834 = arith.index_cast %add3A_794 : i32 to index
        %get3A_835 = arith.constant 32 : index
        %get3A_836 = tpu.vector_load %get3A_833[%get3A_834, %get3A_835] {strides = array<i32>} : memref<32x128xf32, #tpu.memory_space<vmem>>, vector<1x16xf32>,
        %get3A_837 = vector.shape_cast %get3A_836 : vector<1x16xf32> to vector<16xf32>
        %get3A_838 = arith.constant 0 : i32
        %get3A_839 = arith.constant 0 : i32
        %get3A_840 = tpu.memref_slice %arg10[%scan3A_202, %get3A_838, %get3A_839] : memref<4x32x128xf32, #tpu.memory_space<vmem>> -> memref<1x32x128xf32, #tpu.memory_space<vmem>>
        %get3A_841 = tpu.memref_squeeze %get3A_840 : memref<1x32x128xf32, #tpu.memory_space<vmem>> -> memref<32x128xf32, #tpu.memory_space<vmem>>
        %get3A_842 = arith.index_cast %add3A_794 : i32 to index
        %get3A_843 = arith.constant 32 : index
        %get3A_844 = tpu.vector_load %get3A_841[%get3A_842, %get3A_843] {strides = array<i32>} : memref<32x128xf32, #tpu.memory_space<vmem>>, vector<1x16xf32>,
        %get3A_845 = vector.shape_cast %get3A_844 : vector<1x16xf32> to vector<16xf32>
        %mul3A_846 = arith.mulf %get3A_837, %get3A_845 : vector<16xf32>
        %add3A_847 = arith.addf %add3A_829, %mul3A_846 : vector<16xf32>
        %get3A_848 = arith.constant 0 : i32
        %get3A_849 = arith.constant 0 : i32
        %get3A_850 = tpu.memref_slice %arg9[%scan3A_201, %get3A_848, %get3A_849] : memref<4x32x128xf32, #tpu.memory_space<vmem>> -> memref<1x32x128xf32, #tpu.memory_space<vmem>>
        %get3A_851 = tpu.memref_squeeze %get3A_850 : memref<1x32x128xf32, #tpu.memory_space<vmem>> -> memref<32x128xf32, #tpu.memory_space<vmem>>
        %get3A_852 = arith.index_cast %add3A_794 : i32 to index
        %get3A_853 = arith.constant 48 : index
        %get3A_854 = tpu.vector_load %get3A_851[%get3A_852, %get3A_853] {strides = array<i32>} : memref<32x128xf32, #tpu.memory_space<vmem>>, vector<1x16xf32>,
        %get3A_855 = vector.shape_cast %get3A_854 : vector<1x16xf32> to vector<16xf32>
        %get3A_856 = arith.constant 0 : i32
        %get3A_857 = arith.constant 0 : i32
        %get3A_858 = tpu.memref_slice %arg10[%scan3A_202, %get3A_856, %get3A_857] : memref<4x32x128xf32, #tpu.memory_space<vmem>> -> memref<1x32x128xf32, #tpu.memory_space<vmem>>
        %get3A_859 = tpu.memref_squeeze %get3A_858 : memref<1x32x128xf32, #tpu.memory_space<vmem>> -> memref<32x128xf32, #tpu.memory_space<vmem>>
        %get3A_860 = arith.index_cast %add3A_794 : i32 to index
        %get3A_861 = arith.constant 48 : index
        %get3A_862 = tpu.vector_load %get3A_859[%get3A_860, %get3A_861] {strides = array<i32>} : memref<32x128xf32, #tpu.memory_space<vmem>>, vector<1x16xf32>,
        %get3A_863 = vector.shape_cast %get3A_862 : vector<1x16xf32> to vector<16xf32>
        %mul3A_864 = arith.mulf %get3A_855, %get3A_863 : vector<16xf32>
        %add3A_865 = arith.addf %add3A_847, %mul3A_864 : vector<16xf32>
        %get3A_866 = arith.constant 0 : i32
        %get3A_867 = arith.constant 0 : i32
        %get3A_868 = tpu.memref_slice %arg9[%scan3A_201, %get3A_866, %get3A_867] : memref<4x32x128xf32, #tpu.memory_space<vmem>> -> memref<1x32x128xf32, #tpu.memory_space<vmem>>
        %get3A_869 = tpu.memref_squeeze %get3A_868 : memref<1x32x128xf32, #tpu.memory_space<vmem>> -> memref<32x128xf32, #tpu.memory_space<vmem>>
        %get3A_870 = arith.index_cast %add3A_794 : i32 to index
        %get3A_871 = arith.constant 64 : index
        %get3A_872 = tpu.vector_load %get3A_869[%get3A_870, %get3A_871] {strides = array<i32>} : memref<32x128xf32, #tpu.memory_space<vmem>>, vector<1x16xf32>,
        %get3A_873 = vector.shape_cast %get3A_872 : vector<1x16xf32> to vector<16xf32>
        %get3A_874 = arith.constant 0 : i32
        %get3A_875 = arith.constant 0 : i32
        %get3A_876 = tpu.memref_slice %arg10[%scan3A_202, %get3A_874, %get3A_875] : memref<4x32x128xf32, #tpu.memory_space<vmem>> -> memref<1x32x128xf32, #tpu.memory_space<vmem>>
        %get3A_877 = tpu.memref_squeeze %get3A_876 : memref<1x32x128xf32, #tpu.memory_space<vmem>> -> memref<32x128xf32, #tpu.memory_space<vmem>>
        %get3A_878 = arith.index_cast %add3A_794 : i32 to index
        %get3A_879 = arith.constant 64 : index
        %get3A_880 = tpu.vector_load %get3A_877[%get3A_878, %get3A_879] {strides = array<i32>} : memref<32x128xf32, #tpu.memory_space<vmem>>, vector<1x16xf32>,
        %get3A_881 = vector.shape_cast %get3A_880 : vector<1x16xf32> to vector<16xf32>
        %mul3A_882 = arith.mulf %get3A_873, %get3A_881 : vector<16xf32>
        %add3A_883 = arith.addf %add3A_865, %mul3A_882 : vector<16xf32>
        %get3A_884 = arith.constant 0 : i32
        %get3A_885 = arith.constant 0 : i32
        %get3A_886 = tpu.memref_slice %arg9[%scan3A_201, %get3A_884, %get3A_885] : memref<4x32x128xf32, #tpu.memory_space<vmem>> -> memref<1x32x128xf32, #tpu.memory_space<vmem>>
        %get3A_887 = tpu.memref_squeeze %get3A_886 : memref<1x32x128xf32, #tpu.memory_space<vmem>> -> memref<32x128xf32, #tpu.memory_space<vmem>>
        %get3A_888 = arith.index_cast %add3A_794 : i32 to index
        %get3A_889 = arith.constant 80 : index
        %get3A_890 = tpu.vector_load %get3A_887[%get3A_888, %get3A_889] {strides = array<i32>} : memref<32x128xf32, #tpu.memory_space<vmem>>, vector<1x16xf32>,
        %get3A_891 = vector.shape_cast %get3A_890 : vector<1x16xf32> to vector<16xf32>
        %get3A_892 = arith.constant 0 : i32
        %get3A_893 = arith.constant 0 : i32
        %get3A_894 = tpu.memref_slice %arg10[%scan3A_202, %get3A_892, %get3A_893] : memref<4x32x128xf32, #tpu.memory_space<vmem>> -> memref<1x32x128xf32, #tpu.memory_space<vmem>>
        %get3A_895 = tpu.memref_squeeze %get3A_894 : memref<1x32x128xf32, #tpu.memory_space<vmem>> -> memref<32x128xf32, #tpu.memory_space<vmem>>
        %get3A_896 = arith.index_cast %add3A_794 : i32 to index
        %get3A_897 = arith.constant 80 : index
        %get3A_898 = tpu.vector_load %get3A_895[%get3A_896, %get3A_897] {strides = array<i32>} : memref<32x128xf32, #tpu.memory_space<vmem>>, vector<1x16xf32>,
        %get3A_899 = vector.shape_cast %get3A_898 : vector<1x16xf32> to vector<16xf32>
        %mul3A_900 = arith.mulf %get3A_891, %get3A_899 : vector<16xf32>
        %add3A_901 = arith.addf %add3A_883, %mul3A_900 : vector<16xf32>
        %get3A_902 = arith.constant 0 : i32
        %get3A_903 = arith.constant 0 : i32
        %get3A_904 = tpu.memref_slice %arg9[%scan3A_201, %get3A_902, %get3A_903] : memref<4x32x128xf32, #tpu.memory_space<vmem>> -> memref<1x32x128xf32, #tpu.memory_space<vmem>>
        %get3A_905 = tpu.memref_squeeze %get3A_904 : memref<1x32x128xf32, #tpu.memory_space<vmem>> -> memref<32x128xf32, #tpu.memory_space<vmem>>
        %get3A_906 = arith.index_cast %add3A_794 : i32 to index
        %get3A_907 = arith.constant 96 : index
        %get3A_908 = tpu.vector_load %get3A_905[%get3A_906, %get3A_907] {strides = array<i32>} : memref<32x128xf32, #tpu.memory_space<vmem>>, vector<1x16xf32>,
        %get3A_909 = vector.shape_cast %get3A_908 : vector<1x16xf32> to vector<16xf32>
        %get3A_910 = arith.constant 0 : i32
        %get3A_911 = arith.constant 0 : i32
        %get3A_912 = tpu.memref_slice %arg10[%scan3A_202, %get3A_910, %get3A_911] : memref<4x32x128xf32, #tpu.memory_space<vmem>> -> memref<1x32x128xf32, #tpu.memory_space<vmem>>
        %get3A_913 = tpu.memref_squeeze %get3A_912 : memref<1x32x128xf32, #tpu.memory_space<vmem>> -> memref<32x128xf32, #tpu.memory_space<vmem>>
        %get3A_914 = arith.index_cast %add3A_794 : i32 to index
        %get3A_915 = arith.constant 96 : index
        %get3A_916 = tpu.vector_load %get3A_913[%get3A_914, %get3A_915] {strides = array<i32>} : memref<32x128xf32, #tpu.memory_space<vmem>>, vector<1x16xf32>,
        %get3A_917 = vector.shape_cast %get3A_916 : vector<1x16xf32> to vector<16xf32>
        %mul3A_918 = arith.mulf %get3A_909, %get3A_917 : vector<16xf32>
        %add3A_919 = arith.addf %add3A_901, %mul3A_918 : vector<16xf32>
        %get3A_920 = arith.constant 0 : i32
        %get3A_921 = arith.constant 0 : i32
        %get3A_922 = tpu.memref_slice %arg9[%scan3A_201, %get3A_920, %get3A_921] : memref<4x32x128xf32, #tpu.memory_space<vmem>> -> memref<1x32x128xf32, #tpu.memory_space<vmem>>
        %get3A_923 = tpu.memref_squeeze %get3A_922 : memref<1x32x128xf32, #tpu.memory_space<vmem>> -> memref<32x128xf32, #tpu.memory_space<vmem>>
        %get3A_924 = arith.index_cast %add3A_794 : i32 to index
        %get3A_925 = arith.constant 112 : index
        %get3A_926 = tpu.vector_load %get3A_923[%get3A_924, %get3A_925] {strides = array<i32>} : memref<32x128xf32, #tpu.memory_space<vmem>>, vector<1x16xf32>,
        %get3A_927 = vector.shape_cast %get3A_926 : vector<1x16xf32> to vector<16xf32>
        %get3A_928 = arith.constant 0 : i32
        %get3A_929 = arith.constant 0 : i32
        %get3A_930 = tpu.memref_slice %arg10[%scan3A_202, %get3A_928, %get3A_929] : memref<4x32x128xf32, #tpu.memory_space<vmem>> -> memref<1x32x128xf32, #tpu.memory_space<vmem>>
        %get3A_931 = tpu.memref_squeeze %get3A_930 : memref<1x32x128xf32, #tpu.memory_space<vmem>> -> memref<32x128xf32, #tpu.memory_space<vmem>>
        %get3A_932 = arith.index_cast %add3A_794 : i32 to index
        %get3A_933 = arith.constant 112 : index
        %get3A_934 = tpu.vector_load %get3A_931[%get3A_932, %get3A_933] {strides = array<i32>} : memref<32x128xf32, #tpu.memory_space<vmem>>, vector<1x16xf32>,
        %get3A_935 = vector.shape_cast %get3A_934 : vector<1x16xf32> to vector<16xf32>
        %mul3A_936 = arith.mulf %get3A_927, %get3A_935 : vector<16xf32>
        %add3A_937 = arith.addf %add3A_919, %mul3A_936 : vector<16xf32>
        %xor3A_938 = arith.constant 1 : i32
        %xor3A_939 = vector.broadcast %xor3A_938 : i32 to vector<16xi32>
        %xor3A_940 = arith.xori %iota3A, %xor3A_939 : vector<16xi32>
        %broadcast_in_dim3A_941 = vector.shape_cast %xor3A_940 : vector<16xi32> to vector<16x1xi32>
        %gather3A_942 = vector.shape_cast %broadcast_in_dim3A_941 : vector<16x1xi32> to vector<16xi32>
        %gather3A_943 = tpu.dynamic_gather %add3A_937[%gather3A_942] in [0] : vector<16xf32>, vector<16xi32> -> vector<16xf32>
        %select_n3A_944 = arith.select %eq3A_6, %add3A_792, %gather3A_943 : vector<16xi1>, vector<16xf32>
        %xor3A_945 = arith.constant 1 : i32
        %xor3A_946 = vector.broadcast %xor3A_945 : i32 to vector<16xi32>
        %xor3A_947 = arith.xori %iota3A, %xor3A_946 : vector<16xi32>
        %broadcast_in_dim3A_948 = vector.shape_cast %xor3A_947 : vector<16xi32> to vector<16x1xi32>
        %gather3A_949 = vector.shape_cast %broadcast_in_dim3A_948 : vector<16x1xi32> to vector<16xi32>
        %gather3A_950 = tpu.dynamic_gather %add3A_792[%gather3A_949] in [0] : vector<16xf32>, vector<16xi32> -> vector<16xf32>
        %select_n3A_951 = arith.select %eq3A_6, %gather3A_950, %add3A_937 : vector<16xi1>, vector<16xf32>
        %add3A_952 = arith.addf %select_n3A_944, %select_n3A_951 : vector<16xf32>
        %xor3A_953 = arith.constant 2 : i32
        %xor3A_954 = vector.broadcast %xor3A_953 : i32 to vector<16xi32>
        %xor3A_955 = arith.xori %iota3A, %xor3A_954 : vector<16xi32>
        %broadcast_in_dim3A_956 = vector.shape_cast %xor3A_955 : vector<16xi32> to vector<16x1xi32>
        %gather3A_957 = vector.shape_cast %broadcast_in_dim3A_956 : vector<16x1xi32> to vector<16xi32>
        %gather3A_958 = tpu.dynamic_gather %add3A_952[%gather3A_957] in [0] : vector<16xf32>, vector<16xi32> -> vector<16xf32>
        %add3A_959 = arith.addf %add3A_952, %gather3A_958 : vector<16xf32>
        %xor3A_960 = arith.constant 4 : i32
        %xor3A_961 = vector.broadcast %xor3A_960 : i32 to vector<16xi32>
        %xor3A_962 = arith.xori %iota3A, %xor3A_961 : vector<16xi32>
        %broadcast_in_dim3A_963 = vector.shape_cast %xor3A_962 : vector<16xi32> to vector<16x1xi32>
        %gather3A_964 = vector.shape_cast %broadcast_in_dim3A_963 : vector<16x1xi32> to vector<16xi32>
        %gather3A_965 = tpu.dynamic_gather %add3A_959[%gather3A_964] in [0] : vector<16xf32>, vector<16xi32> -> vector<16xf32>
        %add3A_966 = arith.addf %add3A_959, %gather3A_965 : vector<16xf32>
        %xor3A_967 = arith.constant 8 : i32
        %xor3A_968 = vector.broadcast %xor3A_967 : i32 to vector<16xi32>
        %xor3A_969 = arith.xori %iota3A, %xor3A_968 : vector<16xi32>
        %broadcast_in_dim3A_970 = vector.shape_cast %xor3A_969 : vector<16xi32> to vector<16x1xi32>
        %gather3A_971 = vector.shape_cast %broadcast_in_dim3A_970 : vector<16x1xi32> to vector<16xi32>
        %gather3A_972 = tpu.dynamic_gather %add3A_966[%gather3A_971] in [0] : vector<16xf32>, vector<16xi32> -> vector<16xf32>
        %add3A_973 = arith.addf %add3A_966, %gather3A_972 : vector<16xf32>
        %and3A_974 = arith.constant 7 : i32
        %and3A_975 = arith.andi %scan3A_647, %and3A_974 : i32
        %eq3A_976 = vector.broadcast %and3A_975 : i32 to vector<16xi32>
        %eq3A_977 = arith.cmpi eq, %shift_right_arithmetic3A_8, %eq3A_976 : vector<16xi32>
        %select_n3A_978 = arith.select %eq3A_977, %add3A_973, %select_n3A_638 : vector<16xi1>, vector<16xf32>
        %and3A_979 = arith.constant 7 : i32
        %and3A_980 = arith.andi %scan3A_647, %and3A_979 : i32
        %eq3A_981 = arith.constant 7 : i32
        %eq3A_982 = arith.cmpi eq, %and3A_980, %eq3A_981 : i32
        %convert_element_type3A_983 = arith.extui %eq3A_982 : i1 to i32
        %cond3A_984 = arith.constant 0 : i32
        %cond3A_985 = arith.cmpi ne, %convert_element_type3A_983, %cond3A_984 : i32
        scf.if %cond3A_985 {
          %mul3A_986 = arith.constant 32 : i32
          %mul3A_987 = arith.muli %add3A_198, %mul3A_986 : i32
          %add3A_988 = arith.constant 1 : i32
          %add3A_989 = arith.addi %mul3A_649, %add3A_988 : i32
          %and3A_990 = arith.constant -16 : i32
          %and3A_991 = arith.andi %add3A_989, %and3A_990 : i32
          %add3A_992 = arith.addi %mul3A_987, %and3A_991 : i32
          %swap3A = arith.index_cast %add3A_992 : i32 to index
          %swap3A_993 = tpu.vector_load %arg11[%swap3A] {strides = array<i32>} : memref<512xf32, #tpu.memory_space<vmem>>, vector<16xf32>,
          %swap3A_994 = vector.shape_cast %swap3A_993 : vector<16xf32> to vector<16xf32>
          %swap3A_995 = vector.shape_cast %select_n3A_978 : vector<16xf32> to vector<16xf32>
          tpu.vector_store %arg11[%swap3A], %swap3A_995 {strides = array<i32>} : memref<512xf32, #tpu.memory_space<vmem>>, vector<16xf32>,
        } else {
        }
        scf.yield %select_n3A_978 : vector<16xf32>
      }
      %scan3A_208 = arith.constant 16 : i32
      %add3A_209 = arith.constant 1 : i32
      %add3A_210 = arith.addi %scan3A_124, %add3A_209 : i32
      %lt3A_211 = arith.constant 4 : i32
      %lt3A_212 = arith.cmpi slt, %add3A_210, %lt3A_211 : i32
      %convert_element_type3A_213 = arith.extui %lt3A_212 : i1 to i32
      %cond3A_214 = arith.constant 0 : i32
      %cond3A_215 = arith.cmpi ne, %convert_element_type3A_213, %cond3A_214 : i32
      scf.if %cond3A_215 {
        %add3A_310 = arith.constant 1 : i32
        %add3A_311 = arith.addi %mul3A_126, %add3A_310 : i32
        %add3A_312 = arith.constant 4 : i32
        %add3A_313 = arith.addi %add3A_311, %add3A_312 : i32
        %mul3A_314 = arith.constant 32 : i32
        %mul3A_315 = arith.muli %add3A_313, %mul3A_314 : i32
        %multiple_of3A_316 = tpu.assume_multiple %mul3A_315, 32 : i32
        %dma_start3A_317 = arith.constant 1 : i32
        %dma_start3A_318 = arith.constant 0 : i32
        %dma_start3A_319 = arith.constant 1 : i32
        %dma_start3A_320 = arith.constant 0 : i32
        %dma_start3A_321 = arith.constant 0 : i32
        %dma_start3A_322 = tpu.memref_slice %arg9[%dma_start3A_317, %dma_start3A_320, %dma_start3A_321] : memref<4x32x128xf32, #tpu.memory_space<vmem>> -> memref<1x32x128xf32, #tpu.memory_space<vmem>>
        %dma_start3A_323 = tpu.memref_squeeze %dma_start3A_322 : memref<1x32x128xf32, #tpu.memory_space<vmem>> -> memref<32x128xf32, #tpu.memory_space<vmem>>
        %dma_start3A_324 = tpu.memref_slice %arg7[%multiple_of3A_316] : memref<512xi32, #tpu.memory_space<vmem>> -> memref<32xi32, #tpu.memory_space<vmem>>
        %dma_start3A_325 = arith.constant 0 : i32
        %dma_start3A_326 = arith.constant 0 : i32
        %dma_start3A_327 = tpu.memref_slice %arg4[%dma_start3A_325, %dma_start3A_326] : memref<1000000x128xf32, #tpu.memory_space<hbm>> -> memref<1000000x128xf32, #tpu.memory_space<hbm>>
        %dma_start3A_328 = tpu.memref_slice %arg12[%dma_start3A_318, %dma_start3A_319] : memref<2x4x!tpu.dma_semaphore, #tpu.memory_space<semaphore_mem>> -> memref<1x1x!tpu.dma_semaphore, #tpu.memory_space<semaphore_mem>>
        %dma_start3A_329 = tpu.memref_squeeze %dma_start3A_328 : memref<1x1x!tpu.dma_semaphore, #tpu.memory_space<semaphore_mem>> -> memref<!tpu.dma_semaphore, #tpu.memory_space<semaphore_mem>>
        tpu.enqueue_indirect_dma source(%dma_start3A_327 : memref<1000000x128xf32, #tpu.memory_space<hbm>>) target(%dma_start3A_323 : memref<32x128xf32, #tpu.memory_space<vmem>>) offsets(%dma_start3A_324 : memref<32xi32, #tpu.memory_space<vmem>>) semaphore(%dma_start3A_329 : memref<!tpu.dma_semaphore, #tpu.memory_space<semaphore_mem>>)
        %dma_start3A_330 = arith.constant 1 : i32
        %dma_start3A_331 = arith.constant 1 : i32
        %dma_start3A_332 = arith.constant 1 : i32
        %dma_start3A_333 = arith.constant 0 : i32
        %dma_start3A_334 = arith.constant 0 : i32
        %dma_start3A_335 = tpu.memref_slice %arg10[%dma_start3A_330, %dma_start3A_333, %dma_start3A_334] : memref<4x32x128xf32, #tpu.memory_space<vmem>> -> memref<1x32x128xf32, #tpu.memory_space<vmem>>
        %dma_start3A_336 = tpu.memref_squeeze %dma_start3A_335 : memref<1x32x128xf32, #tpu.memory_space<vmem>> -> memref<32x128xf32, #tpu.memory_space<vmem>>
        %dma_start3A_337 = tpu.memref_slice %arg8[%multiple_of3A_316] : memref<512xi32, #tpu.memory_space<vmem>> -> memref<32xi32, #tpu.memory_space<vmem>>
        %dma_start3A_338 = arith.constant 0 : i32
        %dma_start3A_339 = arith.constant 0 : i32
        %dma_start3A_340 = tpu.memref_slice %arg5[%dma_start3A_338, %dma_start3A_339] : memref<1000000x128xf32, #tpu.memory_space<hbm>> -> memref<1000000x128xf32, #tpu.memory_space<hbm>>
        %dma_start3A_341 = tpu.memref_slice %arg12[%dma_start3A_331, %dma_start3A_332] : memref<2x4x!tpu.dma_semaphore, #tpu.memory_space<semaphore_mem>> -> memref<1x1x!tpu.dma_semaphore, #tpu.memory_space<semaphore_mem>>
        %dma_start3A_342 = tpu.memref_squeeze %dma_start3A_341 : memref<1x1x!tpu.dma_semaphore, #tpu.memory_space<semaphore_mem>> -> memref<!tpu.dma_semaphore, #tpu.memory_space<semaphore_mem>>
        tpu.enqueue_indirect_dma source(%dma_start3A_340 : memref<1000000x128xf32, #tpu.memory_space<hbm>>) target(%dma_start3A_336 : memref<32x128xf32, #tpu.memory_space<vmem>>) offsets(%dma_start3A_337 : memref<32xi32, #tpu.memory_space<vmem>>) semaphore(%dma_start3A_342 : memref<!tpu.dma_semaphore, #tpu.memory_space<semaphore_mem>>)
      } else {
      }
      %dma_wait3A_216 = arith.constant 2 : i32
      %dma_wait3A_217 = arith.constant 0 : i32
      %dma_wait3A_218 = arith.constant 2 : i32
      %dma_wait3A_219 = arith.constant 0 : i32
      %dma_wait3A_220 = arith.constant 0 : i32
      %dma_wait3A_221 = tpu.memref_slice %arg9[%dma_wait3A_216, %dma_wait3A_219, %dma_wait3A_220] : memref<4x32x128xf32, #tpu.memory_space<vmem>> -> memref<1x32x128xf32, #tpu.memory_space<vmem>>
      %dma_wait3A_222 = tpu.memref_squeeze %dma_wait3A_221 : memref<1x32x128xf32, #tpu.memory_space<vmem>> -> memref<32x128xf32, #tpu.memory_space<vmem>>
      %dma_wait3A_223 = arith.constant 0 : i32
      %dma_wait3A_224 = tpu.memref_slice %arg7[%dma_wait3A_223] : memref<512xi32, #tpu.memory_space<vmem>> -> memref<32xi32, #tpu.memory_space<vmem>>
      %dma_wait3A_225 = arith.constant 0 : i32
      %dma_wait3A_226 = arith.constant 0 : i32
      %dma_wait3A_227 = tpu.memref_slice %arg4[%dma_wait3A_225, %dma_wait3A_226] : memref<1000000x128xf32, #tpu.memory_space<hbm>> -> memref<1000000x128xf32, #tpu.memory_space<hbm>>
      %dma_wait3A_228 = tpu.memref_slice %arg12[%dma_wait3A_217, %dma_wait3A_218] : memref<2x4x!tpu.dma_semaphore, #tpu.memory_space<semaphore_mem>> -> memref<1x1x!tpu.dma_semaphore, #tpu.memory_space<semaphore_mem>>
      %dma_wait3A_229 = tpu.memref_squeeze %dma_wait3A_228 : memref<1x1x!tpu.dma_semaphore, #tpu.memory_space<semaphore_mem>> -> memref<!tpu.dma_semaphore, #tpu.memory_space<semaphore_mem>>
      tpu.wait_indirect_dma semaphore(%dma_wait3A_229 : memref<!tpu.dma_semaphore, #tpu.memory_space<semaphore_mem>>) src(%dma_wait3A_227 : memref<1000000x128xf32, #tpu.memory_space<hbm>>) dst(%dma_wait3A_222 : memref<32x128xf32, #tpu.memory_space<vmem>>)
      %dma_wait3A_230 = arith.constant 2 : i32
      %dma_wait3A_231 = arith.constant 1 : i32
      %dma_wait3A_232 = arith.constant 2 : i32
      %dma_wait3A_233 = arith.constant 0 : i32
      %dma_wait3A_234 = arith.constant 0 : i32
      %dma_wait3A_235 = tpu.memref_slice %arg10[%dma_wait3A_230, %dma_wait3A_233, %dma_wait3A_234] : memref<4x32x128xf32, #tpu.memory_space<vmem>> -> memref<1x32x128xf32, #tpu.memory_space<vmem>>
      %dma_wait3A_236 = tpu.memref_squeeze %dma_wait3A_235 : memref<1x32x128xf32, #tpu.memory_space<vmem>> -> memref<32x128xf32, #tpu.memory_space<vmem>>
      %dma_wait3A_237 = arith.constant 0 : i32
      %dma_wait3A_238 = tpu.memref_slice %arg8[%dma_wait3A_237] : memref<512xi32, #tpu.memory_space<vmem>> -> memref<32xi32, #tpu.memory_space<vmem>>
      %dma_wait3A_239 = arith.constant 0 : i32
      %dma_wait3A_240 = arith.constant 0 : i32
      %dma_wait3A_241 = tpu.memref_slice %arg5[%dma_wait3A_239, %dma_wait3A_240] : memref<1000000x128xf32, #tpu.memory_space<hbm>> -> memref<1000000x128xf32, #tpu.memory_space<hbm>>
      %dma_wait3A_242 = tpu.memref_slice %arg12[%dma_wait3A_231, %dma_wait3A_232] : memref<2x4x!tpu.dma_semaphore, #tpu.memory_space<semaphore_mem>> -> memref<1x1x!tpu.dma_semaphore, #tpu.memory_space<semaphore_mem>>
      %dma_wait3A_243 = tpu.memref_squeeze %dma_wait3A_242 : memref<1x1x!tpu.dma_semaphore, #tpu.memory_space<semaphore_mem>> -> memref<!tpu.dma_semaphore, #tpu.memory_space<semaphore_mem>>
      tpu.wait_indirect_dma semaphore(%dma_wait3A_243 : memref<!tpu.dma_semaphore, #tpu.memory_space<semaphore_mem>>) src(%dma_wait3A_241 : memref<1000000x128xf32, #tpu.memory_space<hbm>>) dst(%dma_wait3A_236 : memref<32x128xf32, #tpu.memory_space<vmem>>)
      %add3A_244 = arith.constant 2 : i32
      %add3A_245 = arith.addi %mul3A_126, %add3A_244 : i32
      %broadcast_in_dim3A_246 = arith.constant 0.000000e+00 : f32
      %broadcast_in_dim3A_247 = vector.broadcast %broadcast_in_dim3A_246 : f32 to vector<16xf32>
      %scan3A_248 = arith.constant 2 : i32
      %scan3A_249 = arith.constant 2 : i32
      %scan3A_250 = arith.constant 0 : i32
      %scan3A_251 = arith.constant 16 : i32
      %scan3A_252 = arith.addi %scan3A_250, %scan3A_251 : i32
      %scan3A_253 = arith.constant 2 : i32
      %scan3A_254 = scf.for %scan3A_310 = %scan3A_250 to %scan3A_252 step %scan3A_253 iter_args(%scan3A_311 = %broadcast_in_dim3A_247) -> (vector<16xf32>)  : i32 {
        %mul3A_312 = arith.constant 2 : i32
        %mul3A_313 = arith.muli %scan3A_310, %mul3A_312 : i32
        %get3A = arith.constant 0 : i32
        %get3A_314 = arith.constant 0 : i32
        %get3A_315 = tpu.memref_slice %arg9[%scan3A_248, %get3A, %get3A_314] : memref<4x32x128xf32, #tpu.memory_space<vmem>> -> memref<1x32x128xf32, #tpu.memory_space<vmem>>
        %get3A_316 = tpu.memref_squeeze %get3A_315 : memref<1x32x128xf32, #tpu.memory_space<vmem>> -> memref<32x128xf32, #tpu.memory_space<vmem>>
        %get3A_317 = arith.index_cast %mul3A_313 : i32 to index
        %get3A_318 = arith.constant 0 : index
        %get3A_319 = tpu.vector_load %get3A_316[%get3A_317, %get3A_318] {strides = array<i32>} : memref<32x128xf32, #tpu.memory_space<vmem>>, vector<1x16xf32>,
        %get3A_320 = vector.shape_cast %get3A_319 : vector<1x16xf32> to vector<16xf32>
        %get3A_321 = arith.constant 0 : i32
        %get3A_322 = arith.constant 0 : i32
        %get3A_323 = tpu.memref_slice %arg10[%scan3A_249, %get3A_321, %get3A_322] : memref<4x32x128xf32, #tpu.memory_space<vmem>> -> memref<1x32x128xf32, #tpu.memory_space<vmem>>
        %get3A_324 = tpu.memref_squeeze %get3A_323 : memref<1x32x128xf32, #tpu.memory_space<vmem>> -> memref<32x128xf32, #tpu.memory_space<vmem>>
        %get3A_325 = arith.index_cast %mul3A_313 : i32 to index
        %get3A_326 = arith.constant 0 : index
        %get3A_327 = tpu.vector_load %get3A_324[%get3A_325, %get3A_326] {strides = array<i32>} : memref<32x128xf32, #tpu.memory_space<vmem>>, vector<1x16xf32>,
        %get3A_328 = vector.shape_cast %get3A_327 : vector<1x16xf32> to vector<16xf32>
        %mul3A_329 = arith.mulf %get3A_320, %get3A_328 : vector<16xf32>
        %get3A_330 = arith.constant 0 : i32
        %get3A_331 = arith.constant 0 : i32
        %get3A_332 = tpu.memref_slice %arg9[%scan3A_248, %get3A_330, %get3A_331] : memref<4x32x128xf32, #tpu.memory_space<vmem>> -> memref<1x32x128xf32, #tpu.memory_space<vmem>>
        %get3A_333 = tpu.memref_squeeze %get3A_332 : memref<1x32x128xf32, #tpu.memory_space<vmem>> -> memref<32x128xf32, #tpu.memory_space<vmem>>
        %get3A_334 = arith.index_cast %mul3A_313 : i32 to index
        %get3A_335 = arith.constant 16 : index
        %get3A_336 = tpu.vector_load %get3A_333[%get3A_334, %get3A_335] {strides = array<i32>} : memref<32x128xf32, #tpu.memory_space<vmem>>, vector<1x16xf32>,
        %get3A_337 = vector.shape_cast %get3A_336 : vector<1x16xf32> to vector<16xf32>
        %get3A_338 = arith.constant 0 : i32
        %get3A_339 = arith.constant 0 : i32
        %get3A_340 = tpu.memref_slice %arg10[%scan3A_249, %get3A_338, %get3A_339] : memref<4x32x128xf32, #tpu.memory_space<vmem>> -> memref<1x32x128xf32, #tpu.memory_space<vmem>>
        %get3A_341 = tpu.memref_squeeze %get3A_340 : memref<1x32x128xf32, #tpu.memory_space<vmem>> -> memref<32x128xf32, #tpu.memory_space<vmem>>
        %get3A_342 = arith.index_cast %mul3A_313 : i32 to index
        %get3A_343 = arith.constant 16 : index
        %get3A_344 = tpu.vector_load %get3A_341[%get3A_342, %get3A_343] {strides = array<i32>} : memref<32x128xf32, #tpu.memory_space<vmem>>, vector<1x16xf32>,
        %get3A_345 = vector.shape_cast %get3A_344 : vector<1x16xf32> to vector<16xf32>
        %mul3A_346 = arith.mulf %get3A_337, %get3A_345 : vector<16xf32>
        %add3A_347 = arith.addf %mul3A_329, %mul3A_346 : vector<16xf32>
        %get3A_348 = arith.constant 0 : i32
        %get3A_349 = arith.constant 0 : i32
        %get3A_350 = tpu.memref_slice %arg9[%scan3A_248, %get3A_348, %get3A_349] : memref<4x32x128xf32, #tpu.memory_space<vmem>> -> memref<1x32x128xf32, #tpu.memory_space<vmem>>
        %get3A_351 = tpu.memref_squeeze %get3A_350 : memref<1x32x128xf32, #tpu.memory_space<vmem>> -> memref<32x128xf32, #tpu.memory_space<vmem>>
        %get3A_352 = arith.index_cast %mul3A_313 : i32 to index
        %get3A_353 = arith.constant 32 : index
        %get3A_354 = tpu.vector_load %get3A_351[%get3A_352, %get3A_353] {strides = array<i32>} : memref<32x128xf32, #tpu.memory_space<vmem>>, vector<1x16xf32>,
        %get3A_355 = vector.shape_cast %get3A_354 : vector<1x16xf32> to vector<16xf32>
        %get3A_356 = arith.constant 0 : i32
        %get3A_357 = arith.constant 0 : i32
        %get3A_358 = tpu.memref_slice %arg10[%scan3A_249, %get3A_356, %get3A_357] : memref<4x32x128xf32, #tpu.memory_space<vmem>> -> memref<1x32x128xf32, #tpu.memory_space<vmem>>
        %get3A_359 = tpu.memref_squeeze %get3A_358 : memref<1x32x128xf32, #tpu.memory_space<vmem>> -> memref<32x128xf32, #tpu.memory_space<vmem>>
        %get3A_360 = arith.index_cast %mul3A_313 : i32 to index
        %get3A_361 = arith.constant 32 : index
        %get3A_362 = tpu.vector_load %get3A_359[%get3A_360, %get3A_361] {strides = array<i32>} : memref<32x128xf32, #tpu.memory_space<vmem>>, vector<1x16xf32>,
        %get3A_363 = vector.shape_cast %get3A_362 : vector<1x16xf32> to vector<16xf32>
        %mul3A_364 = arith.mulf %get3A_355, %get3A_363 : vector<16xf32>
        %add3A_365 = arith.addf %add3A_347, %mul3A_364 : vector<16xf32>
        %get3A_366 = arith.constant 0 : i32
        %get3A_367 = arith.constant 0 : i32
        %get3A_368 = tpu.memref_slice %arg9[%scan3A_248, %get3A_366, %get3A_367] : memref<4x32x128xf32, #tpu.memory_space<vmem>> -> memref<1x32x128xf32, #tpu.memory_space<vmem>>
        %get3A_369 = tpu.memref_squeeze %get3A_368 : memref<1x32x128xf32, #tpu.memory_space<vmem>> -> memref<32x128xf32, #tpu.memory_space<vmem>>
        %get3A_370 = arith.index_cast %mul3A_313 : i32 to index
        %get3A_371 = arith.constant 48 : index
        %get3A_372 = tpu.vector_load %get3A_369[%get3A_370, %get3A_371] {strides = array<i32>} : memref<32x128xf32, #tpu.memory_space<vmem>>, vector<1x16xf32>,
        %get3A_373 = vector.shape_cast %get3A_372 : vector<1x16xf32> to vector<16xf32>
        %get3A_374 = arith.constant 0 : i32
        %get3A_375 = arith.constant 0 : i32
        %get3A_376 = tpu.memref_slice %arg10[%scan3A_249, %get3A_374, %get3A_375] : memref<4x32x128xf32, #tpu.memory_space<vmem>> -> memref<1x32x128xf32, #tpu.memory_space<vmem>>
        %get3A_377 = tpu.memref_squeeze %get3A_376 : memref<1x32x128xf32, #tpu.memory_space<vmem>> -> memref<32x128xf32, #tpu.memory_space<vmem>>
        %get3A_378 = arith.index_cast %mul3A_313 : i32 to index
        %get3A_379 = arith.constant 48 : index
        %get3A_380 = tpu.vector_load %get3A_377[%get3A_378, %get3A_379] {strides = array<i32>} : memref<32x128xf32, #tpu.memory_space<vmem>>, vector<1x16xf32>,
        %get3A_381 = vector.shape_cast %get3A_380 : vector<1x16xf32> to vector<16xf32>
        %mul3A_382 = arith.mulf %get3A_373, %get3A_381 : vector<16xf32>
        %add3A_383 = arith.addf %add3A_365, %mul3A_382 : vector<16xf32>
        %get3A_384 = arith.constant 0 : i32
        %get3A_385 = arith.constant 0 : i32
        %get3A_386 = tpu.memref_slice %arg9[%scan3A_248, %get3A_384, %get3A_385] : memref<4x32x128xf32, #tpu.memory_space<vmem>> -> memref<1x32x128xf32, #tpu.memory_space<vmem>>
        %get3A_387 = tpu.memref_squeeze %get3A_386 : memref<1x32x128xf32, #tpu.memory_space<vmem>> -> memref<32x128xf32, #tpu.memory_space<vmem>>
        %get3A_388 = arith.index_cast %mul3A_313 : i32 to index
        %get3A_389 = arith.constant 64 : index
        %get3A_390 = tpu.vector_load %get3A_387[%get3A_388, %get3A_389] {strides = array<i32>} : memref<32x128xf32, #tpu.memory_space<vmem>>, vector<1x16xf32>,
        %get3A_391 = vector.shape_cast %get3A_390 : vector<1x16xf32> to vector<16xf32>
        %get3A_392 = arith.constant 0 : i32
        %get3A_393 = arith.constant 0 : i32
        %get3A_394 = tpu.memref_slice %arg10[%scan3A_249, %get3A_392, %get3A_393] : memref<4x32x128xf32, #tpu.memory_space<vmem>> -> memref<1x32x128xf32, #tpu.memory_space<vmem>>
        %get3A_395 = tpu.memref_squeeze %get3A_394 : memref<1x32x128xf32, #tpu.memory_space<vmem>> -> memref<32x128xf32, #tpu.memory_space<vmem>>
        %get3A_396 = arith.index_cast %mul3A_313 : i32 to index
        %get3A_397 = arith.constant 64 : index
        %get3A_398 = tpu.vector_load %get3A_395[%get3A_396, %get3A_397] {strides = array<i32>} : memref<32x128xf32, #tpu.memory_space<vmem>>, vector<1x16xf32>,
        %get3A_399 = vector.shape_cast %get3A_398 : vector<1x16xf32> to vector<16xf32>
        %mul3A_400 = arith.mulf %get3A_391, %get3A_399 : vector<16xf32>
        %add3A_401 = arith.addf %add3A_383, %mul3A_400 : vector<16xf32>
        %get3A_402 = arith.constant 0 : i32
        %get3A_403 = arith.constant 0 : i32
        %get3A_404 = tpu.memref_slice %arg9[%scan3A_248, %get3A_402, %get3A_403] : memref<4x32x128xf32, #tpu.memory_space<vmem>> -> memref<1x32x128xf32, #tpu.memory_space<vmem>>
        %get3A_405 = tpu.memref_squeeze %get3A_404 : memref<1x32x128xf32, #tpu.memory_space<vmem>> -> memref<32x128xf32, #tpu.memory_space<vmem>>
        %get3A_406 = arith.index_cast %mul3A_313 : i32 to index
        %get3A_407 = arith.constant 80 : index
        %get3A_408 = tpu.vector_load %get3A_405[%get3A_406, %get3A_407] {strides = array<i32>} : memref<32x128xf32, #tpu.memory_space<vmem>>, vector<1x16xf32>,
        %get3A_409 = vector.shape_cast %get3A_408 : vector<1x16xf32> to vector<16xf32>
        %get3A_410 = arith.constant 0 : i32
        %get3A_411 = arith.constant 0 : i32
        %get3A_412 = tpu.memref_slice %arg10[%scan3A_249, %get3A_410, %get3A_411] : memref<4x32x128xf32, #tpu.memory_space<vmem>> -> memref<1x32x128xf32, #tpu.memory_space<vmem>>
        %get3A_413 = tpu.memref_squeeze %get3A_412 : memref<1x32x128xf32, #tpu.memory_space<vmem>> -> memref<32x128xf32, #tpu.memory_space<vmem>>
        %get3A_414 = arith.index_cast %mul3A_313 : i32 to index
        %get3A_415 = arith.constant 80 : index
        %get3A_416 = tpu.vector_load %get3A_413[%get3A_414, %get3A_415] {strides = array<i32>} : memref<32x128xf32, #tpu.memory_space<vmem>>, vector<1x16xf32>,
        %get3A_417 = vector.shape_cast %get3A_416 : vector<1x16xf32> to vector<16xf32>
        %mul3A_418 = arith.mulf %get3A_409, %get3A_417 : vector<16xf32>
        %add3A_419 = arith.addf %add3A_401, %mul3A_418 : vector<16xf32>
        %get3A_420 = arith.constant 0 : i32
        %get3A_421 = arith.constant 0 : i32
        %get3A_422 = tpu.memref_slice %arg9[%scan3A_248, %get3A_420, %get3A_421] : memref<4x32x128xf32, #tpu.memory_space<vmem>> -> memref<1x32x128xf32, #tpu.memory_space<vmem>>
        %get3A_423 = tpu.memref_squeeze %get3A_422 : memref<1x32x128xf32, #tpu.memory_space<vmem>> -> memref<32x128xf32, #tpu.memory_space<vmem>>
        %get3A_424 = arith.index_cast %mul3A_313 : i32 to index
        %get3A_425 = arith.constant 96 : index
        %get3A_426 = tpu.vector_load %get3A_423[%get3A_424, %get3A_425] {strides = array<i32>} : memref<32x128xf32, #tpu.memory_space<vmem>>, vector<1x16xf32>,
        %get3A_427 = vector.shape_cast %get3A_426 : vector<1x16xf32> to vector<16xf32>
        %get3A_428 = arith.constant 0 : i32
        %get3A_429 = arith.constant 0 : i32
        %get3A_430 = tpu.memref_slice %arg10[%scan3A_249, %get3A_428, %get3A_429] : memref<4x32x128xf32, #tpu.memory_space<vmem>> -> memref<1x32x128xf32, #tpu.memory_space<vmem>>
        %get3A_431 = tpu.memref_squeeze %get3A_430 : memref<1x32x128xf32, #tpu.memory_space<vmem>> -> memref<32x128xf32, #tpu.memory_space<vmem>>
        %get3A_432 = arith.index_cast %mul3A_313 : i32 to index
        %get3A_433 = arith.constant 96 : index
        %get3A_434 = tpu.vector_load %get3A_431[%get3A_432, %get3A_433] {strides = array<i32>} : memref<32x128xf32, #tpu.memory_space<vmem>>, vector<1x16xf32>,
        %get3A_435 = vector.shape_cast %get3A_434 : vector<1x16xf32> to vector<16xf32>
        %mul3A_436 = arith.mulf %get3A_427, %get3A_435 : vector<16xf32>
        %add3A_437 = arith.addf %add3A_419, %mul3A_436 : vector<16xf32>
        %get3A_438 = arith.constant 0 : i32
        %get3A_439 = arith.constant 0 : i32
        %get3A_440 = tpu.memref_slice %arg9[%scan3A_248, %get3A_438, %get3A_439] : memref<4x32x128xf32, #tpu.memory_space<vmem>> -> memref<1x32x128xf32, #tpu.memory_space<vmem>>
        %get3A_441 = tpu.memref_squeeze %get3A_440 : memref<1x32x128xf32, #tpu.memory_space<vmem>> -> memref<32x128xf32, #tpu.memory_space<vmem>>
        %get3A_442 = arith.index_cast %mul3A_313 : i32 to index
        %get3A_443 = arith.constant 112 : index
        %get3A_444 = tpu.vector_load %get3A_441[%get3A_442, %get3A_443] {strides = array<i32>} : memref<32x128xf32, #tpu.memory_space<vmem>>, vector<1x16xf32>,
        %get3A_445 = vector.shape_cast %get3A_444 : vector<1x16xf32> to vector<16xf32>
        %get3A_446 = arith.constant 0 : i32
        %get3A_447 = arith.constant 0 : i32
        %get3A_448 = tpu.memref_slice %arg10[%scan3A_249, %get3A_446, %get3A_447] : memref<4x32x128xf32, #tpu.memory_space<vmem>> -> memref<1x32x128xf32, #tpu.memory_space<vmem>>
        %get3A_449 = tpu.memref_squeeze %get3A_448 : memref<1x32x128xf32, #tpu.memory_space<vmem>> -> memref<32x128xf32, #tpu.memory_space<vmem>>
        %get3A_450 = arith.index_cast %mul3A_313 : i32 to index
        %get3A_451 = arith.constant 112 : index
        %get3A_452 = tpu.vector_load %get3A_449[%get3A_450, %get3A_451] {strides = array<i32>} : memref<32x128xf32, #tpu.memory_space<vmem>>, vector<1x16xf32>,
        %get3A_453 = vector.shape_cast %get3A_452 : vector<1x16xf32> to vector<16xf32>
        %mul3A_454 = arith.mulf %get3A_445, %get3A_453 : vector<16xf32>
        %add3A_455 = arith.addf %add3A_437, %mul3A_454 : vector<16xf32>
        %add3A_456 = arith.constant 1 : i32
        %add3A_457 = arith.addi %mul3A_313, %add3A_456 : i32
        %get3A_458 = arith.constant 0 : i32
        %get3A_459 = arith.constant 0 : i32
        %get3A_460 = tpu.memref_slice %arg9[%scan3A_248, %get3A_458, %get3A_459] : memref<4x32x128xf32, #tpu.memory_space<vmem>> -> memref<1x32x128xf32, #tpu.memory_space<vmem>>
        %get3A_461 = tpu.memref_squeeze %get3A_460 : memref<1x32x128xf32, #tpu.memory_space<vmem>> -> memref<32x128xf32, #tpu.memory_space<vmem>>
        %get3A_462 = arith.index_cast %add3A_457 : i32 to index
        %get3A_463 = arith.constant 0 : index
        %get3A_464 = tpu.vector_load %get3A_461[%get3A_462, %get3A_463] {strides = array<i32>} : memref<32x128xf32, #tpu.memory_space<vmem>>, vector<1x16xf32>,
        %get3A_465 = vector.shape_cast %get3A_464 : vector<1x16xf32> to vector<16xf32>
        %get3A_466 = arith.constant 0 : i32
        %get3A_467 = arith.constant 0 : i32
        %get3A_468 = tpu.memref_slice %arg10[%scan3A_249, %get3A_466, %get3A_467] : memref<4x32x128xf32, #tpu.memory_space<vmem>> -> memref<1x32x128xf32, #tpu.memory_space<vmem>>
        %get3A_469 = tpu.memref_squeeze %get3A_468 : memref<1x32x128xf32, #tpu.memory_space<vmem>> -> memref<32x128xf32, #tpu.memory_space<vmem>>
        %get3A_470 = arith.index_cast %add3A_457 : i32 to index
        %get3A_471 = arith.constant 0 : index
        %get3A_472 = tpu.vector_load %get3A_469[%get3A_470, %get3A_471] {strides = array<i32>} : memref<32x128xf32, #tpu.memory_space<vmem>>, vector<1x16xf32>,
        %get3A_473 = vector.shape_cast %get3A_472 : vector<1x16xf32> to vector<16xf32>
        %mul3A_474 = arith.mulf %get3A_465, %get3A_473 : vector<16xf32>
        %get3A_475 = arith.constant 0 : i32
        %get3A_476 = arith.constant 0 : i32
        %get3A_477 = tpu.memref_slice %arg9[%scan3A_248, %get3A_475, %get3A_476] : memref<4x32x128xf32, #tpu.memory_space<vmem>> -> memref<1x32x128xf32, #tpu.memory_space<vmem>>
        %get3A_478 = tpu.memref_squeeze %get3A_477 : memref<1x32x128xf32, #tpu.memory_space<vmem>> -> memref<32x128xf32, #tpu.memory_space<vmem>>
        %get3A_479 = arith.index_cast %add3A_457 : i32 to index
        %get3A_480 = arith.constant 16 : index
        %get3A_481 = tpu.vector_load %get3A_478[%get3A_479, %get3A_480] {strides = array<i32>} : memref<32x128xf32, #tpu.memory_space<vmem>>, vector<1x16xf32>,
        %get3A_482 = vector.shape_cast %get3A_481 : vector<1x16xf32> to vector<16xf32>
        %get3A_483 = arith.constant 0 : i32
        %get3A_484 = arith.constant 0 : i32
        %get3A_485 = tpu.memref_slice %arg10[%scan3A_249, %get3A_483, %get3A_484] : memref<4x32x128xf32, #tpu.memory_space<vmem>> -> memref<1x32x128xf32, #tpu.memory_space<vmem>>
        %get3A_486 = tpu.memref_squeeze %get3A_485 : memref<1x32x128xf32, #tpu.memory_space<vmem>> -> memref<32x128xf32, #tpu.memory_space<vmem>>
        %get3A_487 = arith.index_cast %add3A_457 : i32 to index
        %get3A_488 = arith.constant 16 : index
        %get3A_489 = tpu.vector_load %get3A_486[%get3A_487, %get3A_488] {strides = array<i32>} : memref<32x128xf32, #tpu.memory_space<vmem>>, vector<1x16xf32>,
        %get3A_490 = vector.shape_cast %get3A_489 : vector<1x16xf32> to vector<16xf32>
        %mul3A_491 = arith.mulf %get3A_482, %get3A_490 : vector<16xf32>
        %add3A_492 = arith.addf %mul3A_474, %mul3A_491 : vector<16xf32>
        %get3A_493 = arith.constant 0 : i32
        %get3A_494 = arith.constant 0 : i32
        %get3A_495 = tpu.memref_slice %arg9[%scan3A_248, %get3A_493, %get3A_494] : memref<4x32x128xf32, #tpu.memory_space<vmem>> -> memref<1x32x128xf32, #tpu.memory_space<vmem>>
        %get3A_496 = tpu.memref_squeeze %get3A_495 : memref<1x32x128xf32, #tpu.memory_space<vmem>> -> memref<32x128xf32, #tpu.memory_space<vmem>>
        %get3A_497 = arith.index_cast %add3A_457 : i32 to index
        %get3A_498 = arith.constant 32 : index
        %get3A_499 = tpu.vector_load %get3A_496[%get3A_497, %get3A_498] {strides = array<i32>} : memref<32x128xf32, #tpu.memory_space<vmem>>, vector<1x16xf32>,
        %get3A_500 = vector.shape_cast %get3A_499 : vector<1x16xf32> to vector<16xf32>
        %get3A_501 = arith.constant 0 : i32
        %get3A_502 = arith.constant 0 : i32
        %get3A_503 = tpu.memref_slice %arg10[%scan3A_249, %get3A_501, %get3A_502] : memref<4x32x128xf32, #tpu.memory_space<vmem>> -> memref<1x32x128xf32, #tpu.memory_space<vmem>>
        %get3A_504 = tpu.memref_squeeze %get3A_503 : memref<1x32x128xf32, #tpu.memory_space<vmem>> -> memref<32x128xf32, #tpu.memory_space<vmem>>
        %get3A_505 = arith.index_cast %add3A_457 : i32 to index
        %get3A_506 = arith.constant 32 : index
        %get3A_507 = tpu.vector_load %get3A_504[%get3A_505, %get3A_506] {strides = array<i32>} : memref<32x128xf32, #tpu.memory_space<vmem>>, vector<1x16xf32>,
        %get3A_508 = vector.shape_cast %get3A_507 : vector<1x16xf32> to vector<16xf32>
        %mul3A_509 = arith.mulf %get3A_500, %get3A_508 : vector<16xf32>
        %add3A_510 = arith.addf %add3A_492, %mul3A_509 : vector<16xf32>
        %get3A_511 = arith.constant 0 : i32
        %get3A_512 = arith.constant 0 : i32
        %get3A_513 = tpu.memref_slice %arg9[%scan3A_248, %get3A_511, %get3A_512] : memref<4x32x128xf32, #tpu.memory_space<vmem>> -> memref<1x32x128xf32, #tpu.memory_space<vmem>>
        %get3A_514 = tpu.memref_squeeze %get3A_513 : memref<1x32x128xf32, #tpu.memory_space<vmem>> -> memref<32x128xf32, #tpu.memory_space<vmem>>
        %get3A_515 = arith.index_cast %add3A_457 : i32 to index
        %get3A_516 = arith.constant 48 : index
        %get3A_517 = tpu.vector_load %get3A_514[%get3A_515, %get3A_516] {strides = array<i32>} : memref<32x128xf32, #tpu.memory_space<vmem>>, vector<1x16xf32>,
        %get3A_518 = vector.shape_cast %get3A_517 : vector<1x16xf32> to vector<16xf32>
        %get3A_519 = arith.constant 0 : i32
        %get3A_520 = arith.constant 0 : i32
        %get3A_521 = tpu.memref_slice %arg10[%scan3A_249, %get3A_519, %get3A_520] : memref<4x32x128xf32, #tpu.memory_space<vmem>> -> memref<1x32x128xf32, #tpu.memory_space<vmem>>
        %get3A_522 = tpu.memref_squeeze %get3A_521 : memref<1x32x128xf32, #tpu.memory_space<vmem>> -> memref<32x128xf32, #tpu.memory_space<vmem>>
        %get3A_523 = arith.index_cast %add3A_457 : i32 to index
        %get3A_524 = arith.constant 48 : index
        %get3A_525 = tpu.vector_load %get3A_522[%get3A_523, %get3A_524] {strides = array<i32>} : memref<32x128xf32, #tpu.memory_space<vmem>>, vector<1x16xf32>,
        %get3A_526 = vector.shape_cast %get3A_525 : vector<1x16xf32> to vector<16xf32>
        %mul3A_527 = arith.mulf %get3A_518, %get3A_526 : vector<16xf32>
        %add3A_528 = arith.addf %add3A_510, %mul3A_527 : vector<16xf32>
        %get3A_529 = arith.constant 0 : i32
        %get3A_530 = arith.constant 0 : i32
        %get3A_531 = tpu.memref_slice %arg9[%scan3A_248, %get3A_529, %get3A_530] : memref<4x32x128xf32, #tpu.memory_space<vmem>> -> memref<1x32x128xf32, #tpu.memory_space<vmem>>
        %get3A_532 = tpu.memref_squeeze %get3A_531 : memref<1x32x128xf32, #tpu.memory_space<vmem>> -> memref<32x128xf32, #tpu.memory_space<vmem>>
        %get3A_533 = arith.index_cast %add3A_457 : i32 to index
        %get3A_534 = arith.constant 64 : index
        %get3A_535 = tpu.vector_load %get3A_532[%get3A_533, %get3A_534] {strides = array<i32>} : memref<32x128xf32, #tpu.memory_space<vmem>>, vector<1x16xf32>,
        %get3A_536 = vector.shape_cast %get3A_535 : vector<1x16xf32> to vector<16xf32>
        %get3A_537 = arith.constant 0 : i32
        %get3A_538 = arith.constant 0 : i32
        %get3A_539 = tpu.memref_slice %arg10[%scan3A_249, %get3A_537, %get3A_538] : memref<4x32x128xf32, #tpu.memory_space<vmem>> -> memref<1x32x128xf32, #tpu.memory_space<vmem>>
        %get3A_540 = tpu.memref_squeeze %get3A_539 : memref<1x32x128xf32, #tpu.memory_space<vmem>> -> memref<32x128xf32, #tpu.memory_space<vmem>>
        %get3A_541 = arith.index_cast %add3A_457 : i32 to index
        %get3A_542 = arith.constant 64 : index
        %get3A_543 = tpu.vector_load %get3A_540[%get3A_541, %get3A_542] {strides = array<i32>} : memref<32x128xf32, #tpu.memory_space<vmem>>, vector<1x16xf32>,
        %get3A_544 = vector.shape_cast %get3A_543 : vector<1x16xf32> to vector<16xf32>
        %mul3A_545 = arith.mulf %get3A_536, %get3A_544 : vector<16xf32>
        %add3A_546 = arith.addf %add3A_528, %mul3A_545 : vector<16xf32>
        %get3A_547 = arith.constant 0 : i32
        %get3A_548 = arith.constant 0 : i32
        %get3A_549 = tpu.memref_slice %arg9[%scan3A_248, %get3A_547, %get3A_548] : memref<4x32x128xf32, #tpu.memory_space<vmem>> -> memref<1x32x128xf32, #tpu.memory_space<vmem>>
        %get3A_550 = tpu.memref_squeeze %get3A_549 : memref<1x32x128xf32, #tpu.memory_space<vmem>> -> memref<32x128xf32, #tpu.memory_space<vmem>>
        %get3A_551 = arith.index_cast %add3A_457 : i32 to index
        %get3A_552 = arith.constant 80 : index
        %get3A_553 = tpu.vector_load %get3A_550[%get3A_551, %get3A_552] {strides = array<i32>} : memref<32x128xf32, #tpu.memory_space<vmem>>, vector<1x16xf32>,
        %get3A_554 = vector.shape_cast %get3A_553 : vector<1x16xf32> to vector<16xf32>
        %get3A_555 = arith.constant 0 : i32
        %get3A_556 = arith.constant 0 : i32
        %get3A_557 = tpu.memref_slice %arg10[%scan3A_249, %get3A_555, %get3A_556] : memref<4x32x128xf32, #tpu.memory_space<vmem>> -> memref<1x32x128xf32, #tpu.memory_space<vmem>>
        %get3A_558 = tpu.memref_squeeze %get3A_557 : memref<1x32x128xf32, #tpu.memory_space<vmem>> -> memref<32x128xf32, #tpu.memory_space<vmem>>
        %get3A_559 = arith.index_cast %add3A_457 : i32 to index
        %get3A_560 = arith.constant 80 : index
        %get3A_561 = tpu.vector_load %get3A_558[%get3A_559, %get3A_560] {strides = array<i32>} : memref<32x128xf32, #tpu.memory_space<vmem>>, vector<1x16xf32>,
        %get3A_562 = vector.shape_cast %get3A_561 : vector<1x16xf32> to vector<16xf32>
        %mul3A_563 = arith.mulf %get3A_554, %get3A_562 : vector<16xf32>
        %add3A_564 = arith.addf %add3A_546, %mul3A_563 : vector<16xf32>
        %get3A_565 = arith.constant 0 : i32
        %get3A_566 = arith.constant 0 : i32
        %get3A_567 = tpu.memref_slice %arg9[%scan3A_248, %get3A_565, %get3A_566] : memref<4x32x128xf32, #tpu.memory_space<vmem>> -> memref<1x32x128xf32, #tpu.memory_space<vmem>>
        %get3A_568 = tpu.memref_squeeze %get3A_567 : memref<1x32x128xf32, #tpu.memory_space<vmem>> -> memref<32x128xf32, #tpu.memory_space<vmem>>
        %get3A_569 = arith.index_cast %add3A_457 : i32 to index
        %get3A_570 = arith.constant 96 : index
        %get3A_571 = tpu.vector_load %get3A_568[%get3A_569, %get3A_570] {strides = array<i32>} : memref<32x128xf32, #tpu.memory_space<vmem>>, vector<1x16xf32>,
        %get3A_572 = vector.shape_cast %get3A_571 : vector<1x16xf32> to vector<16xf32>
        %get3A_573 = arith.constant 0 : i32
        %get3A_574 = arith.constant 0 : i32
        %get3A_575 = tpu.memref_slice %arg10[%scan3A_249, %get3A_573, %get3A_574] : memref<4x32x128xf32, #tpu.memory_space<vmem>> -> memref<1x32x128xf32, #tpu.memory_space<vmem>>
        %get3A_576 = tpu.memref_squeeze %get3A_575 : memref<1x32x128xf32, #tpu.memory_space<vmem>> -> memref<32x128xf32, #tpu.memory_space<vmem>>
        %get3A_577 = arith.index_cast %add3A_457 : i32 to index
        %get3A_578 = arith.constant 96 : index
        %get3A_579 = tpu.vector_load %get3A_576[%get3A_577, %get3A_578] {strides = array<i32>} : memref<32x128xf32, #tpu.memory_space<vmem>>, vector<1x16xf32>,
        %get3A_580 = vector.shape_cast %get3A_579 : vector<1x16xf32> to vector<16xf32>
        %mul3A_581 = arith.mulf %get3A_572, %get3A_580 : vector<16xf32>
        %add3A_582 = arith.addf %add3A_564, %mul3A_581 : vector<16xf32>
        %get3A_583 = arith.constant 0 : i32
        %get3A_584 = arith.constant 0 : i32
        %get3A_585 = tpu.memref_slice %arg9[%scan3A_248, %get3A_583, %get3A_584] : memref<4x32x128xf32, #tpu.memory_space<vmem>> -> memref<1x32x128xf32, #tpu.memory_space<vmem>>
        %get3A_586 = tpu.memref_squeeze %get3A_585 : memref<1x32x128xf32, #tpu.memory_space<vmem>> -> memref<32x128xf32, #tpu.memory_space<vmem>>
        %get3A_587 = arith.index_cast %add3A_457 : i32 to index
        %get3A_588 = arith.constant 112 : index
        %get3A_589 = tpu.vector_load %get3A_586[%get3A_587, %get3A_588] {strides = array<i32>} : memref<32x128xf32, #tpu.memory_space<vmem>>, vector<1x16xf32>,
        %get3A_590 = vector.shape_cast %get3A_589 : vector<1x16xf32> to vector<16xf32>
        %get3A_591 = arith.constant 0 : i32
        %get3A_592 = arith.constant 0 : i32
        %get3A_593 = tpu.memref_slice %arg10[%scan3A_249, %get3A_591, %get3A_592] : memref<4x32x128xf32, #tpu.memory_space<vmem>> -> memref<1x32x128xf32, #tpu.memory_space<vmem>>
        %get3A_594 = tpu.memref_squeeze %get3A_593 : memref<1x32x128xf32, #tpu.memory_space<vmem>> -> memref<32x128xf32, #tpu.memory_space<vmem>>
        %get3A_595 = arith.index_cast %add3A_457 : i32 to index
        %get3A_596 = arith.constant 112 : index
        %get3A_597 = tpu.vector_load %get3A_594[%get3A_595, %get3A_596] {strides = array<i32>} : memref<32x128xf32, #tpu.memory_space<vmem>>, vector<1x16xf32>,
        %get3A_598 = vector.shape_cast %get3A_597 : vector<1x16xf32> to vector<16xf32>
        %mul3A_599 = arith.mulf %get3A_590, %get3A_598 : vector<16xf32>
        %add3A_600 = arith.addf %add3A_582, %mul3A_599 : vector<16xf32>
        %xor3A = arith.constant 1 : i32
        %xor3A_601 = vector.broadcast %xor3A : i32 to vector<16xi32>
        %xor3A_602 = arith.xori %iota3A, %xor3A_601 : vector<16xi32>
        %broadcast_in_dim3A_603 = vector.shape_cast %xor3A_602 : vector<16xi32> to vector<16x1xi32>
        %gather3A = vector.shape_cast %broadcast_in_dim3A_603 : vector<16x1xi32> to vector<16xi32>
        %gather3A_604 = tpu.dynamic_gather %add3A_600[%gather3A] in [0] : vector<16xf32>, vector<16xi32> -> vector<16xf32>
        %select_n3A = arith.select %eq3A_6, %add3A_455, %gather3A_604 : vector<16xi1>, vector<16xf32>
        %xor3A_605 = arith.constant 1 : i32
        %xor3A_606 = vector.broadcast %xor3A_605 : i32 to vector<16xi32>
        %xor3A_607 = arith.xori %iota3A, %xor3A_606 : vector<16xi32>
        %broadcast_in_dim3A_608 = vector.shape_cast %xor3A_607 : vector<16xi32> to vector<16x1xi32>
        %gather3A_609 = vector.shape_cast %broadcast_in_dim3A_608 : vector<16x1xi32> to vector<16xi32>
        %gather3A_610 = tpu.dynamic_gather %add3A_455[%gather3A_609] in [0] : vector<16xf32>, vector<16xi32> -> vector<16xf32>
        %select_n3A_611 = arith.select %eq3A_6, %gather3A_610, %add3A_600 : vector<16xi1>, vector<16xf32>
        %add3A_612 = arith.addf %select_n3A, %select_n3A_611 : vector<16xf32>
        %xor3A_613 = arith.constant 2 : i32
        %xor3A_614 = vector.broadcast %xor3A_613 : i32 to vector<16xi32>
        %xor3A_615 = arith.xori %iota3A, %xor3A_614 : vector<16xi32>
        %broadcast_in_dim3A_616 = vector.shape_cast %xor3A_615 : vector<16xi32> to vector<16x1xi32>
        %gather3A_617 = vector.shape_cast %broadcast_in_dim3A_616 : vector<16x1xi32> to vector<16xi32>
        %gather3A_618 = tpu.dynamic_gather %add3A_612[%gather3A_617] in [0] : vector<16xf32>, vector<16xi32> -> vector<16xf32>
        %add3A_619 = arith.addf %add3A_612, %gather3A_618 : vector<16xf32>
        %xor3A_620 = arith.constant 4 : i32
        %xor3A_621 = vector.broadcast %xor3A_620 : i32 to vector<16xi32>
        %xor3A_622 = arith.xori %iota3A, %xor3A_621 : vector<16xi32>
        %broadcast_in_dim3A_623 = vector.shape_cast %xor3A_622 : vector<16xi32> to vector<16x1xi32>
        %gather3A_624 = vector.shape_cast %broadcast_in_dim3A_623 : vector<16x1xi32> to vector<16xi32>
        %gather3A_625 = tpu.dynamic_gather %add3A_619[%gather3A_624] in [0] : vector<16xf32>, vector<16xi32> -> vector<16xf32>
        %add3A_626 = arith.addf %add3A_619, %gather3A_625 : vector<16xf32>
        %xor3A_627 = arith.constant 8 : i32
        %xor3A_628 = vector.broadcast %xor3A_627 : i32 to vector<16xi32>
        %xor3A_629 = arith.xori %iota3A, %xor3A_628 : vector<16xi32>
        %broadcast_in_dim3A_630 = vector.shape_cast %xor3A_629 : vector<16xi32> to vector<16x1xi32>
        %gather3A_631 = vector.shape_cast %broadcast_in_dim3A_630 : vector<16x1xi32> to vector<16xi32>
        %gather3A_632 = tpu.dynamic_gather %add3A_626[%gather3A_631] in [0] : vector<16xf32>, vector<16xi32> -> vector<16xf32>
        %add3A_633 = arith.addf %add3A_626, %gather3A_632 : vector<16xf32>
        %and3A_634 = arith.constant 7 : i32
        %and3A_635 = arith.andi %scan3A_310, %and3A_634 : i32
        %eq3A_636 = vector.broadcast %and3A_635 : i32 to vector<16xi32>
        %eq3A_637 = arith.cmpi eq, %shift_right_arithmetic3A_8, %eq3A_636 : vector<16xi32>
        %select_n3A_638 = arith.select %eq3A_637, %add3A_633, %scan3A_311 : vector<16xi1>, vector<16xf32>
        %and3A_639 = arith.constant 7 : i32
        %and3A_640 = arith.andi %scan3A_310, %and3A_639 : i32
        %eq3A_641 = arith.constant 7 : i32
        %eq3A_642 = arith.cmpi eq, %and3A_640, %eq3A_641 : i32
        %convert_element_type3A_643 = arith.extui %eq3A_642 : i1 to i32
        %cond3A_644 = arith.constant 0 : i32
        %cond3A_645 = arith.cmpi ne, %convert_element_type3A_643, %cond3A_644 : i32
        scf.if %cond3A_645 {
          %mul3A_986 = arith.constant 32 : i32
          %mul3A_987 = arith.muli %add3A_245, %mul3A_986 : i32
          %add3A_988 = arith.constant 1 : i32
          %add3A_989 = arith.addi %mul3A_313, %add3A_988 : i32
          %and3A_990 = arith.constant -16 : i32
          %and3A_991 = arith.andi %add3A_989, %and3A_990 : i32
          %add3A_992 = arith.addi %mul3A_987, %and3A_991 : i32
          %swap3A = arith.index_cast %add3A_992 : i32 to index
          %swap3A_993 = tpu.vector_load %arg11[%swap3A] {strides = array<i32>} : memref<512xf32, #tpu.memory_space<vmem>>, vector<16xf32>,
          %swap3A_994 = vector.shape_cast %swap3A_993 : vector<16xf32> to vector<16xf32>
          %swap3A_995 = vector.shape_cast %select_n3A_638 : vector<16xf32> to vector<16xf32>
          tpu.vector_store %arg11[%swap3A], %swap3A_995 {strides = array<i32>} : memref<512xf32, #tpu.memory_space<vmem>>, vector<16xf32>,
        } else {
        }
        %scan3A_646 = arith.constant 1 : i32
        %scan3A_647 = arith.addi %scan3A_310, %scan3A_646 : i32
        %mul3A_648 = arith.constant 2 : i32
        %mul3A_649 = arith.muli %scan3A_647, %mul3A_648 : i32
        %get3A_650 = arith.constant 0 : i32
        %get3A_651 = arith.constant 0 : i32
        %get3A_652 = tpu.memref_slice %arg9[%scan3A_248, %get3A_650, %get3A_651] : memref<4x32x128xf32, #tpu.memory_space<vmem>> -> memref<1x32x128xf32, #tpu.memory_space<vmem>>
        %get3A_653 = tpu.memref_squeeze %get3A_652 : memref<1x32x128xf32, #tpu.memory_space<vmem>> -> memref<32x128xf32, #tpu.memory_space<vmem>>
        %get3A_654 = arith.index_cast %mul3A_649 : i32 to index
        %get3A_655 = arith.constant 0 : index
        %get3A_656 = tpu.vector_load %get3A_653[%get3A_654, %get3A_655] {strides = array<i32>} : memref<32x128xf32, #tpu.memory_space<vmem>>, vector<1x16xf32>,
        %get3A_657 = vector.shape_cast %get3A_656 : vector<1x16xf32> to vector<16xf32>
        %get3A_658 = arith.constant 0 : i32
        %get3A_659 = arith.constant 0 : i32
        %get3A_660 = tpu.memref_slice %arg10[%scan3A_249, %get3A_658, %get3A_659] : memref<4x32x128xf32, #tpu.memory_space<vmem>> -> memref<1x32x128xf32, #tpu.memory_space<vmem>>
        %get3A_661 = tpu.memref_squeeze %get3A_660 : memref<1x32x128xf32, #tpu.memory_space<vmem>> -> memref<32x128xf32, #tpu.memory_space<vmem>>
        %get3A_662 = arith.index_cast %mul3A_649 : i32 to index
        %get3A_663 = arith.constant 0 : index
        %get3A_664 = tpu.vector_load %get3A_661[%get3A_662, %get3A_663] {strides = array<i32>} : memref<32x128xf32, #tpu.memory_space<vmem>>, vector<1x16xf32>,
        %get3A_665 = vector.shape_cast %get3A_664 : vector<1x16xf32> to vector<16xf32>
        %mul3A_666 = arith.mulf %get3A_657, %get3A_665 : vector<16xf32>
        %get3A_667 = arith.constant 0 : i32
        %get3A_668 = arith.constant 0 : i32
        %get3A_669 = tpu.memref_slice %arg9[%scan3A_248, %get3A_667, %get3A_668] : memref<4x32x128xf32, #tpu.memory_space<vmem>> -> memref<1x32x128xf32, #tpu.memory_space<vmem>>
        %get3A_670 = tpu.memref_squeeze %get3A_669 : memref<1x32x128xf32, #tpu.memory_space<vmem>> -> memref<32x128xf32, #tpu.memory_space<vmem>>
        %get3A_671 = arith.index_cast %mul3A_649 : i32 to index
        %get3A_672 = arith.constant 16 : index
        %get3A_673 = tpu.vector_load %get3A_670[%get3A_671, %get3A_672] {strides = array<i32>} : memref<32x128xf32, #tpu.memory_space<vmem>>, vector<1x16xf32>,
        %get3A_674 = vector.shape_cast %get3A_673 : vector<1x16xf32> to vector<16xf32>
        %get3A_675 = arith.constant 0 : i32
        %get3A_676 = arith.constant 0 : i32
        %get3A_677 = tpu.memref_slice %arg10[%scan3A_249, %get3A_675, %get3A_676] : memref<4x32x128xf32, #tpu.memory_space<vmem>> -> memref<1x32x128xf32, #tpu.memory_space<vmem>>
        %get3A_678 = tpu.memref_squeeze %get3A_677 : memref<1x32x128xf32, #tpu.memory_space<vmem>> -> memref<32x128xf32, #tpu.memory_space<vmem>>
        %get3A_679 = arith.index_cast %mul3A_649 : i32 to index
        %get3A_680 = arith.constant 16 : index
        %get3A_681 = tpu.vector_load %get3A_678[%get3A_679, %get3A_680] {strides = array<i32>} : memref<32x128xf32, #tpu.memory_space<vmem>>, vector<1x16xf32>,
        %get3A_682 = vector.shape_cast %get3A_681 : vector<1x16xf32> to vector<16xf32>
        %mul3A_683 = arith.mulf %get3A_674, %get3A_682 : vector<16xf32>
        %add3A_684 = arith.addf %mul3A_666, %mul3A_683 : vector<16xf32>
        %get3A_685 = arith.constant 0 : i32
        %get3A_686 = arith.constant 0 : i32
        %get3A_687 = tpu.memref_slice %arg9[%scan3A_248, %get3A_685, %get3A_686] : memref<4x32x128xf32, #tpu.memory_space<vmem>> -> memref<1x32x128xf32, #tpu.memory_space<vmem>>
        %get3A_688 = tpu.memref_squeeze %get3A_687 : memref<1x32x128xf32, #tpu.memory_space<vmem>> -> memref<32x128xf32, #tpu.memory_space<vmem>>
        %get3A_689 = arith.index_cast %mul3A_649 : i32 to index
        %get3A_690 = arith.constant 32 : index
        %get3A_691 = tpu.vector_load %get3A_688[%get3A_689, %get3A_690] {strides = array<i32>} : memref<32x128xf32, #tpu.memory_space<vmem>>, vector<1x16xf32>,
        %get3A_692 = vector.shape_cast %get3A_691 : vector<1x16xf32> to vector<16xf32>
        %get3A_693 = arith.constant 0 : i32
        %get3A_694 = arith.constant 0 : i32
        %get3A_695 = tpu.memref_slice %arg10[%scan3A_249, %get3A_693, %get3A_694] : memref<4x32x128xf32, #tpu.memory_space<vmem>> -> memref<1x32x128xf32, #tpu.memory_space<vmem>>
        %get3A_696 = tpu.memref_squeeze %get3A_695 : memref<1x32x128xf32, #tpu.memory_space<vmem>> -> memref<32x128xf32, #tpu.memory_space<vmem>>
        %get3A_697 = arith.index_cast %mul3A_649 : i32 to index
        %get3A_698 = arith.constant 32 : index
        %get3A_699 = tpu.vector_load %get3A_696[%get3A_697, %get3A_698] {strides = array<i32>} : memref<32x128xf32, #tpu.memory_space<vmem>>, vector<1x16xf32>,
        %get3A_700 = vector.shape_cast %get3A_699 : vector<1x16xf32> to vector<16xf32>
        %mul3A_701 = arith.mulf %get3A_692, %get3A_700 : vector<16xf32>
        %add3A_702 = arith.addf %add3A_684, %mul3A_701 : vector<16xf32>
        %get3A_703 = arith.constant 0 : i32
        %get3A_704 = arith.constant 0 : i32
        %get3A_705 = tpu.memref_slice %arg9[%scan3A_248, %get3A_703, %get3A_704] : memref<4x32x128xf32, #tpu.memory_space<vmem>> -> memref<1x32x128xf32, #tpu.memory_space<vmem>>
        %get3A_706 = tpu.memref_squeeze %get3A_705 : memref<1x32x128xf32, #tpu.memory_space<vmem>> -> memref<32x128xf32, #tpu.memory_space<vmem>>
        %get3A_707 = arith.index_cast %mul3A_649 : i32 to index
        %get3A_708 = arith.constant 48 : index
        %get3A_709 = tpu.vector_load %get3A_706[%get3A_707, %get3A_708] {strides = array<i32>} : memref<32x128xf32, #tpu.memory_space<vmem>>, vector<1x16xf32>,
        %get3A_710 = vector.shape_cast %get3A_709 : vector<1x16xf32> to vector<16xf32>
        %get3A_711 = arith.constant 0 : i32
        %get3A_712 = arith.constant 0 : i32
        %get3A_713 = tpu.memref_slice %arg10[%scan3A_249, %get3A_711, %get3A_712] : memref<4x32x128xf32, #tpu.memory_space<vmem>> -> memref<1x32x128xf32, #tpu.memory_space<vmem>>
        %get3A_714 = tpu.memref_squeeze %get3A_713 : memref<1x32x128xf32, #tpu.memory_space<vmem>> -> memref<32x128xf32, #tpu.memory_space<vmem>>
        %get3A_715 = arith.index_cast %mul3A_649 : i32 to index
        %get3A_716 = arith.constant 48 : index
        %get3A_717 = tpu.vector_load %get3A_714[%get3A_715, %get3A_716] {strides = array<i32>} : memref<32x128xf32, #tpu.memory_space<vmem>>, vector<1x16xf32>,
        %get3A_718 = vector.shape_cast %get3A_717 : vector<1x16xf32> to vector<16xf32>
        %mul3A_719 = arith.mulf %get3A_710, %get3A_718 : vector<16xf32>
        %add3A_720 = arith.addf %add3A_702, %mul3A_719 : vector<16xf32>
        %get3A_721 = arith.constant 0 : i32
        %get3A_722 = arith.constant 0 : i32
        %get3A_723 = tpu.memref_slice %arg9[%scan3A_248, %get3A_721, %get3A_722] : memref<4x32x128xf32, #tpu.memory_space<vmem>> -> memref<1x32x128xf32, #tpu.memory_space<vmem>>
        %get3A_724 = tpu.memref_squeeze %get3A_723 : memref<1x32x128xf32, #tpu.memory_space<vmem>> -> memref<32x128xf32, #tpu.memory_space<vmem>>
        %get3A_725 = arith.index_cast %mul3A_649 : i32 to index
        %get3A_726 = arith.constant 64 : index
        %get3A_727 = tpu.vector_load %get3A_724[%get3A_725, %get3A_726] {strides = array<i32>} : memref<32x128xf32, #tpu.memory_space<vmem>>, vector<1x16xf32>,
        %get3A_728 = vector.shape_cast %get3A_727 : vector<1x16xf32> to vector<16xf32>
        %get3A_729 = arith.constant 0 : i32
        %get3A_730 = arith.constant 0 : i32
        %get3A_731 = tpu.memref_slice %arg10[%scan3A_249, %get3A_729, %get3A_730] : memref<4x32x128xf32, #tpu.memory_space<vmem>> -> memref<1x32x128xf32, #tpu.memory_space<vmem>>
        %get3A_732 = tpu.memref_squeeze %get3A_731 : memref<1x32x128xf32, #tpu.memory_space<vmem>> -> memref<32x128xf32, #tpu.memory_space<vmem>>
        %get3A_733 = arith.index_cast %mul3A_649 : i32 to index
        %get3A_734 = arith.constant 64 : index
        %get3A_735 = tpu.vector_load %get3A_732[%get3A_733, %get3A_734] {strides = array<i32>} : memref<32x128xf32, #tpu.memory_space<vmem>>, vector<1x16xf32>,
        %get3A_736 = vector.shape_cast %get3A_735 : vector<1x16xf32> to vector<16xf32>
        %mul3A_737 = arith.mulf %get3A_728, %get3A_736 : vector<16xf32>
        %add3A_738 = arith.addf %add3A_720, %mul3A_737 : vector<16xf32>
        %get3A_739 = arith.constant 0 : i32
        %get3A_740 = arith.constant 0 : i32
        %get3A_741 = tpu.memref_slice %arg9[%scan3A_248, %get3A_739, %get3A_740] : memref<4x32x128xf32, #tpu.memory_space<vmem>> -> memref<1x32x128xf32, #tpu.memory_space<vmem>>
        %get3A_742 = tpu.memref_squeeze %get3A_741 : memref<1x32x128xf32, #tpu.memory_space<vmem>> -> memref<32x128xf32, #tpu.memory_space<vmem>>
        %get3A_743 = arith.index_cast %mul3A_649 : i32 to index
        %get3A_744 = arith.constant 80 : index
        %get3A_745 = tpu.vector_load %get3A_742[%get3A_743, %get3A_744] {strides = array<i32>} : memref<32x128xf32, #tpu.memory_space<vmem>>, vector<1x16xf32>,
        %get3A_746 = vector.shape_cast %get3A_745 : vector<1x16xf32> to vector<16xf32>
        %get3A_747 = arith.constant 0 : i32
        %get3A_748 = arith.constant 0 : i32
        %get3A_749 = tpu.memref_slice %arg10[%scan3A_249, %get3A_747, %get3A_748] : memref<4x32x128xf32, #tpu.memory_space<vmem>> -> memref<1x32x128xf32, #tpu.memory_space<vmem>>
        %get3A_750 = tpu.memref_squeeze %get3A_749 : memref<1x32x128xf32, #tpu.memory_space<vmem>> -> memref<32x128xf32, #tpu.memory_space<vmem>>
        %get3A_751 = arith.index_cast %mul3A_649 : i32 to index
        %get3A_752 = arith.constant 80 : index
        %get3A_753 = tpu.vector_load %get3A_750[%get3A_751, %get3A_752] {strides = array<i32>} : memref<32x128xf32, #tpu.memory_space<vmem>>, vector<1x16xf32>,
        %get3A_754 = vector.shape_cast %get3A_753 : vector<1x16xf32> to vector<16xf32>
        %mul3A_755 = arith.mulf %get3A_746, %get3A_754 : vector<16xf32>
        %add3A_756 = arith.addf %add3A_738, %mul3A_755 : vector<16xf32>
        %get3A_757 = arith.constant 0 : i32
        %get3A_758 = arith.constant 0 : i32
        %get3A_759 = tpu.memref_slice %arg9[%scan3A_248, %get3A_757, %get3A_758] : memref<4x32x128xf32, #tpu.memory_space<vmem>> -> memref<1x32x128xf32, #tpu.memory_space<vmem>>
        %get3A_760 = tpu.memref_squeeze %get3A_759 : memref<1x32x128xf32, #tpu.memory_space<vmem>> -> memref<32x128xf32, #tpu.memory_space<vmem>>
        %get3A_761 = arith.index_cast %mul3A_649 : i32 to index
        %get3A_762 = arith.constant 96 : index
        %get3A_763 = tpu.vector_load %get3A_760[%get3A_761, %get3A_762] {strides = array<i32>} : memref<32x128xf32, #tpu.memory_space<vmem>>, vector<1x16xf32>,
        %get3A_764 = vector.shape_cast %get3A_763 : vector<1x16xf32> to vector<16xf32>
        %get3A_765 = arith.constant 0 : i32
        %get3A_766 = arith.constant 0 : i32
        %get3A_767 = tpu.memref_slice %arg10[%scan3A_249, %get3A_765, %get3A_766] : memref<4x32x128xf32, #tpu.memory_space<vmem>> -> memref<1x32x128xf32, #tpu.memory_space<vmem>>
        %get3A_768 = tpu.memref_squeeze %get3A_767 : memref<1x32x128xf32, #tpu.memory_space<vmem>> -> memref<32x128xf32, #tpu.memory_space<vmem>>
        %get3A_769 = arith.index_cast %mul3A_649 : i32 to index
        %get3A_770 = arith.constant 96 : index
        %get3A_771 = tpu.vector_load %get3A_768[%get3A_769, %get3A_770] {strides = array<i32>} : memref<32x128xf32, #tpu.memory_space<vmem>>, vector<1x16xf32>,
        %get3A_772 = vector.shape_cast %get3A_771 : vector<1x16xf32> to vector<16xf32>
        %mul3A_773 = arith.mulf %get3A_764, %get3A_772 : vector<16xf32>
        %add3A_774 = arith.addf %add3A_756, %mul3A_773 : vector<16xf32>
        %get3A_775 = arith.constant 0 : i32
        %get3A_776 = arith.constant 0 : i32
        %get3A_777 = tpu.memref_slice %arg9[%scan3A_248, %get3A_775, %get3A_776] : memref<4x32x128xf32, #tpu.memory_space<vmem>> -> memref<1x32x128xf32, #tpu.memory_space<vmem>>
        %get3A_778 = tpu.memref_squeeze %get3A_777 : memref<1x32x128xf32, #tpu.memory_space<vmem>> -> memref<32x128xf32, #tpu.memory_space<vmem>>
        %get3A_779 = arith.index_cast %mul3A_649 : i32 to index
        %get3A_780 = arith.constant 112 : index
        %get3A_781 = tpu.vector_load %get3A_778[%get3A_779, %get3A_780] {strides = array<i32>} : memref<32x128xf32, #tpu.memory_space<vmem>>, vector<1x16xf32>,
        %get3A_782 = vector.shape_cast %get3A_781 : vector<1x16xf32> to vector<16xf32>
        %get3A_783 = arith.constant 0 : i32
        %get3A_784 = arith.constant 0 : i32
        %get3A_785 = tpu.memref_slice %arg10[%scan3A_249, %get3A_783, %get3A_784] : memref<4x32x128xf32, #tpu.memory_space<vmem>> -> memref<1x32x128xf32, #tpu.memory_space<vmem>>
        %get3A_786 = tpu.memref_squeeze %get3A_785 : memref<1x32x128xf32, #tpu.memory_space<vmem>> -> memref<32x128xf32, #tpu.memory_space<vmem>>
        %get3A_787 = arith.index_cast %mul3A_649 : i32 to index
        %get3A_788 = arith.constant 112 : index
        %get3A_789 = tpu.vector_load %get3A_786[%get3A_787, %get3A_788] {strides = array<i32>} : memref<32x128xf32, #tpu.memory_space<vmem>>, vector<1x16xf32>,
        %get3A_790 = vector.shape_cast %get3A_789 : vector<1x16xf32> to vector<16xf32>
        %mul3A_791 = arith.mulf %get3A_782, %get3A_790 : vector<16xf32>
        %add3A_792 = arith.addf %add3A_774, %mul3A_791 : vector<16xf32>
        %add3A_793 = arith.constant 1 : i32
        %add3A_794 = arith.addi %mul3A_649, %add3A_793 : i32
        %get3A_795 = arith.constant 0 : i32
        %get3A_796 = arith.constant 0 : i32
        %get3A_797 = tpu.memref_slice %arg9[%scan3A_248, %get3A_795, %get3A_796] : memref<4x32x128xf32, #tpu.memory_space<vmem>> -> memref<1x32x128xf32, #tpu.memory_space<vmem>>
        %get3A_798 = tpu.memref_squeeze %get3A_797 : memref<1x32x128xf32, #tpu.memory_space<vmem>> -> memref<32x128xf32, #tpu.memory_space<vmem>>
        %get3A_799 = arith.index_cast %add3A_794 : i32 to index
        %get3A_800 = arith.constant 0 : index
        %get3A_801 = tpu.vector_load %get3A_798[%get3A_799, %get3A_800] {strides = array<i32>} : memref<32x128xf32, #tpu.memory_space<vmem>>, vector<1x16xf32>,
        %get3A_802 = vector.shape_cast %get3A_801 : vector<1x16xf32> to vector<16xf32>
        %get3A_803 = arith.constant 0 : i32
        %get3A_804 = arith.constant 0 : i32
        %get3A_805 = tpu.memref_slice %arg10[%scan3A_249, %get3A_803, %get3A_804] : memref<4x32x128xf32, #tpu.memory_space<vmem>> -> memref<1x32x128xf32, #tpu.memory_space<vmem>>
        %get3A_806 = tpu.memref_squeeze %get3A_805 : memref<1x32x128xf32, #tpu.memory_space<vmem>> -> memref<32x128xf32, #tpu.memory_space<vmem>>
        %get3A_807 = arith.index_cast %add3A_794 : i32 to index
        %get3A_808 = arith.constant 0 : index
        %get3A_809 = tpu.vector_load %get3A_806[%get3A_807, %get3A_808] {strides = array<i32>} : memref<32x128xf32, #tpu.memory_space<vmem>>, vector<1x16xf32>,
        %get3A_810 = vector.shape_cast %get3A_809 : vector<1x16xf32> to vector<16xf32>
        %mul3A_811 = arith.mulf %get3A_802, %get3A_810 : vector<16xf32>
        %get3A_812 = arith.constant 0 : i32
        %get3A_813 = arith.constant 0 : i32
        %get3A_814 = tpu.memref_slice %arg9[%scan3A_248, %get3A_812, %get3A_813] : memref<4x32x128xf32, #tpu.memory_space<vmem>> -> memref<1x32x128xf32, #tpu.memory_space<vmem>>
        %get3A_815 = tpu.memref_squeeze %get3A_814 : memref<1x32x128xf32, #tpu.memory_space<vmem>> -> memref<32x128xf32, #tpu.memory_space<vmem>>
        %get3A_816 = arith.index_cast %add3A_794 : i32 to index
        %get3A_817 = arith.constant 16 : index
        %get3A_818 = tpu.vector_load %get3A_815[%get3A_816, %get3A_817] {strides = array<i32>} : memref<32x128xf32, #tpu.memory_space<vmem>>, vector<1x16xf32>,
        %get3A_819 = vector.shape_cast %get3A_818 : vector<1x16xf32> to vector<16xf32>
        %get3A_820 = arith.constant 0 : i32
        %get3A_821 = arith.constant 0 : i32
        %get3A_822 = tpu.memref_slice %arg10[%scan3A_249, %get3A_820, %get3A_821] : memref<4x32x128xf32, #tpu.memory_space<vmem>> -> memref<1x32x128xf32, #tpu.memory_space<vmem>>
        %get3A_823 = tpu.memref_squeeze %get3A_822 : memref<1x32x128xf32, #tpu.memory_space<vmem>> -> memref<32x128xf32, #tpu.memory_space<vmem>>
        %get3A_824 = arith.index_cast %add3A_794 : i32 to index
        %get3A_825 = arith.constant 16 : index
        %get3A_826 = tpu.vector_load %get3A_823[%get3A_824, %get3A_825] {strides = array<i32>} : memref<32x128xf32, #tpu.memory_space<vmem>>, vector<1x16xf32>,
        %get3A_827 = vector.shape_cast %get3A_826 : vector<1x16xf32> to vector<16xf32>
        %mul3A_828 = arith.mulf %get3A_819, %get3A_827 : vector<16xf32>
        %add3A_829 = arith.addf %mul3A_811, %mul3A_828 : vector<16xf32>
        %get3A_830 = arith.constant 0 : i32
        %get3A_831 = arith.constant 0 : i32
        %get3A_832 = tpu.memref_slice %arg9[%scan3A_248, %get3A_830, %get3A_831] : memref<4x32x128xf32, #tpu.memory_space<vmem>> -> memref<1x32x128xf32, #tpu.memory_space<vmem>>
        %get3A_833 = tpu.memref_squeeze %get3A_832 : memref<1x32x128xf32, #tpu.memory_space<vmem>> -> memref<32x128xf32, #tpu.memory_space<vmem>>
        %get3A_834 = arith.index_cast %add3A_794 : i32 to index
        %get3A_835 = arith.constant 32 : index
        %get3A_836 = tpu.vector_load %get3A_833[%get3A_834, %get3A_835] {strides = array<i32>} : memref<32x128xf32, #tpu.memory_space<vmem>>, vector<1x16xf32>,
        %get3A_837 = vector.shape_cast %get3A_836 : vector<1x16xf32> to vector<16xf32>
        %get3A_838 = arith.constant 0 : i32
        %get3A_839 = arith.constant 0 : i32
        %get3A_840 = tpu.memref_slice %arg10[%scan3A_249, %get3A_838, %get3A_839] : memref<4x32x128xf32, #tpu.memory_space<vmem>> -> memref<1x32x128xf32, #tpu.memory_space<vmem>>
        %get3A_841 = tpu.memref_squeeze %get3A_840 : memref<1x32x128xf32, #tpu.memory_space<vmem>> -> memref<32x128xf32, #tpu.memory_space<vmem>>
        %get3A_842 = arith.index_cast %add3A_794 : i32 to index
        %get3A_843 = arith.constant 32 : index
        %get3A_844 = tpu.vector_load %get3A_841[%get3A_842, %get3A_843] {strides = array<i32>} : memref<32x128xf32, #tpu.memory_space<vmem>>, vector<1x16xf32>,
        %get3A_845 = vector.shape_cast %get3A_844 : vector<1x16xf32> to vector<16xf32>
        %mul3A_846 = arith.mulf %get3A_837, %get3A_845 : vector<16xf32>
        %add3A_847 = arith.addf %add3A_829, %mul3A_846 : vector<16xf32>
        %get3A_848 = arith.constant 0 : i32
        %get3A_849 = arith.constant 0 : i32
        %get3A_850 = tpu.memref_slice %arg9[%scan3A_248, %get3A_848, %get3A_849] : memref<4x32x128xf32, #tpu.memory_space<vmem>> -> memref<1x32x128xf32, #tpu.memory_space<vmem>>
        %get3A_851 = tpu.memref_squeeze %get3A_850 : memref<1x32x128xf32, #tpu.memory_space<vmem>> -> memref<32x128xf32, #tpu.memory_space<vmem>>
        %get3A_852 = arith.index_cast %add3A_794 : i32 to index
        %get3A_853 = arith.constant 48 : index
        %get3A_854 = tpu.vector_load %get3A_851[%get3A_852, %get3A_853] {strides = array<i32>} : memref<32x128xf32, #tpu.memory_space<vmem>>, vector<1x16xf32>,
        %get3A_855 = vector.shape_cast %get3A_854 : vector<1x16xf32> to vector<16xf32>
        %get3A_856 = arith.constant 0 : i32
        %get3A_857 = arith.constant 0 : i32
        %get3A_858 = tpu.memref_slice %arg10[%scan3A_249, %get3A_856, %get3A_857] : memref<4x32x128xf32, #tpu.memory_space<vmem>> -> memref<1x32x128xf32, #tpu.memory_space<vmem>>
        %get3A_859 = tpu.memref_squeeze %get3A_858 : memref<1x32x128xf32, #tpu.memory_space<vmem>> -> memref<32x128xf32, #tpu.memory_space<vmem>>
        %get3A_860 = arith.index_cast %add3A_794 : i32 to index
        %get3A_861 = arith.constant 48 : index
        %get3A_862 = tpu.vector_load %get3A_859[%get3A_860, %get3A_861] {strides = array<i32>} : memref<32x128xf32, #tpu.memory_space<vmem>>, vector<1x16xf32>,
        %get3A_863 = vector.shape_cast %get3A_862 : vector<1x16xf32> to vector<16xf32>
        %mul3A_864 = arith.mulf %get3A_855, %get3A_863 : vector<16xf32>
        %add3A_865 = arith.addf %add3A_847, %mul3A_864 : vector<16xf32>
        %get3A_866 = arith.constant 0 : i32
        %get3A_867 = arith.constant 0 : i32
        %get3A_868 = tpu.memref_slice %arg9[%scan3A_248, %get3A_866, %get3A_867] : memref<4x32x128xf32, #tpu.memory_space<vmem>> -> memref<1x32x128xf32, #tpu.memory_space<vmem>>
        %get3A_869 = tpu.memref_squeeze %get3A_868 : memref<1x32x128xf32, #tpu.memory_space<vmem>> -> memref<32x128xf32, #tpu.memory_space<vmem>>
        %get3A_870 = arith.index_cast %add3A_794 : i32 to index
        %get3A_871 = arith.constant 64 : index
        %get3A_872 = tpu.vector_load %get3A_869[%get3A_870, %get3A_871] {strides = array<i32>} : memref<32x128xf32, #tpu.memory_space<vmem>>, vector<1x16xf32>,
        %get3A_873 = vector.shape_cast %get3A_872 : vector<1x16xf32> to vector<16xf32>
        %get3A_874 = arith.constant 0 : i32
        %get3A_875 = arith.constant 0 : i32
        %get3A_876 = tpu.memref_slice %arg10[%scan3A_249, %get3A_874, %get3A_875] : memref<4x32x128xf32, #tpu.memory_space<vmem>> -> memref<1x32x128xf32, #tpu.memory_space<vmem>>
        %get3A_877 = tpu.memref_squeeze %get3A_876 : memref<1x32x128xf32, #tpu.memory_space<vmem>> -> memref<32x128xf32, #tpu.memory_space<vmem>>
        %get3A_878 = arith.index_cast %add3A_794 : i32 to index
        %get3A_879 = arith.constant 64 : index
        %get3A_880 = tpu.vector_load %get3A_877[%get3A_878, %get3A_879] {strides = array<i32>} : memref<32x128xf32, #tpu.memory_space<vmem>>, vector<1x16xf32>,
        %get3A_881 = vector.shape_cast %get3A_880 : vector<1x16xf32> to vector<16xf32>
        %mul3A_882 = arith.mulf %get3A_873, %get3A_881 : vector<16xf32>
        %add3A_883 = arith.addf %add3A_865, %mul3A_882 : vector<16xf32>
        %get3A_884 = arith.constant 0 : i32
        %get3A_885 = arith.constant 0 : i32
        %get3A_886 = tpu.memref_slice %arg9[%scan3A_248, %get3A_884, %get3A_885] : memref<4x32x128xf32, #tpu.memory_space<vmem>> -> memref<1x32x128xf32, #tpu.memory_space<vmem>>
        %get3A_887 = tpu.memref_squeeze %get3A_886 : memref<1x32x128xf32, #tpu.memory_space<vmem>> -> memref<32x128xf32, #tpu.memory_space<vmem>>
        %get3A_888 = arith.index_cast %add3A_794 : i32 to index
        %get3A_889 = arith.constant 80 : index
        %get3A_890 = tpu.vector_load %get3A_887[%get3A_888, %get3A_889] {strides = array<i32>} : memref<32x128xf32, #tpu.memory_space<vmem>>, vector<1x16xf32>,
        %get3A_891 = vector.shape_cast %get3A_890 : vector<1x16xf32> to vector<16xf32>
        %get3A_892 = arith.constant 0 : i32
        %get3A_893 = arith.constant 0 : i32
        %get3A_894 = tpu.memref_slice %arg10[%scan3A_249, %get3A_892, %get3A_893] : memref<4x32x128xf32, #tpu.memory_space<vmem>> -> memref<1x32x128xf32, #tpu.memory_space<vmem>>
        %get3A_895 = tpu.memref_squeeze %get3A_894 : memref<1x32x128xf32, #tpu.memory_space<vmem>> -> memref<32x128xf32, #tpu.memory_space<vmem>>
        %get3A_896 = arith.index_cast %add3A_794 : i32 to index
        %get3A_897 = arith.constant 80 : index
        %get3A_898 = tpu.vector_load %get3A_895[%get3A_896, %get3A_897] {strides = array<i32>} : memref<32x128xf32, #tpu.memory_space<vmem>>, vector<1x16xf32>,
        %get3A_899 = vector.shape_cast %get3A_898 : vector<1x16xf32> to vector<16xf32>
        %mul3A_900 = arith.mulf %get3A_891, %get3A_899 : vector<16xf32>
        %add3A_901 = arith.addf %add3A_883, %mul3A_900 : vector<16xf32>
        %get3A_902 = arith.constant 0 : i32
        %get3A_903 = arith.constant 0 : i32
        %get3A_904 = tpu.memref_slice %arg9[%scan3A_248, %get3A_902, %get3A_903] : memref<4x32x128xf32, #tpu.memory_space<vmem>> -> memref<1x32x128xf32, #tpu.memory_space<vmem>>
        %get3A_905 = tpu.memref_squeeze %get3A_904 : memref<1x32x128xf32, #tpu.memory_space<vmem>> -> memref<32x128xf32, #tpu.memory_space<vmem>>
        %get3A_906 = arith.index_cast %add3A_794 : i32 to index
        %get3A_907 = arith.constant 96 : index
        %get3A_908 = tpu.vector_load %get3A_905[%get3A_906, %get3A_907] {strides = array<i32>} : memref<32x128xf32, #tpu.memory_space<vmem>>, vector<1x16xf32>,
        %get3A_909 = vector.shape_cast %get3A_908 : vector<1x16xf32> to vector<16xf32>
        %get3A_910 = arith.constant 0 : i32
        %get3A_911 = arith.constant 0 : i32
        %get3A_912 = tpu.memref_slice %arg10[%scan3A_249, %get3A_910, %get3A_911] : memref<4x32x128xf32, #tpu.memory_space<vmem>> -> memref<1x32x128xf32, #tpu.memory_space<vmem>>
        %get3A_913 = tpu.memref_squeeze %get3A_912 : memref<1x32x128xf32, #tpu.memory_space<vmem>> -> memref<32x128xf32, #tpu.memory_space<vmem>>
        %get3A_914 = arith.index_cast %add3A_794 : i32 to index
        %get3A_915 = arith.constant 96 : index
        %get3A_916 = tpu.vector_load %get3A_913[%get3A_914, %get3A_915] {strides = array<i32>} : memref<32x128xf32, #tpu.memory_space<vmem>>, vector<1x16xf32>,
        %get3A_917 = vector.shape_cast %get3A_916 : vector<1x16xf32> to vector<16xf32>
        %mul3A_918 = arith.mulf %get3A_909, %get3A_917 : vector<16xf32>
        %add3A_919 = arith.addf %add3A_901, %mul3A_918 : vector<16xf32>
        %get3A_920 = arith.constant 0 : i32
        %get3A_921 = arith.constant 0 : i32
        %get3A_922 = tpu.memref_slice %arg9[%scan3A_248, %get3A_920, %get3A_921] : memref<4x32x128xf32, #tpu.memory_space<vmem>> -> memref<1x32x128xf32, #tpu.memory_space<vmem>>
        %get3A_923 = tpu.memref_squeeze %get3A_922 : memref<1x32x128xf32, #tpu.memory_space<vmem>> -> memref<32x128xf32, #tpu.memory_space<vmem>>
        %get3A_924 = arith.index_cast %add3A_794 : i32 to index
        %get3A_925 = arith.constant 112 : index
        %get3A_926 = tpu.vector_load %get3A_923[%get3A_924, %get3A_925] {strides = array<i32>} : memref<32x128xf32, #tpu.memory_space<vmem>>, vector<1x16xf32>,
        %get3A_927 = vector.shape_cast %get3A_926 : vector<1x16xf32> to vector<16xf32>
        %get3A_928 = arith.constant 0 : i32
        %get3A_929 = arith.constant 0 : i32
        %get3A_930 = tpu.memref_slice %arg10[%scan3A_249, %get3A_928, %get3A_929] : memref<4x32x128xf32, #tpu.memory_space<vmem>> -> memref<1x32x128xf32, #tpu.memory_space<vmem>>
        %get3A_931 = tpu.memref_squeeze %get3A_930 : memref<1x32x128xf32, #tpu.memory_space<vmem>> -> memref<32x128xf32, #tpu.memory_space<vmem>>
        %get3A_932 = arith.index_cast %add3A_794 : i32 to index
        %get3A_933 = arith.constant 112 : index
        %get3A_934 = tpu.vector_load %get3A_931[%get3A_932, %get3A_933] {strides = array<i32>} : memref<32x128xf32, #tpu.memory_space<vmem>>, vector<1x16xf32>,
        %get3A_935 = vector.shape_cast %get3A_934 : vector<1x16xf32> to vector<16xf32>
        %mul3A_936 = arith.mulf %get3A_927, %get3A_935 : vector<16xf32>
        %add3A_937 = arith.addf %add3A_919, %mul3A_936 : vector<16xf32>
        %xor3A_938 = arith.constant 1 : i32
        %xor3A_939 = vector.broadcast %xor3A_938 : i32 to vector<16xi32>
        %xor3A_940 = arith.xori %iota3A, %xor3A_939 : vector<16xi32>
        %broadcast_in_dim3A_941 = vector.shape_cast %xor3A_940 : vector<16xi32> to vector<16x1xi32>
        %gather3A_942 = vector.shape_cast %broadcast_in_dim3A_941 : vector<16x1xi32> to vector<16xi32>
        %gather3A_943 = tpu.dynamic_gather %add3A_937[%gather3A_942] in [0] : vector<16xf32>, vector<16xi32> -> vector<16xf32>
        %select_n3A_944 = arith.select %eq3A_6, %add3A_792, %gather3A_943 : vector<16xi1>, vector<16xf32>
        %xor3A_945 = arith.constant 1 : i32
        %xor3A_946 = vector.broadcast %xor3A_945 : i32 to vector<16xi32>
        %xor3A_947 = arith.xori %iota3A, %xor3A_946 : vector<16xi32>
        %broadcast_in_dim3A_948 = vector.shape_cast %xor3A_947 : vector<16xi32> to vector<16x1xi32>
        %gather3A_949 = vector.shape_cast %broadcast_in_dim3A_948 : vector<16x1xi32> to vector<16xi32>
        %gather3A_950 = tpu.dynamic_gather %add3A_792[%gather3A_949] in [0] : vector<16xf32>, vector<16xi32> -> vector<16xf32>
        %select_n3A_951 = arith.select %eq3A_6, %gather3A_950, %add3A_937 : vector<16xi1>, vector<16xf32>
        %add3A_952 = arith.addf %select_n3A_944, %select_n3A_951 : vector<16xf32>
        %xor3A_953 = arith.constant 2 : i32
        %xor3A_954 = vector.broadcast %xor3A_953 : i32 to vector<16xi32>
        %xor3A_955 = arith.xori %iota3A, %xor3A_954 : vector<16xi32>
        %broadcast_in_dim3A_956 = vector.shape_cast %xor3A_955 : vector<16xi32> to vector<16x1xi32>
        %gather3A_957 = vector.shape_cast %broadcast_in_dim3A_956 : vector<16x1xi32> to vector<16xi32>
        %gather3A_958 = tpu.dynamic_gather %add3A_952[%gather3A_957] in [0] : vector<16xf32>, vector<16xi32> -> vector<16xf32>
        %add3A_959 = arith.addf %add3A_952, %gather3A_958 : vector<16xf32>
        %xor3A_960 = arith.constant 4 : i32
        %xor3A_961 = vector.broadcast %xor3A_960 : i32 to vector<16xi32>
        %xor3A_962 = arith.xori %iota3A, %xor3A_961 : vector<16xi32>
        %broadcast_in_dim3A_963 = vector.shape_cast %xor3A_962 : vector<16xi32> to vector<16x1xi32>
        %gather3A_964 = vector.shape_cast %broadcast_in_dim3A_963 : vector<16x1xi32> to vector<16xi32>
        %gather3A_965 = tpu.dynamic_gather %add3A_959[%gather3A_964] in [0] : vector<16xf32>, vector<16xi32> -> vector<16xf32>
        %add3A_966 = arith.addf %add3A_959, %gather3A_965 : vector<16xf32>
        %xor3A_967 = arith.constant 8 : i32
        %xor3A_968 = vector.broadcast %xor3A_967 : i32 to vector<16xi32>
        %xor3A_969 = arith.xori %iota3A, %xor3A_968 : vector<16xi32>
        %broadcast_in_dim3A_970 = vector.shape_cast %xor3A_969 : vector<16xi32> to vector<16x1xi32>
        %gather3A_971 = vector.shape_cast %broadcast_in_dim3A_970 : vector<16x1xi32> to vector<16xi32>
        %gather3A_972 = tpu.dynamic_gather %add3A_966[%gather3A_971] in [0] : vector<16xf32>, vector<16xi32> -> vector<16xf32>
        %add3A_973 = arith.addf %add3A_966, %gather3A_972 : vector<16xf32>
        %and3A_974 = arith.constant 7 : i32
        %and3A_975 = arith.andi %scan3A_647, %and3A_974 : i32
        %eq3A_976 = vector.broadcast %and3A_975 : i32 to vector<16xi32>
        %eq3A_977 = arith.cmpi eq, %shift_right_arithmetic3A_8, %eq3A_976 : vector<16xi32>
        %select_n3A_978 = arith.select %eq3A_977, %add3A_973, %select_n3A_638 : vector<16xi1>, vector<16xf32>
        %and3A_979 = arith.constant 7 : i32
        %and3A_980 = arith.andi %scan3A_647, %and3A_979 : i32
        %eq3A_981 = arith.constant 7 : i32
        %eq3A_982 = arith.cmpi eq, %and3A_980, %eq3A_981 : i32
        %convert_element_type3A_983 = arith.extui %eq3A_982 : i1 to i32
        %cond3A_984 = arith.constant 0 : i32
        %cond3A_985 = arith.cmpi ne, %convert_element_type3A_983, %cond3A_984 : i32
        scf.if %cond3A_985 {
          %mul3A_986 = arith.constant 32 : i32
          %mul3A_987 = arith.muli %add3A_245, %mul3A_986 : i32
          %add3A_988 = arith.constant 1 : i32
          %add3A_989 = arith.addi %mul3A_649, %add3A_988 : i32
          %and3A_990 = arith.constant -16 : i32
          %and3A_991 = arith.andi %add3A_989, %and3A_990 : i32
          %add3A_992 = arith.addi %mul3A_987, %and3A_991 : i32
          %swap3A = arith.index_cast %add3A_992 : i32 to index
          %swap3A_993 = tpu.vector_load %arg11[%swap3A] {strides = array<i32>} : memref<512xf32, #tpu.memory_space<vmem>>, vector<16xf32>,
          %swap3A_994 = vector.shape_cast %swap3A_993 : vector<16xf32> to vector<16xf32>
          %swap3A_995 = vector.shape_cast %select_n3A_978 : vector<16xf32> to vector<16xf32>
          tpu.vector_store %arg11[%swap3A], %swap3A_995 {strides = array<i32>} : memref<512xf32, #tpu.memory_space<vmem>>, vector<16xf32>,
        } else {
        }
        scf.yield %select_n3A_978 : vector<16xf32>
      }
      %scan3A_255 = arith.constant 16 : i32
      %add3A_256 = arith.constant 1 : i32
      %add3A_257 = arith.addi %scan3A_124, %add3A_256 : i32
      %lt3A_258 = arith.constant 4 : i32
      %lt3A_259 = arith.cmpi slt, %add3A_257, %lt3A_258 : i32
      %convert_element_type3A_260 = arith.extui %lt3A_259 : i1 to i32
      %cond3A_261 = arith.constant 0 : i32
      %cond3A_262 = arith.cmpi ne, %convert_element_type3A_260, %cond3A_261 : i32
      scf.if %cond3A_262 {
        %add3A_310 = arith.constant 2 : i32
        %add3A_311 = arith.addi %mul3A_126, %add3A_310 : i32
        %add3A_312 = arith.constant 4 : i32
        %add3A_313 = arith.addi %add3A_311, %add3A_312 : i32
        %mul3A_314 = arith.constant 32 : i32
        %mul3A_315 = arith.muli %add3A_313, %mul3A_314 : i32
        %multiple_of3A_316 = tpu.assume_multiple %mul3A_315, 32 : i32
        %dma_start3A_317 = arith.constant 2 : i32
        %dma_start3A_318 = arith.constant 0 : i32
        %dma_start3A_319 = arith.constant 2 : i32
        %dma_start3A_320 = arith.constant 0 : i32
        %dma_start3A_321 = arith.constant 0 : i32
        %dma_start3A_322 = tpu.memref_slice %arg9[%dma_start3A_317, %dma_start3A_320, %dma_start3A_321] : memref<4x32x128xf32, #tpu.memory_space<vmem>> -> memref<1x32x128xf32, #tpu.memory_space<vmem>>
        %dma_start3A_323 = tpu.memref_squeeze %dma_start3A_322 : memref<1x32x128xf32, #tpu.memory_space<vmem>> -> memref<32x128xf32, #tpu.memory_space<vmem>>
        %dma_start3A_324 = tpu.memref_slice %arg7[%multiple_of3A_316] : memref<512xi32, #tpu.memory_space<vmem>> -> memref<32xi32, #tpu.memory_space<vmem>>
        %dma_start3A_325 = arith.constant 0 : i32
        %dma_start3A_326 = arith.constant 0 : i32
        %dma_start3A_327 = tpu.memref_slice %arg4[%dma_start3A_325, %dma_start3A_326] : memref<1000000x128xf32, #tpu.memory_space<hbm>> -> memref<1000000x128xf32, #tpu.memory_space<hbm>>
        %dma_start3A_328 = tpu.memref_slice %arg12[%dma_start3A_318, %dma_start3A_319] : memref<2x4x!tpu.dma_semaphore, #tpu.memory_space<semaphore_mem>> -> memref<1x1x!tpu.dma_semaphore, #tpu.memory_space<semaphore_mem>>
        %dma_start3A_329 = tpu.memref_squeeze %dma_start3A_328 : memref<1x1x!tpu.dma_semaphore, #tpu.memory_space<semaphore_mem>> -> memref<!tpu.dma_semaphore, #tpu.memory_space<semaphore_mem>>
        tpu.enqueue_indirect_dma source(%dma_start3A_327 : memref<1000000x128xf32, #tpu.memory_space<hbm>>) target(%dma_start3A_323 : memref<32x128xf32, #tpu.memory_space<vmem>>) offsets(%dma_start3A_324 : memref<32xi32, #tpu.memory_space<vmem>>) semaphore(%dma_start3A_329 : memref<!tpu.dma_semaphore, #tpu.memory_space<semaphore_mem>>)
        %dma_start3A_330 = arith.constant 2 : i32
        %dma_start3A_331 = arith.constant 1 : i32
        %dma_start3A_332 = arith.constant 2 : i32
        %dma_start3A_333 = arith.constant 0 : i32
        %dma_start3A_334 = arith.constant 0 : i32
        %dma_start3A_335 = tpu.memref_slice %arg10[%dma_start3A_330, %dma_start3A_333, %dma_start3A_334] : memref<4x32x128xf32, #tpu.memory_space<vmem>> -> memref<1x32x128xf32, #tpu.memory_space<vmem>>
        %dma_start3A_336 = tpu.memref_squeeze %dma_start3A_335 : memref<1x32x128xf32, #tpu.memory_space<vmem>> -> memref<32x128xf32, #tpu.memory_space<vmem>>
        %dma_start3A_337 = tpu.memref_slice %arg8[%multiple_of3A_316] : memref<512xi32, #tpu.memory_space<vmem>> -> memref<32xi32, #tpu.memory_space<vmem>>
        %dma_start3A_338 = arith.constant 0 : i32
        %dma_start3A_339 = arith.constant 0 : i32
        %dma_start3A_340 = tpu.memref_slice %arg5[%dma_start3A_338, %dma_start3A_339] : memref<1000000x128xf32, #tpu.memory_space<hbm>> -> memref<1000000x128xf32, #tpu.memory_space<hbm>>
        %dma_start3A_341 = tpu.memref_slice %arg12[%dma_start3A_331, %dma_start3A_332] : memref<2x4x!tpu.dma_semaphore, #tpu.memory_space<semaphore_mem>> -> memref<1x1x!tpu.dma_semaphore, #tpu.memory_space<semaphore_mem>>
        %dma_start3A_342 = tpu.memref_squeeze %dma_start3A_341 : memref<1x1x!tpu.dma_semaphore, #tpu.memory_space<semaphore_mem>> -> memref<!tpu.dma_semaphore, #tpu.memory_space<semaphore_mem>>
        tpu.enqueue_indirect_dma source(%dma_start3A_340 : memref<1000000x128xf32, #tpu.memory_space<hbm>>) target(%dma_start3A_336 : memref<32x128xf32, #tpu.memory_space<vmem>>) offsets(%dma_start3A_337 : memref<32xi32, #tpu.memory_space<vmem>>) semaphore(%dma_start3A_342 : memref<!tpu.dma_semaphore, #tpu.memory_space<semaphore_mem>>)
      } else {
      }
      %dma_wait3A_263 = arith.constant 3 : i32
      %dma_wait3A_264 = arith.constant 0 : i32
      %dma_wait3A_265 = arith.constant 3 : i32
      %dma_wait3A_266 = arith.constant 0 : i32
      %dma_wait3A_267 = arith.constant 0 : i32
      %dma_wait3A_268 = tpu.memref_slice %arg9[%dma_wait3A_263, %dma_wait3A_266, %dma_wait3A_267] : memref<4x32x128xf32, #tpu.memory_space<vmem>> -> memref<1x32x128xf32, #tpu.memory_space<vmem>>
      %dma_wait3A_269 = tpu.memref_squeeze %dma_wait3A_268 : memref<1x32x128xf32, #tpu.memory_space<vmem>> -> memref<32x128xf32, #tpu.memory_space<vmem>>
      %dma_wait3A_270 = arith.constant 0 : i32
      %dma_wait3A_271 = tpu.memref_slice %arg7[%dma_wait3A_270] : memref<512xi32, #tpu.memory_space<vmem>> -> memref<32xi32, #tpu.memory_space<vmem>>
      %dma_wait3A_272 = arith.constant 0 : i32
      %dma_wait3A_273 = arith.constant 0 : i32
      %dma_wait3A_274 = tpu.memref_slice %arg4[%dma_wait3A_272, %dma_wait3A_273] : memref<1000000x128xf32, #tpu.memory_space<hbm>> -> memref<1000000x128xf32, #tpu.memory_space<hbm>>
      %dma_wait3A_275 = tpu.memref_slice %arg12[%dma_wait3A_264, %dma_wait3A_265] : memref<2x4x!tpu.dma_semaphore, #tpu.memory_space<semaphore_mem>> -> memref<1x1x!tpu.dma_semaphore, #tpu.memory_space<semaphore_mem>>
      %dma_wait3A_276 = tpu.memref_squeeze %dma_wait3A_275 : memref<1x1x!tpu.dma_semaphore, #tpu.memory_space<semaphore_mem>> -> memref<!tpu.dma_semaphore, #tpu.memory_space<semaphore_mem>>
      tpu.wait_indirect_dma semaphore(%dma_wait3A_276 : memref<!tpu.dma_semaphore, #tpu.memory_space<semaphore_mem>>) src(%dma_wait3A_274 : memref<1000000x128xf32, #tpu.memory_space<hbm>>) dst(%dma_wait3A_269 : memref<32x128xf32, #tpu.memory_space<vmem>>)
      %dma_wait3A_277 = arith.constant 3 : i32
      %dma_wait3A_278 = arith.constant 1 : i32
      %dma_wait3A_279 = arith.constant 3 : i32
      %dma_wait3A_280 = arith.constant 0 : i32
      %dma_wait3A_281 = arith.constant 0 : i32
      %dma_wait3A_282 = tpu.memref_slice %arg10[%dma_wait3A_277, %dma_wait3A_280, %dma_wait3A_281] : memref<4x32x128xf32, #tpu.memory_space<vmem>> -> memref<1x32x128xf32, #tpu.memory_space<vmem>>
      %dma_wait3A_283 = tpu.memref_squeeze %dma_wait3A_282 : memref<1x32x128xf32, #tpu.memory_space<vmem>> -> memref<32x128xf32, #tpu.memory_space<vmem>>
      %dma_wait3A_284 = arith.constant 0 : i32
      %dma_wait3A_285 = tpu.memref_slice %arg8[%dma_wait3A_284] : memref<512xi32, #tpu.memory_space<vmem>> -> memref<32xi32, #tpu.memory_space<vmem>>
      %dma_wait3A_286 = arith.constant 0 : i32
      %dma_wait3A_287 = arith.constant 0 : i32
      %dma_wait3A_288 = tpu.memref_slice %arg5[%dma_wait3A_286, %dma_wait3A_287] : memref<1000000x128xf32, #tpu.memory_space<hbm>> -> memref<1000000x128xf32, #tpu.memory_space<hbm>>
      %dma_wait3A_289 = tpu.memref_slice %arg12[%dma_wait3A_278, %dma_wait3A_279] : memref<2x4x!tpu.dma_semaphore, #tpu.memory_space<semaphore_mem>> -> memref<1x1x!tpu.dma_semaphore, #tpu.memory_space<semaphore_mem>>
      %dma_wait3A_290 = tpu.memref_squeeze %dma_wait3A_289 : memref<1x1x!tpu.dma_semaphore, #tpu.memory_space<semaphore_mem>> -> memref<!tpu.dma_semaphore, #tpu.memory_space<semaphore_mem>>
      tpu.wait_indirect_dma semaphore(%dma_wait3A_290 : memref<!tpu.dma_semaphore, #tpu.memory_space<semaphore_mem>>) src(%dma_wait3A_288 : memref<1000000x128xf32, #tpu.memory_space<hbm>>) dst(%dma_wait3A_283 : memref<32x128xf32, #tpu.memory_space<vmem>>)
      %add3A_291 = arith.constant 3 : i32
      %add3A_292 = arith.addi %mul3A_126, %add3A_291 : i32
      %broadcast_in_dim3A_293 = arith.constant 0.000000e+00 : f32
      %broadcast_in_dim3A_294 = vector.broadcast %broadcast_in_dim3A_293 : f32 to vector<16xf32>
      %scan3A_295 = arith.constant 3 : i32
      %scan3A_296 = arith.constant 3 : i32
      %scan3A_297 = arith.constant 0 : i32
      %scan3A_298 = arith.constant 16 : i32
      %scan3A_299 = arith.addi %scan3A_297, %scan3A_298 : i32
      %scan3A_300 = arith.constant 2 : i32
      %scan3A_301 = scf.for %scan3A_310 = %scan3A_297 to %scan3A_299 step %scan3A_300 iter_args(%scan3A_311 = %broadcast_in_dim3A_294) -> (vector<16xf32>)  : i32 {
        %mul3A_312 = arith.constant 2 : i32
        %mul3A_313 = arith.muli %scan3A_310, %mul3A_312 : i32
        %get3A = arith.constant 0 : i32
        %get3A_314 = arith.constant 0 : i32
        %get3A_315 = tpu.memref_slice %arg9[%scan3A_295, %get3A, %get3A_314] : memref<4x32x128xf32, #tpu.memory_space<vmem>> -> memref<1x32x128xf32, #tpu.memory_space<vmem>>
        %get3A_316 = tpu.memref_squeeze %get3A_315 : memref<1x32x128xf32, #tpu.memory_space<vmem>> -> memref<32x128xf32, #tpu.memory_space<vmem>>
        %get3A_317 = arith.index_cast %mul3A_313 : i32 to index
        %get3A_318 = arith.constant 0 : index
        %get3A_319 = tpu.vector_load %get3A_316[%get3A_317, %get3A_318] {strides = array<i32>} : memref<32x128xf32, #tpu.memory_space<vmem>>, vector<1x16xf32>,
        %get3A_320 = vector.shape_cast %get3A_319 : vector<1x16xf32> to vector<16xf32>
        %get3A_321 = arith.constant 0 : i32
        %get3A_322 = arith.constant 0 : i32
        %get3A_323 = tpu.memref_slice %arg10[%scan3A_296, %get3A_321, %get3A_322] : memref<4x32x128xf32, #tpu.memory_space<vmem>> -> memref<1x32x128xf32, #tpu.memory_space<vmem>>
        %get3A_324 = tpu.memref_squeeze %get3A_323 : memref<1x32x128xf32, #tpu.memory_space<vmem>> -> memref<32x128xf32, #tpu.memory_space<vmem>>
        %get3A_325 = arith.index_cast %mul3A_313 : i32 to index
        %get3A_326 = arith.constant 0 : index
        %get3A_327 = tpu.vector_load %get3A_324[%get3A_325, %get3A_326] {strides = array<i32>} : memref<32x128xf32, #tpu.memory_space<vmem>>, vector<1x16xf32>,
        %get3A_328 = vector.shape_cast %get3A_327 : vector<1x16xf32> to vector<16xf32>
        %mul3A_329 = arith.mulf %get3A_320, %get3A_328 : vector<16xf32>
        %get3A_330 = arith.constant 0 : i32
        %get3A_331 = arith.constant 0 : i32
        %get3A_332 = tpu.memref_slice %arg9[%scan3A_295, %get3A_330, %get3A_331] : memref<4x32x128xf32, #tpu.memory_space<vmem>> -> memref<1x32x128xf32, #tpu.memory_space<vmem>>
        %get3A_333 = tpu.memref_squeeze %get3A_332 : memref<1x32x128xf32, #tpu.memory_space<vmem>> -> memref<32x128xf32, #tpu.memory_space<vmem>>
        %get3A_334 = arith.index_cast %mul3A_313 : i32 to index
        %get3A_335 = arith.constant 16 : index
        %get3A_336 = tpu.vector_load %get3A_333[%get3A_334, %get3A_335] {strides = array<i32>} : memref<32x128xf32, #tpu.memory_space<vmem>>, vector<1x16xf32>,
        %get3A_337 = vector.shape_cast %get3A_336 : vector<1x16xf32> to vector<16xf32>
        %get3A_338 = arith.constant 0 : i32
        %get3A_339 = arith.constant 0 : i32
        %get3A_340 = tpu.memref_slice %arg10[%scan3A_296, %get3A_338, %get3A_339] : memref<4x32x128xf32, #tpu.memory_space<vmem>> -> memref<1x32x128xf32, #tpu.memory_space<vmem>>
        %get3A_341 = tpu.memref_squeeze %get3A_340 : memref<1x32x128xf32, #tpu.memory_space<vmem>> -> memref<32x128xf32, #tpu.memory_space<vmem>>
        %get3A_342 = arith.index_cast %mul3A_313 : i32 to index
        %get3A_343 = arith.constant 16 : index
        %get3A_344 = tpu.vector_load %get3A_341[%get3A_342, %get3A_343] {strides = array<i32>} : memref<32x128xf32, #tpu.memory_space<vmem>>, vector<1x16xf32>,
        %get3A_345 = vector.shape_cast %get3A_344 : vector<1x16xf32> to vector<16xf32>
        %mul3A_346 = arith.mulf %get3A_337, %get3A_345 : vector<16xf32>
        %add3A_347 = arith.addf %mul3A_329, %mul3A_346 : vector<16xf32>
        %get3A_348 = arith.constant 0 : i32
        %get3A_349 = arith.constant 0 : i32
        %get3A_350 = tpu.memref_slice %arg9[%scan3A_295, %get3A_348, %get3A_349] : memref<4x32x128xf32, #tpu.memory_space<vmem>> -> memref<1x32x128xf32, #tpu.memory_space<vmem>>
        %get3A_351 = tpu.memref_squeeze %get3A_350 : memref<1x32x128xf32, #tpu.memory_space<vmem>> -> memref<32x128xf32, #tpu.memory_space<vmem>>
        %get3A_352 = arith.index_cast %mul3A_313 : i32 to index
        %get3A_353 = arith.constant 32 : index
        %get3A_354 = tpu.vector_load %get3A_351[%get3A_352, %get3A_353] {strides = array<i32>} : memref<32x128xf32, #tpu.memory_space<vmem>>, vector<1x16xf32>,
        %get3A_355 = vector.shape_cast %get3A_354 : vector<1x16xf32> to vector<16xf32>
        %get3A_356 = arith.constant 0 : i32
        %get3A_357 = arith.constant 0 : i32
        %get3A_358 = tpu.memref_slice %arg10[%scan3A_296, %get3A_356, %get3A_357] : memref<4x32x128xf32, #tpu.memory_space<vmem>> -> memref<1x32x128xf32, #tpu.memory_space<vmem>>
        %get3A_359 = tpu.memref_squeeze %get3A_358 : memref<1x32x128xf32, #tpu.memory_space<vmem>> -> memref<32x128xf32, #tpu.memory_space<vmem>>
        %get3A_360 = arith.index_cast %mul3A_313 : i32 to index
        %get3A_361 = arith.constant 32 : index
        %get3A_362 = tpu.vector_load %get3A_359[%get3A_360, %get3A_361] {strides = array<i32>} : memref<32x128xf32, #tpu.memory_space<vmem>>, vector<1x16xf32>,
        %get3A_363 = vector.shape_cast %get3A_362 : vector<1x16xf32> to vector<16xf32>
        %mul3A_364 = arith.mulf %get3A_355, %get3A_363 : vector<16xf32>
        %add3A_365 = arith.addf %add3A_347, %mul3A_364 : vector<16xf32>
        %get3A_366 = arith.constant 0 : i32
        %get3A_367 = arith.constant 0 : i32
        %get3A_368 = tpu.memref_slice %arg9[%scan3A_295, %get3A_366, %get3A_367] : memref<4x32x128xf32, #tpu.memory_space<vmem>> -> memref<1x32x128xf32, #tpu.memory_space<vmem>>
        %get3A_369 = tpu.memref_squeeze %get3A_368 : memref<1x32x128xf32, #tpu.memory_space<vmem>> -> memref<32x128xf32, #tpu.memory_space<vmem>>
        %get3A_370 = arith.index_cast %mul3A_313 : i32 to index
        %get3A_371 = arith.constant 48 : index
        %get3A_372 = tpu.vector_load %get3A_369[%get3A_370, %get3A_371] {strides = array<i32>} : memref<32x128xf32, #tpu.memory_space<vmem>>, vector<1x16xf32>,
        %get3A_373 = vector.shape_cast %get3A_372 : vector<1x16xf32> to vector<16xf32>
        %get3A_374 = arith.constant 0 : i32
        %get3A_375 = arith.constant 0 : i32
        %get3A_376 = tpu.memref_slice %arg10[%scan3A_296, %get3A_374, %get3A_375] : memref<4x32x128xf32, #tpu.memory_space<vmem>> -> memref<1x32x128xf32, #tpu.memory_space<vmem>>
        %get3A_377 = tpu.memref_squeeze %get3A_376 : memref<1x32x128xf32, #tpu.memory_space<vmem>> -> memref<32x128xf32, #tpu.memory_space<vmem>>
        %get3A_378 = arith.index_cast %mul3A_313 : i32 to index
        %get3A_379 = arith.constant 48 : index
        %get3A_380 = tpu.vector_load %get3A_377[%get3A_378, %get3A_379] {strides = array<i32>} : memref<32x128xf32, #tpu.memory_space<vmem>>, vector<1x16xf32>,
        %get3A_381 = vector.shape_cast %get3A_380 : vector<1x16xf32> to vector<16xf32>
        %mul3A_382 = arith.mulf %get3A_373, %get3A_381 : vector<16xf32>
        %add3A_383 = arith.addf %add3A_365, %mul3A_382 : vector<16xf32>
        %get3A_384 = arith.constant 0 : i32
        %get3A_385 = arith.constant 0 : i32
        %get3A_386 = tpu.memref_slice %arg9[%scan3A_295, %get3A_384, %get3A_385] : memref<4x32x128xf32, #tpu.memory_space<vmem>> -> memref<1x32x128xf32, #tpu.memory_space<vmem>>
        %get3A_387 = tpu.memref_squeeze %get3A_386 : memref<1x32x128xf32, #tpu.memory_space<vmem>> -> memref<32x128xf32, #tpu.memory_space<vmem>>
        %get3A_388 = arith.index_cast %mul3A_313 : i32 to index
        %get3A_389 = arith.constant 64 : index
        %get3A_390 = tpu.vector_load %get3A_387[%get3A_388, %get3A_389] {strides = array<i32>} : memref<32x128xf32, #tpu.memory_space<vmem>>, vector<1x16xf32>,
        %get3A_391 = vector.shape_cast %get3A_390 : vector<1x16xf32> to vector<16xf32>
        %get3A_392 = arith.constant 0 : i32
        %get3A_393 = arith.constant 0 : i32
        %get3A_394 = tpu.memref_slice %arg10[%scan3A_296, %get3A_392, %get3A_393] : memref<4x32x128xf32, #tpu.memory_space<vmem>> -> memref<1x32x128xf32, #tpu.memory_space<vmem>>
        %get3A_395 = tpu.memref_squeeze %get3A_394 : memref<1x32x128xf32, #tpu.memory_space<vmem>> -> memref<32x128xf32, #tpu.memory_space<vmem>>
        %get3A_396 = arith.index_cast %mul3A_313 : i32 to index
        %get3A_397 = arith.constant 64 : index
        %get3A_398 = tpu.vector_load %get3A_395[%get3A_396, %get3A_397] {strides = array<i32>} : memref<32x128xf32, #tpu.memory_space<vmem>>, vector<1x16xf32>,
        %get3A_399 = vector.shape_cast %get3A_398 : vector<1x16xf32> to vector<16xf32>
        %mul3A_400 = arith.mulf %get3A_391, %get3A_399 : vector<16xf32>
        %add3A_401 = arith.addf %add3A_383, %mul3A_400 : vector<16xf32>
        %get3A_402 = arith.constant 0 : i32
        %get3A_403 = arith.constant 0 : i32
        %get3A_404 = tpu.memref_slice %arg9[%scan3A_295, %get3A_402, %get3A_403] : memref<4x32x128xf32, #tpu.memory_space<vmem>> -> memref<1x32x128xf32, #tpu.memory_space<vmem>>
        %get3A_405 = tpu.memref_squeeze %get3A_404 : memref<1x32x128xf32, #tpu.memory_space<vmem>> -> memref<32x128xf32, #tpu.memory_space<vmem>>
        %get3A_406 = arith.index_cast %mul3A_313 : i32 to index
        %get3A_407 = arith.constant 80 : index
        %get3A_408 = tpu.vector_load %get3A_405[%get3A_406, %get3A_407] {strides = array<i32>} : memref<32x128xf32, #tpu.memory_space<vmem>>, vector<1x16xf32>,
        %get3A_409 = vector.shape_cast %get3A_408 : vector<1x16xf32> to vector<16xf32>
        %get3A_410 = arith.constant 0 : i32
        %get3A_411 = arith.constant 0 : i32
        %get3A_412 = tpu.memref_slice %arg10[%scan3A_296, %get3A_410, %get3A_411] : memref<4x32x128xf32, #tpu.memory_space<vmem>> -> memref<1x32x128xf32, #tpu.memory_space<vmem>>
        %get3A_413 = tpu.memref_squeeze %get3A_412 : memref<1x32x128xf32, #tpu.memory_space<vmem>> -> memref<32x128xf32, #tpu.memory_space<vmem>>
        %get3A_414 = arith.index_cast %mul3A_313 : i32 to index
        %get3A_415 = arith.constant 80 : index
        %get3A_416 = tpu.vector_load %get3A_413[%get3A_414, %get3A_415] {strides = array<i32>} : memref<32x128xf32, #tpu.memory_space<vmem>>, vector<1x16xf32>,
        %get3A_417 = vector.shape_cast %get3A_416 : vector<1x16xf32> to vector<16xf32>
        %mul3A_418 = arith.mulf %get3A_409, %get3A_417 : vector<16xf32>
        %add3A_419 = arith.addf %add3A_401, %mul3A_418 : vector<16xf32>
        %get3A_420 = arith.constant 0 : i32
        %get3A_421 = arith.constant 0 : i32
        %get3A_422 = tpu.memref_slice %arg9[%scan3A_295, %get3A_420, %get3A_421] : memref<4x32x128xf32, #tpu.memory_space<vmem>> -> memref<1x32x128xf32, #tpu.memory_space<vmem>>
        %get3A_423 = tpu.memref_squeeze %get3A_422 : memref<1x32x128xf32, #tpu.memory_space<vmem>> -> memref<32x128xf32, #tpu.memory_space<vmem>>
        %get3A_424 = arith.index_cast %mul3A_313 : i32 to index
        %get3A_425 = arith.constant 96 : index
        %get3A_426 = tpu.vector_load %get3A_423[%get3A_424, %get3A_425] {strides = array<i32>} : memref<32x128xf32, #tpu.memory_space<vmem>>, vector<1x16xf32>,
        %get3A_427 = vector.shape_cast %get3A_426 : vector<1x16xf32> to vector<16xf32>
        %get3A_428 = arith.constant 0 : i32
        %get3A_429 = arith.constant 0 : i32
        %get3A_430 = tpu.memref_slice %arg10[%scan3A_296, %get3A_428, %get3A_429] : memref<4x32x128xf32, #tpu.memory_space<vmem>> -> memref<1x32x128xf32, #tpu.memory_space<vmem>>
        %get3A_431 = tpu.memref_squeeze %get3A_430 : memref<1x32x128xf32, #tpu.memory_space<vmem>> -> memref<32x128xf32, #tpu.memory_space<vmem>>
        %get3A_432 = arith.index_cast %mul3A_313 : i32 to index
        %get3A_433 = arith.constant 96 : index
        %get3A_434 = tpu.vector_load %get3A_431[%get3A_432, %get3A_433] {strides = array<i32>} : memref<32x128xf32, #tpu.memory_space<vmem>>, vector<1x16xf32>,
        %get3A_435 = vector.shape_cast %get3A_434 : vector<1x16xf32> to vector<16xf32>
        %mul3A_436 = arith.mulf %get3A_427, %get3A_435 : vector<16xf32>
        %add3A_437 = arith.addf %add3A_419, %mul3A_436 : vector<16xf32>
        %get3A_438 = arith.constant 0 : i32
        %get3A_439 = arith.constant 0 : i32
        %get3A_440 = tpu.memref_slice %arg9[%scan3A_295, %get3A_438, %get3A_439] : memref<4x32x128xf32, #tpu.memory_space<vmem>> -> memref<1x32x128xf32, #tpu.memory_space<vmem>>
        %get3A_441 = tpu.memref_squeeze %get3A_440 : memref<1x32x128xf32, #tpu.memory_space<vmem>> -> memref<32x128xf32, #tpu.memory_space<vmem>>
        %get3A_442 = arith.index_cast %mul3A_313 : i32 to index
        %get3A_443 = arith.constant 112 : index
        %get3A_444 = tpu.vector_load %get3A_441[%get3A_442, %get3A_443] {strides = array<i32>} : memref<32x128xf32, #tpu.memory_space<vmem>>, vector<1x16xf32>,
        %get3A_445 = vector.shape_cast %get3A_444 : vector<1x16xf32> to vector<16xf32>
        %get3A_446 = arith.constant 0 : i32
        %get3A_447 = arith.constant 0 : i32
        %get3A_448 = tpu.memref_slice %arg10[%scan3A_296, %get3A_446, %get3A_447] : memref<4x32x128xf32, #tpu.memory_space<vmem>> -> memref<1x32x128xf32, #tpu.memory_space<vmem>>
        %get3A_449 = tpu.memref_squeeze %get3A_448 : memref<1x32x128xf32, #tpu.memory_space<vmem>> -> memref<32x128xf32, #tpu.memory_space<vmem>>
        %get3A_450 = arith.index_cast %mul3A_313 : i32 to index
        %get3A_451 = arith.constant 112 : index
        %get3A_452 = tpu.vector_load %get3A_449[%get3A_450, %get3A_451] {strides = array<i32>} : memref<32x128xf32, #tpu.memory_space<vmem>>, vector<1x16xf32>,
        %get3A_453 = vector.shape_cast %get3A_452 : vector<1x16xf32> to vector<16xf32>
        %mul3A_454 = arith.mulf %get3A_445, %get3A_453 : vector<16xf32>
        %add3A_455 = arith.addf %add3A_437, %mul3A_454 : vector<16xf32>
        %add3A_456 = arith.constant 1 : i32
        %add3A_457 = arith.addi %mul3A_313, %add3A_456 : i32
        %get3A_458 = arith.constant 0 : i32
        %get3A_459 = arith.constant 0 : i32
        %get3A_460 = tpu.memref_slice %arg9[%scan3A_295, %get3A_458, %get3A_459] : memref<4x32x128xf32, #tpu.memory_space<vmem>> -> memref<1x32x128xf32, #tpu.memory_space<vmem>>
        %get3A_461 = tpu.memref_squeeze %get3A_460 : memref<1x32x128xf32, #tpu.memory_space<vmem>> -> memref<32x128xf32, #tpu.memory_space<vmem>>
        %get3A_462 = arith.index_cast %add3A_457 : i32 to index
        %get3A_463 = arith.constant 0 : index
        %get3A_464 = tpu.vector_load %get3A_461[%get3A_462, %get3A_463] {strides = array<i32>} : memref<32x128xf32, #tpu.memory_space<vmem>>, vector<1x16xf32>,
        %get3A_465 = vector.shape_cast %get3A_464 : vector<1x16xf32> to vector<16xf32>
        %get3A_466 = arith.constant 0 : i32
        %get3A_467 = arith.constant 0 : i32
        %get3A_468 = tpu.memref_slice %arg10[%scan3A_296, %get3A_466, %get3A_467] : memref<4x32x128xf32, #tpu.memory_space<vmem>> -> memref<1x32x128xf32, #tpu.memory_space<vmem>>
        %get3A_469 = tpu.memref_squeeze %get3A_468 : memref<1x32x128xf32, #tpu.memory_space<vmem>> -> memref<32x128xf32, #tpu.memory_space<vmem>>
        %get3A_470 = arith.index_cast %add3A_457 : i32 to index
        %get3A_471 = arith.constant 0 : index
        %get3A_472 = tpu.vector_load %get3A_469[%get3A_470, %get3A_471] {strides = array<i32>} : memref<32x128xf32, #tpu.memory_space<vmem>>, vector<1x16xf32>,
        %get3A_473 = vector.shape_cast %get3A_472 : vector<1x16xf32> to vector<16xf32>
        %mul3A_474 = arith.mulf %get3A_465, %get3A_473 : vector<16xf32>
        %get3A_475 = arith.constant 0 : i32
        %get3A_476 = arith.constant 0 : i32
        %get3A_477 = tpu.memref_slice %arg9[%scan3A_295, %get3A_475, %get3A_476] : memref<4x32x128xf32, #tpu.memory_space<vmem>> -> memref<1x32x128xf32, #tpu.memory_space<vmem>>
        %get3A_478 = tpu.memref_squeeze %get3A_477 : memref<1x32x128xf32, #tpu.memory_space<vmem>> -> memref<32x128xf32, #tpu.memory_space<vmem>>
        %get3A_479 = arith.index_cast %add3A_457 : i32 to index
        %get3A_480 = arith.constant 16 : index
        %get3A_481 = tpu.vector_load %get3A_478[%get3A_479, %get3A_480] {strides = array<i32>} : memref<32x128xf32, #tpu.memory_space<vmem>>, vector<1x16xf32>,
        %get3A_482 = vector.shape_cast %get3A_481 : vector<1x16xf32> to vector<16xf32>
        %get3A_483 = arith.constant 0 : i32
        %get3A_484 = arith.constant 0 : i32
        %get3A_485 = tpu.memref_slice %arg10[%scan3A_296, %get3A_483, %get3A_484] : memref<4x32x128xf32, #tpu.memory_space<vmem>> -> memref<1x32x128xf32, #tpu.memory_space<vmem>>
        %get3A_486 = tpu.memref_squeeze %get3A_485 : memref<1x32x128xf32, #tpu.memory_space<vmem>> -> memref<32x128xf32, #tpu.memory_space<vmem>>
        %get3A_487 = arith.index_cast %add3A_457 : i32 to index
        %get3A_488 = arith.constant 16 : index
        %get3A_489 = tpu.vector_load %get3A_486[%get3A_487, %get3A_488] {strides = array<i32>} : memref<32x128xf32, #tpu.memory_space<vmem>>, vector<1x16xf32>,
        %get3A_490 = vector.shape_cast %get3A_489 : vector<1x16xf32> to vector<16xf32>
        %mul3A_491 = arith.mulf %get3A_482, %get3A_490 : vector<16xf32>
        %add3A_492 = arith.addf %mul3A_474, %mul3A_491 : vector<16xf32>
        %get3A_493 = arith.constant 0 : i32
        %get3A_494 = arith.constant 0 : i32
        %get3A_495 = tpu.memref_slice %arg9[%scan3A_295, %get3A_493, %get3A_494] : memref<4x32x128xf32, #tpu.memory_space<vmem>> -> memref<1x32x128xf32, #tpu.memory_space<vmem>>
        %get3A_496 = tpu.memref_squeeze %get3A_495 : memref<1x32x128xf32, #tpu.memory_space<vmem>> -> memref<32x128xf32, #tpu.memory_space<vmem>>
        %get3A_497 = arith.index_cast %add3A_457 : i32 to index
        %get3A_498 = arith.constant 32 : index
        %get3A_499 = tpu.vector_load %get3A_496[%get3A_497, %get3A_498] {strides = array<i32>} : memref<32x128xf32, #tpu.memory_space<vmem>>, vector<1x16xf32>,
        %get3A_500 = vector.shape_cast %get3A_499 : vector<1x16xf32> to vector<16xf32>
        %get3A_501 = arith.constant 0 : i32
        %get3A_502 = arith.constant 0 : i32
        %get3A_503 = tpu.memref_slice %arg10[%scan3A_296, %get3A_501, %get3A_502] : memref<4x32x128xf32, #tpu.memory_space<vmem>> -> memref<1x32x128xf32, #tpu.memory_space<vmem>>
        %get3A_504 = tpu.memref_squeeze %get3A_503 : memref<1x32x128xf32, #tpu.memory_space<vmem>> -> memref<32x128xf32, #tpu.memory_space<vmem>>
        %get3A_505 = arith.index_cast %add3A_457 : i32 to index
        %get3A_506 = arith.constant 32 : index
        %get3A_507 = tpu.vector_load %get3A_504[%get3A_505, %get3A_506] {strides = array<i32>} : memref<32x128xf32, #tpu.memory_space<vmem>>, vector<1x16xf32>,
        %get3A_508 = vector.shape_cast %get3A_507 : vector<1x16xf32> to vector<16xf32>
        %mul3A_509 = arith.mulf %get3A_500, %get3A_508 : vector<16xf32>
        %add3A_510 = arith.addf %add3A_492, %mul3A_509 : vector<16xf32>
        %get3A_511 = arith.constant 0 : i32
        %get3A_512 = arith.constant 0 : i32
        %get3A_513 = tpu.memref_slice %arg9[%scan3A_295, %get3A_511, %get3A_512] : memref<4x32x128xf32, #tpu.memory_space<vmem>> -> memref<1x32x128xf32, #tpu.memory_space<vmem>>
        %get3A_514 = tpu.memref_squeeze %get3A_513 : memref<1x32x128xf32, #tpu.memory_space<vmem>> -> memref<32x128xf32, #tpu.memory_space<vmem>>
        %get3A_515 = arith.index_cast %add3A_457 : i32 to index
        %get3A_516 = arith.constant 48 : index
        %get3A_517 = tpu.vector_load %get3A_514[%get3A_515, %get3A_516] {strides = array<i32>} : memref<32x128xf32, #tpu.memory_space<vmem>>, vector<1x16xf32>,
        %get3A_518 = vector.shape_cast %get3A_517 : vector<1x16xf32> to vector<16xf32>
        %get3A_519 = arith.constant 0 : i32
        %get3A_520 = arith.constant 0 : i32
        %get3A_521 = tpu.memref_slice %arg10[%scan3A_296, %get3A_519, %get3A_520] : memref<4x32x128xf32, #tpu.memory_space<vmem>> -> memref<1x32x128xf32, #tpu.memory_space<vmem>>
        %get3A_522 = tpu.memref_squeeze %get3A_521 : memref<1x32x128xf32, #tpu.memory_space<vmem>> -> memref<32x128xf32, #tpu.memory_space<vmem>>
        %get3A_523 = arith.index_cast %add3A_457 : i32 to index
        %get3A_524 = arith.constant 48 : index
        %get3A_525 = tpu.vector_load %get3A_522[%get3A_523, %get3A_524] {strides = array<i32>} : memref<32x128xf32, #tpu.memory_space<vmem>>, vector<1x16xf32>,
        %get3A_526 = vector.shape_cast %get3A_525 : vector<1x16xf32> to vector<16xf32>
        %mul3A_527 = arith.mulf %get3A_518, %get3A_526 : vector<16xf32>
        %add3A_528 = arith.addf %add3A_510, %mul3A_527 : vector<16xf32>
        %get3A_529 = arith.constant 0 : i32
        %get3A_530 = arith.constant 0 : i32
        %get3A_531 = tpu.memref_slice %arg9[%scan3A_295, %get3A_529, %get3A_530] : memref<4x32x128xf32, #tpu.memory_space<vmem>> -> memref<1x32x128xf32, #tpu.memory_space<vmem>>
        %get3A_532 = tpu.memref_squeeze %get3A_531 : memref<1x32x128xf32, #tpu.memory_space<vmem>> -> memref<32x128xf32, #tpu.memory_space<vmem>>
        %get3A_533 = arith.index_cast %add3A_457 : i32 to index
        %get3A_534 = arith.constant 64 : index
        %get3A_535 = tpu.vector_load %get3A_532[%get3A_533, %get3A_534] {strides = array<i32>} : memref<32x128xf32, #tpu.memory_space<vmem>>, vector<1x16xf32>,
        %get3A_536 = vector.shape_cast %get3A_535 : vector<1x16xf32> to vector<16xf32>
        %get3A_537 = arith.constant 0 : i32
        %get3A_538 = arith.constant 0 : i32
        %get3A_539 = tpu.memref_slice %arg10[%scan3A_296, %get3A_537, %get3A_538] : memref<4x32x128xf32, #tpu.memory_space<vmem>> -> memref<1x32x128xf32, #tpu.memory_space<vmem>>
        %get3A_540 = tpu.memref_squeeze %get3A_539 : memref<1x32x128xf32, #tpu.memory_space<vmem>> -> memref<32x128xf32, #tpu.memory_space<vmem>>
        %get3A_541 = arith.index_cast %add3A_457 : i32 to index
        %get3A_542 = arith.constant 64 : index
        %get3A_543 = tpu.vector_load %get3A_540[%get3A_541, %get3A_542] {strides = array<i32>} : memref<32x128xf32, #tpu.memory_space<vmem>>, vector<1x16xf32>,
        %get3A_544 = vector.shape_cast %get3A_543 : vector<1x16xf32> to vector<16xf32>
        %mul3A_545 = arith.mulf %get3A_536, %get3A_544 : vector<16xf32>
        %add3A_546 = arith.addf %add3A_528, %mul3A_545 : vector<16xf32>
        %get3A_547 = arith.constant 0 : i32
        %get3A_548 = arith.constant 0 : i32
        %get3A_549 = tpu.memref_slice %arg9[%scan3A_295, %get3A_547, %get3A_548] : memref<4x32x128xf32, #tpu.memory_space<vmem>> -> memref<1x32x128xf32, #tpu.memory_space<vmem>>
        %get3A_550 = tpu.memref_squeeze %get3A_549 : memref<1x32x128xf32, #tpu.memory_space<vmem>> -> memref<32x128xf32, #tpu.memory_space<vmem>>
        %get3A_551 = arith.index_cast %add3A_457 : i32 to index
        %get3A_552 = arith.constant 80 : index
        %get3A_553 = tpu.vector_load %get3A_550[%get3A_551, %get3A_552] {strides = array<i32>} : memref<32x128xf32, #tpu.memory_space<vmem>>, vector<1x16xf32>,
        %get3A_554 = vector.shape_cast %get3A_553 : vector<1x16xf32> to vector<16xf32>
        %get3A_555 = arith.constant 0 : i32
        %get3A_556 = arith.constant 0 : i32
        %get3A_557 = tpu.memref_slice %arg10[%scan3A_296, %get3A_555, %get3A_556] : memref<4x32x128xf32, #tpu.memory_space<vmem>> -> memref<1x32x128xf32, #tpu.memory_space<vmem>>
        %get3A_558 = tpu.memref_squeeze %get3A_557 : memref<1x32x128xf32, #tpu.memory_space<vmem>> -> memref<32x128xf32, #tpu.memory_space<vmem>>
        %get3A_559 = arith.index_cast %add3A_457 : i32 to index
        %get3A_560 = arith.constant 80 : index
        %get3A_561 = tpu.vector_load %get3A_558[%get3A_559, %get3A_560] {strides = array<i32>} : memref<32x128xf32, #tpu.memory_space<vmem>>, vector<1x16xf32>,
        %get3A_562 = vector.shape_cast %get3A_561 : vector<1x16xf32> to vector<16xf32>
        %mul3A_563 = arith.mulf %get3A_554, %get3A_562 : vector<16xf32>
        %add3A_564 = arith.addf %add3A_546, %mul3A_563 : vector<16xf32>
        %get3A_565 = arith.constant 0 : i32
        %get3A_566 = arith.constant 0 : i32
        %get3A_567 = tpu.memref_slice %arg9[%scan3A_295, %get3A_565, %get3A_566] : memref<4x32x128xf32, #tpu.memory_space<vmem>> -> memref<1x32x128xf32, #tpu.memory_space<vmem>>
        %get3A_568 = tpu.memref_squeeze %get3A_567 : memref<1x32x128xf32, #tpu.memory_space<vmem>> -> memref<32x128xf32, #tpu.memory_space<vmem>>
        %get3A_569 = arith.index_cast %add3A_457 : i32 to index
        %get3A_570 = arith.constant 96 : index
        %get3A_571 = tpu.vector_load %get3A_568[%get3A_569, %get3A_570] {strides = array<i32>} : memref<32x128xf32, #tpu.memory_space<vmem>>, vector<1x16xf32>,
        %get3A_572 = vector.shape_cast %get3A_571 : vector<1x16xf32> to vector<16xf32>
        %get3A_573 = arith.constant 0 : i32
        %get3A_574 = arith.constant 0 : i32
        %get3A_575 = tpu.memref_slice %arg10[%scan3A_296, %get3A_573, %get3A_574] : memref<4x32x128xf32, #tpu.memory_space<vmem>> -> memref<1x32x128xf32, #tpu.memory_space<vmem>>
        %get3A_576 = tpu.memref_squeeze %get3A_575 : memref<1x32x128xf32, #tpu.memory_space<vmem>> -> memref<32x128xf32, #tpu.memory_space<vmem>>
        %get3A_577 = arith.index_cast %add3A_457 : i32 to index
        %get3A_578 = arith.constant 96 : index
        %get3A_579 = tpu.vector_load %get3A_576[%get3A_577, %get3A_578] {strides = array<i32>} : memref<32x128xf32, #tpu.memory_space<vmem>>, vector<1x16xf32>,
        %get3A_580 = vector.shape_cast %get3A_579 : vector<1x16xf32> to vector<16xf32>
        %mul3A_581 = arith.mulf %get3A_572, %get3A_580 : vector<16xf32>
        %add3A_582 = arith.addf %add3A_564, %mul3A_581 : vector<16xf32>
        %get3A_583 = arith.constant 0 : i32
        %get3A_584 = arith.constant 0 : i32
        %get3A_585 = tpu.memref_slice %arg9[%scan3A_295, %get3A_583, %get3A_584] : memref<4x32x128xf32, #tpu.memory_space<vmem>> -> memref<1x32x128xf32, #tpu.memory_space<vmem>>
        %get3A_586 = tpu.memref_squeeze %get3A_585 : memref<1x32x128xf32, #tpu.memory_space<vmem>> -> memref<32x128xf32, #tpu.memory_space<vmem>>
        %get3A_587 = arith.index_cast %add3A_457 : i32 to index
        %get3A_588 = arith.constant 112 : index
        %get3A_589 = tpu.vector_load %get3A_586[%get3A_587, %get3A_588] {strides = array<i32>} : memref<32x128xf32, #tpu.memory_space<vmem>>, vector<1x16xf32>,
        %get3A_590 = vector.shape_cast %get3A_589 : vector<1x16xf32> to vector<16xf32>
        %get3A_591 = arith.constant 0 : i32
        %get3A_592 = arith.constant 0 : i32
        %get3A_593 = tpu.memref_slice %arg10[%scan3A_296, %get3A_591, %get3A_592] : memref<4x32x128xf32, #tpu.memory_space<vmem>> -> memref<1x32x128xf32, #tpu.memory_space<vmem>>
        %get3A_594 = tpu.memref_squeeze %get3A_593 : memref<1x32x128xf32, #tpu.memory_space<vmem>> -> memref<32x128xf32, #tpu.memory_space<vmem>>
        %get3A_595 = arith.index_cast %add3A_457 : i32 to index
        %get3A_596 = arith.constant 112 : index
        %get3A_597 = tpu.vector_load %get3A_594[%get3A_595, %get3A_596] {strides = array<i32>} : memref<32x128xf32, #tpu.memory_space<vmem>>, vector<1x16xf32>,
        %get3A_598 = vector.shape_cast %get3A_597 : vector<1x16xf32> to vector<16xf32>
        %mul3A_599 = arith.mulf %get3A_590, %get3A_598 : vector<16xf32>
        %add3A_600 = arith.addf %add3A_582, %mul3A_599 : vector<16xf32>
        %xor3A = arith.constant 1 : i32
        %xor3A_601 = vector.broadcast %xor3A : i32 to vector<16xi32>
        %xor3A_602 = arith.xori %iota3A, %xor3A_601 : vector<16xi32>
        %broadcast_in_dim3A_603 = vector.shape_cast %xor3A_602 : vector<16xi32> to vector<16x1xi32>
        %gather3A = vector.shape_cast %broadcast_in_dim3A_603 : vector<16x1xi32> to vector<16xi32>
        %gather3A_604 = tpu.dynamic_gather %add3A_600[%gather3A] in [0] : vector<16xf32>, vector<16xi32> -> vector<16xf32>
        %select_n3A = arith.select %eq3A_6, %add3A_455, %gather3A_604 : vector<16xi1>, vector<16xf32>
        %xor3A_605 = arith.constant 1 : i32
        %xor3A_606 = vector.broadcast %xor3A_605 : i32 to vector<16xi32>
        %xor3A_607 = arith.xori %iota3A, %xor3A_606 : vector<16xi32>
        %broadcast_in_dim3A_608 = vector.shape_cast %xor3A_607 : vector<16xi32> to vector<16x1xi32>
        %gather3A_609 = vector.shape_cast %broadcast_in_dim3A_608 : vector<16x1xi32> to vector<16xi32>
        %gather3A_610 = tpu.dynamic_gather %add3A_455[%gather3A_609] in [0] : vector<16xf32>, vector<16xi32> -> vector<16xf32>
        %select_n3A_611 = arith.select %eq3A_6, %gather3A_610, %add3A_600 : vector<16xi1>, vector<16xf32>
        %add3A_612 = arith.addf %select_n3A, %select_n3A_611 : vector<16xf32>
        %xor3A_613 = arith.constant 2 : i32
        %xor3A_614 = vector.broadcast %xor3A_613 : i32 to vector<16xi32>
        %xor3A_615 = arith.xori %iota3A, %xor3A_614 : vector<16xi32>
        %broadcast_in_dim3A_616 = vector.shape_cast %xor3A_615 : vector<16xi32> to vector<16x1xi32>
        %gather3A_617 = vector.shape_cast %broadcast_in_dim3A_616 : vector<16x1xi32> to vector<16xi32>
        %gather3A_618 = tpu.dynamic_gather %add3A_612[%gather3A_617] in [0] : vector<16xf32>, vector<16xi32> -> vector<16xf32>
        %add3A_619 = arith.addf %add3A_612, %gather3A_618 : vector<16xf32>
        %xor3A_620 = arith.constant 4 : i32
        %xor3A_621 = vector.broadcast %xor3A_620 : i32 to vector<16xi32>
        %xor3A_622 = arith.xori %iota3A, %xor3A_621 : vector<16xi32>
        %broadcast_in_dim3A_623 = vector.shape_cast %xor3A_622 : vector<16xi32> to vector<16x1xi32>
        %gather3A_624 = vector.shape_cast %broadcast_in_dim3A_623 : vector<16x1xi32> to vector<16xi32>
        %gather3A_625 = tpu.dynamic_gather %add3A_619[%gather3A_624] in [0] : vector<16xf32>, vector<16xi32> -> vector<16xf32>
        %add3A_626 = arith.addf %add3A_619, %gather3A_625 : vector<16xf32>
        %xor3A_627 = arith.constant 8 : i32
        %xor3A_628 = vector.broadcast %xor3A_627 : i32 to vector<16xi32>
        %xor3A_629 = arith.xori %iota3A, %xor3A_628 : vector<16xi32>
        %broadcast_in_dim3A_630 = vector.shape_cast %xor3A_629 : vector<16xi32> to vector<16x1xi32>
        %gather3A_631 = vector.shape_cast %broadcast_in_dim3A_630 : vector<16x1xi32> to vector<16xi32>
        %gather3A_632 = tpu.dynamic_gather %add3A_626[%gather3A_631] in [0] : vector<16xf32>, vector<16xi32> -> vector<16xf32>
        %add3A_633 = arith.addf %add3A_626, %gather3A_632 : vector<16xf32>
        %and3A_634 = arith.constant 7 : i32
        %and3A_635 = arith.andi %scan3A_310, %and3A_634 : i32
        %eq3A_636 = vector.broadcast %and3A_635 : i32 to vector<16xi32>
        %eq3A_637 = arith.cmpi eq, %shift_right_arithmetic3A_8, %eq3A_636 : vector<16xi32>
        %select_n3A_638 = arith.select %eq3A_637, %add3A_633, %scan3A_311 : vector<16xi1>, vector<16xf32>
        %and3A_639 = arith.constant 7 : i32
        %and3A_640 = arith.andi %scan3A_310, %and3A_639 : i32
        %eq3A_641 = arith.constant 7 : i32
        %eq3A_642 = arith.cmpi eq, %and3A_640, %eq3A_641 : i32
        %convert_element_type3A_643 = arith.extui %eq3A_642 : i1 to i32
        %cond3A_644 = arith.constant 0 : i32
        %cond3A_645 = arith.cmpi ne, %convert_element_type3A_643, %cond3A_644 : i32
        scf.if %cond3A_645 {
          %mul3A_986 = arith.constant 32 : i32
          %mul3A_987 = arith.muli %add3A_292, %mul3A_986 : i32
          %add3A_988 = arith.constant 1 : i32
          %add3A_989 = arith.addi %mul3A_313, %add3A_988 : i32
          %and3A_990 = arith.constant -16 : i32
          %and3A_991 = arith.andi %add3A_989, %and3A_990 : i32
          %add3A_992 = arith.addi %mul3A_987, %and3A_991 : i32
          %swap3A = arith.index_cast %add3A_992 : i32 to index
          %swap3A_993 = tpu.vector_load %arg11[%swap3A] {strides = array<i32>} : memref<512xf32, #tpu.memory_space<vmem>>, vector<16xf32>,
          %swap3A_994 = vector.shape_cast %swap3A_993 : vector<16xf32> to vector<16xf32>
          %swap3A_995 = vector.shape_cast %select_n3A_638 : vector<16xf32> to vector<16xf32>
          tpu.vector_store %arg11[%swap3A], %swap3A_995 {strides = array<i32>} : memref<512xf32, #tpu.memory_space<vmem>>, vector<16xf32>,
        } else {
        }
        %scan3A_646 = arith.constant 1 : i32
        %scan3A_647 = arith.addi %scan3A_310, %scan3A_646 : i32
        %mul3A_648 = arith.constant 2 : i32
        %mul3A_649 = arith.muli %scan3A_647, %mul3A_648 : i32
        %get3A_650 = arith.constant 0 : i32
        %get3A_651 = arith.constant 0 : i32
        %get3A_652 = tpu.memref_slice %arg9[%scan3A_295, %get3A_650, %get3A_651] : memref<4x32x128xf32, #tpu.memory_space<vmem>> -> memref<1x32x128xf32, #tpu.memory_space<vmem>>
        %get3A_653 = tpu.memref_squeeze %get3A_652 : memref<1x32x128xf32, #tpu.memory_space<vmem>> -> memref<32x128xf32, #tpu.memory_space<vmem>>
        %get3A_654 = arith.index_cast %mul3A_649 : i32 to index
        %get3A_655 = arith.constant 0 : index
        %get3A_656 = tpu.vector_load %get3A_653[%get3A_654, %get3A_655] {strides = array<i32>} : memref<32x128xf32, #tpu.memory_space<vmem>>, vector<1x16xf32>,
        %get3A_657 = vector.shape_cast %get3A_656 : vector<1x16xf32> to vector<16xf32>
        %get3A_658 = arith.constant 0 : i32
        %get3A_659 = arith.constant 0 : i32
        %get3A_660 = tpu.memref_slice %arg10[%scan3A_296, %get3A_658, %get3A_659] : memref<4x32x128xf32, #tpu.memory_space<vmem>> -> memref<1x32x128xf32, #tpu.memory_space<vmem>>
        %get3A_661 = tpu.memref_squeeze %get3A_660 : memref<1x32x128xf32, #tpu.memory_space<vmem>> -> memref<32x128xf32, #tpu.memory_space<vmem>>
        %get3A_662 = arith.index_cast %mul3A_649 : i32 to index
        %get3A_663 = arith.constant 0 : index
        %get3A_664 = tpu.vector_load %get3A_661[%get3A_662, %get3A_663] {strides = array<i32>} : memref<32x128xf32, #tpu.memory_space<vmem>>, vector<1x16xf32>,
        %get3A_665 = vector.shape_cast %get3A_664 : vector<1x16xf32> to vector<16xf32>
        %mul3A_666 = arith.mulf %get3A_657, %get3A_665 : vector<16xf32>
        %get3A_667 = arith.constant 0 : i32
        %get3A_668 = arith.constant 0 : i32
        %get3A_669 = tpu.memref_slice %arg9[%scan3A_295, %get3A_667, %get3A_668] : memref<4x32x128xf32, #tpu.memory_space<vmem>> -> memref<1x32x128xf32, #tpu.memory_space<vmem>>
        %get3A_670 = tpu.memref_squeeze %get3A_669 : memref<1x32x128xf32, #tpu.memory_space<vmem>> -> memref<32x128xf32, #tpu.memory_space<vmem>>
        %get3A_671 = arith.index_cast %mul3A_649 : i32 to index
        %get3A_672 = arith.constant 16 : index
        %get3A_673 = tpu.vector_load %get3A_670[%get3A_671, %get3A_672] {strides = array<i32>} : memref<32x128xf32, #tpu.memory_space<vmem>>, vector<1x16xf32>,
        %get3A_674 = vector.shape_cast %get3A_673 : vector<1x16xf32> to vector<16xf32>
        %get3A_675 = arith.constant 0 : i32
        %get3A_676 = arith.constant 0 : i32
        %get3A_677 = tpu.memref_slice %arg10[%scan3A_296, %get3A_675, %get3A_676] : memref<4x32x128xf32, #tpu.memory_space<vmem>> -> memref<1x32x128xf32, #tpu.memory_space<vmem>>
        %get3A_678 = tpu.memref_squeeze %get3A_677 : memref<1x32x128xf32, #tpu.memory_space<vmem>> -> memref<32x128xf32, #tpu.memory_space<vmem>>
        %get3A_679 = arith.index_cast %mul3A_649 : i32 to index
        %get3A_680 = arith.constant 16 : index
        %get3A_681 = tpu.vector_load %get3A_678[%get3A_679, %get3A_680] {strides = array<i32>} : memref<32x128xf32, #tpu.memory_space<vmem>>, vector<1x16xf32>,
        %get3A_682 = vector.shape_cast %get3A_681 : vector<1x16xf32> to vector<16xf32>
        %mul3A_683 = arith.mulf %get3A_674, %get3A_682 : vector<16xf32>
        %add3A_684 = arith.addf %mul3A_666, %mul3A_683 : vector<16xf32>
        %get3A_685 = arith.constant 0 : i32
        %get3A_686 = arith.constant 0 : i32
        %get3A_687 = tpu.memref_slice %arg9[%scan3A_295, %get3A_685, %get3A_686] : memref<4x32x128xf32, #tpu.memory_space<vmem>> -> memref<1x32x128xf32, #tpu.memory_space<vmem>>
        %get3A_688 = tpu.memref_squeeze %get3A_687 : memref<1x32x128xf32, #tpu.memory_space<vmem>> -> memref<32x128xf32, #tpu.memory_space<vmem>>
        %get3A_689 = arith.index_cast %mul3A_649 : i32 to index
        %get3A_690 = arith.constant 32 : index
        %get3A_691 = tpu.vector_load %get3A_688[%get3A_689, %get3A_690] {strides = array<i32>} : memref<32x128xf32, #tpu.memory_space<vmem>>, vector<1x16xf32>,
        %get3A_692 = vector.shape_cast %get3A_691 : vector<1x16xf32> to vector<16xf32>
        %get3A_693 = arith.constant 0 : i32
        %get3A_694 = arith.constant 0 : i32
        %get3A_695 = tpu.memref_slice %arg10[%scan3A_296, %get3A_693, %get3A_694] : memref<4x32x128xf32, #tpu.memory_space<vmem>> -> memref<1x32x128xf32, #tpu.memory_space<vmem>>
        %get3A_696 = tpu.memref_squeeze %get3A_695 : memref<1x32x128xf32, #tpu.memory_space<vmem>> -> memref<32x128xf32, #tpu.memory_space<vmem>>
        %get3A_697 = arith.index_cast %mul3A_649 : i32 to index
        %get3A_698 = arith.constant 32 : index
        %get3A_699 = tpu.vector_load %get3A_696[%get3A_697, %get3A_698] {strides = array<i32>} : memref<32x128xf32, #tpu.memory_space<vmem>>, vector<1x16xf32>,
        %get3A_700 = vector.shape_cast %get3A_699 : vector<1x16xf32> to vector<16xf32>
        %mul3A_701 = arith.mulf %get3A_692, %get3A_700 : vector<16xf32>
        %add3A_702 = arith.addf %add3A_684, %mul3A_701 : vector<16xf32>
        %get3A_703 = arith.constant 0 : i32
        %get3A_704 = arith.constant 0 : i32
        %get3A_705 = tpu.memref_slice %arg9[%scan3A_295, %get3A_703, %get3A_704] : memref<4x32x128xf32, #tpu.memory_space<vmem>> -> memref<1x32x128xf32, #tpu.memory_space<vmem>>
        %get3A_706 = tpu.memref_squeeze %get3A_705 : memref<1x32x128xf32, #tpu.memory_space<vmem>> -> memref<32x128xf32, #tpu.memory_space<vmem>>
        %get3A_707 = arith.index_cast %mul3A_649 : i32 to index
        %get3A_708 = arith.constant 48 : index
        %get3A_709 = tpu.vector_load %get3A_706[%get3A_707, %get3A_708] {strides = array<i32>} : memref<32x128xf32, #tpu.memory_space<vmem>>, vector<1x16xf32>,
        %get3A_710 = vector.shape_cast %get3A_709 : vector<1x16xf32> to vector<16xf32>
        %get3A_711 = arith.constant 0 : i32
        %get3A_712 = arith.constant 0 : i32
        %get3A_713 = tpu.memref_slice %arg10[%scan3A_296, %get3A_711, %get3A_712] : memref<4x32x128xf32, #tpu.memory_space<vmem>> -> memref<1x32x128xf32, #tpu.memory_space<vmem>>
        %get3A_714 = tpu.memref_squeeze %get3A_713 : memref<1x32x128xf32, #tpu.memory_space<vmem>> -> memref<32x128xf32, #tpu.memory_space<vmem>>
        %get3A_715 = arith.index_cast %mul3A_649 : i32 to index
        %get3A_716 = arith.constant 48 : index
        %get3A_717 = tpu.vector_load %get3A_714[%get3A_715, %get3A_716] {strides = array<i32>} : memref<32x128xf32, #tpu.memory_space<vmem>>, vector<1x16xf32>,
        %get3A_718 = vector.shape_cast %get3A_717 : vector<1x16xf32> to vector<16xf32>
        %mul3A_719 = arith.mulf %get3A_710, %get3A_718 : vector<16xf32>
        %add3A_720 = arith.addf %add3A_702, %mul3A_719 : vector<16xf32>
        %get3A_721 = arith.constant 0 : i32
        %get3A_722 = arith.constant 0 : i32
        %get3A_723 = tpu.memref_slice %arg9[%scan3A_295, %get3A_721, %get3A_722] : memref<4x32x128xf32, #tpu.memory_space<vmem>> -> memref<1x32x128xf32, #tpu.memory_space<vmem>>
        %get3A_724 = tpu.memref_squeeze %get3A_723 : memref<1x32x128xf32, #tpu.memory_space<vmem>> -> memref<32x128xf32, #tpu.memory_space<vmem>>
        %get3A_725 = arith.index_cast %mul3A_649 : i32 to index
        %get3A_726 = arith.constant 64 : index
        %get3A_727 = tpu.vector_load %get3A_724[%get3A_725, %get3A_726] {strides = array<i32>} : memref<32x128xf32, #tpu.memory_space<vmem>>, vector<1x16xf32>,
        %get3A_728 = vector.shape_cast %get3A_727 : vector<1x16xf32> to vector<16xf32>
        %get3A_729 = arith.constant 0 : i32
        %get3A_730 = arith.constant 0 : i32
        %get3A_731 = tpu.memref_slice %arg10[%scan3A_296, %get3A_729, %get3A_730] : memref<4x32x128xf32, #tpu.memory_space<vmem>> -> memref<1x32x128xf32, #tpu.memory_space<vmem>>
        %get3A_732 = tpu.memref_squeeze %get3A_731 : memref<1x32x128xf32, #tpu.memory_space<vmem>> -> memref<32x128xf32, #tpu.memory_space<vmem>>
        %get3A_733 = arith.index_cast %mul3A_649 : i32 to index
        %get3A_734 = arith.constant 64 : index
        %get3A_735 = tpu.vector_load %get3A_732[%get3A_733, %get3A_734] {strides = array<i32>} : memref<32x128xf32, #tpu.memory_space<vmem>>, vector<1x16xf32>,
        %get3A_736 = vector.shape_cast %get3A_735 : vector<1x16xf32> to vector<16xf32>
        %mul3A_737 = arith.mulf %get3A_728, %get3A_736 : vector<16xf32>
        %add3A_738 = arith.addf %add3A_720, %mul3A_737 : vector<16xf32>
        %get3A_739 = arith.constant 0 : i32
        %get3A_740 = arith.constant 0 : i32
        %get3A_741 = tpu.memref_slice %arg9[%scan3A_295, %get3A_739, %get3A_740] : memref<4x32x128xf32, #tpu.memory_space<vmem>> -> memref<1x32x128xf32, #tpu.memory_space<vmem>>
        %get3A_742 = tpu.memref_squeeze %get3A_741 : memref<1x32x128xf32, #tpu.memory_space<vmem>> -> memref<32x128xf32, #tpu.memory_space<vmem>>
        %get3A_743 = arith.index_cast %mul3A_649 : i32 to index
        %get3A_744 = arith.constant 80 : index
        %get3A_745 = tpu.vector_load %get3A_742[%get3A_743, %get3A_744] {strides = array<i32>} : memref<32x128xf32, #tpu.memory_space<vmem>>, vector<1x16xf32>,
        %get3A_746 = vector.shape_cast %get3A_745 : vector<1x16xf32> to vector<16xf32>
        %get3A_747 = arith.constant 0 : i32
        %get3A_748 = arith.constant 0 : i32
        %get3A_749 = tpu.memref_slice %arg10[%scan3A_296, %get3A_747, %get3A_748] : memref<4x32x128xf32, #tpu.memory_space<vmem>> -> memref<1x32x128xf32, #tpu.memory_space<vmem>>
        %get3A_750 = tpu.memref_squeeze %get3A_749 : memref<1x32x128xf32, #tpu.memory_space<vmem>> -> memref<32x128xf32, #tpu.memory_space<vmem>>
        %get3A_751 = arith.index_cast %mul3A_649 : i32 to index
        %get3A_752 = arith.constant 80 : index
        %get3A_753 = tpu.vector_load %get3A_750[%get3A_751, %get3A_752] {strides = array<i32>} : memref<32x128xf32, #tpu.memory_space<vmem>>, vector<1x16xf32>,
        %get3A_754 = vector.shape_cast %get3A_753 : vector<1x16xf32> to vector<16xf32>
        %mul3A_755 = arith.mulf %get3A_746, %get3A_754 : vector<16xf32>
        %add3A_756 = arith.addf %add3A_738, %mul3A_755 : vector<16xf32>
        %get3A_757 = arith.constant 0 : i32
        %get3A_758 = arith.constant 0 : i32
        %get3A_759 = tpu.memref_slice %arg9[%scan3A_295, %get3A_757, %get3A_758] : memref<4x32x128xf32, #tpu.memory_space<vmem>> -> memref<1x32x128xf32, #tpu.memory_space<vmem>>
        %get3A_760 = tpu.memref_squeeze %get3A_759 : memref<1x32x128xf32, #tpu.memory_space<vmem>> -> memref<32x128xf32, #tpu.memory_space<vmem>>
        %get3A_761 = arith.index_cast %mul3A_649 : i32 to index
        %get3A_762 = arith.constant 96 : index
        %get3A_763 = tpu.vector_load %get3A_760[%get3A_761, %get3A_762] {strides = array<i32>} : memref<32x128xf32, #tpu.memory_space<vmem>>, vector<1x16xf32>,
        %get3A_764 = vector.shape_cast %get3A_763 : vector<1x16xf32> to vector<16xf32>
        %get3A_765 = arith.constant 0 : i32
        %get3A_766 = arith.constant 0 : i32
        %get3A_767 = tpu.memref_slice %arg10[%scan3A_296, %get3A_765, %get3A_766] : memref<4x32x128xf32, #tpu.memory_space<vmem>> -> memref<1x32x128xf32, #tpu.memory_space<vmem>>
        %get3A_768 = tpu.memref_squeeze %get3A_767 : memref<1x32x128xf32, #tpu.memory_space<vmem>> -> memref<32x128xf32, #tpu.memory_space<vmem>>
        %get3A_769 = arith.index_cast %mul3A_649 : i32 to index
        %get3A_770 = arith.constant 96 : index
        %get3A_771 = tpu.vector_load %get3A_768[%get3A_769, %get3A_770] {strides = array<i32>} : memref<32x128xf32, #tpu.memory_space<vmem>>, vector<1x16xf32>,
        %get3A_772 = vector.shape_cast %get3A_771 : vector<1x16xf32> to vector<16xf32>
        %mul3A_773 = arith.mulf %get3A_764, %get3A_772 : vector<16xf32>
        %add3A_774 = arith.addf %add3A_756, %mul3A_773 : vector<16xf32>
        %get3A_775 = arith.constant 0 : i32
        %get3A_776 = arith.constant 0 : i32
        %get3A_777 = tpu.memref_slice %arg9[%scan3A_295, %get3A_775, %get3A_776] : memref<4x32x128xf32, #tpu.memory_space<vmem>> -> memref<1x32x128xf32, #tpu.memory_space<vmem>>
        %get3A_778 = tpu.memref_squeeze %get3A_777 : memref<1x32x128xf32, #tpu.memory_space<vmem>> -> memref<32x128xf32, #tpu.memory_space<vmem>>
        %get3A_779 = arith.index_cast %mul3A_649 : i32 to index
        %get3A_780 = arith.constant 112 : index
        %get3A_781 = tpu.vector_load %get3A_778[%get3A_779, %get3A_780] {strides = array<i32>} : memref<32x128xf32, #tpu.memory_space<vmem>>, vector<1x16xf32>,
        %get3A_782 = vector.shape_cast %get3A_781 : vector<1x16xf32> to vector<16xf32>
        %get3A_783 = arith.constant 0 : i32
        %get3A_784 = arith.constant 0 : i32
        %get3A_785 = tpu.memref_slice %arg10[%scan3A_296, %get3A_783, %get3A_784] : memref<4x32x128xf32, #tpu.memory_space<vmem>> -> memref<1x32x128xf32, #tpu.memory_space<vmem>>
        %get3A_786 = tpu.memref_squeeze %get3A_785 : memref<1x32x128xf32, #tpu.memory_space<vmem>> -> memref<32x128xf32, #tpu.memory_space<vmem>>
        %get3A_787 = arith.index_cast %mul3A_649 : i32 to index
        %get3A_788 = arith.constant 112 : index
        %get3A_789 = tpu.vector_load %get3A_786[%get3A_787, %get3A_788] {strides = array<i32>} : memref<32x128xf32, #tpu.memory_space<vmem>>, vector<1x16xf32>,
        %get3A_790 = vector.shape_cast %get3A_789 : vector<1x16xf32> to vector<16xf32>
        %mul3A_791 = arith.mulf %get3A_782, %get3A_790 : vector<16xf32>
        %add3A_792 = arith.addf %add3A_774, %mul3A_791 : vector<16xf32>
        %add3A_793 = arith.constant 1 : i32
        %add3A_794 = arith.addi %mul3A_649, %add3A_793 : i32
        %get3A_795 = arith.constant 0 : i32
        %get3A_796 = arith.constant 0 : i32
        %get3A_797 = tpu.memref_slice %arg9[%scan3A_295, %get3A_795, %get3A_796] : memref<4x32x128xf32, #tpu.memory_space<vmem>> -> memref<1x32x128xf32, #tpu.memory_space<vmem>>
        %get3A_798 = tpu.memref_squeeze %get3A_797 : memref<1x32x128xf32, #tpu.memory_space<vmem>> -> memref<32x128xf32, #tpu.memory_space<vmem>>
        %get3A_799 = arith.index_cast %add3A_794 : i32 to index
        %get3A_800 = arith.constant 0 : index
        %get3A_801 = tpu.vector_load %get3A_798[%get3A_799, %get3A_800] {strides = array<i32>} : memref<32x128xf32, #tpu.memory_space<vmem>>, vector<1x16xf32>,
        %get3A_802 = vector.shape_cast %get3A_801 : vector<1x16xf32> to vector<16xf32>
        %get3A_803 = arith.constant 0 : i32
        %get3A_804 = arith.constant 0 : i32
        %get3A_805 = tpu.memref_slice %arg10[%scan3A_296, %get3A_803, %get3A_804] : memref<4x32x128xf32, #tpu.memory_space<vmem>> -> memref<1x32x128xf32, #tpu.memory_space<vmem>>
        %get3A_806 = tpu.memref_squeeze %get3A_805 : memref<1x32x128xf32, #tpu.memory_space<vmem>> -> memref<32x128xf32, #tpu.memory_space<vmem>>
        %get3A_807 = arith.index_cast %add3A_794 : i32 to index
        %get3A_808 = arith.constant 0 : index
        %get3A_809 = tpu.vector_load %get3A_806[%get3A_807, %get3A_808] {strides = array<i32>} : memref<32x128xf32, #tpu.memory_space<vmem>>, vector<1x16xf32>,
        %get3A_810 = vector.shape_cast %get3A_809 : vector<1x16xf32> to vector<16xf32>
        %mul3A_811 = arith.mulf %get3A_802, %get3A_810 : vector<16xf32>
        %get3A_812 = arith.constant 0 : i32
        %get3A_813 = arith.constant 0 : i32
        %get3A_814 = tpu.memref_slice %arg9[%scan3A_295, %get3A_812, %get3A_813] : memref<4x32x128xf32, #tpu.memory_space<vmem>> -> memref<1x32x128xf32, #tpu.memory_space<vmem>>
        %get3A_815 = tpu.memref_squeeze %get3A_814 : memref<1x32x128xf32, #tpu.memory_space<vmem>> -> memref<32x128xf32, #tpu.memory_space<vmem>>
        %get3A_816 = arith.index_cast %add3A_794 : i32 to index
        %get3A_817 = arith.constant 16 : index
        %get3A_818 = tpu.vector_load %get3A_815[%get3A_816, %get3A_817] {strides = array<i32>} : memref<32x128xf32, #tpu.memory_space<vmem>>, vector<1x16xf32>,
        %get3A_819 = vector.shape_cast %get3A_818 : vector<1x16xf32> to vector<16xf32>
        %get3A_820 = arith.constant 0 : i32
        %get3A_821 = arith.constant 0 : i32
        %get3A_822 = tpu.memref_slice %arg10[%scan3A_296, %get3A_820, %get3A_821] : memref<4x32x128xf32, #tpu.memory_space<vmem>> -> memref<1x32x128xf32, #tpu.memory_space<vmem>>
        %get3A_823 = tpu.memref_squeeze %get3A_822 : memref<1x32x128xf32, #tpu.memory_space<vmem>> -> memref<32x128xf32, #tpu.memory_space<vmem>>
        %get3A_824 = arith.index_cast %add3A_794 : i32 to index
        %get3A_825 = arith.constant 16 : index
        %get3A_826 = tpu.vector_load %get3A_823[%get3A_824, %get3A_825] {strides = array<i32>} : memref<32x128xf32, #tpu.memory_space<vmem>>, vector<1x16xf32>,
        %get3A_827 = vector.shape_cast %get3A_826 : vector<1x16xf32> to vector<16xf32>
        %mul3A_828 = arith.mulf %get3A_819, %get3A_827 : vector<16xf32>
        %add3A_829 = arith.addf %mul3A_811, %mul3A_828 : vector<16xf32>
        %get3A_830 = arith.constant 0 : i32
        %get3A_831 = arith.constant 0 : i32
        %get3A_832 = tpu.memref_slice %arg9[%scan3A_295, %get3A_830, %get3A_831] : memref<4x32x128xf32, #tpu.memory_space<vmem>> -> memref<1x32x128xf32, #tpu.memory_space<vmem>>
        %get3A_833 = tpu.memref_squeeze %get3A_832 : memref<1x32x128xf32, #tpu.memory_space<vmem>> -> memref<32x128xf32, #tpu.memory_space<vmem>>
        %get3A_834 = arith.index_cast %add3A_794 : i32 to index
        %get3A_835 = arith.constant 32 : index
        %get3A_836 = tpu.vector_load %get3A_833[%get3A_834, %get3A_835] {strides = array<i32>} : memref<32x128xf32, #tpu.memory_space<vmem>>, vector<1x16xf32>,
        %get3A_837 = vector.shape_cast %get3A_836 : vector<1x16xf32> to vector<16xf32>
        %get3A_838 = arith.constant 0 : i32
        %get3A_839 = arith.constant 0 : i32
        %get3A_840 = tpu.memref_slice %arg10[%scan3A_296, %get3A_838, %get3A_839] : memref<4x32x128xf32, #tpu.memory_space<vmem>> -> memref<1x32x128xf32, #tpu.memory_space<vmem>>
        %get3A_841 = tpu.memref_squeeze %get3A_840 : memref<1x32x128xf32, #tpu.memory_space<vmem>> -> memref<32x128xf32, #tpu.memory_space<vmem>>
        %get3A_842 = arith.index_cast %add3A_794 : i32 to index
        %get3A_843 = arith.constant 32 : index
        %get3A_844 = tpu.vector_load %get3A_841[%get3A_842, %get3A_843] {strides = array<i32>} : memref<32x128xf32, #tpu.memory_space<vmem>>, vector<1x16xf32>,
        %get3A_845 = vector.shape_cast %get3A_844 : vector<1x16xf32> to vector<16xf32>
        %mul3A_846 = arith.mulf %get3A_837, %get3A_845 : vector<16xf32>
        %add3A_847 = arith.addf %add3A_829, %mul3A_846 : vector<16xf32>
        %get3A_848 = arith.constant 0 : i32
        %get3A_849 = arith.constant 0 : i32
        %get3A_850 = tpu.memref_slice %arg9[%scan3A_295, %get3A_848, %get3A_849] : memref<4x32x128xf32, #tpu.memory_space<vmem>> -> memref<1x32x128xf32, #tpu.memory_space<vmem>>
        %get3A_851 = tpu.memref_squeeze %get3A_850 : memref<1x32x128xf32, #tpu.memory_space<vmem>> -> memref<32x128xf32, #tpu.memory_space<vmem>>
        %get3A_852 = arith.index_cast %add3A_794 : i32 to index
        %get3A_853 = arith.constant 48 : index
        %get3A_854 = tpu.vector_load %get3A_851[%get3A_852, %get3A_853] {strides = array<i32>} : memref<32x128xf32, #tpu.memory_space<vmem>>, vector<1x16xf32>,
        %get3A_855 = vector.shape_cast %get3A_854 : vector<1x16xf32> to vector<16xf32>
        %get3A_856 = arith.constant 0 : i32
        %get3A_857 = arith.constant 0 : i32
        %get3A_858 = tpu.memref_slice %arg10[%scan3A_296, %get3A_856, %get3A_857] : memref<4x32x128xf32, #tpu.memory_space<vmem>> -> memref<1x32x128xf32, #tpu.memory_space<vmem>>
        %get3A_859 = tpu.memref_squeeze %get3A_858 : memref<1x32x128xf32, #tpu.memory_space<vmem>> -> memref<32x128xf32, #tpu.memory_space<vmem>>
        %get3A_860 = arith.index_cast %add3A_794 : i32 to index
        %get3A_861 = arith.constant 48 : index
        %get3A_862 = tpu.vector_load %get3A_859[%get3A_860, %get3A_861] {strides = array<i32>} : memref<32x128xf32, #tpu.memory_space<vmem>>, vector<1x16xf32>,
        %get3A_863 = vector.shape_cast %get3A_862 : vector<1x16xf32> to vector<16xf32>
        %mul3A_864 = arith.mulf %get3A_855, %get3A_863 : vector<16xf32>
        %add3A_865 = arith.addf %add3A_847, %mul3A_864 : vector<16xf32>
        %get3A_866 = arith.constant 0 : i32
        %get3A_867 = arith.constant 0 : i32
        %get3A_868 = tpu.memref_slice %arg9[%scan3A_295, %get3A_866, %get3A_867] : memref<4x32x128xf32, #tpu.memory_space<vmem>> -> memref<1x32x128xf32, #tpu.memory_space<vmem>>
        %get3A_869 = tpu.memref_squeeze %get3A_868 : memref<1x32x128xf32, #tpu.memory_space<vmem>> -> memref<32x128xf32, #tpu.memory_space<vmem>>
        %get3A_870 = arith.index_cast %add3A_794 : i32 to index
        %get3A_871 = arith.constant 64 : index
        %get3A_872 = tpu.vector_load %get3A_869[%get3A_870, %get3A_871] {strides = array<i32>} : memref<32x128xf32, #tpu.memory_space<vmem>>, vector<1x16xf32>,
        %get3A_873 = vector.shape_cast %get3A_872 : vector<1x16xf32> to vector<16xf32>
        %get3A_874 = arith.constant 0 : i32
        %get3A_875 = arith.constant 0 : i32
        %get3A_876 = tpu.memref_slice %arg10[%scan3A_296, %get3A_874, %get3A_875] : memref<4x32x128xf32, #tpu.memory_space<vmem>> -> memref<1x32x128xf32, #tpu.memory_space<vmem>>
        %get3A_877 = tpu.memref_squeeze %get3A_876 : memref<1x32x128xf32, #tpu.memory_space<vmem>> -> memref<32x128xf32, #tpu.memory_space<vmem>>
        %get3A_878 = arith.index_cast %add3A_794 : i32 to index
        %get3A_879 = arith.constant 64 : index
        %get3A_880 = tpu.vector_load %get3A_877[%get3A_878, %get3A_879] {strides = array<i32>} : memref<32x128xf32, #tpu.memory_space<vmem>>, vector<1x16xf32>,
        %get3A_881 = vector.shape_cast %get3A_880 : vector<1x16xf32> to vector<16xf32>
        %mul3A_882 = arith.mulf %get3A_873, %get3A_881 : vector<16xf32>
        %add3A_883 = arith.addf %add3A_865, %mul3A_882 : vector<16xf32>
        %get3A_884 = arith.constant 0 : i32
        %get3A_885 = arith.constant 0 : i32
        %get3A_886 = tpu.memref_slice %arg9[%scan3A_295, %get3A_884, %get3A_885] : memref<4x32x128xf32, #tpu.memory_space<vmem>> -> memref<1x32x128xf32, #tpu.memory_space<vmem>>
        %get3A_887 = tpu.memref_squeeze %get3A_886 : memref<1x32x128xf32, #tpu.memory_space<vmem>> -> memref<32x128xf32, #tpu.memory_space<vmem>>
        %get3A_888 = arith.index_cast %add3A_794 : i32 to index
        %get3A_889 = arith.constant 80 : index
        %get3A_890 = tpu.vector_load %get3A_887[%get3A_888, %get3A_889] {strides = array<i32>} : memref<32x128xf32, #tpu.memory_space<vmem>>, vector<1x16xf32>,
        %get3A_891 = vector.shape_cast %get3A_890 : vector<1x16xf32> to vector<16xf32>
        %get3A_892 = arith.constant 0 : i32
        %get3A_893 = arith.constant 0 : i32
        %get3A_894 = tpu.memref_slice %arg10[%scan3A_296, %get3A_892, %get3A_893] : memref<4x32x128xf32, #tpu.memory_space<vmem>> -> memref<1x32x128xf32, #tpu.memory_space<vmem>>
        %get3A_895 = tpu.memref_squeeze %get3A_894 : memref<1x32x128xf32, #tpu.memory_space<vmem>> -> memref<32x128xf32, #tpu.memory_space<vmem>>
        %get3A_896 = arith.index_cast %add3A_794 : i32 to index
        %get3A_897 = arith.constant 80 : index
        %get3A_898 = tpu.vector_load %get3A_895[%get3A_896, %get3A_897] {strides = array<i32>} : memref<32x128xf32, #tpu.memory_space<vmem>>, vector<1x16xf32>,
        %get3A_899 = vector.shape_cast %get3A_898 : vector<1x16xf32> to vector<16xf32>
        %mul3A_900 = arith.mulf %get3A_891, %get3A_899 : vector<16xf32>
        %add3A_901 = arith.addf %add3A_883, %mul3A_900 : vector<16xf32>
        %get3A_902 = arith.constant 0 : i32
        %get3A_903 = arith.constant 0 : i32
        %get3A_904 = tpu.memref_slice %arg9[%scan3A_295, %get3A_902, %get3A_903] : memref<4x32x128xf32, #tpu.memory_space<vmem>> -> memref<1x32x128xf32, #tpu.memory_space<vmem>>
        %get3A_905 = tpu.memref_squeeze %get3A_904 : memref<1x32x128xf32, #tpu.memory_space<vmem>> -> memref<32x128xf32, #tpu.memory_space<vmem>>
        %get3A_906 = arith.index_cast %add3A_794 : i32 to index
        %get3A_907 = arith.constant 96 : index
        %get3A_908 = tpu.vector_load %get3A_905[%get3A_906, %get3A_907] {strides = array<i32>} : memref<32x128xf32, #tpu.memory_space<vmem>>, vector<1x16xf32>,
        %get3A_909 = vector.shape_cast %get3A_908 : vector<1x16xf32> to vector<16xf32>
        %get3A_910 = arith.constant 0 : i32
        %get3A_911 = arith.constant 0 : i32
        %get3A_912 = tpu.memref_slice %arg10[%scan3A_296, %get3A_910, %get3A_911] : memref<4x32x128xf32, #tpu.memory_space<vmem>> -> memref<1x32x128xf32, #tpu.memory_space<vmem>>
        %get3A_913 = tpu.memref_squeeze %get3A_912 : memref<1x32x128xf32, #tpu.memory_space<vmem>> -> memref<32x128xf32, #tpu.memory_space<vmem>>
        %get3A_914 = arith.index_cast %add3A_794 : i32 to index
        %get3A_915 = arith.constant 96 : index
        %get3A_916 = tpu.vector_load %get3A_913[%get3A_914, %get3A_915] {strides = array<i32>} : memref<32x128xf32, #tpu.memory_space<vmem>>, vector<1x16xf32>,
        %get3A_917 = vector.shape_cast %get3A_916 : vector<1x16xf32> to vector<16xf32>
        %mul3A_918 = arith.mulf %get3A_909, %get3A_917 : vector<16xf32>
        %add3A_919 = arith.addf %add3A_901, %mul3A_918 : vector<16xf32>
        %get3A_920 = arith.constant 0 : i32
        %get3A_921 = arith.constant 0 : i32
        %get3A_922 = tpu.memref_slice %arg9[%scan3A_295, %get3A_920, %get3A_921] : memref<4x32x128xf32, #tpu.memory_space<vmem>> -> memref<1x32x128xf32, #tpu.memory_space<vmem>>
        %get3A_923 = tpu.memref_squeeze %get3A_922 : memref<1x32x128xf32, #tpu.memory_space<vmem>> -> memref<32x128xf32, #tpu.memory_space<vmem>>
        %get3A_924 = arith.index_cast %add3A_794 : i32 to index
        %get3A_925 = arith.constant 112 : index
        %get3A_926 = tpu.vector_load %get3A_923[%get3A_924, %get3A_925] {strides = array<i32>} : memref<32x128xf32, #tpu.memory_space<vmem>>, vector<1x16xf32>,
        %get3A_927 = vector.shape_cast %get3A_926 : vector<1x16xf32> to vector<16xf32>
        %get3A_928 = arith.constant 0 : i32
        %get3A_929 = arith.constant 0 : i32
        %get3A_930 = tpu.memref_slice %arg10[%scan3A_296, %get3A_928, %get3A_929] : memref<4x32x128xf32, #tpu.memory_space<vmem>> -> memref<1x32x128xf32, #tpu.memory_space<vmem>>
        %get3A_931 = tpu.memref_squeeze %get3A_930 : memref<1x32x128xf32, #tpu.memory_space<vmem>> -> memref<32x128xf32, #tpu.memory_space<vmem>>
        %get3A_932 = arith.index_cast %add3A_794 : i32 to index
        %get3A_933 = arith.constant 112 : index
        %get3A_934 = tpu.vector_load %get3A_931[%get3A_932, %get3A_933] {strides = array<i32>} : memref<32x128xf32, #tpu.memory_space<vmem>>, vector<1x16xf32>,
        %get3A_935 = vector.shape_cast %get3A_934 : vector<1x16xf32> to vector<16xf32>
        %mul3A_936 = arith.mulf %get3A_927, %get3A_935 : vector<16xf32>
        %add3A_937 = arith.addf %add3A_919, %mul3A_936 : vector<16xf32>
        %xor3A_938 = arith.constant 1 : i32
        %xor3A_939 = vector.broadcast %xor3A_938 : i32 to vector<16xi32>
        %xor3A_940 = arith.xori %iota3A, %xor3A_939 : vector<16xi32>
        %broadcast_in_dim3A_941 = vector.shape_cast %xor3A_940 : vector<16xi32> to vector<16x1xi32>
        %gather3A_942 = vector.shape_cast %broadcast_in_dim3A_941 : vector<16x1xi32> to vector<16xi32>
        %gather3A_943 = tpu.dynamic_gather %add3A_937[%gather3A_942] in [0] : vector<16xf32>, vector<16xi32> -> vector<16xf32>
        %select_n3A_944 = arith.select %eq3A_6, %add3A_792, %gather3A_943 : vector<16xi1>, vector<16xf32>
        %xor3A_945 = arith.constant 1 : i32
        %xor3A_946 = vector.broadcast %xor3A_945 : i32 to vector<16xi32>
        %xor3A_947 = arith.xori %iota3A, %xor3A_946 : vector<16xi32>
        %broadcast_in_dim3A_948 = vector.shape_cast %xor3A_947 : vector<16xi32> to vector<16x1xi32>
        %gather3A_949 = vector.shape_cast %broadcast_in_dim3A_948 : vector<16x1xi32> to vector<16xi32>
        %gather3A_950 = tpu.dynamic_gather %add3A_792[%gather3A_949] in [0] : vector<16xf32>, vector<16xi32> -> vector<16xf32>
        %select_n3A_951 = arith.select %eq3A_6, %gather3A_950, %add3A_937 : vector<16xi1>, vector<16xf32>
        %add3A_952 = arith.addf %select_n3A_944, %select_n3A_951 : vector<16xf32>
        %xor3A_953 = arith.constant 2 : i32
        %xor3A_954 = vector.broadcast %xor3A_953 : i32 to vector<16xi32>
        %xor3A_955 = arith.xori %iota3A, %xor3A_954 : vector<16xi32>
        %broadcast_in_dim3A_956 = vector.shape_cast %xor3A_955 : vector<16xi32> to vector<16x1xi32>
        %gather3A_957 = vector.shape_cast %broadcast_in_dim3A_956 : vector<16x1xi32> to vector<16xi32>
        %gather3A_958 = tpu.dynamic_gather %add3A_952[%gather3A_957] in [0] : vector<16xf32>, vector<16xi32> -> vector<16xf32>
        %add3A_959 = arith.addf %add3A_952, %gather3A_958 : vector<16xf32>
        %xor3A_960 = arith.constant 4 : i32
        %xor3A_961 = vector.broadcast %xor3A_960 : i32 to vector<16xi32>
        %xor3A_962 = arith.xori %iota3A, %xor3A_961 : vector<16xi32>
        %broadcast_in_dim3A_963 = vector.shape_cast %xor3A_962 : vector<16xi32> to vector<16x1xi32>
        %gather3A_964 = vector.shape_cast %broadcast_in_dim3A_963 : vector<16x1xi32> to vector<16xi32>
        %gather3A_965 = tpu.dynamic_gather %add3A_959[%gather3A_964] in [0] : vector<16xf32>, vector<16xi32> -> vector<16xf32>
        %add3A_966 = arith.addf %add3A_959, %gather3A_965 : vector<16xf32>
        %xor3A_967 = arith.constant 8 : i32
        %xor3A_968 = vector.broadcast %xor3A_967 : i32 to vector<16xi32>
        %xor3A_969 = arith.xori %iota3A, %xor3A_968 : vector<16xi32>
        %broadcast_in_dim3A_970 = vector.shape_cast %xor3A_969 : vector<16xi32> to vector<16x1xi32>
        %gather3A_971 = vector.shape_cast %broadcast_in_dim3A_970 : vector<16x1xi32> to vector<16xi32>
        %gather3A_972 = tpu.dynamic_gather %add3A_966[%gather3A_971] in [0] : vector<16xf32>, vector<16xi32> -> vector<16xf32>
        %add3A_973 = arith.addf %add3A_966, %gather3A_972 : vector<16xf32>
        %and3A_974 = arith.constant 7 : i32
        %and3A_975 = arith.andi %scan3A_647, %and3A_974 : i32
        %eq3A_976 = vector.broadcast %and3A_975 : i32 to vector<16xi32>
        %eq3A_977 = arith.cmpi eq, %shift_right_arithmetic3A_8, %eq3A_976 : vector<16xi32>
        %select_n3A_978 = arith.select %eq3A_977, %add3A_973, %select_n3A_638 : vector<16xi1>, vector<16xf32>
        %and3A_979 = arith.constant 7 : i32
        %and3A_980 = arith.andi %scan3A_647, %and3A_979 : i32
        %eq3A_981 = arith.constant 7 : i32
        %eq3A_982 = arith.cmpi eq, %and3A_980, %eq3A_981 : i32
        %convert_element_type3A_983 = arith.extui %eq3A_982 : i1 to i32
        %cond3A_984 = arith.constant 0 : i32
        %cond3A_985 = arith.cmpi ne, %convert_element_type3A_983, %cond3A_984 : i32
        scf.if %cond3A_985 {
          %mul3A_986 = arith.constant 32 : i32
          %mul3A_987 = arith.muli %add3A_292, %mul3A_986 : i32
          %add3A_988 = arith.constant 1 : i32
          %add3A_989 = arith.addi %mul3A_649, %add3A_988 : i32
          %and3A_990 = arith.constant -16 : i32
          %and3A_991 = arith.andi %add3A_989, %and3A_990 : i32
          %add3A_992 = arith.addi %mul3A_987, %and3A_991 : i32
          %swap3A = arith.index_cast %add3A_992 : i32 to index
          %swap3A_993 = tpu.vector_load %arg11[%swap3A] {strides = array<i32>} : memref<512xf32, #tpu.memory_space<vmem>>, vector<16xf32>,
          %swap3A_994 = vector.shape_cast %swap3A_993 : vector<16xf32> to vector<16xf32>
          %swap3A_995 = vector.shape_cast %select_n3A_978 : vector<16xf32> to vector<16xf32>
          tpu.vector_store %arg11[%swap3A], %swap3A_995 {strides = array<i32>} : memref<512xf32, #tpu.memory_space<vmem>>, vector<16xf32>,
        } else {
        }
        scf.yield %select_n3A_978 : vector<16xf32>
      }
      %scan3A_302 = arith.constant 16 : i32
      %add3A_303 = arith.constant 1 : i32
      %add3A_304 = arith.addi %scan3A_124, %add3A_303 : i32
      %lt3A_305 = arith.constant 4 : i32
      %lt3A_306 = arith.cmpi slt, %add3A_304, %lt3A_305 : i32
      %convert_element_type3A_307 = arith.extui %lt3A_306 : i1 to i32
      %cond3A_308 = arith.constant 0 : i32
      %cond3A_309 = arith.cmpi ne, %convert_element_type3A_307, %cond3A_308 : i32
      scf.if %cond3A_309 {
        %add3A_310 = arith.constant 3 : i32
        %add3A_311 = arith.addi %mul3A_126, %add3A_310 : i32
        %add3A_312 = arith.constant 4 : i32
        %add3A_313 = arith.addi %add3A_311, %add3A_312 : i32
        %mul3A_314 = arith.constant 32 : i32
        %mul3A_315 = arith.muli %add3A_313, %mul3A_314 : i32
        %multiple_of3A_316 = tpu.assume_multiple %mul3A_315, 32 : i32
        %dma_start3A_317 = arith.constant 3 : i32
        %dma_start3A_318 = arith.constant 0 : i32
        %dma_start3A_319 = arith.constant 3 : i32
        %dma_start3A_320 = arith.constant 0 : i32
        %dma_start3A_321 = arith.constant 0 : i32
        %dma_start3A_322 = tpu.memref_slice %arg9[%dma_start3A_317, %dma_start3A_320, %dma_start3A_321] : memref<4x32x128xf32, #tpu.memory_space<vmem>> -> memref<1x32x128xf32, #tpu.memory_space<vmem>>
        %dma_start3A_323 = tpu.memref_squeeze %dma_start3A_322 : memref<1x32x128xf32, #tpu.memory_space<vmem>> -> memref<32x128xf32, #tpu.memory_space<vmem>>
        %dma_start3A_324 = tpu.memref_slice %arg7[%multiple_of3A_316] : memref<512xi32, #tpu.memory_space<vmem>> -> memref<32xi32, #tpu.memory_space<vmem>>
        %dma_start3A_325 = arith.constant 0 : i32
        %dma_start3A_326 = arith.constant 0 : i32
        %dma_start3A_327 = tpu.memref_slice %arg4[%dma_start3A_325, %dma_start3A_326] : memref<1000000x128xf32, #tpu.memory_space<hbm>> -> memref<1000000x128xf32, #tpu.memory_space<hbm>>
        %dma_start3A_328 = tpu.memref_slice %arg12[%dma_start3A_318, %dma_start3A_319] : memref<2x4x!tpu.dma_semaphore, #tpu.memory_space<semaphore_mem>> -> memref<1x1x!tpu.dma_semaphore, #tpu.memory_space<semaphore_mem>>
        %dma_start3A_329 = tpu.memref_squeeze %dma_start3A_328 : memref<1x1x!tpu.dma_semaphore, #tpu.memory_space<semaphore_mem>> -> memref<!tpu.dma_semaphore, #tpu.memory_space<semaphore_mem>>
        tpu.enqueue_indirect_dma source(%dma_start3A_327 : memref<1000000x128xf32, #tpu.memory_space<hbm>>) target(%dma_start3A_323 : memref<32x128xf32, #tpu.memory_space<vmem>>) offsets(%dma_start3A_324 : memref<32xi32, #tpu.memory_space<vmem>>) semaphore(%dma_start3A_329 : memref<!tpu.dma_semaphore, #tpu.memory_space<semaphore_mem>>)
        %dma_start3A_330 = arith.constant 3 : i32
        %dma_start3A_331 = arith.constant 1 : i32
        %dma_start3A_332 = arith.constant 3 : i32
        %dma_start3A_333 = arith.constant 0 : i32
        %dma_start3A_334 = arith.constant 0 : i32
        %dma_start3A_335 = tpu.memref_slice %arg10[%dma_start3A_330, %dma_start3A_333, %dma_start3A_334] : memref<4x32x128xf32, #tpu.memory_space<vmem>> -> memref<1x32x128xf32, #tpu.memory_space<vmem>>
        %dma_start3A_336 = tpu.memref_squeeze %dma_start3A_335 : memref<1x32x128xf32, #tpu.memory_space<vmem>> -> memref<32x128xf32, #tpu.memory_space<vmem>>
        %dma_start3A_337 = tpu.memref_slice %arg8[%multiple_of3A_316] : memref<512xi32, #tpu.memory_space<vmem>> -> memref<32xi32, #tpu.memory_space<vmem>>
        %dma_start3A_338 = arith.constant 0 : i32
        %dma_start3A_339 = arith.constant 0 : i32
        %dma_start3A_340 = tpu.memref_slice %arg5[%dma_start3A_338, %dma_start3A_339] : memref<1000000x128xf32, #tpu.memory_space<hbm>> -> memref<1000000x128xf32, #tpu.memory_space<hbm>>
        %dma_start3A_341 = tpu.memref_slice %arg12[%dma_start3A_331, %dma_start3A_332] : memref<2x4x!tpu.dma_semaphore, #tpu.memory_space<semaphore_mem>> -> memref<1x1x!tpu.dma_semaphore, #tpu.memory_space<semaphore_mem>>
        %dma_start3A_342 = tpu.memref_squeeze %dma_start3A_341 : memref<1x1x!tpu.dma_semaphore, #tpu.memory_space<semaphore_mem>> -> memref<!tpu.dma_semaphore, #tpu.memory_space<semaphore_mem>>
        tpu.enqueue_indirect_dma source(%dma_start3A_340 : memref<1000000x128xf32, #tpu.memory_space<hbm>>) target(%dma_start3A_336 : memref<32x128xf32, #tpu.memory_space<vmem>>) offsets(%dma_start3A_337 : memref<32xi32, #tpu.memory_space<vmem>>) semaphore(%dma_start3A_342 : memref<!tpu.dma_semaphore, #tpu.memory_space<semaphore_mem>>)
      } else {
      }
    }
    %scan3A_123 = arith.constant 4 : i32
    "tpu.region"() ({
      %run_scoped3A = tpu.sem_alloc : memref<!tpu.dma_semaphore, #tpu.memory_space<semaphore_mem>>
      %dma_start3A_124 = tpu.memref_slice %arg6[%mul3A_2] : memref<16384xf32, #tpu.memory_space<hbm>> -> memref<512xf32, #tpu.memory_space<hbm>>
      %dma_start3A_125 = tpu.memref_slice %arg6[%mul3A_2] : memref<16384xf32, #tpu.memory_space<hbm>> -> memref<512xf32, #tpu.memory_space<hbm>>
      tpu.enqueue_dma source(%arg11 : memref<512xf32, #tpu.memory_space<vmem>>) target(%dma_start3A_125 : memref<512xf32, #tpu.memory_space<hbm>>) target_semaphore(%run_scoped3A : memref<!tpu.dma_semaphore, #tpu.memory_space<semaphore_mem>>)
      %dma_wait3A = tpu.memref_slice %arg6[%mul3A_2] : memref<16384xf32, #tpu.memory_space<hbm>> -> memref<512xf32, #tpu.memory_space<hbm>>
      %dma_wait3A_126 = tpu.memref_slice %arg6[%mul3A_2] : memref<16384xf32, #tpu.memory_space<hbm>> -> memref<512xf32, #tpu.memory_space<hbm>>
      tpu.wait_dma2 semaphore(%run_scoped3A : memref<!tpu.dma_semaphore, #tpu.memory_space<semaphore_mem>>) src(%arg11 : memref<512xf32, #tpu.memory_space<vmem>>) dst(%dma_wait3A_126 : memref<512xf32, #tpu.memory_space<hbm>>)
      tpu.yield
    }) : () -> ()
    return
  }
}

</mosaic_0001>

<sc_bundles>
// kernel: kernel.3.cloned.1.call-start
scs
__scs_entry_jumppad:
0x0: {  	(pc) =	sbr.rel $0x88, $3  }
0x1: {  	(tag) =	ssettag $0x0;
	lr =	simm.s32 $0x1  }
0x2: {  	[smem:$0x3F9D] =	sst lr;
	_ =	strace $0xD0000000  }
0x3: {  	_ = 	snop  }
0x4: {  	_ = 	snop  }
0x5: {  	_ = 	snop  }
0x6: {  	_ = 	snop  }
0x7: {  	_ = 	snop  }
__scs_overlays_trampoline_lowered:
0x8: {  	[smem:$0x3FAC] =	sst s0  }
0x9: {  	[smem:$0x3FAD] =	sst s1  }
0xa: {  	[smem:$0x3FAE] =	sst s2  }
0xb: {  	[smem:$0x3FAF] =	sst s3  }
0xc: {  	[smem:$0x3FB0] =	sst s4  }
0xd: {  	[smem:$0x3FB1] =	sst s5  }
0xe: {  	[smem:$0x3FB2] =	sst s6  }
0xf: {  	[smem:$0x3FB3] =	sst s7  }
0x10: {  	[smem:$0x3FB4] =	sst s8  }
0x11: {  	[smem:$0x3FB5] =	sst s9;
	s0 =	simm.s32 @!p0 $0x0  }
0x12: {  	s1 =	sld [smem:$0x3F9B];
	s0 =	simm.s32 @p0 $0x1  }
0x13: {  	[smem:$0x3FB6] =	sst s0;
	s0 =	simm.s32 @!p1 $0x0  }
0x14: {  	s2 =	sld [smem:$0x3F9A];
	s0 =	simm.s32 @p1 $0x1  }
0x15: {  	[smem:$0x3FB7] =	sst s0;
	s0 =	simm.s32 @!p2 $0x0  }
0x16: {  	s3 =	sld [smem:$0x3FDB];
	s0 =	simm.s32 @p2 $0x1  }
0x17: {  	s4 =	simm.s32 $0x1BF5;
	[smem:$0x3FB9] =	sst s0  }
0x18: {  	s0 =	sld [smem:$0x3F9C];
	_ =	swait.ge [sflag:s4], $0x0  }
0x19: {  	s7 =	sld [smem:$0x3F9D]  }
0x1a: {  	s8 =	sadd.s32 $0xFFFFE003, lr  }
0x1b: {  	s9 =	sadd.s32 $0xFFFFFEF7, lr;
	s5 =	simm.s32 $0xFFFFFFFF;
	p2 =	slt.u32 s8, $0xFFFFF086  }
0x1c: {  	p1 =	slt.u32 s9, $0xF7A;
	s5 =	simm.s32 @!p2 $0x0  }
0x1d: {  	s5 =	simm.s32 @p1 $0x1;
	p0 =	seq.s32 s7, s2  }
0x1e: {  	s7 =	smul.u32 @!p0 $0xF7A, s2;
	p2 =	seq.s32 @!p0 s5, $0x0  }
0x1f: {  	s9 =	smul.u32 $0xF7A, s1;
	s8 =	simm.s32 @!p0 $0x1BF5;
	p2 =	por !p2, p0  }
0x20: {  	[sflag:s8] =	ssyncset.s32 @!p0 $0xFFFFF086;
	s6 =	sadd.s32 @!p0 s3, s7;
	s7 =	simm.s32 @!p0 $0x108  }
0x21: {  	s3 =	sadd.s32 s3, s9;
	s6 =	sadd.s32 @!p0 $0x88, s6;
	s7 =	simm.s32 @p2 $0x1082  }
0x22: {  	[simem:s7], [sflag:s8] =	dma.local @!p0 [hbm:s6], $0xF7A  }
0x23: {  	s9 =	sor.u32 $0xD0000000, s2;
	s6 =	simm.s32 $0x108;
	_ =	swait.ge @!p0 [sflag:s8], $0x0  }
0x24: {  	s3 =	sadd.s32 $0x88, s3;
	s6 =	simm.s32 @!p1 $0x1082;
	[sflag:s4] =	ssyncset.s32 $0xFFFFF086  }
0x25: {  	[simem:s6], [sflag:s4] =	dma.local [hbm:s3], $0xF7A  }
0x26: {  	[smem:$0x3F9D] =	sst s1;
	(tag) =	ssettag s2;
	_ =	strace s9  }
0x27: {  	s1 =	sld [smem:$0x3FAD]  }
0x28: {  	s2 =	sld [smem:$0x3FAE]  }
0x29: {  	s4 =	sld [smem:$0x3FB0]  }
0x2a: {  	p0 =	seq.s32 s5, $0x0;
	s5 =	sld [smem:$0x3FB1]  }
0x2b: {  	s6 =	sld [smem:$0x3FB2]  }
0x2c: {  	s7 =	sld [smem:$0x3FB3]  }
0x2d: {  	s3 =	simm.s32 $0x108;
	s8 =	sld [smem:$0x3FB4]  }
0x2e: {  	s3 =	simm.s32 @!p0 $0x1082;
	s9 =	sld [smem:$0x3FB5]  }
0x2f: {  	lr =	sadd.s32 s0, s3;
	s0 =	sld [smem:$0x3FAC]  }
0x30: {  	s3 =	sld [smem:$0x3FAF]  }
0x31: {  	[smem:$0x3FB8] =	sst s10  }
0x32: {  	s10 =	sld [smem:$0x3FB6];
	_ =	sdelay $0x3  }
0x33: {  	p0 =	seq.s32 s10, $0x1;
	s10 =	sld [smem:$0x3FB8];
	_ =	sdelay $0x3  }
0x34: {  	[smem:$0x3FB8] =	sst s10  }
0x35: {  	s10 =	sld [smem:$0x3FB7];
	_ =	sdelay $0x3  }
0x36: {  	p1 =	seq.s32 s10, $0x1;
	s10 =	sld [smem:$0x3FB8];
	_ =	sdelay $0x3  }
0x37: {  	[smem:$0x3FB8] =	sst s10  }
0x38: {  	s10 =	sld [smem:$0x3FB9]  }
0x39: {  	_ = 	snop;
	(pc) =	sbr.ind lr, $3  }
0x3a: {  	_ = 	snop  }
0x3b: {  	_ = 	snop  }
0x3c: {  	p2 =	seq.s32 s10, $0x1;
	s10 =	sld [smem:$0x3FB8]  }
0x3d: {  	_ =	shalt  }
0x3e: {  	_ =	shalt  }
0x3f: {  	_ =	shalt  }
0x40: {  	_ =	shalt  }
0x41: {  	_ =	shalt  }
0x42: {  	_ =	shalt  }
0x43: {  	_ =	shalt  }
0x44: {  	_ =	shalt  }
0x45: {  	_ =	shalt  }
0x46: {  	_ =	shalt  }
0x47: {  	_ =	shalt  }
0x48: {  	_ =	shalt  }
0x49: {  	_ =	shalt  }
0x4a: {  	_ =	shalt  }
0x4b: {  	_ =	shalt  }
0x4c: {  	_ =	shalt  }
0x4d: {  	_ =	shalt  }
0x4e: {  	_ =	shalt  }
0x4f: {  	_ =	shalt  }
0x50: {  	_ =	shalt  }
0x51: {  	_ =	shalt  }
0x52: {  	_ =	shalt  }
0x53: {  	_ =	shalt  }
0x54: {  	_ =	shalt  }
0x55: {  	_ =	shalt  }
0x56: {  	_ =	shalt  }
0x57: {  	_ =	shalt  }
0x58: {  	_ =	shalt  }
0x59: {  	_ =	shalt  }
0x5a: {  	_ =	shalt  }
0x5b: {  	_ =	shalt  }
0x5c: {  	_ =	shalt  }
0x5d: {  	_ =	shalt  }
0x5e: {  	_ =	shalt  }
0x5f: {  	_ =	shalt  }
0x60: {  	_ =	shalt  }
0x61: {  	_ =	shalt  }
0x62: {  	_ =	shalt  }
0x63: {  	_ =	shalt  }
0x64: {  	_ =	shalt  }
0x65: {  	_ =	shalt  }
0x66: {  	_ =	shalt  }
0x67: {  	_ =	shalt  }
0x68: {  	_ =	shalt  }
0x69: {  	_ =	shalt  }
0x6a: {  	_ =	shalt  }
0x6b: {  	_ =	shalt  }
0x6c: {  	_ =	shalt  }
0x6d: {  	_ =	shalt  }
0x6e: {  	_ =	shalt  }
0x6f: {  	_ =	shalt  }
0x70: {  	_ =	shalt  }
0x71: {  	_ =	shalt  }
0x72: {  	_ =	shalt  }
0x73: {  	_ =	shalt  }
0x74: {  	_ =	shalt  }
0x75: {  	_ =	shalt  }
0x76: {  	_ =	shalt  }
0x77: {  	_ =	shalt  }
0x78: {  	_ =	shalt  }
0x79: {  	_ =	shalt  }
0x7a: {  	_ =	shalt  }
0x7b: {  	_ =	shalt  }
0x7c: {  	_ =	shalt  }
0x7d: {  	_ =	shalt  }
0x7e: {  	_ =	shalt  }
0x7f: {  	_ =	shalt  }
0x80: {  	_ =	shalt  }
0x81: {  	_ =	shalt  }
0x82: {  	_ =	shalt  }
0x83: {  	_ =	shalt  }
0x84: {  	_ =	shalt  }
0x85: {  	_ =	shalt  }
0x86: {  	_ =	shalt  }
0x87: {  	_ =	shalt  }
.Lfunc_end0:
.L_simem_size_0:
called_computation_lowered:
.L_overlay_start_0:
0x88: {  	s2 =	sld [smem:$0x3FD9]  }
0x89: {  	s3 =	sld [smem:$0x3FFE];
	_ =	sdelay $0x1  }
0x8a: {  	s1 =	srdreg.scid  }
0x8b: {  	s0 =	sand.u32 $0x1, s1  }
0x8c: {  	s18 =	sshll.u32 s0, $0xA;
	s2 =	sadd.s32 s3, s2  }
0x8d: {  	s2 =	sadd.s32 s2, s18  }
0x8e: {  	[smem:$0x3FC4] =	sst s2  }
0x8f: {  	_ = 	snop  }
0x90: {  	s2 =	sld [smem:$0x3FC9]  }
0x91: {  	s19 =	sld [smem:$0x3FC8]  }
0x92: {  	s4 =	sld [smem:$0x3FC7]  }
0x93: {  	s5 =	sld [smem:$0x3FC6]  }
0x94: {  	s6 =	sld [smem:$0x3FD0];
	(tm) =	ssettm $0x1  }
0x95: {  	s7 =	sld [smem:$0x3FFB];
	_ =	sdelay $0x3  }
0x96: {  	_ =	strace s7  }
0x97: {  	s7 =	sld [smem:$0x3FFC];
	_ =	sdelay $0x3  }
0x98: {  	_ =	strace s7  }
0x99: {  	s7 =	sld [smem:$0x3FFD];
	_ =	sdelay $0x3  }
0x9a: {  	_ =	strace s7  }
0x9b: {  	_ =	strace $0x8FFFFFFF  }
0x9c: {  	s20 =	sld [smem:$0x3FDB];
	_ =	sdelay $0x1  }
0x9d: {  	s8 =	simm.s32 $_scs_section_size  }
0x9e: {  	s9 =	simm.s32 $_size__tile_overlayer_lowered;
	s10 =	simm.s32 $_tile_overlayer_lowered  }
0x9f: {  	s23 =	simm.s32 $0x1BFF;
	s22 =	sshll.u32 s10, $0x1;
	s7 =	sadd.s32 s8, s20  }
0xa0: {  	s11 =	simm.s32 $0x0;
	s21 =	sshll.u32 s9, $0x1;
	s9 =	sadd.s32 s22, s7  }
0xa1: {  	[timem:s11], [sflag:s23] =	dma.local [hbm:s9], s21  }
0xa2: {  	_ =	swait.ge [sflag:s23], s21  }
0xa3: {  	s8 =	ssub.s32 $0x0, s21;
	[sflag:s23] =	ssyncset.done $0x0  }
0xa4: {  	[sflag:s23] =	ssyncadd.s32 s8;
	_ =	sdelay $0x1  }
0xa5: {  	s24 =	simm.s32 $0x1B8B  }
0xa6: {  	_ =	swait.ge [sflag:s24], $0x1  }
0xa7: {  	[sflag:s24] =	ssyncset.done $0x0  }
0xa8: {  	s25 =	simm.s32 $0x1B8E;
	[sflag:s24] =	ssyncadd.s32 $0xFFFFFFFF  }
0xa9: {  	s26 =	simm.s32 $execute0_lowered;
	[smem:$0x3FD2] =	sst s25  }
0xaa: {  	s8 =	sshll.u32 s26, $0x1;
	_ =	strace $0x80000046;
	[dreg:$0x1] =	wrdreg $0xFFFFFFFF  }
0xab: {  	s28 =	simm.s32 $_size_execute0_lowered;
	s7 =	sadd.s32 s7, s8;
	[dreg:$0x0] =	wrdreg $0x0  }
0xac: {  	s8 =	sshll.u32 s28, $0x1;
	[dreg:$0x2] =	wrdreg s7  }
0xad: {  	[dreg:$0x3] =	wrdreg s8  }
0xae: {  	[dreg:$0x4] =	wrdreg $0xC0  }
0xaf: {  	_ =	task [dreg:s11], $0x5FFFF  }
0xb0: {  	[dreg:$0x1] =	wrdreg $0xFFFFFFFF  }
0xb1: {  	[dreg:$0x0] =	wrdreg $0x60  }
0xb2: {  	[dreg:$0x2] =	wrdreg s2  }
0xb3: {  	[dreg:$0x3] =	wrdreg s19  }
0xb4: {  	[dreg:$0x4] =	wrdreg s4  }
0xb5: {  	[dreg:$0x5] =	wrdreg s5  }
0xb6: {  	[dreg:$0x6] =	wrdreg s6  }
0xb7: {  	[dreg:$0x7] =	wrdreg $0x9  }
0xb8: {  	_ =	task.clear_ibuf [dreg:s11], $0x8FFFF;
	_ =	strace $0x90000046  }
0xb9: {  	s29 =	simm.s32 $0x9;
	_ =	strace $0x80000048  }
0xba: {  	_ =	swait.ge [sflag:s29], $0x1  }
0xbb: {  	[sflag:s29] =	ssyncadd.s32 $0xFFFFFFFF  }
0xbc: {  	_ =	strace $0x90000048  }
0xbd: {  	_ =	sfence  }
0xbe: {  	s30 =	sld [smem:$0x0];
	_ =	sdelay $0x2  }
0xbf: {  	s31 =	sshll.u32 s1, $0xD;
	s1 =	sshrl.u32 s1, $0x2  }
0xc0: {  	s3 =	sand.u32 $0x4000, s31;
	s1 =	sadd.s32 s1, s30  }
0xc1: {  	s0 =	sor.u32 s3, s0;
	s1 =	sshll.u32 s1, $0x11  }
0xc2: {  	s0 =	sor.u32 s1, s0  }
0xc3: {  	s0 =	sadd.s32 $0x8F2B, s0  }
0xc4: {  	[sflag:s0] =	ssyncadd.remote.s32 $0x1  }
0xc5: {  	_ =	sfence.sel $0xFFFF  }
0xc6: {  	[dreg:$0x0] =	wrdreg $0xFFFFFFFF;
	(pc) =	sbr.abs _section_cstart, $3  }
0xc7: {  	[dreg:$0x1] =	wrdreg $0xFFFFFFFF  }
0xc8: {  	_ =	task.clear_ibuf [dreg:s11], $0x2FFFF;
	_ =	strace $0x9FFFFFFF  }
0xc9: {  	(tm) =	ssettm $0x7FFFFFFF  }
tec
execute0_lowered:
.L_overlay_start_1:
0x0: {  	(tag) =	ssettag $0x1  }
0x1: {  	v0 =	vimm.s32 $0xEFCDAB89  }
0x2: {  	v1 =	vimm.s32 $0x67452301;
	vm0 =	vcmask $0xB08;
	vm1 =	vcmask $0x300  }
0x3: {  	s2 =	rddreg [dreg:$0x0];
	v2 =	vimm.s32 $0xDCFE98BA;
	v3 =	vimm.s32 $0x54761032;
	v4 =	vimm.s32 $0xFEDCBA98  }
0x4: {  	s4 =	rddreg [dreg:$0x1];
	v5 =	vimm.s32 $0x76543210;
	v0 =	vunpack.c.l.s4.s8 v0;
	v1 =	vunpack.c.l.s4.s8 v1  }
0x5: {  	s0 =	rddreg [dreg:$0x2];
	vm0 =	vmor vm1, vm0;
	vm1 =	vcmask $0x1310;
	v2 =	vunpack.c.l.s4.s8 v2  }
0x6: {  	s1 =	rddreg [dreg:$0x3];
	v3 =	vunpack.c.l.s4.s8 v3;
	vm0 =	vmor vm0, vm1;
	vm1 =	vcmask $0x1B18  }
0x7: {  	s7 =	rddreg [dreg:$0x4];
	s3 =	simm.s32 $0x0;
	v0 =	vunpack.c.0.s8.s32 v0;
	v1 =	vunpack.c.0.s8.s32 v1;
	vm0 =	vmor vm0, vm1  }
0x8: {  	s5 =	srdreg.scid;
	s8 =	stileid.u32;
	s10 =	simm.s32 $0x200;
	vm1 =	vcmask $0x2320;
	v2 =	vunpack.c.0.s8.s32 v2;
	v3 =	vunpack.c.0.s8.s32 v3  }
0x9: {  	s11 =	simm.s32 $0x20;
	s22 =	simm.s32 $0x3400;
	s23 =	simm.s32 $0x7400;
	v4 =	vunpack.c.l.s4.s8 v4;
	vm0 =	vmor vm0, vm1;
	v0 =	vcombine.low v1, v0  }
0xa: {  	s24 =	simm.s32 $0x1;
	s25 =	simm.s32 $0x5;
	s26 =	simm.s32 $0x2;
	v2 =	vcombine.low v3, v2;
	v1 =	vimm.s32 $0xBA98FEDC;
	v3 =	vimm.s32 $0x32107654  }
0xb: {  	s28 =	simm.s32 $0x6;
	s29 =	simm.s32 $0x3;
	s30 =	simm.s32 $0x7;
	vm1 =	vcmask $0x2B28;
	v1 =	vunpack.c.l.s4.s8 v1;
	v3 =	vunpack.c.l.s4.s8 v3  }
0xc: {  	s31 =	simm.s32 $0x4;
	s12 =	simm.s32 $0x0;
	s5 =	sand.u32 $0x1, s5;
	v5 =	vunpack.c.l.s4.s8 v5;
	v4 =	vunpack.c.0.s8.s32 v4;
	vm0 =	vmor vm0, vm1  }
.Ltmp0:
0xd: {  	[smem:$0x7FF] =	sst s3;
	s6 =	ssub.s32 $0x2, s5;
	vm1 =	vcmask $0x3330;
	v1 =	vunpack.c.0.s8.s32 v1;
	v3 =	vunpack.c.0.s8.s32 v3;
	(pc) =	sbr.rel .LBB2_1-.Ltmp0, $4  }
0xe: {  	s8 =	sshll.u32 s8, $0x7;
	s5 =	sshll.u32 s5, $0x6;
	s9 =	sshrl.u32 s6, $0x1;
	v5 =	vunpack.c.0.s8.s32 v5;
	vm0 =	vmor vm0, vm1;
	vm1 =	vcmask $0x3B38  }
0xf: {  	_ =	strace $0x80000047;
	s8 =	sor.u32 s5, s8;
	s9 =	ssub.s32 s6, s9;
	vm0 =	vmor vm0, vm1;
	v0 =	vand.u32 $0xF, v0;
	v3 =	vcombine.low v3, v1  }
0x10: {  	s5 =	sadd.s32 s2, s8;
	s6 =	sadd.s32 s4, s8;
	s7 =	sadd.s32 s7, s8;
	v2 =	vand.u32 $0xF, v2;
	v1 =	vand.u32 $0xF, v4;
	v4 =	vlaneseq.u32  }
0x11: {  	s2 =	simm.s32 $0x8;
	s8 =	smax.u32 s9, $0x1;
	s9 =	simm.s32 $0x9;
	v1 =	vcombine.low v1, v5;
	v4 =	vshrl.u32 v4, $0x1;
	v3 =	vand.u32 $0xF, v3  }
.LBB2_12:
0x12: {  	s12 =	sadd.s32 $0x1, s12  }
0x13: {  	p0 =	sne.s32 s12, s8  }
.Ltmp1:
0x14: {  	s4 =	simm.s32 $0x8400;
	(pc) =	sbr.rel @!p0 .LBB2_13-.Ltmp1, $4  }
0x15: {  	[hbm4b:s7+s3] =	stream.linear.scatter [tilespmem:s4], [sflag:$0x9], $0x200, $0x38;
	[tilespmem:$0x8600] =	vst v63  }
0x16: {  	_ =	swait.ge [sflag:s9], $0x200  }
0x17: {  	[sflag:s9] =	ssyncset.done $0x0  }
0x18: {  	[sflag:s9] =	ssyncadd.s32 $0xFFFFFE00  }
.LBB2_1:
0x19: {  	[tilespmem:s3], [sflag:$0x9] =	stream.linear.gather [hbm4b:s5+s3], $0x200, $0x38;
	[tilespmem:$0x8600] =	vst v63  }
0x1a: {  	_ =	swait.ge [sflag:s9], $0x200  }
0x1b: {  	[sflag:s9] =	ssyncset.done $0x0  }
0x1c: {  	[sflag:s9] =	ssyncadd.s32 $0xFFFFFE00  }
0x1d: {  	[tilespmem:s10], [sflag:$0x9] =	stream.linear.gather [hbm4b:s6+s3], $0x200, $0x38;
	[tilespmem:$0x8600] =	vst v63  }
0x1e: {  	_ =	swait.ge [sflag:s9], $0x200  }
0x1f: {  	[sflag:s9] =	ssyncset.done $0x0  }
0x20: {  	s4 =	simm.s32 $0x400;
	[sflag:s9] =	ssyncadd.s32 $0xFFFFFE00  }
0x21: {  	[tilespmem:s4], [sflag:$0x1] =	stream.indirect.gather [hbm4b:s0+s11], $0x80, s3, s11, $0xb8;
	[tilespmem:$0x8600] =	vst v63  }
0x22: {  	s14 =	simm.s32 $0x4400  }
0x23: {  	[tilespmem:s14], [sflag:$0x5] =	stream.indirect.gather [hbm4b:s1+s11], $0x80, s10, s11, $0xb8;
	[tilespmem:$0x8600] =	vst v63  }
0x24: {  	s15 =	simm.s32 $0x1400  }
0x25: {  	[tilespmem:s15], [sflag:$0x2] =	stream.indirect.gather [hbm4b:s0+s11], $0x80, s11, s11, $0xb8;
	[tilespmem:$0x8600] =	vst v63  }
0x26: {  	s16 =	simm.s32 $0x220;
	s13 =	simm.s32 $0x5400  }
0x27: {  	[tilespmem:s13], [sflag:$0x6] =	stream.indirect.gather [hbm4b:s1+s11], $0x80, s16, s11, $0xb8;
	[tilespmem:$0x8600] =	vst v63  }
0x28: {  	s17 =	simm.s32 $0x40;
	s18 =	simm.s32 $0x2400  }
0x29: {  	[tilespmem:s18], [sflag:$0x3] =	stream.indirect.gather [hbm4b:s0+s11], $0x80, s17, s11, $0xb8;
	[tilespmem:$0x8600] =	vst v63  }
0x2a: {  	s19 =	simm.s32 $0x240;
	s20 =	simm.s32 $0x6400  }
0x2b: {  	[tilespmem:s20], [sflag:$0x7] =	stream.indirect.gather [hbm4b:s1+s11], $0x80, s19, s11, $0xb8;
	[tilespmem:$0x8600] =	vst v63  }
0x2c: {  	s21 =	simm.s32 $0x60;
	s15 =	simm.s32 $0x0;
	s13 =	simm.s32 $0x260  }
0x2d: {  	[tilespmem:s22], [sflag:$0x4] =	stream.indirect.gather [hbm4b:s0+s11], $0x80, s21, s11, $0xb8;
	[tilespmem:$0x8600] =	vst v63  }
.LBB2_2:
0x2e: {  	[tilespmem:s23], [sflag:$0x8] =	stream.indirect.gather [hbm4b:s1+s11], $0x80, s13, s11, $0xb8;
	[tilespmem:$0x8600] =	vst v63  }
0x2f: {  	_ =	swait.ge [sflag:s24], $0x1000  }
0x30: {  	[sflag:s24] =	ssyncset.done $0x0  }
0x31: {  	[sflag:s24] =	ssyncadd.s32 $0xFFFFF000  }
0x32: {  	_ =	swait.ge [sflag:s25], $0x1000  }
0x33: {  	[sflag:s25] =	ssyncset.done $0x0  }
0x34: {  	s20 =	simm.s32 $0x4500;
	[sflag:s25] =	ssyncadd.s32 $0xFFFFF000  }
0x35: {  	s16 =	simm.s32 $0x500;
	v5 =	vld [tilespmem:s20+$0xF0]  }
0x36: {  	v6 =	vld [tilespmem:s16+$0xF0]  }
0x37: {  	v7 =	vld [tilespmem:s20+$0x70]  }
0x38: {  	v8 =	vld [tilespmem:s20+$0xFFFFFFF0]  }
0x39: {  	v9 =	vld [tilespmem:s16+$0xFFFFFFF0]  }
0x3a: {  	v10 =	vld [tilespmem:s20+$0xFFFFFF70]  }
0x3b: {  	v11 =	vld [tilespmem:s20+$0xE0]  }
0x3c: {  	v12 =	vld [tilespmem:s16+$0xE0]  }
0x3d: {  	v13 =	vld [tilespmem:s20+$0x60]  }
0x3e: {  	v14 =	vld [tilespmem:s20+$0xFFFFFFE0]  }
0x3f: {  	v15 =	vld [tilespmem:s16+$0xFFFFFFE0]  }
0x40: {  	v16 =	vld [tilespmem:s20+$0xFFFFFF60]  }
0x41: {  	v17 =	vld [tilespmem:s20+$0xD0]  }
0x42: {  	v18 =	vld [tilespmem:s16+$0xD0]  }
0x43: {  	v19 =	vld [tilespmem:s20+$0x50]  }
0x44: {  	v20 =	vld [tilespmem:s20+$0xFFFFFFD0]  }
0x45: {  	v21 =	vld [tilespmem:s16+$0xFFFFFFD0]  }
0x46: {  	v22 =	vld [tilespmem:s20+$0xFFFFFF50]  }
0x47: {  	v23 =	vld [tilespmem:s20+$0xC0]  }
0x48: {  	v24 =	vld [tilespmem:s16+$0xC0]  }
0x49: {  	v25 =	vld [tilespmem:s20+$0x40]  }
0x4a: {  	v26 =	vld [tilespmem:s20+$0xFFFFFFC0]  }
0x4b: {  	v27 =	vld [tilespmem:s16+$0xFFFFFFC0]  }
0x4c: {  	v28 =	vld [tilespmem:s20+$0xFFFFFF40]  }
0x4d: {  	v29 =	vld [tilespmem:s20+$0xB0]  }
0x4e: {  	v30 =	vld [tilespmem:s16+$0xB0]  }
0x4f: {  	v31 =	vld [tilespmem:s20+$0x30]  }
0x50: {  	v32 =	vld [tilespmem:s20+$0xFFFFFFB0]  }
0x51: {  	v33 =	vld [tilespmem:s16+$0xFFFFFFB0]  }
0x52: {  	v34 =	vld [tilespmem:s20+$0xFFFFFF30]  }
0x53: {  	v35 =	vld [tilespmem:s20+$0xA0]  }
0x54: {  	v36 =	vld [tilespmem:s16+$0xA0]  }
0x55: {  	v37 =	vld [tilespmem:s20+$0x20]  }
0x56: {  	v38 =	vld [tilespmem:s20+$0xFFFFFFA0]  }
0x57: {  	v39 =	vld [tilespmem:s16+$0xFFFFFFA0]  }
0x58: {  	v40 =	vld [tilespmem:s20+$0xFFFFFF20]  }
0x59: {  	v41 =	vld [tilespmem:s20+$0x90]  }
0x5a: {  	v42 =	vld [tilespmem:s16+$0x90]  }
0x5b: {  	v43 =	vld [tilespmem:s20+$0x80]  }
0x5c: {  	v44 =	vld [tilespmem:s16+$0x80]  }
0x5d: {  	v45 =	vld [tilespmem:s20+$0x10]  }
0x5e: {  	v46 =	vld [tilespmem:s16+$0x10]  }
0x5f: {  	v47 =	vld [tilespmem:s20+$0x0]  }
0x60: {  	v48 =	vld [tilespmem:s20+$0xFFFFFF90]  }
0x61: {  	v49 =	vld [tilespmem:s16+$0xFFFFFF90]  }
0x62: {  	v50 =	vld [tilespmem:s20+$0xFFFFFF80]  }
0x63: {  	v51 =	vld [tilespmem:s16+$0xFFFFFF80]  }
0x64: {  	v52 =	vld [tilespmem:s20+$0xFFFFFF10];
	v8 =	vmul.f32 v8, v9;
	v5 =	vmul.f32 v5, v6  }
0x65: {  	v62 =	vld [tilespmem:s20+$0xFFFFFF00];
	v9 =	vmul.f32 v14, v15;
	v11 =	vmul.f32 v11, v12  }
0x66: {  	v63 =	vld [tilespmem:s16+$0xFFFFFF00];
	v14 =	vmul.f32 v20, v21;
	v15 =	vmul.f32 v17, v18  }
0x67: {  	v6 =	vld [tilespmem:s16+$0xFFFFFF10];
	v18 =	vmul.f32 v26, v27;
	v20 =	vmul.f32 v23, v24  }
0x68: {  	v21 =	vmul.f32 v32, v33;
	v23 =	vld [tilespmem:s16+$0x0];
	v24 =	vmul.f32 v29, v30  }
0x69: {  	v53 =	vld [tilespmem:s16+$0xFFFFFF20];
	v54 =	vmul.f32 v38, v39;
	v55 =	vmul.f32 v35, v36  }
0x6a: {  	v56 =	vld [tilespmem:s16+$0x20];
	v57 =	vmul.f32 v43, v44;
	v58 =	vmul.f32 v41, v42  }
0x6b: {  	v59 =	vld [tilespmem:s16+$0xFFFFFF30];
	v60 =	vmul.f32 v50, v51;
	v61 =	vmul.f32 v48, v49  }
0x6c: {  	v12 =	vmul.f32 v62, v63;
	v62 =	vld [tilespmem:s16+$0x30];
	v6 =	vmul.f32 v52, v6  }
0x6d: {  	v63 =	vld [tilespmem:s16+$0xFFFFFF40];
	v44 =	vmul.f32 v45, v46;
	v23 =	vmul.f32 v47, v23  }
0x6e: {  	v45 =	vmul.f32 v40, v53;
	v46 =	vadd.f32 v61, v60;
	v47 =	vld [tilespmem:s16+$0x40];
	v6 =	vadd.f32 v6, v12  }
0x6f: {  	v48 =	vld [tilespmem:s16+$0xFFFFFF50];
	v30 =	vmul.f32 v37, v56;
	v32 =	vadd.f32 v58, v57;
	v23 =	vadd.f32 v44, v23  }
0x70: {  	v49 =	vmul.f32 v34, v59;
	v50 =	vld [tilespmem:s16+$0x50];
	v26 =	vadd.f32 v54, v46;
	v6 =	vadd.f32 v45, v6  }
0x71: {  	v51 =	vld [tilespmem:s16+$0xFFFFFF60];
	v29 =	vadd.f32 v55, v32;
	v17 =	vmul.f32 v31, v62;
	v23 =	vadd.f32 v30, v23  }
0x72: {  	v53 =	vld [tilespmem:s16+$0x60];
	v52 =	vmul.f32 v28, v63;
	v21 =	vadd.f32 v21, v26;
	v6 =	vadd.f32 v49, v6  }
0x73: {  	v54 =	vld [tilespmem:s16+$0xFFFFFF70];
	v24 =	vadd.f32 v24, v29;
	v55 =	vmul.f32 v25, v47;
	v17 =	vadd.f32 v17, v23  }
0x74: {  	v57 =	vld [tilespmem:s16+$0x70];
	v56 =	vmul.f32 v22, v48;
	v18 =	vadd.f32 v18, v21;
	v6 =	vadd.f32 v52, v6  }
0x75: {  	v19 =	vmul.f32 v19, v50;
	v20 =	vadd.f32 v20, v24;
	v17 =	vadd.f32 v55, v17  }
0x76: {  	v58 =	vmul.f32 v16, v51;
	v14 =	vadd.f32 v14, v18;
	v6 =	vadd.f32 v56, v6  }
0x77: {  	v13 =	vmul.f32 v13, v53;
	v15 =	vadd.f32 v15, v20;
	v59 =	vadd.f32 v19, v17  }
0x78: {  	v10 =	vmul.f32 v10, v54;
	v9 =	vadd.f32 v9, v14;
	v6 =	vadd.f32 v58, v6  }
0x79: {  	v7 =	vmul.f32 v7, v57;
	v11 =	vadd.f32 v11, v15;
	v60 =	vadd.f32 v13, v59  }
0x7a: {  	v8 =	vadd.f32 v8, v9;
	v6 =	vadd.f32 v10, v6  }
0x7b: {  	v5 =	vadd.f32 v5, v11;
	v7 =	vadd.f32 v7, v60  }
0x7c: {  	v9 =	vperm.xlane v8, v0;
	v10 =	vperm.xlane v6, v0  }
0x7d: {  	v11 =	vperm.xlane v5, v0;
	v12 =	vperm.xlane v7, v0  }
0x7e: {  	v6 =	vsel vm0, v6, v9;
	v8 =	vsel vm0, v10, v8  }
0x7f: {  	v7 =	vsel vm0, v7, v11;
	v5 =	vsel vm0, v12, v5;
	v6 =	vadd.f32 v8, v6  }
0x80: {  	v5 =	vadd.f32 v5, v7  }
0x81: {  	v7 =	vperm.xlane v6, v2  }
0x82: {  	v8 =	vperm.xlane v5, v2  }
0x83: {  	v6 =	vadd.f32 v6, v7  }
0x84: {  	v5 =	vadd.f32 v5, v8  }
0x85: {  	v7 =	vperm.xlane v6, v3  }
0x86: {  	v8 =	vperm.xlane v5, v3  }
0x87: {  	s13 =	sshll.u32 s15, $0x7;
	v6 =	vadd.f32 v6, v7  }
0x88: {  	s14 =	sand.u32 $0x3FFFFF80, s13;
	v7 =	vadd.f32 v5, v8  }
0x89: {  	s17 =	simm.s32 $0x0;
	s18 =	sadd.s32 $0x8400, s14;
	v8 =	vperm.xlane v6, v1  }
0x8a: {  	s19 =	simm.s32 $0x1;
	s21 =	sand.u32 $0x6, s17;
	v5 =	vmov s18;
	v61 =	vperm.xlane v7, v1  }
0x8b: {  	s19 =	sand.u32 $0x7, s19;
	v62 =	vimm.f32 $0.0e+00;
	v63 =	vmov s21;
	v6 =	vadd.f32 v6, v8  }
0x8c: {  	vm1 =	veq.s32 v63, v4;
	v7 =	vadd.f32 v7, v61;
	v8 =	vmov s19  }
0x8d: {  	p0 =	sne.s32 s19, $0x7;
	s18 =	simm.s32 $0x0;
	v6 =	vsel vm1, v6, v62;
	vm1 =	veq.s32 v8, v4  }
0x8e: {  	s19 =	sand.u32 @!p0 $0x10, s18;
	v6 =	vsel vm1, v7, v6  }
0x8f: {  	[tilespmem:v5+s19+$0x0 ss:$0x1] =	vst.idx.msk @!p0 $0xffff, v6;
	s19 =	simm.s32 $0x4700  }
.LBB2_3:
0x90: {  	v13 =	vld [tilespmem:s19+$0xF0];
	s16 =	sadd.s32 $0x200, s16;
	s20 =	smov.u32 s17  }
0x91: {  	v14 =	vld [tilespmem:s16+$0xF0]  }
0x92: {  	v7 =	vld [tilespmem:s19+$0x70]  }
0x93: {  	v15 =	vld [tilespmem:s19+$0xFFFFFFF0]  }
0x94: {  	v16 =	vld [tilespmem:s16+$0xFFFFFFF0]  }
0x95: {  	v8 =	vld [tilespmem:s19+$0xFFFFFF70]  }
0x96: {  	v17 =	vld [tilespmem:s19+$0xE0]  }
0x97: {  	v18 =	vld [tilespmem:s16+$0xE0]  }
0x98: {  	v9 =	vld [tilespmem:s19+$0x60]  }
0x99: {  	v19 =	vld [tilespmem:s19+$0xFFFFFFE0]  }
0x9a: {  	v20 =	vld [tilespmem:s16+$0xFFFFFFE0]  }
0x9b: {  	v10 =	vld [tilespmem:s19+$0xFFFFFF60]  }
0x9c: {  	v21 =	vld [tilespmem:s19+$0xD0]  }
0x9d: {  	v22 =	vld [tilespmem:s16+$0xD0]  }
0x9e: {  	v11 =	vld [tilespmem:s19+$0x50]  }
0x9f: {  	v23 =	vld [tilespmem:s19+$0xFFFFFFD0]  }
0xa0: {  	v24 =	vld [tilespmem:s16+$0xFFFFFFD0]  }
0xa1: {  	v12 =	vld [tilespmem:s19+$0xFFFFFF50]  }
0xa2: {  	v25 =	vld [tilespmem:s19+$0xC0]  }
0xa3: {  	v26 =	vld [tilespmem:s16+$0xC0]  }
0xa4: {  	v27 =	vld [tilespmem:s19+$0x40]  }
0xa5: {  	v28 =	vld [tilespmem:s19+$0xFFFFFFC0]  }
0xa6: {  	v29 =	vld [tilespmem:s16+$0xFFFFFFC0]  }
0xa7: {  	v30 =	vld [tilespmem:s19+$0xFFFFFF40]  }
0xa8: {  	v31 =	vld [tilespmem:s19+$0xB0]  }
0xa9: {  	v32 =	vld [tilespmem:s16+$0xB0]  }
0xaa: {  	v33 =	vld [tilespmem:s19+$0x30]  }
0xab: {  	v34 =	vld [tilespmem:s19+$0xFFFFFFB0]  }
0xac: {  	v35 =	vld [tilespmem:s16+$0xFFFFFFB0]  }
0xad: {  	v36 =	vld [tilespmem:s19+$0xFFFFFF30]  }
0xae: {  	v37 =	vld [tilespmem:s19+$0xA0]  }
0xaf: {  	v38 =	vld [tilespmem:s16+$0xA0]  }
0xb0: {  	v39 =	vld [tilespmem:s19+$0x20]  }
0xb1: {  	v40 =	vld [tilespmem:s19+$0xFFFFFFA0]  }
0xb2: {  	v41 =	vld [tilespmem:s16+$0xFFFFFFA0]  }
0xb3: {  	v42 =	vld [tilespmem:s19+$0xFFFFFF20]  }
0xb4: {  	v43 =	vld [tilespmem:s19+$0x90]  }
0xb5: {  	v44 =	vld [tilespmem:s16+$0x90]  }
0xb6: {  	v45 =	vld [tilespmem:s19+$0x80]  }
0xb7: {  	v46 =	vld [tilespmem:s16+$0x80]  }
0xb8: {  	v47 =	vld [tilespmem:s19+$0x10]  }
0xb9: {  	v48 =	vld [tilespmem:s16+$0x10]  }
0xba: {  	v49 =	vld [tilespmem:s19+$0x0]  }
0xbb: {  	v50 =	vld [tilespmem:s19+$0xFFFFFF90]  }
0xbc: {  	v51 =	vld [tilespmem:s16+$0xFFFFFF90]  }
0xbd: {  	v52 =	vld [tilespmem:s19+$0xFFFFFF80]  }
0xbe: {  	v53 =	vld [tilespmem:s16+$0xFFFFFF80]  }
0xbf: {  	v13 =	vmul.f32 v13, v14;
	v15 =	vmul.f32 v15, v16;
	v54 =	vld [tilespmem:s19+$0xFFFFFF10]  }
0xc0: {  	v17 =	vmul.f32 v17, v18;
	v16 =	vmul.f32 v19, v20;
	v14 =	vld [tilespmem:s16+$0xFFFFFF10]  }
0xc1: {  	v20 =	vmul.f32 v21, v22;
	v19 =	vmul.f32 v23, v24;
	v18 =	vld [tilespmem:s19+$0xFFFFFF00]  }
0xc2: {  	v23 =	vmul.f32 v25, v26;
	v22 =	vmul.f32 v28, v29;
	v21 =	vld [tilespmem:s16+$0xFFFFFF00]  }
0xc3: {  	v26 =	vmul.f32 v31, v32;
	v24 =	vmul.f32 v34, v35;
	v25 =	vld [tilespmem:s16+$0x0]  }
0xc4: {  	v31 =	vmul.f32 v37, v38;
	v29 =	vmul.f32 v40, v41;
	v28 =	vld [tilespmem:s16+$0xFFFFFF20]  }
0xc5: {  	v35 =	vmul.f32 v43, v44;
	v34 =	vmul.f32 v45, v46;
	v32 =	vld [tilespmem:s16+$0x20]  }
0xc6: {  	v40 =	vmul.f32 v50, v51;
	v38 =	vmul.f32 v52, v53;
	v37 =	vld [tilespmem:s16+$0xFFFFFF30]  }
0xc7: {  	v14 =	vmul.f32 v54, v14;
	v18 =	vmul.f32 v18, v21;
	v21 =	vld [tilespmem:s16+$0x30]  }
0xc8: {  	v43 =	vmul.f32 v47, v48;
	v41 =	vld [tilespmem:s16+$0xFFFFFF40];
	v25 =	vmul.f32 v49, v25  }
0xc9: {  	v14 =	vadd.f32 v14, v18;
	v18 =	vmul.f32 v42, v28;
	v28 =	vadd.f32 v40, v38;
	v38 =	vld [tilespmem:s16+$0x40]  }
0xca: {  	v34 =	vadd.f32 v35, v34;
	v40 =	vld [tilespmem:s16+$0xFFFFFF50];
	v25 =	vadd.f32 v43, v25;
	v32 =	vmul.f32 v39, v32  }
0xcb: {  	v14 =	vadd.f32 v18, v14;
	v18 =	vmul.f32 v36, v37;
	v28 =	vadd.f32 v29, v28;
	v29 =	vld [tilespmem:s16+$0x50]  }
0xcc: {  	v31 =	vadd.f32 v31, v34;
	v35 =	vld [tilespmem:s16+$0xFFFFFF60];
	v25 =	vadd.f32 v32, v25;
	v21 =	vmul.f32 v33, v21  }
0xcd: {  	v14 =	vadd.f32 v18, v14;
	v18 =	vmul.f32 v30, v41;
	v24 =	vadd.f32 v24, v28;
	v28 =	vld [tilespmem:s16+$0x60]  }
0xce: {  	v26 =	vadd.f32 v26, v31;
	v30 =	vld [tilespmem:s16+$0xFFFFFF70];
	v21 =	vadd.f32 v21, v25;
	v25 =	vmul.f32 v27, v38  }
0xcf: {  	v14 =	vadd.f32 v18, v14;
	v12 =	vmul.f32 v12, v40;
	v18 =	vadd.f32 v22, v24;
	v22 =	vld [tilespmem:s16+$0x70]  }
0xd0: {  	v23 =	vadd.f32 v23, v26;
	v21 =	vadd.f32 v25, v21;
	v11 =	vmul.f32 v11, v29  }
0xd1: {  	v12 =	vadd.f32 v12, v14;
	v10 =	vmul.f32 v10, v35;
	v14 =	vadd.f32 v19, v18  }
0xd2: {  	v18 =	vadd.f32 v20, v23;
	v11 =	vadd.f32 v11, v21;
	v9 =	vmul.f32 v9, v28  }
0xd3: {  	v10 =	vadd.f32 v10, v12;
	v8 =	vmul.f32 v8, v30;
	v12 =	vadd.f32 v16, v14  }
0xd4: {  	v9 =	vadd.f32 v9, v11;
	v7 =	vmul.f32 v7, v22;
	v11 =	vadd.f32 v17, v18  }
0xd5: {  	v8 =	vadd.f32 v8, v10;
	v10 =	vadd.f32 v15, v12  }
0xd6: {  	v7 =	vadd.f32 v7, v9;
	v9 =	vadd.f32 v13, v11  }
0xd7: {  	v11 =	vperm.xlane v10, v0;
	v12 =	vperm.xlane v8, v0  }
0xd8: {  	v13 =	vperm.xlane v9, v0;
	v14 =	vperm.xlane v7, v0  }
0xd9: {  	v8 =	vsel vm0, v8, v11;
	v10 =	vsel vm0, v12, v10  }
0xda: {  	v8 =	vadd.f32 v10, v8;
	v7 =	vsel vm0, v7, v13;
	v9 =	vsel vm0, v14, v9  }
0xdb: {  	v7 =	vadd.f32 v9, v7  }
0xdc: {  	v9 =	vperm.xlane v8, v2  }
0xdd: {  	v10 =	vperm.xlane v7, v2  }
0xde: {  	v8 =	vadd.f32 v8, v9  }
0xdf: {  	v7 =	vadd.f32 v7, v10  }
0xe0: {  	v9 =	vperm.xlane v8, v3  }
0xe1: {  	v10 =	vperm.xlane v7, v3  }
0xe2: {  	v8 =	vadd.f32 v8, v9  }
0xe3: {  	v7 =	vadd.f32 v7, v10  }
0xe4: {  	s17 =	sadd.s32 $0x2, s17;
	v9 =	vperm.xlane v8, v1  }
0xe5: {  	s21 =	sand.u32 $0x6, s17;
	s20 =	sadd.s32 $0x3, s20;
	p0 =	slt.u32 s17, $0xE;
	v10 =	vperm.xlane v7, v1  }
.Ltmp2:
0xe6: {  	s20 =	sand.u32 $0x7, s20;
	v11 =	vmov s21;
	v8 =	vadd.f32 v8, v9;
	(pc) =	sbr.rel @p0 .LBB2_3-.Ltmp2, $4  }
0xe7: {  	vm1 =	veq.s32 v11, v4;
	v9 =	vmov s20;
	v7 =	vadd.f32 v7, v10  }
0xe8: {  	s18 =	sadd.s32 $0x4, s18;
	p1 =	sne.s32 s20, $0x7;
	v6 =	vsel vm1, v8, v6;
	vm1 =	veq.s32 v9, v4  }
0xe9: {  	s20 =	sand.u32 @!p1 $0x10, s18;
	v6 =	vsel vm1, v7, v6  }
0xea: {  	s19 =	sadd.s32 $0x200, s19;
	[tilespmem:v5+s20+$0x0 ss:$0x1] =	vst.idx.msk @!p1 $0xffff, v6  }
0xeb: {  	p0 =	seq.s32 s15, $0x3  }
0xec: {  	s16 =	sshll.u32 @!p0 s15, $0x7  }
0xed: {  	s18 =	simm.s32 @!p0 $0x20;
	s19 =	simm.s32 @!p0 $0x400;
	s17 =	sadd.s32 @!p0 $0x80, s16  }
0xee: {  	[tilespmem:s19], [sflag:$0x1] =	stream.indirect.gather @!p0 [hbm4b:s0+s18], $0x80, s17, s18, $0xb8;
	[tilespmem:$0x8600] =	vst v63  }
0xef: {  	s17 =	sadd.s32 @!p0 $0x280, s16;
	s19 =	simm.s32 @!p0 $0x4400  }
0xf0: {  	[tilespmem:s19], [sflag:$0x5] =	stream.indirect.gather @!p0 [hbm4b:s1+s18], $0x80, s17, s18, $0xb8;
	[tilespmem:$0x8600] =	vst v63  }
0xf1: {  	_ =	swait.ge [sflag:s26], $0x1000  }
0xf2: {  	[sflag:s26] =	ssyncset.done $0x0  }
0xf3: {  	[sflag:s26] =	ssyncadd.s32 $0xFFFFF000  }
0xf4: {  	_ =	swait.ge [sflag:s28], $0x1000  }
0xf5: {  	[sflag:s28] =	ssyncset.done $0x0  }
0xf6: {  	s19 =	simm.s32 $0x55F0;
	[sflag:s28] =	ssyncadd.s32 $0xFFFFF000  }
0xf7: {  	s17 =	simm.s32 $0x15F0;
	v5 =	vld [tilespmem:s19+$0x0]  }
0xf8: {  	v6 =	vld [tilespmem:s17+$0x0]  }
0xf9: {  	v7 =	vld [tilespmem:s19+$0xFFFFFF80]  }
0xfa: {  	v8 =	vld [tilespmem:s19+$0xFFFFFF00]  }
0xfb: {  	v9 =	vld [tilespmem:s17+$0xFFFFFF00]  }
0xfc: {  	v10 =	vld [tilespmem:s19+$0xFFFFFE80]  }
0xfd: {  	v11 =	vld [tilespmem:s19+$0xFFFFFFF0]  }
0xfe: {  	v12 =	vld [tilespmem:s17+$0xFFFFFFF0]  }
0xff: {  	v13 =	vld [tilespmem:s19+$0xFFFFFF70]  }
0x100: {  	v14 =	vld [tilespmem:s19+$0xFFFFFEF0]  }
0x101: {  	v15 =	vld [tilespmem:s17+$0xFFFFFEF0]  }
0x102: {  	v16 =	vld [tilespmem:s19+$0xFFFFFE70]  }
0x103: {  	v17 =	vld [tilespmem:s19+$0xFFFFFFE0]  }
0x104: {  	v18 =	vld [tilespmem:s17+$0xFFFFFFE0]  }
0x105: {  	v19 =	vld [tilespmem:s19+$0xFFFFFF60]  }
0x106: {  	v20 =	vld [tilespmem:s19+$0xFFFFFEE0]  }
0x107: {  	v21 =	vld [tilespmem:s17+$0xFFFFFEE0]  }
0x108: {  	v22 =	vld [tilespmem:s19+$0xFFFFFE60]  }
0x109: {  	v23 =	vld [tilespmem:s19+$0xFFFFFFD0]  }
0x10a: {  	v24 =	vld [tilespmem:s17+$0xFFFFFFD0]  }
0x10b: {  	v25 =	vld [tilespmem:s19+$0xFFFFFF50]  }
0x10c: {  	v26 =	vld [tilespmem:s19+$0xFFFFFED0]  }
0x10d: {  	v27 =	vld [tilespmem:s17+$0xFFFFFED0]  }
0x10e: {  	v28 =	vld [tilespmem:s19+$0xFFFFFE50]  }
0x10f: {  	v29 =	vld [tilespmem:s19+$0xFFFFFFC0]  }
0x110: {  	v30 =	vld [tilespmem:s17+$0xFFFFFFC0]  }
0x111: {  	v31 =	vld [tilespmem:s19+$0xFFFFFF40]  }
0x112: {  	v32 =	vld [tilespmem:s19+$0xFFFFFEC0]  }
0x113: {  	v33 =	vld [tilespmem:s17+$0xFFFFFEC0]  }
0x114: {  	v34 =	vld [tilespmem:s19+$0xFFFFFE40]  }
0x115: {  	v35 =	vld [tilespmem:s19+$0xFFFFFFB0]  }
0x116: {  	v36 =	vld [tilespmem:s17+$0xFFFFFFB0]  }
0x117: {  	v37 =	vld [tilespmem:s19+$0xFFFFFF30]  }
0x118: {  	v38 =	vld [tilespmem:s19+$0xFFFFFEB0]  }
0x119: {  	v39 =	vld [tilespmem:s17+$0xFFFFFEB0]  }
0x11a: {  	v40 =	vld [tilespmem:s19+$0xFFFFFE30]  }
0x11b: {  	v41 =	vld [tilespmem:s19+$0xFFFFFFA0]  }
0x11c: {  	v42 =	vld [tilespmem:s17+$0xFFFFFFA0]  }
0x11d: {  	v43 =	vld [tilespmem:s19+$0xFFFFFF90]  }
0x11e: {  	v44 =	vld [tilespmem:s17+$0xFFFFFF90]  }
0x11f: {  	v45 =	vld [tilespmem:s19+$0xFFFFFF20]  }
0x120: {  	v46 =	vld [tilespmem:s17+$0xFFFFFF20]  }
0x121: {  	v47 =	vld [tilespmem:s19+$0xFFFFFF10]  }
0x122: {  	v48 =	vld [tilespmem:s19+$0xFFFFFEA0]  }
0x123: {  	v49 =	vld [tilespmem:s17+$0xFFFFFEA0]  }
0x124: {  	v50 =	vld [tilespmem:s19+$0xFFFFFE90]  }
0x125: {  	v51 =	vld [tilespmem:s17+$0xFFFFFE90]  }
0x126: {  	v52 =	vld [tilespmem:s19+$0xFFFFFE20];
	v8 =	vmul.f32 v8, v9;
	v5 =	vmul.f32 v5, v6  }
0x127: {  	v62 =	vld [tilespmem:s19+$0xFFFFFE10];
	v9 =	vmul.f32 v14, v15;
	v11 =	vmul.f32 v11, v12  }
0x128: {  	v63 =	vld [tilespmem:s17+$0xFFFFFE10];
	v14 =	vmul.f32 v20, v21;
	v15 =	vmul.f32 v17, v18  }
0x129: {  	v6 =	vld [tilespmem:s17+$0xFFFFFE20];
	v18 =	vmul.f32 v26, v27;
	v20 =	vmul.f32 v23, v24  }
0x12a: {  	v21 =	vmul.f32 v32, v33;
	v23 =	vld [tilespmem:s17+$0xFFFFFF10];
	v24 =	vmul.f32 v29, v30  }
0x12b: {  	v53 =	vld [tilespmem:s17+$0xFFFFFE30];
	v54 =	vmul.f32 v38, v39;
	v55 =	vmul.f32 v35, v36  }
0x12c: {  	v56 =	vld [tilespmem:s17+$0xFFFFFF30];
	v57 =	vmul.f32 v43, v44;
	v58 =	vmul.f32 v41, v42  }
0x12d: {  	v59 =	vld [tilespmem:s17+$0xFFFFFE40];
	v60 =	vmul.f32 v50, v51;
	v61 =	vmul.f32 v48, v49  }
0x12e: {  	v12 =	vmul.f32 v62, v63;
	v62 =	vld [tilespmem:s17+$0xFFFFFF40];
	v6 =	vmul.f32 v52, v6  }
0x12f: {  	v63 =	vld [tilespmem:s17+$0xFFFFFE50];
	v44 =	vmul.f32 v45, v46;
	v23 =	vmul.f32 v47, v23  }
0x130: {  	v45 =	vmul.f32 v40, v53;
	v46 =	vadd.f32 v61, v60;
	v47 =	vld [tilespmem:s17+$0xFFFFFF50];
	v6 =	vadd.f32 v6, v12  }
0x131: {  	v48 =	vld [tilespmem:s17+$0xFFFFFE60];
	v30 =	vmul.f32 v37, v56;
	v32 =	vadd.f32 v58, v57;
	v23 =	vadd.f32 v44, v23  }
0x132: {  	v49 =	vmul.f32 v34, v59;
	v50 =	vld [tilespmem:s17+$0xFFFFFF60];
	v26 =	vadd.f32 v54, v46;
	v6 =	vadd.f32 v45, v6  }
0x133: {  	v51 =	vld [tilespmem:s17+$0xFFFFFE70];
	v29 =	vadd.f32 v55, v32;
	v17 =	vmul.f32 v31, v62;
	v23 =	vadd.f32 v30, v23  }
0x134: {  	v53 =	vld [tilespmem:s17+$0xFFFFFF70];
	v52 =	vmul.f32 v28, v63;
	v21 =	vadd.f32 v21, v26;
	v6 =	vadd.f32 v49, v6  }
0x135: {  	v54 =	vld [tilespmem:s17+$0xFFFFFE80];
	v24 =	vadd.f32 v24, v29;
	v55 =	vmul.f32 v25, v47;
	v17 =	vadd.f32 v17, v23  }
0x136: {  	v57 =	vld [tilespmem:s17+$0xFFFFFF80];
	v56 =	vmul.f32 v22, v48;
	v18 =	vadd.f32 v18, v21;
	v6 =	vadd.f32 v52, v6  }
0x137: {  	v19 =	vmul.f32 v19, v50;
	v20 =	vadd.f32 v20, v24;
	v17 =	vadd.f32 v55, v17  }
0x138: {  	v58 =	vmul.f32 v16, v51;
	v14 =	vadd.f32 v14, v18;
	v6 =	vadd.f32 v56, v6  }
0x139: {  	v13 =	vmul.f32 v13, v53;
	v15 =	vadd.f32 v15, v20;
	v59 =	vadd.f32 v19, v17  }
0x13a: {  	v10 =	vmul.f32 v10, v54;
	v9 =	vadd.f32 v9, v14;
	v6 =	vadd.f32 v58, v6  }
0x13b: {  	v7 =	vmul.f32 v7, v57;
	v11 =	vadd.f32 v11, v15;
	v60 =	vadd.f32 v13, v59  }
0x13c: {  	v8 =	vadd.f32 v8, v9;
	v6 =	vadd.f32 v10, v6  }
0x13d: {  	v5 =	vadd.f32 v5, v11;
	v7 =	vadd.f32 v7, v60  }
0x13e: {  	v9 =	vperm.xlane v8, v0;
	v10 =	vperm.xlane v6, v0  }
0x13f: {  	v11 =	vperm.xlane v5, v0;
	v12 =	vperm.xlane v7, v0  }
0x140: {  	v6 =	vsel vm0, v6, v9;
	v8 =	vsel vm0, v10, v8  }
0x141: {  	v7 =	vsel vm0, v7, v11;
	v5 =	vsel vm0, v12, v5;
	v6 =	vadd.f32 v8, v6  }
0x142: {  	v5 =	vadd.f32 v5, v7  }
0x143: {  	v7 =	vperm.xlane v6, v2  }
0x144: {  	v8 =	vperm.xlane v5, v2  }
0x145: {  	v6 =	vadd.f32 v6, v7  }
0x146: {  	v5 =	vadd.f32 v5, v8  }
0x147: {  	v7 =	vperm.xlane v6, v3  }
0x148: {  	v8 =	vperm.xlane v5, v3  }
0x149: {  	v6 =	vadd.f32 v6, v7  }
0x14a: {  	v7 =	vadd.f32 v5, v8  }
0x14b: {  	s20 =	sadd.s32 $0x8420, s14;
	s18 =	simm.s32 $0x0;
	v8 =	vperm.xlane v6, v1  }
0x14c: {  	s21 =	sand.u32 $0x6, s18;
	v5 =	vmov s20;
	s20 =	simm.s32 $0x1;
	v61 =	vperm.xlane v7, v1  }
0x14d: {  	v62 =	vimm.f32 $0.0e+00;
	v63 =	vmov s21;
	s20 =	sand.u32 $0x7, s20;
	v6 =	vadd.f32 v6, v8  }
0x14e: {  	vm1 =	veq.s32 v63, v4;
	v7 =	vadd.f32 v7, v61;
	v8 =	vmov s20  }
0x14f: {  	s19 =	simm.s32 $0x0;
	p1 =	sne.s32 s20, $0x7;
	v6 =	vsel vm1, v6, v62;
	vm1 =	veq.s32 v8, v4  }
0x150: {  	s20 =	sand.u32 @!p1 $0x10, s19;
	v6 =	vsel vm1, v7, v6  }
0x151: {  	s15 =	sadd.s32 $0x1, s15;
	[tilespmem:v5+s20+$0x0 ss:$0x1] =	vst.idx.msk @!p1 $0xffff, v6;
	s20 =	simm.s32 $0x57F0  }
.LBB2_5:
0x152: {  	v13 =	vld [tilespmem:s20+$0x0];
	s17 =	sadd.s32 $0x200, s17;
	s21 =	smov.u32 s18  }
0x153: {  	v14 =	vld [tilespmem:s17+$0x0]  }
0x154: {  	v7 =	vld [tilespmem:s20+$0xFFFFFF80]  }
0x155: {  	v15 =	vld [tilespmem:s20+$0xFFFFFF00]  }
0x156: {  	v16 =	vld [tilespmem:s17+$0xFFFFFF00]  }
0x157: {  	v8 =	vld [tilespmem:s20+$0xFFFFFE80]  }
0x158: {  	v17 =	vld [tilespmem:s20+$0xFFFFFFF0]  }
0x159: {  	v18 =	vld [tilespmem:s17+$0xFFFFFFF0]  }
0x15a: {  	v9 =	vld [tilespmem:s20+$0xFFFFFF70]  }
0x15b: {  	v19 =	vld [tilespmem:s20+$0xFFFFFEF0]  }
0x15c: {  	v20 =	vld [tilespmem:s17+$0xFFFFFEF0]  }
0x15d: {  	v10 =	vld [tilespmem:s20+$0xFFFFFE70]  }
0x15e: {  	v21 =	vld [tilespmem:s20+$0xFFFFFFE0]  }
0x15f: {  	v22 =	vld [tilespmem:s17+$0xFFFFFFE0]  }
0x160: {  	v11 =	vld [tilespmem:s20+$0xFFFFFF60]  }
0x161: {  	v23 =	vld [tilespmem:s20+$0xFFFFFEE0]  }
0x162: {  	v24 =	vld [tilespmem:s17+$0xFFFFFEE0]  }
0x163: {  	v12 =	vld [tilespmem:s20+$0xFFFFFE60]  }
0x164: {  	v25 =	vld [tilespmem:s20+$0xFFFFFFD0]  }
0x165: {  	v26 =	vld [tilespmem:s17+$0xFFFFFFD0]  }
0x166: {  	v27 =	vld [tilespmem:s20+$0xFFFFFF50]  }
0x167: {  	v28 =	vld [tilespmem:s20+$0xFFFFFED0]  }
0x168: {  	v29 =	vld [tilespmem:s17+$0xFFFFFED0]  }
0x169: {  	v30 =	vld [tilespmem:s20+$0xFFFFFE50]  }
0x16a: {  	v31 =	vld [tilespmem:s20+$0xFFFFFFC0]  }
0x16b: {  	v32 =	vld [tilespmem:s17+$0xFFFFFFC0]  }
0x16c: {  	v33 =	vld [tilespmem:s20+$0xFFFFFF40]  }
0x16d: {  	v34 =	vld [tilespmem:s20+$0xFFFFFEC0]  }
0x16e: {  	v35 =	vld [tilespmem:s17+$0xFFFFFEC0]  }
0x16f: {  	v36 =	vld [tilespmem:s20+$0xFFFFFE40]  }
0x170: {  	v37 =	vld [tilespmem:s20+$0xFFFFFFB0]  }
0x171: {  	v38 =	vld [tilespmem:s17+$0xFFFFFFB0]  }
0x172: {  	v39 =	vld [tilespmem:s20+$0xFFFFFF30]  }
0x173: {  	v40 =	vld [tilespmem:s20+$0xFFFFFEB0]  }
0x174: {  	v41 =	vld [tilespmem:s17+$0xFFFFFEB0]  }
0x175: {  	v42 =	vld [tilespmem:s20+$0xFFFFFE30]  }
0x176: {  	v43 =	vld [tilespmem:s20+$0xFFFFFFA0]  }
0x177: {  	v44 =	vld [tilespmem:s17+$0xFFFFFFA0]  }
0x178: {  	v45 =	vld [tilespmem:s20+$0xFFFFFF90]  }
0x179: {  	v46 =	vld [tilespmem:s17+$0xFFFFFF90]  }
0x17a: {  	v47 =	vld [tilespmem:s20+$0xFFFFFF20]  }
0x17b: {  	v48 =	vld [tilespmem:s17+$0xFFFFFF20]  }
0x17c: {  	v49 =	vld [tilespmem:s20+$0xFFFFFF10]  }
0x17d: {  	v50 =	vld [tilespmem:s20+$0xFFFFFEA0]  }
0x17e: {  	v51 =	vld [tilespmem:s17+$0xFFFFFEA0]  }
0x17f: {  	v52 =	vld [tilespmem:s20+$0xFFFFFE90]  }
0x180: {  	v53 =	vld [tilespmem:s17+$0xFFFFFE90]  }
0x181: {  	v13 =	vmul.f32 v13, v14;
	v15 =	vmul.f32 v15, v16;
	v54 =	vld [tilespmem:s20+$0xFFFFFE20]  }
0x182: {  	v17 =	vmul.f32 v17, v18;
	v16 =	vmul.f32 v19, v20;
	v14 =	vld [tilespmem:s17+$0xFFFFFE20]  }
0x183: {  	v20 =	vmul.f32 v21, v22;
	v19 =	vmul.f32 v23, v24;
	v18 =	vld [tilespmem:s20+$0xFFFFFE10]  }
0x184: {  	v23 =	vmul.f32 v25, v26;
	v22 =	vmul.f32 v28, v29;
	v21 =	vld [tilespmem:s17+$0xFFFFFE10]  }
0x185: {  	v26 =	vmul.f32 v31, v32;
	v24 =	vmul.f32 v34, v35;
	v25 =	vld [tilespmem:s17+$0xFFFFFF10]  }
0x186: {  	v31 =	vmul.f32 v37, v38;
	v29 =	vmul.f32 v40, v41;
	v28 =	vld [tilespmem:s17+$0xFFFFFE30]  }
0x187: {  	v35 =	vmul.f32 v43, v44;
	v34 =	vmul.f32 v45, v46;
	v32 =	vld [tilespmem:s17+$0xFFFFFF30]  }
0x188: {  	v40 =	vmul.f32 v50, v51;
	v38 =	vmul.f32 v52, v53;
	v37 =	vld [tilespmem:s17+$0xFFFFFE40]  }
0x189: {  	v14 =	vmul.f32 v54, v14;
	v18 =	vmul.f32 v18, v21;
	v21 =	vld [tilespmem:s17+$0xFFFFFF40]  }
0x18a: {  	v43 =	vmul.f32 v47, v48;
	v41 =	vld [tilespmem:s17+$0xFFFFFE50];
	v25 =	vmul.f32 v49, v25  }
0x18b: {  	v14 =	vadd.f32 v14, v18;
	v18 =	vmul.f32 v42, v28;
	v28 =	vadd.f32 v40, v38;
	v38 =	vld [tilespmem:s17+$0xFFFFFF50]  }
0x18c: {  	v34 =	vadd.f32 v35, v34;
	v40 =	vld [tilespmem:s17+$0xFFFFFE60];
	v25 =	vadd.f32 v43, v25;
	v32 =	vmul.f32 v39, v32  }
0x18d: {  	v14 =	vadd.f32 v18, v14;
	v18 =	vmul.f32 v36, v37;
	v28 =	vadd.f32 v29, v28;
	v29 =	vld [tilespmem:s17+$0xFFFFFF60]  }
0x18e: {  	v31 =	vadd.f32 v31, v34;
	v35 =	vld [tilespmem:s17+$0xFFFFFE70];
	v25 =	vadd.f32 v32, v25;
	v21 =	vmul.f32 v33, v21  }
0x18f: {  	v14 =	vadd.f32 v18, v14;
	v18 =	vmul.f32 v30, v41;
	v24 =	vadd.f32 v24, v28;
	v28 =	vld [tilespmem:s17+$0xFFFFFF70]  }
0x190: {  	v26 =	vadd.f32 v26, v31;
	v30 =	vld [tilespmem:s17+$0xFFFFFE80];
	v21 =	vadd.f32 v21, v25;
	v25 =	vmul.f32 v27, v38  }
0x191: {  	v14 =	vadd.f32 v18, v14;
	v12 =	vmul.f32 v12, v40;
	v18 =	vadd.f32 v22, v24;
	v22 =	vld [tilespmem:s17+$0xFFFFFF80]  }
0x192: {  	v23 =	vadd.f32 v23, v26;
	v21 =	vadd.f32 v25, v21;
	v11 =	vmul.f32 v11, v29  }
0x193: {  	v12 =	vadd.f32 v12, v14;
	v10 =	vmul.f32 v10, v35;
	v14 =	vadd.f32 v19, v18  }
0x194: {  	v18 =	vadd.f32 v20, v23;
	v11 =	vadd.f32 v11, v21;
	v9 =	vmul.f32 v9, v28  }
0x195: {  	v10 =	vadd.f32 v10, v12;
	v8 =	vmul.f32 v8, v30;
	v12 =	vadd.f32 v16, v14  }
0x196: {  	v9 =	vadd.f32 v9, v11;
	v7 =	vmul.f32 v7, v22;
	v11 =	vadd.f32 v17, v18  }
0x197: {  	v8 =	vadd.f32 v8, v10;
	v10 =	vadd.f32 v15, v12  }
0x198: {  	v7 =	vadd.f32 v7, v9;
	v9 =	vadd.f32 v13, v11  }
0x199: {  	v11 =	vperm.xlane v10, v0;
	v12 =	vperm.xlane v8, v0  }
0x19a: {  	v13 =	vperm.xlane v9, v0;
	v14 =	vperm.xlane v7, v0  }
0x19b: {  	v8 =	vsel vm0, v8, v11;
	v10 =	vsel vm0, v12, v10  }
0x19c: {  	v8 =	vadd.f32 v10, v8;
	v7 =	vsel vm0, v7, v13;
	v9 =	vsel vm0, v14, v9  }
0x19d: {  	v7 =	vadd.f32 v9, v7  }
0x19e: {  	v9 =	vperm.xlane v8, v2  }
0x19f: {  	v10 =	vperm.xlane v7, v2  }
0x1a0: {  	v8 =	vadd.f32 v8, v9  }
0x1a1: {  	v7 =	vadd.f32 v7, v10  }
0x1a2: {  	v9 =	vperm.xlane v8, v3  }
0x1a3: {  	v10 =	vperm.xlane v7, v3  }
0x1a4: {  	v8 =	vadd.f32 v8, v9  }
0x1a5: {  	v7 =	vadd.f32 v7, v10  }
0x1a6: {  	s18 =	sadd.s32 $0x2, s18;
	v9 =	vperm.xlane v8, v1  }
0x1a7: {  	s4 =	sand.u32 $0x6, s18;
	s21 =	sadd.s32 $0x3, s21;
	p1 =	slt.u32 s18, $0xE;
	v10 =	vperm.xlane v7, v1  }
.Ltmp3:
0x1a8: {  	v11 =	vmov s4;
	s4 =	sand.u32 $0x7, s21;
	v8 =	vadd.f32 v8, v9;
	(pc) =	sbr.rel @p1 .LBB2_5-.Ltmp3, $4  }
0x1a9: {  	vm1 =	veq.s32 v11, v4;
	v9 =	vmov s4;
	v7 =	vadd.f32 v7, v10  }
0x1aa: {  	s19 =	sadd.s32 $0x4, s19;
	p2 =	sne.s32 s4, $0x7;
	v6 =	vsel vm1, v8, v6;
	vm1 =	veq.s32 v9, v4  }
0x1ab: {  	s4 =	sand.u32 @!p2 $0x10, s19;
	v6 =	vsel vm1, v7, v6  }
0x1ac: {  	s20 =	sadd.s32 $0x200, s20;
	[tilespmem:v5+s4+$0x0 ss:$0x1] =	vst.idx.msk @!p2 $0xffff, v6  }
0x1ad: {  	s4 =	sadd.s32 @!p0 $0xA0, s16;
	s17 =	simm.s32 @!p0 $0x20;
	s18 =	simm.s32 @!p0 $0x1400  }
0x1ae: {  	[tilespmem:s18], [sflag:$0x2] =	stream.indirect.gather @!p0 [hbm4b:s0+s17], $0x80, s4, s17, $0xb8;
	[tilespmem:$0x8600] =	vst v63  }
0x1af: {  	s4 =	sadd.s32 @!p0 $0x2A0, s16;
	s18 =	simm.s32 @!p0 $0x5400  }
0x1b0: {  	[tilespmem:s18], [sflag:$0x6] =	stream.indirect.gather @!p0 [hbm4b:s1+s17], $0x80, s4, s17, $0xb8;
	[tilespmem:$0x8600] =	vst v63  }
0x1b1: {  	_ =	swait.ge [sflag:s29], $0x1000  }
0x1b2: {  	[sflag:s29] =	ssyncset.done $0x0  }
0x1b3: {  	[sflag:s29] =	ssyncadd.s32 $0xFFFFF000  }
0x1b4: {  	_ =	swait.ge [sflag:s30], $0x1000  }
0x1b5: {  	[sflag:s30] =	ssyncset.done $0x0  }
0x1b6: {  	s18 =	simm.s32 $0x65F0;
	[sflag:s30] =	ssyncadd.s32 $0xFFFFF000  }
0x1b7: {  	s17 =	simm.s32 $0x25F0;
	v5 =	vld [tilespmem:s18+$0x0]  }
0x1b8: {  	v6 =	vld [tilespmem:s17+$0x0]  }
0x1b9: {  	v7 =	vld [tilespmem:s18+$0xFFFFFF80]  }
0x1ba: {  	v8 =	vld [tilespmem:s18+$0xFFFFFF00]  }
0x1bb: {  	v9 =	vld [tilespmem:s17+$0xFFFFFF00]  }
0x1bc: {  	v10 =	vld [tilespmem:s18+$0xFFFFFE80]  }
0x1bd: {  	v11 =	vld [tilespmem:s18+$0xFFFFFFF0]  }
0x1be: {  	v12 =	vld [tilespmem:s17+$0xFFFFFFF0]  }
0x1bf: {  	v13 =	vld [tilespmem:s18+$0xFFFFFF70]  }
0x1c0: {  	v14 =	vld [tilespmem:s18+$0xFFFFFEF0]  }
0x1c1: {  	v15 =	vld [tilespmem:s17+$0xFFFFFEF0]  }
0x1c2: {  	v16 =	vld [tilespmem:s18+$0xFFFFFE70]  }
0x1c3: {  	v17 =	vld [tilespmem:s18+$0xFFFFFFE0]  }
0x1c4: {  	v18 =	vld [tilespmem:s17+$0xFFFFFFE0]  }
0x1c5: {  	v19 =	vld [tilespmem:s18+$0xFFFFFF60]  }
0x1c6: {  	v20 =	vld [tilespmem:s18+$0xFFFFFEE0]  }
0x1c7: {  	v21 =	vld [tilespmem:s17+$0xFFFFFEE0]  }
0x1c8: {  	v22 =	vld [tilespmem:s18+$0xFFFFFE60]  }
0x1c9: {  	v23 =	vld [tilespmem:s18+$0xFFFFFFD0]  }
0x1ca: {  	v24 =	vld [tilespmem:s17+$0xFFFFFFD0]  }
0x1cb: {  	v25 =	vld [tilespmem:s18+$0xFFFFFF50]  }
0x1cc: {  	v26 =	vld [tilespmem:s18+$0xFFFFFED0]  }
0x1cd: {  	v27 =	vld [tilespmem:s17+$0xFFFFFED0]  }
0x1ce: {  	v28 =	vld [tilespmem:s18+$0xFFFFFE50]  }
0x1cf: {  	v29 =	vld [tilespmem:s18+$0xFFFFFFC0]  }
0x1d0: {  	v30 =	vld [tilespmem:s17+$0xFFFFFFC0]  }
0x1d1: {  	v31 =	vld [tilespmem:s18+$0xFFFFFF40]  }
0x1d2: {  	v32 =	vld [tilespmem:s18+$0xFFFFFEC0]  }
0x1d3: {  	v33 =	vld [tilespmem:s17+$0xFFFFFEC0]  }
0x1d4: {  	v34 =	vld [tilespmem:s18+$0xFFFFFE40]  }
0x1d5: {  	v35 =	vld [tilespmem:s18+$0xFFFFFFB0]  }
0x1d6: {  	v36 =	vld [tilespmem:s17+$0xFFFFFFB0]  }
0x1d7: {  	v37 =	vld [tilespmem:s18+$0xFFFFFF30]  }
0x1d8: {  	v38 =	vld [tilespmem:s18+$0xFFFFFEB0]  }
0x1d9: {  	v39 =	vld [tilespmem:s17+$0xFFFFFEB0]  }
0x1da: {  	v40 =	vld [tilespmem:s18+$0xFFFFFE30]  }
0x1db: {  	v41 =	vld [tilespmem:s18+$0xFFFFFFA0]  }
0x1dc: {  	v42 =	vld [tilespmem:s17+$0xFFFFFFA0]  }
0x1dd: {  	v43 =	vld [tilespmem:s18+$0xFFFFFF90]  }
0x1de: {  	v44 =	vld [tilespmem:s17+$0xFFFFFF90]  }
0x1df: {  	v45 =	vld [tilespmem:s18+$0xFFFFFF20]  }
0x1e0: {  	v46 =	vld [tilespmem:s17+$0xFFFFFF20]  }
0x1e1: {  	v47 =	vld [tilespmem:s18+$0xFFFFFF10]  }
0x1e2: {  	v48 =	vld [tilespmem:s18+$0xFFFFFEA0]  }
0x1e3: {  	v49 =	vld [tilespmem:s17+$0xFFFFFEA0]  }
0x1e4: {  	v50 =	vld [tilespmem:s18+$0xFFFFFE90]  }
0x1e5: {  	v51 =	vld [tilespmem:s17+$0xFFFFFE90]  }
0x1e6: {  	v52 =	vld [tilespmem:s18+$0xFFFFFE20];
	v8 =	vmul.f32 v8, v9;
	v5 =	vmul.f32 v5, v6  }
0x1e7: {  	v62 =	vld [tilespmem:s18+$0xFFFFFE10];
	v9 =	vmul.f32 v14, v15;
	v11 =	vmul.f32 v11, v12  }
0x1e8: {  	v63 =	vld [tilespmem:s17+$0xFFFFFE10];
	v14 =	vmul.f32 v20, v21;
	v15 =	vmul.f32 v17, v18  }
0x1e9: {  	v6 =	vld [tilespmem:s17+$0xFFFFFE20];
	v18 =	vmul.f32 v26, v27;
	v20 =	vmul.f32 v23, v24  }
0x1ea: {  	v21 =	vmul.f32 v32, v33;
	v23 =	vld [tilespmem:s17+$0xFFFFFF10];
	v24 =	vmul.f32 v29, v30  }
0x1eb: {  	v53 =	vld [tilespmem:s17+$0xFFFFFE30];
	v54 =	vmul.f32 v38, v39;
	v55 =	vmul.f32 v35, v36  }
0x1ec: {  	v56 =	vld [tilespmem:s17+$0xFFFFFF30];
	v57 =	vmul.f32 v43, v44;
	v58 =	vmul.f32 v41, v42  }
0x1ed: {  	v59 =	vld [tilespmem:s17+$0xFFFFFE40];
	v60 =	vmul.f32 v50, v51;
	v61 =	vmul.f32 v48, v49  }
0x1ee: {  	v12 =	vmul.f32 v62, v63;
	v62 =	vld [tilespmem:s17+$0xFFFFFF40];
	v6 =	vmul.f32 v52, v6  }
0x1ef: {  	v63 =	vld [tilespmem:s17+$0xFFFFFE50];
	v44 =	vmul.f32 v45, v46;
	v23 =	vmul.f32 v47, v23  }
0x1f0: {  	v45 =	vmul.f32 v40, v53;
	v46 =	vadd.f32 v61, v60;
	v47 =	vld [tilespmem:s17+$0xFFFFFF50];
	v6 =	vadd.f32 v6, v12  }
0x1f1: {  	v48 =	vld [tilespmem:s17+$0xFFFFFE60];
	v30 =	vmul.f32 v37, v56;
	v32 =	vadd.f32 v58, v57;
	v23 =	vadd.f32 v44, v23  }
0x1f2: {  	v49 =	vmul.f32 v34, v59;
	v50 =	vld [tilespmem:s17+$0xFFFFFF60];
	v26 =	vadd.f32 v54, v46;
	v6 =	vadd.f32 v45, v6  }
0x1f3: {  	v51 =	vld [tilespmem:s17+$0xFFFFFE70];
	v29 =	vadd.f32 v55, v32;
	v17 =	vmul.f32 v31, v62;
	v23 =	vadd.f32 v30, v23  }
0x1f4: {  	v53 =	vld [tilespmem:s17+$0xFFFFFF70];
	v52 =	vmul.f32 v28, v63;
	v21 =	vadd.f32 v21, v26;
	v6 =	vadd.f32 v49, v6  }
0x1f5: {  	v54 =	vld [tilespmem:s17+$0xFFFFFE80];
	v24 =	vadd.f32 v24, v29;
	v55 =	vmul.f32 v25, v47;
	v17 =	vadd.f32 v17, v23  }
0x1f6: {  	v57 =	vld [tilespmem:s17+$0xFFFFFF80];
	v56 =	vmul.f32 v22, v48;
	v18 =	vadd.f32 v18, v21;
	v6 =	vadd.f32 v52, v6  }
0x1f7: {  	v19 =	vmul.f32 v19, v50;
	v20 =	vadd.f32 v20, v24;
	v17 =	vadd.f32 v55, v17  }
0x1f8: {  	v58 =	vmul.f32 v16, v51;
	v14 =	vadd.f32 v14, v18;
	v6 =	vadd.f32 v56, v6  }
0x1f9: {  	v13 =	vmul.f32 v13, v53;
	v15 =	vadd.f32 v15, v20;
	v59 =	vadd.f32 v19, v17  }
0x1fa: {  	v10 =	vmul.f32 v10, v54;
	v9 =	vadd.f32 v9, v14;
	v6 =	vadd.f32 v58, v6  }
0x1fb: {  	v7 =	vmul.f32 v7, v57;
	v11 =	vadd.f32 v11, v15;
	v60 =	vadd.f32 v13, v59  }
0x1fc: {  	v8 =	vadd.f32 v8, v9;
	v6 =	vadd.f32 v10, v6  }
0x1fd: {  	v5 =	vadd.f32 v5, v11;
	v7 =	vadd.f32 v7, v60  }
0x1fe: {  	v9 =	vperm.xlane v8, v0;
	v10 =	vperm.xlane v6, v0  }
0x1ff: {  	v11 =	vperm.xlane v5, v0;
	v12 =	vperm.xlane v7, v0  }
0x200: {  	v6 =	vsel vm0, v6, v9;
	v8 =	vsel vm0, v10, v8  }
0x201: {  	v7 =	vsel vm0, v7, v11;
	v5 =	vsel vm0, v12, v5;
	v6 =	vadd.f32 v8, v6  }
0x202: {  	v5 =	vadd.f32 v5, v7  }
0x203: {  	v7 =	vperm.xlane v6, v2  }
0x204: {  	v8 =	vperm.xlane v5, v2  }
0x205: {  	v6 =	vadd.f32 v6, v7  }
0x206: {  	v5 =	vadd.f32 v5, v8  }
0x207: {  	v7 =	vperm.xlane v6, v3  }
0x208: {  	v8 =	vperm.xlane v5, v3  }
0x209: {  	v6 =	vadd.f32 v6, v7  }
0x20a: {  	v7 =	vadd.f32 v5, v8  }
0x20b: {  	s19 =	sadd.s32 $0x8440, s14;
	s18 =	simm.s32 $0x0;
	v8 =	vperm.xlane v6, v1  }
0x20c: {  	s20 =	sand.u32 $0x6, s18;
	v5 =	vmov s19;
	s19 =	simm.s32 $0x1;
	v61 =	vperm.xlane v7, v1  }
0x20d: {  	v62 =	vimm.f32 $0.0e+00;
	v63 =	vmov s20;
	s21 =	sand.u32 $0x7, s19;
	v6 =	vadd.f32 v6, v8  }
0x20e: {  	vm1 =	veq.s32 v63, v4;
	v7 =	vadd.f32 v7, v61;
	v8 =	vmov s21  }
0x20f: {  	s19 =	simm.s32 $0x0;
	p1 =	sne.s32 s21, $0x7;
	v6 =	vsel vm1, v6, v62;
	vm1 =	veq.s32 v8, v4  }
0x210: {  	s4 =	sand.u32 @!p1 $0x10, s19;
	v6 =	vsel vm1, v7, v6  }
0x211: {  	s20 =	simm.s32 $0x67F0;
	[tilespmem:v5+s4+$0x0 ss:$0x1] =	vst.idx.msk @!p1 $0xffff, v6  }
.LBB2_7:
0x212: {  	v13 =	vld [tilespmem:s20+$0x0];
	s17 =	sadd.s32 $0x200, s17;
	s21 =	smov.u32 s18  }
0x213: {  	v14 =	vld [tilespmem:s17+$0x0]  }
0x214: {  	v7 =	vld [tilespmem:s20+$0xFFFFFF80]  }
0x215: {  	v15 =	vld [tilespmem:s20+$0xFFFFFF00]  }
0x216: {  	v16 =	vld [tilespmem:s17+$0xFFFFFF00]  }
0x217: {  	v8 =	vld [tilespmem:s20+$0xFFFFFE80]  }
0x218: {  	v17 =	vld [tilespmem:s20+$0xFFFFFFF0]  }
0x219: {  	v18 =	vld [tilespmem:s17+$0xFFFFFFF0]  }
0x21a: {  	v9 =	vld [tilespmem:s20+$0xFFFFFF70]  }
0x21b: {  	v19 =	vld [tilespmem:s20+$0xFFFFFEF0]  }
0x21c: {  	v20 =	vld [tilespmem:s17+$0xFFFFFEF0]  }
0x21d: {  	v10 =	vld [tilespmem:s20+$0xFFFFFE70]  }
0x21e: {  	v21 =	vld [tilespmem:s20+$0xFFFFFFE0]  }
0x21f: {  	v22 =	vld [tilespmem:s17+$0xFFFFFFE0]  }
0x220: {  	v11 =	vld [tilespmem:s20+$0xFFFFFF60]  }
0x221: {  	v23 =	vld [tilespmem:s20+$0xFFFFFEE0]  }
0x222: {  	v24 =	vld [tilespmem:s17+$0xFFFFFEE0]  }
0x223: {  	v12 =	vld [tilespmem:s20+$0xFFFFFE60]  }
0x224: {  	v25 =	vld [tilespmem:s20+$0xFFFFFFD0]  }
0x225: {  	v26 =	vld [tilespmem:s17+$0xFFFFFFD0]  }
0x226: {  	v27 =	vld [tilespmem:s20+$0xFFFFFF50]  }
0x227: {  	v28 =	vld [tilespmem:s20+$0xFFFFFED0]  }
0x228: {  	v29 =	vld [tilespmem:s17+$0xFFFFFED0]  }
0x229: {  	v30 =	vld [tilespmem:s20+$0xFFFFFE50]  }
0x22a: {  	v31 =	vld [tilespmem:s20+$0xFFFFFFC0]  }
0x22b: {  	v32 =	vld [tilespmem:s17+$0xFFFFFFC0]  }
0x22c: {  	v33 =	vld [tilespmem:s20+$0xFFFFFF40]  }
0x22d: {  	v34 =	vld [tilespmem:s20+$0xFFFFFEC0]  }
0x22e: {  	v35 =	vld [tilespmem:s17+$0xFFFFFEC0]  }
0x22f: {  	v36 =	vld [tilespmem:s20+$0xFFFFFE40]  }
0x230: {  	v37 =	vld [tilespmem:s20+$0xFFFFFFB0]  }
0x231: {  	v38 =	vld [tilespmem:s17+$0xFFFFFFB0]  }
0x232: {  	v39 =	vld [tilespmem:s20+$0xFFFFFF30]  }
0x233: {  	v40 =	vld [tilespmem:s20+$0xFFFFFEB0]  }
0x234: {  	v41 =	vld [tilespmem:s17+$0xFFFFFEB0]  }
0x235: {  	v42 =	vld [tilespmem:s20+$0xFFFFFE30]  }
0x236: {  	v43 =	vld [tilespmem:s20+$0xFFFFFFA0]  }
0x237: {  	v44 =	vld [tilespmem:s17+$0xFFFFFFA0]  }
0x238: {  	v45 =	vld [tilespmem:s20+$0xFFFFFF90]  }
0x239: {  	v46 =	vld [tilespmem:s17+$0xFFFFFF90]  }
0x23a: {  	v47 =	vld [tilespmem:s20+$0xFFFFFF20]  }
0x23b: {  	v48 =	vld [tilespmem:s17+$0xFFFFFF20]  }
0x23c: {  	v49 =	vld [tilespmem:s20+$0xFFFFFF10]  }
0x23d: {  	v50 =	vld [tilespmem:s20+$0xFFFFFEA0]  }
0x23e: {  	v51 =	vld [tilespmem:s17+$0xFFFFFEA0]  }
0x23f: {  	v52 =	vld [tilespmem:s20+$0xFFFFFE90]  }
0x240: {  	v53 =	vld [tilespmem:s17+$0xFFFFFE90]  }
0x241: {  	v13 =	vmul.f32 v13, v14;
	v15 =	vmul.f32 v15, v16;
	v54 =	vld [tilespmem:s20+$0xFFFFFE20]  }
0x242: {  	v17 =	vmul.f32 v17, v18;
	v16 =	vmul.f32 v19, v20;
	v14 =	vld [tilespmem:s17+$0xFFFFFE20]  }
0x243: {  	v20 =	vmul.f32 v21, v22;
	v19 =	vmul.f32 v23, v24;
	v18 =	vld [tilespmem:s20+$0xFFFFFE10]  }
0x244: {  	v23 =	vmul.f32 v25, v26;
	v22 =	vmul.f32 v28, v29;
	v21 =	vld [tilespmem:s17+$0xFFFFFE10]  }
0x245: {  	v26 =	vmul.f32 v31, v32;
	v24 =	vmul.f32 v34, v35;
	v25 =	vld [tilespmem:s17+$0xFFFFFF10]  }
0x246: {  	v31 =	vmul.f32 v37, v38;
	v29 =	vmul.f32 v40, v41;
	v28 =	vld [tilespmem:s17+$0xFFFFFE30]  }
0x247: {  	v35 =	vmul.f32 v43, v44;
	v34 =	vmul.f32 v45, v46;
	v32 =	vld [tilespmem:s17+$0xFFFFFF30]  }
0x248: {  	v40 =	vmul.f32 v50, v51;
	v38 =	vmul.f32 v52, v53;
	v37 =	vld [tilespmem:s17+$0xFFFFFE40]  }
0x249: {  	v14 =	vmul.f32 v54, v14;
	v18 =	vmul.f32 v18, v21;
	v21 =	vld [tilespmem:s17+$0xFFFFFF40]  }
0x24a: {  	v43 =	vmul.f32 v47, v48;
	v41 =	vld [tilespmem:s17+$0xFFFFFE50];
	v25 =	vmul.f32 v49, v25  }
0x24b: {  	v14 =	vadd.f32 v14, v18;
	v18 =	vmul.f32 v42, v28;
	v28 =	vadd.f32 v40, v38;
	v38 =	vld [tilespmem:s17+$0xFFFFFF50]  }
0x24c: {  	v34 =	vadd.f32 v35, v34;
	v40 =	vld [tilespmem:s17+$0xFFFFFE60];
	v25 =	vadd.f32 v43, v25;
	v32 =	vmul.f32 v39, v32  }
0x24d: {  	v14 =	vadd.f32 v18, v14;
	v18 =	vmul.f32 v36, v37;
	v28 =	vadd.f32 v29, v28;
	v29 =	vld [tilespmem:s17+$0xFFFFFF60]  }
0x24e: {  	v31 =	vadd.f32 v31, v34;
	v35 =	vld [tilespmem:s17+$0xFFFFFE70];
	v25 =	vadd.f32 v32, v25;
	v21 =	vmul.f32 v33, v21  }
0x24f: {  	v14 =	vadd.f32 v18, v14;
	v18 =	vmul.f32 v30, v41;
	v24 =	vadd.f32 v24, v28;
	v28 =	vld [tilespmem:s17+$0xFFFFFF70]  }
0x250: {  	v26 =	vadd.f32 v26, v31;
	v30 =	vld [tilespmem:s17+$0xFFFFFE80];
	v21 =	vadd.f32 v21, v25;
	v25 =	vmul.f32 v27, v38  }
0x251: {  	v14 =	vadd.f32 v18, v14;
	v12 =	vmul.f32 v12, v40;
	v18 =	vadd.f32 v22, v24;
	v22 =	vld [tilespmem:s17+$0xFFFFFF80]  }
0x252: {  	v23 =	vadd.f32 v23, v26;
	v21 =	vadd.f32 v25, v21;
	v11 =	vmul.f32 v11, v29  }
0x253: {  	v12 =	vadd.f32 v12, v14;
	v10 =	vmul.f32 v10, v35;
	v14 =	vadd.f32 v19, v18  }
0x254: {  	v18 =	vadd.f32 v20, v23;
	v11 =	vadd.f32 v11, v21;
	v9 =	vmul.f32 v9, v28  }
0x255: {  	v10 =	vadd.f32 v10, v12;
	v8 =	vmul.f32 v8, v30;
	v12 =	vadd.f32 v16, v14  }
0x256: {  	v9 =	vadd.f32 v9, v11;
	v7 =	vmul.f32 v7, v22;
	v11 =	vadd.f32 v17, v18  }
0x257: {  	v8 =	vadd.f32 v8, v10;
	v10 =	vadd.f32 v15, v12  }
0x258: {  	v7 =	vadd.f32 v7, v9;
	v9 =	vadd.f32 v13, v11  }
0x259: {  	v11 =	vperm.xlane v10, v0;
	v12 =	vperm.xlane v8, v0  }
0x25a: {  	v13 =	vperm.xlane v9, v0;
	v14 =	vperm.xlane v7, v0  }
0x25b: {  	v8 =	vsel vm0, v8, v11;
	v10 =	vsel vm0, v12, v10  }
0x25c: {  	v8 =	vadd.f32 v10, v8;
	v7 =	vsel vm0, v7, v13;
	v9 =	vsel vm0, v14, v9  }
0x25d: {  	v7 =	vadd.f32 v9, v7  }
0x25e: {  	v9 =	vperm.xlane v8, v2  }
0x25f: {  	v10 =	vperm.xlane v7, v2  }
0x260: {  	v8 =	vadd.f32 v8, v9  }
0x261: {  	v7 =	vadd.f32 v7, v10  }
0x262: {  	v9 =	vperm.xlane v8, v3  }
0x263: {  	v10 =	vperm.xlane v7, v3  }
0x264: {  	v8 =	vadd.f32 v8, v9  }
0x265: {  	v7 =	vadd.f32 v7, v10  }
0x266: {  	s18 =	sadd.s32 $0x2, s18;
	v9 =	vperm.xlane v8, v1  }
0x267: {  	s4 =	sand.u32 $0x6, s18;
	s21 =	sadd.s32 $0x3, s21;
	p1 =	slt.u32 s18, $0xE;
	v10 =	vperm.xlane v7, v1  }
.Ltmp4:
0x268: {  	v11 =	vmov s4;
	s4 =	sand.u32 $0x7, s21;
	v8 =	vadd.f32 v8, v9;
	(pc) =	sbr.rel @p1 .LBB2_7-.Ltmp4, $4  }
0x269: {  	vm1 =	veq.s32 v11, v4;
	v9 =	vmov s4;
	v7 =	vadd.f32 v7, v10  }
0x26a: {  	s19 =	sadd.s32 $0x4, s19;
	p2 =	sne.s32 s4, $0x7;
	v6 =	vsel vm1, v8, v6;
	vm1 =	veq.s32 v9, v4  }
0x26b: {  	s4 =	sand.u32 @!p2 $0x10, s19;
	v6 =	vsel vm1, v7, v6  }
0x26c: {  	s20 =	sadd.s32 $0x200, s20;
	[tilespmem:v5+s4+$0x0 ss:$0x1] =	vst.idx.msk @!p2 $0xffff, v6  }
0x26d: {  	s4 =	sadd.s32 @!p0 $0xC0, s16;
	s17 =	simm.s32 @!p0 $0x20;
	s18 =	simm.s32 @!p0 $0x2400  }
0x26e: {  	[tilespmem:s18], [sflag:$0x3] =	stream.indirect.gather @!p0 [hbm4b:s0+s17], $0x80, s4, s17, $0xb8;
	[tilespmem:$0x8600] =	vst v63  }
0x26f: {  	s4 =	sadd.s32 @!p0 $0x2C0, s16;
	s16 =	simm.s32 @!p0 $0x6400  }
0x270: {  	[tilespmem:s16], [sflag:$0x7] =	stream.indirect.gather @!p0 [hbm4b:s1+s17], $0x80, s4, s17, $0xb8;
	[tilespmem:$0x8600] =	vst v63  }
0x271: {  	_ =	swait.ge [sflag:s31], $0x1000  }
0x272: {  	[sflag:s31] =	ssyncset.done $0x0  }
0x273: {  	[sflag:s31] =	ssyncadd.s32 $0xFFFFF000  }
0x274: {  	_ =	swait.ge [sflag:s2], $0x1000  }
0x275: {  	[sflag:s2] =	ssyncset.done $0x0  }
0x276: {  	s17 =	simm.s32 $0x75F0;
	[sflag:s2] =	ssyncadd.s32 $0xFFFFF000  }
0x277: {  	s16 =	simm.s32 $0x35F0;
	v5 =	vld [tilespmem:s17+$0x0]  }
0x278: {  	v6 =	vld [tilespmem:s16+$0x0]  }
0x279: {  	v7 =	vld [tilespmem:s17+$0xFFFFFF80]  }
0x27a: {  	v8 =	vld [tilespmem:s17+$0xFFFFFF00]  }
0x27b: {  	v9 =	vld [tilespmem:s16+$0xFFFFFF00]  }
0x27c: {  	v10 =	vld [tilespmem:s17+$0xFFFFFE80]  }
0x27d: {  	v11 =	vld [tilespmem:s17+$0xFFFFFFF0]  }
0x27e: {  	v12 =	vld [tilespmem:s16+$0xFFFFFFF0]  }
0x27f: {  	v13 =	vld [tilespmem:s17+$0xFFFFFF70]  }
0x280: {  	v14 =	vld [tilespmem:s17+$0xFFFFFEF0]  }
0x281: {  	v15 =	vld [tilespmem:s16+$0xFFFFFEF0]  }
0x282: {  	v16 =	vld [tilespmem:s17+$0xFFFFFE70]  }
0x283: {  	v17 =	vld [tilespmem:s17+$0xFFFFFFE0]  }
0x284: {  	v18 =	vld [tilespmem:s16+$0xFFFFFFE0]  }
0x285: {  	v19 =	vld [tilespmem:s17+$0xFFFFFF60]  }
0x286: {  	v20 =	vld [tilespmem:s17+$0xFFFFFEE0]  }
0x287: {  	v21 =	vld [tilespmem:s16+$0xFFFFFEE0]  }
0x288: {  	v22 =	vld [tilespmem:s17+$0xFFFFFE60]  }
0x289: {  	v23 =	vld [tilespmem:s17+$0xFFFFFFD0]  }
0x28a: {  	v24 =	vld [tilespmem:s16+$0xFFFFFFD0]  }
0x28b: {  	v25 =	vld [tilespmem:s17+$0xFFFFFF50]  }
0x28c: {  	v26 =	vld [tilespmem:s17+$0xFFFFFED0]  }
0x28d: {  	v27 =	vld [tilespmem:s16+$0xFFFFFED0]  }
0x28e: {  	v28 =	vld [tilespmem:s17+$0xFFFFFE50]  }
0x28f: {  	v29 =	vld [tilespmem:s17+$0xFFFFFFC0]  }
0x290: {  	v30 =	vld [tilespmem:s16+$0xFFFFFFC0]  }
0x291: {  	v31 =	vld [tilespmem:s17+$0xFFFFFF40]  }
0x292: {  	v32 =	vld [tilespmem:s17+$0xFFFFFEC0]  }
0x293: {  	v33 =	vld [tilespmem:s16+$0xFFFFFEC0]  }
0x294: {  	v34 =	vld [tilespmem:s17+$0xFFFFFE40]  }
0x295: {  	v35 =	vld [tilespmem:s17+$0xFFFFFFB0]  }
0x296: {  	v36 =	vld [tilespmem:s16+$0xFFFFFFB0]  }
0x297: {  	v37 =	vld [tilespmem:s17+$0xFFFFFF30]  }
0x298: {  	v38 =	vld [tilespmem:s17+$0xFFFFFEB0]  }
0x299: {  	v39 =	vld [tilespmem:s16+$0xFFFFFEB0]  }
0x29a: {  	v40 =	vld [tilespmem:s17+$0xFFFFFE30]  }
0x29b: {  	v41 =	vld [tilespmem:s17+$0xFFFFFFA0]  }
0x29c: {  	v42 =	vld [tilespmem:s16+$0xFFFFFFA0]  }
0x29d: {  	v43 =	vld [tilespmem:s17+$0xFFFFFF90]  }
0x29e: {  	v44 =	vld [tilespmem:s16+$0xFFFFFF90]  }
0x29f: {  	v45 =	vld [tilespmem:s17+$0xFFFFFF20]  }
0x2a0: {  	v46 =	vld [tilespmem:s16+$0xFFFFFF20]  }
0x2a1: {  	v47 =	vld [tilespmem:s17+$0xFFFFFF10]  }
0x2a2: {  	v48 =	vld [tilespmem:s17+$0xFFFFFEA0]  }
0x2a3: {  	v49 =	vld [tilespmem:s16+$0xFFFFFEA0]  }
0x2a4: {  	v50 =	vld [tilespmem:s17+$0xFFFFFE90]  }
0x2a5: {  	v51 =	vld [tilespmem:s16+$0xFFFFFE90]  }
0x2a6: {  	v52 =	vld [tilespmem:s17+$0xFFFFFE20];
	v8 =	vmul.f32 v8, v9;
	v5 =	vmul.f32 v5, v6  }
0x2a7: {  	v62 =	vld [tilespmem:s17+$0xFFFFFE10];
	v9 =	vmul.f32 v14, v15;
	v11 =	vmul.f32 v11, v12  }
0x2a8: {  	v63 =	vld [tilespmem:s16+$0xFFFFFE10];
	v14 =	vmul.f32 v20, v21;
	v15 =	vmul.f32 v17, v18  }
0x2a9: {  	v6 =	vld [tilespmem:s16+$0xFFFFFE20];
	v18 =	vmul.f32 v26, v27;
	v20 =	vmul.f32 v23, v24  }
0x2aa: {  	v21 =	vmul.f32 v32, v33;
	v23 =	vld [tilespmem:s16+$0xFFFFFF10];
	v24 =	vmul.f32 v29, v30  }
0x2ab: {  	v53 =	vld [tilespmem:s16+$0xFFFFFE30];
	v54 =	vmul.f32 v38, v39;
	v55 =	vmul.f32 v35, v36  }
0x2ac: {  	v56 =	vld [tilespmem:s16+$0xFFFFFF30];
	v57 =	vmul.f32 v43, v44;
	v58 =	vmul.f32 v41, v42  }
0x2ad: {  	v59 =	vld [tilespmem:s16+$0xFFFFFE40];
	v60 =	vmul.f32 v50, v51;
	v61 =	vmul.f32 v48, v49  }
0x2ae: {  	v12 =	vmul.f32 v62, v63;
	v62 =	vld [tilespmem:s16+$0xFFFFFF40];
	v6 =	vmul.f32 v52, v6  }
0x2af: {  	v63 =	vld [tilespmem:s16+$0xFFFFFE50];
	v44 =	vmul.f32 v45, v46;
	v23 =	vmul.f32 v47, v23  }
0x2b0: {  	v45 =	vmul.f32 v40, v53;
	v46 =	vadd.f32 v61, v60;
	v47 =	vld [tilespmem:s16+$0xFFFFFF50];
	v6 =	vadd.f32 v6, v12  }
0x2b1: {  	v48 =	vld [tilespmem:s16+$0xFFFFFE60];
	v30 =	vmul.f32 v37, v56;
	v32 =	vadd.f32 v58, v57;
	v23 =	vadd.f32 v44, v23  }
0x2b2: {  	v49 =	vmul.f32 v34, v59;
	v50 =	vld [tilespmem:s16+$0xFFFFFF60];
	v26 =	vadd.f32 v54, v46;
	v6 =	vadd.f32 v45, v6  }
0x2b3: {  	v51 =	vld [tilespmem:s16+$0xFFFFFE70];
	v29 =	vadd.f32 v55, v32;
	v17 =	vmul.f32 v31, v62;
	v23 =	vadd.f32 v30, v23  }
0x2b4: {  	v53 =	vld [tilespmem:s16+$0xFFFFFF70];
	v52 =	vmul.f32 v28, v63;
	v21 =	vadd.f32 v21, v26;
	v6 =	vadd.f32 v49, v6  }
0x2b5: {  	v54 =	vld [tilespmem:s16+$0xFFFFFE80];
	v24 =	vadd.f32 v24, v29;
	v55 =	vmul.f32 v25, v47;
	v17 =	vadd.f32 v17, v23  }
0x2b6: {  	v57 =	vld [tilespmem:s16+$0xFFFFFF80];
	v56 =	vmul.f32 v22, v48;
	v18 =	vadd.f32 v18, v21;
	v6 =	vadd.f32 v52, v6  }
0x2b7: {  	v19 =	vmul.f32 v19, v50;
	v20 =	vadd.f32 v20, v24;
	v17 =	vadd.f32 v55, v17  }
0x2b8: {  	v58 =	vmul.f32 v16, v51;
	v14 =	vadd.f32 v14, v18;
	v6 =	vadd.f32 v56, v6  }
0x2b9: {  	v13 =	vmul.f32 v13, v53;
	v15 =	vadd.f32 v15, v20;
	v59 =	vadd.f32 v19, v17  }
0x2ba: {  	v10 =	vmul.f32 v10, v54;
	v9 =	vadd.f32 v9, v14;
	v6 =	vadd.f32 v58, v6  }
0x2bb: {  	v7 =	vmul.f32 v7, v57;
	v11 =	vadd.f32 v11, v15;
	v60 =	vadd.f32 v13, v59  }
0x2bc: {  	v8 =	vadd.f32 v8, v9;
	v6 =	vadd.f32 v10, v6  }
0x2bd: {  	v5 =	vadd.f32 v5, v11;
	v7 =	vadd.f32 v7, v60  }
0x2be: {  	v9 =	vperm.xlane v8, v0;
	v10 =	vperm.xlane v6, v0  }
0x2bf: {  	v11 =	vperm.xlane v5, v0;
	v12 =	vperm.xlane v7, v0  }
0x2c0: {  	v6 =	vsel vm0, v6, v9;
	v8 =	vsel vm0, v10, v8  }
0x2c1: {  	v7 =	vsel vm0, v7, v11;
	v5 =	vsel vm0, v12, v5;
	v6 =	vadd.f32 v8, v6  }
0x2c2: {  	v5 =	vadd.f32 v5, v7  }
0x2c3: {  	v7 =	vperm.xlane v6, v2  }
0x2c4: {  	v8 =	vperm.xlane v5, v2  }
0x2c5: {  	v6 =	vadd.f32 v6, v7  }
0x2c6: {  	v5 =	vadd.f32 v5, v8  }
0x2c7: {  	v7 =	vperm.xlane v6, v3  }
0x2c8: {  	v8 =	vperm.xlane v5, v3  }
0x2c9: {  	v6 =	vadd.f32 v6, v7  }
0x2ca: {  	v7 =	vadd.f32 v5, v8  }
0x2cb: {  	s18 =	sadd.s32 $0x8460, s14;
	s14 =	simm.s32 $0x0;
	v8 =	vperm.xlane v6, v1  }
0x2cc: {  	s20 =	simm.s32 $0x1;
	s19 =	sand.u32 $0x6, s14;
	v5 =	vmov s18;
	v61 =	vperm.xlane v7, v1  }
0x2cd: {  	s21 =	sand.u32 $0x7, s20;
	v62 =	vimm.f32 $0.0e+00;
	v63 =	vmov s19;
	v6 =	vadd.f32 v6, v8  }
0x2ce: {  	vm1 =	veq.s32 v63, v4;
	v7 =	vadd.f32 v7, v61;
	v8 =	vmov s21  }
0x2cf: {  	p1 =	sne.s32 s21, $0x7;
	s17 =	simm.s32 $0x0;
	v6 =	vsel vm1, v6, v62;
	vm1 =	veq.s32 v8, v4  }
0x2d0: {  	s4 =	sand.u32 @!p1 $0x10, s17;
	v6 =	vsel vm1, v7, v6  }
0x2d1: {  	s18 =	simm.s32 $0x77F0;
	[tilespmem:v5+s4+$0x0 ss:$0x1] =	vst.idx.msk @!p1 $0xffff, v6  }
.LBB2_9:
0x2d2: {  	v13 =	vld [tilespmem:s18+$0x0];
	s16 =	sadd.s32 $0x200, s16;
	s19 =	smov.u32 s14  }
0x2d3: {  	v14 =	vld [tilespmem:s16+$0x0]  }
0x2d4: {  	v7 =	vld [tilespmem:s18+$0xFFFFFF80]  }
0x2d5: {  	v15 =	vld [tilespmem:s18+$0xFFFFFF00]  }
0x2d6: {  	v16 =	vld [tilespmem:s16+$0xFFFFFF00]  }
0x2d7: {  	v8 =	vld [tilespmem:s18+$0xFFFFFE80]  }
0x2d8: {  	v17 =	vld [tilespmem:s18+$0xFFFFFFF0]  }
0x2d9: {  	v18 =	vld [tilespmem:s16+$0xFFFFFFF0]  }
0x2da: {  	v9 =	vld [tilespmem:s18+$0xFFFFFF70]  }
0x2db: {  	v19 =	vld [tilespmem:s18+$0xFFFFFEF0]  }
0x2dc: {  	v20 =	vld [tilespmem:s16+$0xFFFFFEF0]  }
0x2dd: {  	v10 =	vld [tilespmem:s18+$0xFFFFFE70]  }
0x2de: {  	v21 =	vld [tilespmem:s18+$0xFFFFFFE0]  }
0x2df: {  	v22 =	vld [tilespmem:s16+$0xFFFFFFE0]  }
0x2e0: {  	v11 =	vld [tilespmem:s18+$0xFFFFFF60]  }
0x2e1: {  	v23 =	vld [tilespmem:s18+$0xFFFFFEE0]  }
0x2e2: {  	v24 =	vld [tilespmem:s16+$0xFFFFFEE0]  }
0x2e3: {  	v12 =	vld [tilespmem:s18+$0xFFFFFE60]  }
0x2e4: {  	v25 =	vld [tilespmem:s18+$0xFFFFFFD0]  }
0x2e5: {  	v26 =	vld [tilespmem:s16+$0xFFFFFFD0]  }
0x2e6: {  	v27 =	vld [tilespmem:s18+$0xFFFFFF50]  }
0x2e7: {  	v28 =	vld [tilespmem:s18+$0xFFFFFED0]  }
0x2e8: {  	v29 =	vld [tilespmem:s16+$0xFFFFFED0]  }
0x2e9: {  	v30 =	vld [tilespmem:s18+$0xFFFFFE50]  }
0x2ea: {  	v31 =	vld [tilespmem:s18+$0xFFFFFFC0]  }
0x2eb: {  	v32 =	vld [tilespmem:s16+$0xFFFFFFC0]  }
0x2ec: {  	v33 =	vld [tilespmem:s18+$0xFFFFFF40]  }
0x2ed: {  	v34 =	vld [tilespmem:s18+$0xFFFFFEC0]  }
0x2ee: {  	v35 =	vld [tilespmem:s16+$0xFFFFFEC0]  }
0x2ef: {  	v36 =	vld [tilespmem:s18+$0xFFFFFE40]  }
0x2f0: {  	v37 =	vld [tilespmem:s18+$0xFFFFFFB0]  }
0x2f1: {  	v38 =	vld [tilespmem:s16+$0xFFFFFFB0]  }
0x2f2: {  	v39 =	vld [tilespmem:s18+$0xFFFFFF30]  }
0x2f3: {  	v40 =	vld [tilespmem:s18+$0xFFFFFEB0]  }
0x2f4: {  	v41 =	vld [tilespmem:s16+$0xFFFFFEB0]  }
0x2f5: {  	v42 =	vld [tilespmem:s18+$0xFFFFFE30]  }
0x2f6: {  	v43 =	vld [tilespmem:s18+$0xFFFFFFA0]  }
0x2f7: {  	v44 =	vld [tilespmem:s16+$0xFFFFFFA0]  }
0x2f8: {  	v45 =	vld [tilespmem:s18+$0xFFFFFF90]  }
0x2f9: {  	v46 =	vld [tilespmem:s16+$0xFFFFFF90]  }
0x2fa: {  	v47 =	vld [tilespmem:s18+$0xFFFFFF20]  }
0x2fb: {  	v48 =	vld [tilespmem:s16+$0xFFFFFF20]  }
0x2fc: {  	v49 =	vld [tilespmem:s18+$0xFFFFFF10]  }
0x2fd: {  	v50 =	vld [tilespmem:s18+$0xFFFFFEA0]  }
0x2fe: {  	v51 =	vld [tilespmem:s16+$0xFFFFFEA0]  }
0x2ff: {  	v52 =	vld [tilespmem:s18+$0xFFFFFE90]  }
0x300: {  	v53 =	vld [tilespmem:s16+$0xFFFFFE90]  }
0x301: {  	v13 =	vmul.f32 v13, v14;
	v15 =	vmul.f32 v15, v16;
	v54 =	vld [tilespmem:s18+$0xFFFFFE20]  }
0x302: {  	v17 =	vmul.f32 v17, v18;
	v16 =	vmul.f32 v19, v20;
	v14 =	vld [tilespmem:s16+$0xFFFFFE20]  }
0x303: {  	v20 =	vmul.f32 v21, v22;
	v19 =	vmul.f32 v23, v24;
	v18 =	vld [tilespmem:s18+$0xFFFFFE10]  }
0x304: {  	v23 =	vmul.f32 v25, v26;
	v22 =	vmul.f32 v28, v29;
	v21 =	vld [tilespmem:s16+$0xFFFFFE10]  }
0x305: {  	v26 =	vmul.f32 v31, v32;
	v24 =	vmul.f32 v34, v35;
	v25 =	vld [tilespmem:s16+$0xFFFFFF10]  }
0x306: {  	v31 =	vmul.f32 v37, v38;
	v29 =	vmul.f32 v40, v41;
	v28 =	vld [tilespmem:s16+$0xFFFFFE30]  }
0x307: {  	v35 =	vmul.f32 v43, v44;
	v34 =	vmul.f32 v45, v46;
	v32 =	vld [tilespmem:s16+$0xFFFFFF30]  }
0x308: {  	v40 =	vmul.f32 v50, v51;
	v38 =	vmul.f32 v52, v53;
	v37 =	vld [tilespmem:s16+$0xFFFFFE40]  }
0x309: {  	v14 =	vmul.f32 v54, v14;
	v18 =	vmul.f32 v18, v21;
	v21 =	vld [tilespmem:s16+$0xFFFFFF40]  }
0x30a: {  	v43 =	vmul.f32 v47, v48;
	v41 =	vld [tilespmem:s16+$0xFFFFFE50];
	v25 =	vmul.f32 v49, v25  }
0x30b: {  	v14 =	vadd.f32 v14, v18;
	v18 =	vmul.f32 v42, v28;
	v28 =	vadd.f32 v40, v38;
	v38 =	vld [tilespmem:s16+$0xFFFFFF50]  }
0x30c: {  	v34 =	vadd.f32 v35, v34;
	v40 =	vld [tilespmem:s16+$0xFFFFFE60];
	v25 =	vadd.f32 v43, v25;
	v32 =	vmul.f32 v39, v32  }
0x30d: {  	v14 =	vadd.f32 v18, v14;
	v18 =	vmul.f32 v36, v37;
	v28 =	vadd.f32 v29, v28;
	v29 =	vld [tilespmem:s16+$0xFFFFFF60]  }
0x30e: {  	v31 =	vadd.f32 v31, v34;
	v35 =	vld [tilespmem:s16+$0xFFFFFE70];
	v25 =	vadd.f32 v32, v25;
	v21 =	vmul.f32 v33, v21  }
0x30f: {  	v14 =	vadd.f32 v18, v14;
	v18 =	vmul.f32 v30, v41;
	v24 =	vadd.f32 v24, v28;
	v28 =	vld [tilespmem:s16+$0xFFFFFF70]  }
0x310: {  	v26 =	vadd.f32 v26, v31;
	v30 =	vld [tilespmem:s16+$0xFFFFFE80];
	v21 =	vadd.f32 v21, v25;
	v25 =	vmul.f32 v27, v38  }
0x311: {  	v14 =	vadd.f32 v18, v14;
	v12 =	vmul.f32 v12, v40;
	v18 =	vadd.f32 v22, v24;
	v22 =	vld [tilespmem:s16+$0xFFFFFF80]  }
0x312: {  	v23 =	vadd.f32 v23, v26;
	v21 =	vadd.f32 v25, v21;
	v11 =	vmul.f32 v11, v29  }
0x313: {  	v12 =	vadd.f32 v12, v14;
	v10 =	vmul.f32 v10, v35;
	v14 =	vadd.f32 v19, v18  }
0x314: {  	v18 =	vadd.f32 v20, v23;
	v11 =	vadd.f32 v11, v21;
	v9 =	vmul.f32 v9, v28  }
0x315: {  	v10 =	vadd.f32 v10, v12;
	v8 =	vmul.f32 v8, v30;
	v12 =	vadd.f32 v16, v14  }
0x316: {  	v9 =	vadd.f32 v9, v11;
	v7 =	vmul.f32 v7, v22;
	v11 =	vadd.f32 v17, v18  }
0x317: {  	v8 =	vadd.f32 v8, v10;
	v10 =	vadd.f32 v15, v12  }
0x318: {  	v7 =	vadd.f32 v7, v9;
	v9 =	vadd.f32 v13, v11  }
0x319: {  	v11 =	vperm.xlane v10, v0;
	v12 =	vperm.xlane v8, v0  }
0x31a: {  	v13 =	vperm.xlane v9, v0;
	v14 =	vperm.xlane v7, v0  }
0x31b: {  	v8 =	vsel vm0, v8, v11;
	v10 =	vsel vm0, v12, v10  }
0x31c: {  	v8 =	vadd.f32 v10, v8;
	v7 =	vsel vm0, v7, v13;
	v9 =	vsel vm0, v14, v9  }
0x31d: {  	v7 =	vadd.f32 v9, v7  }
0x31e: {  	v9 =	vperm.xlane v8, v2  }
0x31f: {  	v10 =	vperm.xlane v7, v2  }
0x320: {  	v8 =	vadd.f32 v8, v9  }
0x321: {  	v7 =	vadd.f32 v7, v10  }
0x322: {  	v9 =	vperm.xlane v8, v3  }
0x323: {  	v10 =	vperm.xlane v7, v3  }
0x324: {  	v8 =	vadd.f32 v8, v9  }
0x325: {  	v7 =	vadd.f32 v7, v10  }
0x326: {  	s14 =	sadd.s32 $0x2, s14;
	v9 =	vperm.xlane v8, v1  }
0x327: {  	s4 =	sand.u32 $0x6, s14;
	s19 =	sadd.s32 $0x3, s19;
	p1 =	slt.u32 s14, $0xE;
	v10 =	vperm.xlane v7, v1  }
.Ltmp5:
0x328: {  	v11 =	vmov s4;
	s4 =	sand.u32 $0x7, s19;
	v8 =	vadd.f32 v8, v9;
	(pc) =	sbr.rel @p1 .LBB2_9-.Ltmp5, $4  }
0x329: {  	vm1 =	veq.s32 v11, v4;
	v9 =	vmov s4;
	v7 =	vadd.f32 v7, v10  }
0x32a: {  	s17 =	sadd.s32 $0x4, s17;
	p2 =	sne.s32 s4, $0x7;
	v6 =	vsel vm1, v8, v6;
	vm1 =	veq.s32 v9, v4  }
0x32b: {  	s4 =	sand.u32 @!p2 $0x10, s17;
	v6 =	vsel vm1, v7, v6  }
0x32c: {  	s18 =	sadd.s32 $0x200, s18;
	[tilespmem:v5+s4+$0x0 ss:$0x1] =	vst.idx.msk @!p2 $0xffff, v6  }
.Ltmp6:
0x32d: {  	(pc) =	sbr.rel @p0 .LBB2_12-.Ltmp6, $1  }
0x32e: {  	_ =	sdelay $0x3  }
.Ltmp7:
0x32f: {  	(pc) =	sbr.rel .LBB2_2-.Ltmp7, $3  }
0x330: {  	_ =	sdelay $0x1  }
0x331: {  	s4 =	sadd.s32 $0xE0, s13;
	s13 =	sadd.s32 $0x2E0, s13  }
0x332: {  	[tilespmem:s22], [sflag:$0x4] =	stream.indirect.gather [hbm4b:s0+s11], $0x80, s4, s11, $0xb8;
	[tilespmem:$0x8600] =	vst v63  }
.LBB2_13:
0x333: {  	_ =	sfence.sel $0x180000  }
0x334: {  	[bflag:$0x0] =	sbarrier.arrive $0xFFFF  }
0x335: {  	_ =	strace $0x90000047  }
0x336: {  	s0 =	stileid.u32;
	[bflag:$0x2] =	sbarrier.arrive $0xFFFF  }
0x337: {  	p0 =	sne.s32 s0, $0x0;
	s0 =	rddreg [dreg:$0x5]  }
0x338: {  	s0 =	sadd.s32 @!p0 $0x100000, s0  }
0x339: {  	[sflag:s0] =	ssyncadd.tile.s32 @!p0 $0x1;
	_ =	shalt  }
.Lfunc_end2:
_tile_overlayer_lowered:
.L_overlay_start_2:
0x33a: {  	(tag) =	ssettag $0x2  }
0x33b: {  	s0 =	rddreg [dreg:$0x0];
	s2 =	stileid.u32  }
0x33c: {  	s1 =	rddreg [dreg:$0x1];
	p0 =	sne.s32 s2, $0x0  }
0x33d: {  	s3 =	rddreg [dreg:$0x2];
	[bflag:$0x3] =	sbarrier.arrive $0xFFFF;
	s2 =	simm.s32 @!p0 $0x1C09  }
0x33e: {  	[timem:s3], [sflag:s2] =	dma.local @!p0 [hbm:s0], s1  }
0x33f: {  	s0 =	simm.s32 @!p0 $0x9  }
0x340: {  	_ =	swait.ge @!p0 [sflag:s0], s1  }
0x341: {  	s1 =	ssub.s32 @!p0 $0x0, s1;
	[sflag:s0] =	ssyncset.done @!p0 $0x0  }
0x342: {  	[sflag:s0] =	ssyncadd.s32 @!p0 s1  }
0x343: {  	[bflag:$0x3] =	sbarrier.arrive $0xFFFF  }
0x344: {  	_ =	shalt  }

</sc_bundles>
